<compile_context>
chip_gen: v7x
topology: tpu7x:2x2x1
jax: 0.10.2.dev20260603
libtpu: 0.0.44.dev20260713+nightly
codegen_flags: <defaults>
</compile_context>

<pallas_src>
import functools

import jax
import jax.numpy as jnp
from jax import lax
from jax.experimental import pallas as pl
from jax.experimental.pallas import tpu as pltpu
from jax.experimental.pallas import tpu_sc as plsc

N = 10000
D = 128
E = 320000

_NT = 16
_CHUNK = 128
_CPT = 160
_G = 8
_NG = _CPT // _G
_EPT = _CPT * _CHUNK
_E_PAD = _NT * _EPT
_ACC_ROWS = 10240
_ZSTRIPE = _ACC_ROWS // _NT
_OSTRIPE = 640
_OLAST = N - 15 * _OSTRIPE



def _tc_layer0(x, W0m, b0m):
    def body(x_ref, w_ref, b_ref, mf_ref, vf_ref):
        h = jnp.dot(x_ref[...], w_ref[...],
                    preferred_element_type=jnp.float32) + b_ref[...]
        var = jnp.maximum(h, 0.0)
        mean = jnp.where(h > 0, h, jnp.exp(h) - 1.0)
        att = jnp.exp(-var)
        mf_ref[...] = mean * att
        vf_ref[...] = var * att * att

    return pl.pallas_call(
        body,
        grid=(5,),
        in_specs=[
            pl.BlockSpec((2000, D), lambda i: (i, 0)),
            pl.BlockSpec((D, D), lambda i: (0, 0)),
            pl.BlockSpec((1, D), lambda i: (0, 0)),
        ],
        out_specs=[pl.BlockSpec((2000, D), lambda i: (i, 0))] * 2,
        out_shape=[jax.ShapeDtypeStruct((N, D), jnp.float32)] * 2,
    )(x, W0m, b0m.reshape(1, D))


def _tc_layer1(mean_agg, var_agg, W1m, b1m, W1v, b1v):
    def body(m_ref, v_ref, wm_ref, bm_ref, wv_ref, bv_ref, mf_ref, vf_ref):
        m_in = m_ref[...]
        v_in = v_ref[...]
        m_in = jnp.where(m_in > 0, m_in, jnp.exp(m_in) - 1.0)
        v_in = jnp.where(v_in > 0, v_in, jnp.exp(v_in) - 1.0)
        mean = jnp.dot(m_in, wm_ref[...],
                       preferred_element_type=jnp.float32) + bm_ref[...]
        var = jnp.dot(v_in, wv_ref[...],
                      preferred_element_type=jnp.float32) + bv_ref[...]
        mean = jnp.where(mean > 0, mean, jnp.exp(mean) - 1.0)
        var = jnp.maximum(var, 0.0)
        att = jnp.exp(-var)
        mf_ref[...] = mean * att
        vf_ref[...] = var * att * att

    return pl.pallas_call(
        body,
        grid=(5,),
        in_specs=[
            pl.BlockSpec((2000, D), lambda i: (i, 0)),
            pl.BlockSpec((2000, D), lambda i: (i, 0)),
            pl.BlockSpec((D, D), lambda i: (0, 0)),
            pl.BlockSpec((1, D), lambda i: (0, 0)),
            pl.BlockSpec((D, D), lambda i: (0, 0)),
            pl.BlockSpec((1, D), lambda i: (0, 0)),
        ],
        out_specs=[pl.BlockSpec((2000, D), lambda i: (i, 0))] * 2,
        out_shape=[jax.ShapeDtypeStruct((N, D), jnp.float32)] * 2,
    )(mean_agg, var_agg, W1m, b1m.reshape(1, D), W1v, b1v.reshape(1, D))


def _tc_sample(mean2, var2, noise):
    def body(m_ref, v_ref, n_ref, o_ref):
        o_ref[...] = m_ref[...] + n_ref[...] * jnp.sqrt(v_ref[...])

    return pl.pallas_call(
        body,
        grid=(5,),
        in_specs=[pl.BlockSpec((2000, D), lambda i: (i, 0))] * 3,
        out_specs=pl.BlockSpec((2000, D), lambda i: (i, 0)),
        out_shape=jax.ShapeDtypeStruct((N, D), jnp.float32),
    )(mean2, var2, noise)



def _sc_spmm(mean_tab, var_tab, src3, dst3, zeros_tile):
    mesh = plsc.VectorSubcoreMesh(core_axis_name="c", subcore_axis_name="s")

    @functools.partial(
        pl.kernel,
        out_type=[jax.ShapeDtypeStruct((N, D), jnp.float32)] * 2,
        mesh=mesh,
        scratch_types=[
            pltpu.VMEM((_G, _CHUNK), jnp.int32),
            pltpu.VMEM((_G, _CHUNK), jnp.int32),
            pltpu.VMEM((_CHUNK, D), jnp.float32),
            pltpu.VMEM((_CHUNK, D), jnp.float32),
            pltpu.VMEM_SHARED((_ACC_ROWS, D), jnp.float32),
            pltpu.SemaphoreType.DMA,
            pltpu.SemaphoreType.DMA,
            pltpu.SemaphoreType.DMA,
            pltpu.SemaphoreType.DMA,
        ],
    )
    def k(mean_h, var_h, src_h, dst_h, zer_h,
          mout, vout, sidx, didx, rows_a, rows_b, acc, ga, gb, sa, sb):
        c = lax.axis_index("c")
        s = lax.axis_index("s")

        pltpu.sync_copy(zer_h, rows_a)
        for j in range(_ZSTRIPE // _CHUNK):
            pltpu.sync_copy(rows_a, acc.at[pl.ds(s * _ZSTRIPE + j * _CHUNK,
                                                 _CHUNK)])
        plsc.subcore_barrier()

        rows = (rows_a, rows_b)
        gsem = (ga, gb)
        ssem = (sa, sb)

        def make_body(tab):
            def body(g, carry):
                pltpu.sync_copy(src_h.at[s, pl.ds(g * _G, _G)], sidx)
                pltpu.sync_copy(dst_h.at[s, pl.ds(g * _G, _G)], didx)
                gd = [None, None]
                sd = [None, None]
                gd[0] = pltpu.async_copy(tab.at[sidx.at[0]], rows_a, ga)
                for j in range(_G):
                    cur = j & 1
                    if j < _G - 1:
                        nxt = 1 - cur
                        if sd[nxt] is not None:
                            sd[nxt].wait()
                        gd[nxt] = pltpu.async_copy(
                            tab.at[sidx.at[j + 1]], rows[nxt], gsem[nxt])
                    gd[cur].wait()
                    sd[cur] = pltpu.async_copy(
                        rows[cur], acc.at[didx.at[j]], ssem[cur], add=True)
                sd[0].wait()
                sd[1].wait()
                return carry
            return body

        @pl.when(c == 0)
        def _():
            lax.fori_loop(0, _NG, make_body(mean_h), 0)

        @pl.when(c == 1)
        def _():
            lax.fori_loop(0, _NG, make_body(var_h), 0)

        plsc.subcore_barrier()

        def copy_out(out_h):
            @pl.when(s < 15)
            def _():
                pltpu.sync_copy(acc.at[pl.ds(s * _OSTRIPE, _OSTRIPE)],
                                out_h.at[pl.ds(s * _OSTRIPE, _OSTRIPE)])

            @pl.when(s == 15)
            def _():
                pltpu.sync_copy(acc.at[pl.ds(15 * _OSTRIPE, _OLAST)],
                                out_h.at[pl.ds(15 * _OSTRIPE, _OLAST)])

        @pl.when(c == 0)
        def _():
            copy_out(mout)

        @pl.when(c == 1)
        def _():
            copy_out(vout)

    return k(mean_tab, var_tab, src3, dst3, zeros_tile)



def kernel(x, edge_index, W0m, b0m, W1m, b1m, W1v, b1v, noise):
    dst = edge_index[0]
    src = edge_index[1]
    pad = _E_PAD - E
    src3 = jnp.pad(src, (0, pad)).reshape(_NT, _CPT, _CHUNK)
    dst3 = jnp.pad(dst, (0, pad), constant_values=N).reshape(_NT, _CPT, _CHUNK)
    zeros_tile = jnp.zeros((_CHUNK, D), jnp.float32)

    mf0, vf0 = _tc_layer0(x, W0m, b0m)
    m_agg, v_agg = _sc_spmm(mf0, vf0, src3, dst3, zeros_tile)
    mf1, vf1 = _tc_layer1(m_agg, v_agg, W1m, b1m, W1v, b1v)
    m2, v2 = _sc_spmm(mf1, vf1, src3, dst3, zeros_tile)
    return _tc_sample(m2, v2, noise)

# --- scband reference (transcript-rebuilt; emitter-appended) ---
"""Pipeline reference for scband-robust-gcn-11381663334589 (READ-ONLY COPY).

The authoritative reference and input builder live on the scoring server;
editing this copy changes nothing except your own understanding.
"""

import jax, jax.numpy as jnp
import numpy as np

N = 10000
E = 320000
D_IN = 128
D_H = 128
D_OUT = 128


def setup_inputs(seed: int = 0) -> dict:
    key = jax.random.key(seed)
    ks = jax.random.split(key, 10)
    x = jax.random.normal(ks[0], (N, D_IN), dtype=jnp.float32)
    edge_index = jax.random.randint(ks[1], (2, E), 0, N, dtype=jnp.int32)
    s0 = 1.0 / np.sqrt(D_IN)
    W0m = jax.random.uniform(ks[2], (D_IN, D_H), minval=-s0, maxval=s0, dtype=jnp.float32)
    b0m = jax.random.uniform(ks[3], (D_H,), minval=-s0, maxval=s0, dtype=jnp.float32)
    s1 = 1.0 / np.sqrt(D_H)
    W1m = jax.random.uniform(ks[4], (D_H, D_OUT), minval=-s1, maxval=s1, dtype=jnp.float32)
    b1m = jax.random.uniform(ks[5], (D_OUT,), minval=-s1, maxval=s1, dtype=jnp.float32)
    W1v = jax.random.uniform(ks[6], (D_H, D_OUT), minval=-s1, maxval=s1, dtype=jnp.float32)
    b1v = jax.random.uniform(ks[7], (D_OUT,), minval=-s1, maxval=s1, dtype=jnp.float32)
    noise = jax.random.normal(ks[8], (N, D_OUT), dtype=jnp.float32)
    return {"x": x, "edge_index": edge_index, "W0m": W0m, "b0m": b0m,
            "W1m": W1m, "b1m": b1m, "W1v": W1v, "b1v": b1v, "noise": noise}


def reference(x, edge_index, W0m, b0m, W1m, b1m, W1v, b1v, noise):
    dst = edge_index[0]
    src = edge_index[1]
    # --- layer 0: RobustGCNConv(initial=True, dropout=True) ---
    mean = x @ W0m + b0m
    var = mean * 1
    mean = jax.nn.elu(mean)
    var = jax.nn.relu(var)
    att = jnp.exp(-var)
    mean = mean * att
    var = var * att * att
    mean = jax.ops.segment_sum(mean[src], dst, num_segments=N)
    var = jax.ops.segment_sum(var[src], dst, num_segments=N)
    # dropout branch (rate=0.0 -> identity after activation)
    mean = jax.nn.elu(mean)
    var = jax.nn.elu(var)
    # --- layer 1: RobustGCNConv(last, dropout=False) ---
    mean = mean @ W1m + b1m
    var = var @ W1v + b1v
    mean = jax.nn.elu(mean)
    var = jax.nn.relu(var)
    att = jnp.exp(-var)
    mean = mean * att
    var = var * att * att
    mean = jax.ops.segment_sum(mean[src], dst, num_segments=N)
    var = jax.ops.segment_sum(var[src], dst, num_segments=N)
    # reparameterization sample
    out = mean + noise * jnp.power(var, 0.5)
    return out

if __name__ == "__main__":
    import jax
    _d = setup_inputs()
    print(jax.jit(kernel)(*tuple(_d.values())))

</pallas_src>

<mosaic_0001>
#map = affine_map<(d0, d1) -> (0, 0)>
#map1 = affine_map<(d0, d1) -> (0, 0, 0)>
module attributes {stable_mosaic.version = 14 : i64} {
  func.func @k(%arg0: i32, %arg1: i32, %arg2: memref<10000x128xf32, #tpu.memory_space<hbm>>, %arg3: memref<10000x128xf32, #tpu.memory_space<hbm>>, %arg4: memref<16x160x128xi32, #tpu.memory_space<hbm>>, %arg5: memref<16x160x128xi32, #tpu.memory_space<hbm>>, %arg6: memref<128x128xf32, #tpu.memory_space<hbm>>, %arg7: memref<10000x128xf32, #tpu.memory_space<hbm>>, %arg8: memref<10000x128xf32, #tpu.memory_space<hbm>>, %arg9: memref<8x128xi32, #tpu.memory_space<vmem>>, %arg10: memref<8x128xi32, #tpu.memory_space<vmem>>, %arg11: memref<128x128xf32, #tpu.memory_space<vmem>>, %arg12: memref<128x128xf32, #tpu.memory_space<vmem>>, %arg13: memref<10240x128xf32, #tpu.memory_space<vmem_shared>>, %arg14: memref<!tpu.dma_semaphore, #tpu.memory_space<semaphore_mem>>, %arg15: memref<!tpu.dma_semaphore, #tpu.memory_space<semaphore_mem>>, %arg16: memref<!tpu.dma_semaphore, #tpu.memory_space<semaphore_mem>>, %arg17: memref<!tpu.dma_semaphore, #tpu.memory_space<semaphore_mem>>) attributes {dimension_semantics = [#tpu.dimension_semantics<core_parallel>, #tpu.dimension_semantics<subcore_parallel>], iteration_bounds = array<i64: 2, 16>, scalar_prefetch = 0 : i64, scratch_operands = 9 : i64, tpu.core_type = #tpu.core_type<sc_vector_subcore>, window_params = [{transform_indices = #map}, {transform_indices = #map}, {transform_indices = #map1}, {transform_indices = #map1}, {transform_indices = #map}, {transform_indices = #map}, {transform_indices = #map}]} {
    "tpu.region"() ({
      %run_scoped3A = tpu.sem_alloc : memref<!tpu.dma_semaphore, #tpu.memory_space<semaphore_mem>>
      tpu.enqueue_dma source(%arg6 : memref<128x128xf32, #tpu.memory_space<hbm>>) target(%arg11 : memref<128x128xf32, #tpu.memory_space<vmem>>) target_semaphore(%run_scoped3A : memref<!tpu.dma_semaphore, #tpu.memory_space<semaphore_mem>>)
      tpu.wait_dma2 semaphore(%run_scoped3A : memref<!tpu.dma_semaphore, #tpu.memory_space<semaphore_mem>>) src(%arg6 : memref<128x128xf32, #tpu.memory_space<hbm>>) dst(%arg11 : memref<128x128xf32, #tpu.memory_space<vmem>>)
      tpu.yield
    }) : () -> ()
    %mul3A = arith.constant 640 : i32
    %mul3A_0 = arith.muli %arg1, %mul3A : i32
    %add3A = arith.constant 0 : i32
    %add3A_1 = arith.addi %mul3A_0, %add3A : i32
    "tpu.region"() ({
      %run_scoped3A = tpu.sem_alloc : memref<!tpu.dma_semaphore, #tpu.memory_space<semaphore_mem>>
      %dma_start3A = arith.constant 0 : i32
      %dma_start3A_36 = tpu.memref_slice %arg13[%add3A_1, %dma_start3A] : memref<10240x128xf32, #tpu.memory_space<vmem_shared>> -> memref<128x128xf32, #tpu.memory_space<vmem_shared>>
      %dma_start3A_37 = arith.constant 0 : i32
      %dma_start3A_38 = tpu.memref_slice %arg13[%add3A_1, %dma_start3A_37] : memref<10240x128xf32, #tpu.memory_space<vmem_shared>> -> memref<128x128xf32, #tpu.memory_space<vmem_shared>>
      tpu.enqueue_dma source(%arg11 : memref<128x128xf32, #tpu.memory_space<vmem>>) target(%dma_start3A_38 : memref<128x128xf32, #tpu.memory_space<vmem_shared>>) target_semaphore(%run_scoped3A : memref<!tpu.dma_semaphore, #tpu.memory_space<semaphore_mem>>)
      %dma_wait3A = arith.constant 0 : i32
      %dma_wait3A_39 = tpu.memref_slice %arg13[%add3A_1, %dma_wait3A] : memref<10240x128xf32, #tpu.memory_space<vmem_shared>> -> memref<128x128xf32, #tpu.memory_space<vmem_shared>>
      %dma_wait3A_40 = arith.constant 0 : i32
      %dma_wait3A_41 = tpu.memref_slice %arg13[%add3A_1, %dma_wait3A_40] : memref<10240x128xf32, #tpu.memory_space<vmem_shared>> -> memref<128x128xf32, #tpu.memory_space<vmem_shared>>
      tpu.wait_dma2 semaphore(%run_scoped3A : memref<!tpu.dma_semaphore, #tpu.memory_space<semaphore_mem>>) src(%arg11 : memref<128x128xf32, #tpu.memory_space<vmem>>) dst(%dma_wait3A_41 : memref<128x128xf32, #tpu.memory_space<vmem_shared>>)
      tpu.yield
    }) : () -> ()
    %mul3A_2 = arith.constant 640 : i32
    %mul3A_3 = arith.muli %arg1, %mul3A_2 : i32
    %add3A_4 = arith.constant 128 : i32
    %add3A_5 = arith.addi %mul3A_3, %add3A_4 : i32
    "tpu.region"() ({
      %run_scoped3A = tpu.sem_alloc : memref<!tpu.dma_semaphore, #tpu.memory_space<semaphore_mem>>
      %dma_start3A = arith.constant 0 : i32
      %dma_start3A_36 = tpu.memref_slice %arg13[%add3A_5, %dma_start3A] : memref<10240x128xf32, #tpu.memory_space<vmem_shared>> -> memref<128x128xf32, #tpu.memory_space<vmem_shared>>
      %dma_start3A_37 = arith.constant 0 : i32
      %dma_start3A_38 = tpu.memref_slice %arg13[%add3A_5, %dma_start3A_37] : memref<10240x128xf32, #tpu.memory_space<vmem_shared>> -> memref<128x128xf32, #tpu.memory_space<vmem_shared>>
      tpu.enqueue_dma source(%arg11 : memref<128x128xf32, #tpu.memory_space<vmem>>) target(%dma_start3A_38 : memref<128x128xf32, #tpu.memory_space<vmem_shared>>) target_semaphore(%run_scoped3A : memref<!tpu.dma_semaphore, #tpu.memory_space<semaphore_mem>>)
      %dma_wait3A = arith.constant 0 : i32
      %dma_wait3A_39 = tpu.memref_slice %arg13[%add3A_5, %dma_wait3A] : memref<10240x128xf32, #tpu.memory_space<vmem_shared>> -> memref<128x128xf32, #tpu.memory_space<vmem_shared>>
      %dma_wait3A_40 = arith.constant 0 : i32
      %dma_wait3A_41 = tpu.memref_slice %arg13[%add3A_5, %dma_wait3A_40] : memref<10240x128xf32, #tpu.memory_space<vmem_shared>> -> memref<128x128xf32, #tpu.memory_space<vmem_shared>>
      tpu.wait_dma2 semaphore(%run_scoped3A : memref<!tpu.dma_semaphore, #tpu.memory_space<semaphore_mem>>) src(%arg11 : memref<128x128xf32, #tpu.memory_space<vmem>>) dst(%dma_wait3A_41 : memref<128x128xf32, #tpu.memory_space<vmem_shared>>)
      tpu.yield
    }) : () -> ()
    %mul3A_6 = arith.constant 640 : i32
    %mul3A_7 = arith.muli %arg1, %mul3A_6 : i32
    %add3A_8 = arith.constant 256 : i32
    %add3A_9 = arith.addi %mul3A_7, %add3A_8 : i32
    "tpu.region"() ({
      %run_scoped3A = tpu.sem_alloc : memref<!tpu.dma_semaphore, #tpu.memory_space<semaphore_mem>>
      %dma_start3A = arith.constant 0 : i32
      %dma_start3A_36 = tpu.memref_slice %arg13[%add3A_9, %dma_start3A] : memref<10240x128xf32, #tpu.memory_space<vmem_shared>> -> memref<128x128xf32, #tpu.memory_space<vmem_shared>>
      %dma_start3A_37 = arith.constant 0 : i32
      %dma_start3A_38 = tpu.memref_slice %arg13[%add3A_9, %dma_start3A_37] : memref<10240x128xf32, #tpu.memory_space<vmem_shared>> -> memref<128x128xf32, #tpu.memory_space<vmem_shared>>
      tpu.enqueue_dma source(%arg11 : memref<128x128xf32, #tpu.memory_space<vmem>>) target(%dma_start3A_38 : memref<128x128xf32, #tpu.memory_space<vmem_shared>>) target_semaphore(%run_scoped3A : memref<!tpu.dma_semaphore, #tpu.memory_space<semaphore_mem>>)
      %dma_wait3A = arith.constant 0 : i32
      %dma_wait3A_39 = tpu.memref_slice %arg13[%add3A_9, %dma_wait3A] : memref<10240x128xf32, #tpu.memory_space<vmem_shared>> -> memref<128x128xf32, #tpu.memory_space<vmem_shared>>
      %dma_wait3A_40 = arith.constant 0 : i32
      %dma_wait3A_41 = tpu.memref_slice %arg13[%add3A_9, %dma_wait3A_40] : memref<10240x128xf32, #tpu.memory_space<vmem_shared>> -> memref<128x128xf32, #tpu.memory_space<vmem_shared>>
      tpu.wait_dma2 semaphore(%run_scoped3A : memref<!tpu.dma_semaphore, #tpu.memory_space<semaphore_mem>>) src(%arg11 : memref<128x128xf32, #tpu.memory_space<vmem>>) dst(%dma_wait3A_41 : memref<128x128xf32, #tpu.memory_space<vmem_shared>>)
      tpu.yield
    }) : () -> ()
    %mul3A_10 = arith.constant 640 : i32
    %mul3A_11 = arith.muli %arg1, %mul3A_10 : i32
    %add3A_12 = arith.constant 384 : i32
    %add3A_13 = arith.addi %mul3A_11, %add3A_12 : i32
    "tpu.region"() ({
      %run_scoped3A = tpu.sem_alloc : memref<!tpu.dma_semaphore, #tpu.memory_space<semaphore_mem>>
      %dma_start3A = arith.constant 0 : i32
      %dma_start3A_36 = tpu.memref_slice %arg13[%add3A_13, %dma_start3A] : memref<10240x128xf32, #tpu.memory_space<vmem_shared>> -> memref<128x128xf32, #tpu.memory_space<vmem_shared>>
      %dma_start3A_37 = arith.constant 0 : i32
      %dma_start3A_38 = tpu.memref_slice %arg13[%add3A_13, %dma_start3A_37] : memref<10240x128xf32, #tpu.memory_space<vmem_shared>> -> memref<128x128xf32, #tpu.memory_space<vmem_shared>>
      tpu.enqueue_dma source(%arg11 : memref<128x128xf32, #tpu.memory_space<vmem>>) target(%dma_start3A_38 : memref<128x128xf32, #tpu.memory_space<vmem_shared>>) target_semaphore(%run_scoped3A : memref<!tpu.dma_semaphore, #tpu.memory_space<semaphore_mem>>)
      %dma_wait3A = arith.constant 0 : i32
      %dma_wait3A_39 = tpu.memref_slice %arg13[%add3A_13, %dma_wait3A] : memref<10240x128xf32, #tpu.memory_space<vmem_shared>> -> memref<128x128xf32, #tpu.memory_space<vmem_shared>>
      %dma_wait3A_40 = arith.constant 0 : i32
      %dma_wait3A_41 = tpu.memref_slice %arg13[%add3A_13, %dma_wait3A_40] : memref<10240x128xf32, #tpu.memory_space<vmem_shared>> -> memref<128x128xf32, #tpu.memory_space<vmem_shared>>
      tpu.wait_dma2 semaphore(%run_scoped3A : memref<!tpu.dma_semaphore, #tpu.memory_space<semaphore_mem>>) src(%arg11 : memref<128x128xf32, #tpu.memory_space<vmem>>) dst(%dma_wait3A_41 : memref<128x128xf32, #tpu.memory_space<vmem_shared>>)
      tpu.yield
    }) : () -> ()
    %mul3A_14 = arith.constant 640 : i32
    %mul3A_15 = arith.muli %arg1, %mul3A_14 : i32
    %add3A_16 = arith.constant 512 : i32
    %add3A_17 = arith.addi %mul3A_15, %add3A_16 : i32
    "tpu.region"() ({
      %run_scoped3A = tpu.sem_alloc : memref<!tpu.dma_semaphore, #tpu.memory_space<semaphore_mem>>
      %dma_start3A = arith.constant 0 : i32
      %dma_start3A_36 = tpu.memref_slice %arg13[%add3A_17, %dma_start3A] : memref<10240x128xf32, #tpu.memory_space<vmem_shared>> -> memref<128x128xf32, #tpu.memory_space<vmem_shared>>
      %dma_start3A_37 = arith.constant 0 : i32
      %dma_start3A_38 = tpu.memref_slice %arg13[%add3A_17, %dma_start3A_37] : memref<10240x128xf32, #tpu.memory_space<vmem_shared>> -> memref<128x128xf32, #tpu.memory_space<vmem_shared>>
      tpu.enqueue_dma source(%arg11 : memref<128x128xf32, #tpu.memory_space<vmem>>) target(%dma_start3A_38 : memref<128x128xf32, #tpu.memory_space<vmem_shared>>) target_semaphore(%run_scoped3A : memref<!tpu.dma_semaphore, #tpu.memory_space<semaphore_mem>>)
      %dma_wait3A = arith.constant 0 : i32
      %dma_wait3A_39 = tpu.memref_slice %arg13[%add3A_17, %dma_wait3A] : memref<10240x128xf32, #tpu.memory_space<vmem_shared>> -> memref<128x128xf32, #tpu.memory_space<vmem_shared>>
      %dma_wait3A_40 = arith.constant 0 : i32
      %dma_wait3A_41 = tpu.memref_slice %arg13[%add3A_17, %dma_wait3A_40] : memref<10240x128xf32, #tpu.memory_space<vmem_shared>> -> memref<128x128xf32, #tpu.memory_space<vmem_shared>>
      tpu.wait_dma2 semaphore(%run_scoped3A : memref<!tpu.dma_semaphore, #tpu.memory_space<semaphore_mem>>) src(%arg11 : memref<128x128xf32, #tpu.memory_space<vmem>>) dst(%dma_wait3A_41 : memref<128x128xf32, #tpu.memory_space<vmem_shared>>)
      tpu.yield
    }) : () -> ()
    %barrier3A = arith.constant 0 : index
    tpu.barrier barrier_id(%barrier3A)
    %eq3A = arith.constant 0 : i32
    %eq3A_18 = arith.cmpi eq, %arg0, %eq3A : i32
    %convert_element_type3A = arith.extui %eq3A_18 : i1 to i32
    %cond3A = arith.constant 0 : i32
    %cond3A_19 = arith.cmpi ne, %convert_element_type3A, %cond3A : i32
    scf.if %cond3A_19 {
      %scan3A = arith.constant 0 : i32
      %scan3A_36 = arith.constant 0 : i32
      %scan3A_37 = arith.constant 20 : i32
      %scan3A_38 = arith.addi %scan3A_36, %scan3A_37 : i32
      %scan3A_39 = arith.constant 1 : i32
      scf.for %scan3A_41 = %scan3A_36 to %scan3A_38 step %scan3A_39  : i32 {
        %mul3A_42 = arith.constant 8 : i32
        %mul3A_43 = arith.muli %scan3A_41, %mul3A_42 : i32
        "tpu.region"() ({
          %run_scoped3A = tpu.sem_alloc : memref<!tpu.dma_semaphore, #tpu.memory_space<semaphore_mem>>
          %dma_start3A_268 = arith.constant 0 : i32
          %dma_start3A_269 = tpu.memref_slice %arg4[%arg1, %mul3A_43, %dma_start3A_268] : memref<16x160x128xi32, #tpu.memory_space<hbm>> -> memref<1x8x128xi32, #tpu.memory_space<hbm>>
          %dma_start3A_270 = tpu.memref_squeeze %dma_start3A_269 : memref<1x8x128xi32, #tpu.memory_space<hbm>> -> memref<8x128xi32, #tpu.memory_space<hbm>>
          %dma_start3A_271 = arith.constant 0 : i32
          %dma_start3A_272 = tpu.memref_slice %arg4[%arg1, %mul3A_43, %dma_start3A_271] : memref<16x160x128xi32, #tpu.memory_space<hbm>> -> memref<1x8x128xi32, #tpu.memory_space<hbm>>
          %dma_start3A_273 = tpu.memref_squeeze %dma_start3A_272 : memref<1x8x128xi32, #tpu.memory_space<hbm>> -> memref<8x128xi32, #tpu.memory_space<hbm>>
          tpu.enqueue_dma source(%dma_start3A_273 : memref<8x128xi32, #tpu.memory_space<hbm>>) target(%arg9 : memref<8x128xi32, #tpu.memory_space<vmem>>) target_semaphore(%run_scoped3A : memref<!tpu.dma_semaphore, #tpu.memory_space<semaphore_mem>>)
          %dma_wait3A_274 = arith.constant 0 : i32
          %dma_wait3A_275 = tpu.memref_slice %arg4[%arg1, %mul3A_43, %dma_wait3A_274] : memref<16x160x128xi32, #tpu.memory_space<hbm>> -> memref<1x8x128xi32, #tpu.memory_space<hbm>>
          %dma_wait3A_276 = tpu.memref_squeeze %dma_wait3A_275 : memref<1x8x128xi32, #tpu.memory_space<hbm>> -> memref<8x128xi32, #tpu.memory_space<hbm>>
          %dma_wait3A_277 = arith.constant 0 : i32
          %dma_wait3A_278 = tpu.memref_slice %arg4[%arg1, %mul3A_43, %dma_wait3A_277] : memref<16x160x128xi32, #tpu.memory_space<hbm>> -> memref<1x8x128xi32, #tpu.memory_space<hbm>>
          %dma_wait3A_279 = tpu.memref_squeeze %dma_wait3A_278 : memref<1x8x128xi32, #tpu.memory_space<hbm>> -> memref<8x128xi32, #tpu.memory_space<hbm>>
          tpu.wait_dma2 semaphore(%run_scoped3A : memref<!tpu.dma_semaphore, #tpu.memory_space<semaphore_mem>>) src(%dma_wait3A_279 : memref<8x128xi32, #tpu.memory_space<hbm>>) dst(%arg9 : memref<8x128xi32, #tpu.memory_space<vmem>>)
          tpu.yield
        }) : () -> ()
        %mul3A_44 = arith.constant 8 : i32
        %mul3A_45 = arith.muli %scan3A_41, %mul3A_44 : i32
        "tpu.region"() ({
          %run_scoped3A = tpu.sem_alloc : memref<!tpu.dma_semaphore, #tpu.memory_space<semaphore_mem>>
          %dma_start3A_268 = arith.constant 0 : i32
          %dma_start3A_269 = tpu.memref_slice %arg5[%arg1, %mul3A_45, %dma_start3A_268] : memref<16x160x128xi32, #tpu.memory_space<hbm>> -> memref<1x8x128xi32, #tpu.memory_space<hbm>>
          %dma_start3A_270 = tpu.memref_squeeze %dma_start3A_269 : memref<1x8x128xi32, #tpu.memory_space<hbm>> -> memref<8x128xi32, #tpu.memory_space<hbm>>
          %dma_start3A_271 = arith.constant 0 : i32
          %dma_start3A_272 = tpu.memref_slice %arg5[%arg1, %mul3A_45, %dma_start3A_271] : memref<16x160x128xi32, #tpu.memory_space<hbm>> -> memref<1x8x128xi32, #tpu.memory_space<hbm>>
          %dma_start3A_273 = tpu.memref_squeeze %dma_start3A_272 : memref<1x8x128xi32, #tpu.memory_space<hbm>> -> memref<8x128xi32, #tpu.memory_space<hbm>>
          tpu.enqueue_dma source(%dma_start3A_273 : memref<8x128xi32, #tpu.memory_space<hbm>>) target(%arg10 : memref<8x128xi32, #tpu.memory_space<vmem>>) target_semaphore(%run_scoped3A : memref<!tpu.dma_semaphore, #tpu.memory_space<semaphore_mem>>)
          %dma_wait3A_274 = arith.constant 0 : i32
          %dma_wait3A_275 = tpu.memref_slice %arg5[%arg1, %mul3A_45, %dma_wait3A_274] : memref<16x160x128xi32, #tpu.memory_space<hbm>> -> memref<1x8x128xi32, #tpu.memory_space<hbm>>
          %dma_wait3A_276 = tpu.memref_squeeze %dma_wait3A_275 : memref<1x8x128xi32, #tpu.memory_space<hbm>> -> memref<8x128xi32, #tpu.memory_space<hbm>>
          %dma_wait3A_277 = arith.constant 0 : i32
          %dma_wait3A_278 = tpu.memref_slice %arg5[%arg1, %mul3A_45, %dma_wait3A_277] : memref<16x160x128xi32, #tpu.memory_space<hbm>> -> memref<1x8x128xi32, #tpu.memory_space<hbm>>
          %dma_wait3A_279 = tpu.memref_squeeze %dma_wait3A_278 : memref<1x8x128xi32, #tpu.memory_space<hbm>> -> memref<8x128xi32, #tpu.memory_space<hbm>>
          tpu.wait_dma2 semaphore(%run_scoped3A : memref<!tpu.dma_semaphore, #tpu.memory_space<semaphore_mem>>) src(%dma_wait3A_279 : memref<8x128xi32, #tpu.memory_space<hbm>>) dst(%arg10 : memref<8x128xi32, #tpu.memory_space<vmem>>)
          tpu.yield
        }) : () -> ()
        %dma_start3A = arith.constant 0 : i32
        %dma_start3A_46 = arith.constant 0 : i32
        %dma_start3A_47 = tpu.memref_slice %arg9[%dma_start3A, %dma_start3A_46] : memref<8x128xi32, #tpu.memory_space<vmem>> -> memref<1x128xi32, #tpu.memory_space<vmem>>
        %dma_start3A_48 = tpu.memref_squeeze %dma_start3A_47 : memref<1x128xi32, #tpu.memory_space<vmem>> -> memref<128xi32, #tpu.memory_space<vmem>>
        %dma_start3A_49 = arith.constant 0 : i32
        %dma_start3A_50 = arith.constant 0 : i32
        %dma_start3A_51 = tpu.memref_slice %arg2[%dma_start3A_49, %dma_start3A_50] : memref<10000x128xf32, #tpu.memory_space<hbm>> -> memref<10000x128xf32, #tpu.memory_space<hbm>>
        tpu.enqueue_indirect_dma source(%dma_start3A_51 : memref<10000x128xf32, #tpu.memory_space<hbm>>) target(%arg11 : memref<128x128xf32, #tpu.memory_space<vmem>>) offsets(%dma_start3A_48 : memref<128xi32, #tpu.memory_space<vmem>>) semaphore(%arg14 : memref<!tpu.dma_semaphore, #tpu.memory_space<semaphore_mem>>)
        %dma_start3A_52 = arith.constant 1 : i32
        %dma_start3A_53 = arith.constant 0 : i32
        %dma_start3A_54 = tpu.memref_slice %arg9[%dma_start3A_52, %dma_start3A_53] : memref<8x128xi32, #tpu.memory_space<vmem>> -> memref<1x128xi32, #tpu.memory_space<vmem>>
        %dma_start3A_55 = tpu.memref_squeeze %dma_start3A_54 : memref<1x128xi32, #tpu.memory_space<vmem>> -> memref<128xi32, #tpu.memory_space<vmem>>
        %dma_start3A_56 = arith.constant 0 : i32
        %dma_start3A_57 = arith.constant 0 : i32
        %dma_start3A_58 = tpu.memref_slice %arg2[%dma_start3A_56, %dma_start3A_57] : memref<10000x128xf32, #tpu.memory_space<hbm>> -> memref<10000x128xf32, #tpu.memory_space<hbm>>
        tpu.enqueue_indirect_dma source(%dma_start3A_58 : memref<10000x128xf32, #tpu.memory_space<hbm>>) target(%arg12 : memref<128x128xf32, #tpu.memory_space<vmem>>) offsets(%dma_start3A_55 : memref<128xi32, #tpu.memory_space<vmem>>) semaphore(%arg15 : memref<!tpu.dma_semaphore, #tpu.memory_space<semaphore_mem>>)
        %dma_wait3A = arith.constant 0 : i32
        %dma_wait3A_59 = arith.constant 0 : i32
        %dma_wait3A_60 = tpu.memref_slice %arg9[%dma_wait3A, %dma_wait3A_59] : memref<8x128xi32, #tpu.memory_space<vmem>> -> memref<1x128xi32, #tpu.memory_space<vmem>>
        %dma_wait3A_61 = tpu.memref_squeeze %dma_wait3A_60 : memref<1x128xi32, #tpu.memory_space<vmem>> -> memref<128xi32, #tpu.memory_space<vmem>>
        %dma_wait3A_62 = arith.constant 0 : i32
        %dma_wait3A_63 = arith.constant 0 : i32
        %dma_wait3A_64 = tpu.memref_slice %arg2[%dma_wait3A_62, %dma_wait3A_63] : memref<10000x128xf32, #tpu.memory_space<hbm>> -> memref<10000x128xf32, #tpu.memory_space<hbm>>
        tpu.wait_indirect_dma semaphore(%arg14 : memref<!tpu.dma_semaphore, #tpu.memory_space<semaphore_mem>>) src(%dma_wait3A_64 : memref<10000x128xf32, #tpu.memory_space<hbm>>) dst(%arg11 : memref<128x128xf32, #tpu.memory_space<vmem>>)
        %dma_start3A_65 = arith.constant 0 : i32
        %dma_start3A_66 = arith.constant 0 : i32
        %dma_start3A_67 = tpu.memref_slice %arg10[%dma_start3A_65, %dma_start3A_66] : memref<8x128xi32, #tpu.memory_space<vmem>> -> memref<1x128xi32, #tpu.memory_space<vmem>>
        %dma_start3A_68 = tpu.memref_squeeze %dma_start3A_67 : memref<1x128xi32, #tpu.memory_space<vmem>> -> memref<128xi32, #tpu.memory_space<vmem>>
        %dma_start3A_69 = arith.constant 0 : i32
        %dma_start3A_70 = arith.constant 0 : i32
        %dma_start3A_71 = tpu.memref_slice %arg13[%dma_start3A_69, %dma_start3A_70] : memref<10240x128xf32, #tpu.memory_space<vmem_shared>> -> memref<10240x128xf32, #tpu.memory_space<vmem_shared>>
        tpu.enqueue_indirect_dma source(%arg11 : memref<128x128xf32, #tpu.memory_space<vmem>>) target(%dma_start3A_71 : memref<10240x128xf32, #tpu.memory_space<vmem_shared>>) offsets(%dma_start3A_68 : memref<128xi32, #tpu.memory_space<vmem>>) semaphore(%arg16 : memref<!tpu.dma_semaphore, #tpu.memory_space<semaphore_mem>>) {add = true}
        %dma_wait3A_72 = arith.constant 0 : i32
        %dma_wait3A_73 = arith.constant 0 : i32
        %dma_wait3A_74 = tpu.memref_slice %arg10[%dma_wait3A_72, %dma_wait3A_73] : memref<8x128xi32, #tpu.memory_space<vmem>> -> memref<1x128xi32, #tpu.memory_space<vmem>>
        %dma_wait3A_75 = tpu.memref_squeeze %dma_wait3A_74 : memref<1x128xi32, #tpu.memory_space<vmem>> -> memref<128xi32, #tpu.memory_space<vmem>>
        %dma_wait3A_76 = arith.constant 0 : i32
        %dma_wait3A_77 = arith.constant 0 : i32
        %dma_wait3A_78 = tpu.memref_slice %arg13[%dma_wait3A_76, %dma_wait3A_77] : memref<10240x128xf32, #tpu.memory_space<vmem_shared>> -> memref<10240x128xf32, #tpu.memory_space<vmem_shared>>
        tpu.wait_indirect_dma semaphore(%arg16 : memref<!tpu.dma_semaphore, #tpu.memory_space<semaphore_mem>>) src(%arg11 : memref<128x128xf32, #tpu.memory_space<vmem>>) dst(%dma_wait3A_78 : memref<10240x128xf32, #tpu.memory_space<vmem_shared>>)
        %dma_start3A_79 = arith.constant 2 : i32
        %dma_start3A_80 = arith.constant 0 : i32
        %dma_start3A_81 = tpu.memref_slice %arg9[%dma_start3A_79, %dma_start3A_80] : memref<8x128xi32, #tpu.memory_space<vmem>> -> memref<1x128xi32, #tpu.memory_space<vmem>>
        %dma_start3A_82 = tpu.memref_squeeze %dma_start3A_81 : memref<1x128xi32, #tpu.memory_space<vmem>> -> memref<128xi32, #tpu.memory_space<vmem>>
        %dma_start3A_83 = arith.constant 0 : i32
        %dma_start3A_84 = arith.constant 0 : i32
        %dma_start3A_85 = tpu.memref_slice %arg2[%dma_start3A_83, %dma_start3A_84] : memref<10000x128xf32, #tpu.memory_space<hbm>> -> memref<10000x128xf32, #tpu.memory_space<hbm>>
        tpu.enqueue_indirect_dma source(%dma_start3A_85 : memref<10000x128xf32, #tpu.memory_space<hbm>>) target(%arg11 : memref<128x128xf32, #tpu.memory_space<vmem>>) offsets(%dma_start3A_82 : memref<128xi32, #tpu.memory_space<vmem>>) semaphore(%arg14 : memref<!tpu.dma_semaphore, #tpu.memory_space<semaphore_mem>>)
        %dma_wait3A_86 = arith.constant 1 : i32
        %dma_wait3A_87 = arith.constant 0 : i32
        %dma_wait3A_88 = tpu.memref_slice %arg9[%dma_wait3A_86, %dma_wait3A_87] : memref<8x128xi32, #tpu.memory_space<vmem>> -> memref<1x128xi32, #tpu.memory_space<vmem>>
        %dma_wait3A_89 = tpu.memref_squeeze %dma_wait3A_88 : memref<1x128xi32, #tpu.memory_space<vmem>> -> memref<128xi32, #tpu.memory_space<vmem>>
        %dma_wait3A_90 = arith.constant 0 : i32
        %dma_wait3A_91 = arith.constant 0 : i32
        %dma_wait3A_92 = tpu.memref_slice %arg2[%dma_wait3A_90, %dma_wait3A_91] : memref<10000x128xf32, #tpu.memory_space<hbm>> -> memref<10000x128xf32, #tpu.memory_space<hbm>>
        tpu.wait_indirect_dma semaphore(%arg15 : memref<!tpu.dma_semaphore, #tpu.memory_space<semaphore_mem>>) src(%dma_wait3A_92 : memref<10000x128xf32, #tpu.memory_space<hbm>>) dst(%arg12 : memref<128x128xf32, #tpu.memory_space<vmem>>)
        %dma_start3A_93 = arith.constant 1 : i32
        %dma_start3A_94 = arith.constant 0 : i32
        %dma_start3A_95 = tpu.memref_slice %arg10[%dma_start3A_93, %dma_start3A_94] : memref<8x128xi32, #tpu.memory_space<vmem>> -> memref<1x128xi32, #tpu.memory_space<vmem>>
        %dma_start3A_96 = tpu.memref_squeeze %dma_start3A_95 : memref<1x128xi32, #tpu.memory_space<vmem>> -> memref<128xi32, #tpu.memory_space<vmem>>
        %dma_start3A_97 = arith.constant 0 : i32
        %dma_start3A_98 = arith.constant 0 : i32
        %dma_start3A_99 = tpu.memref_slice %arg13[%dma_start3A_97, %dma_start3A_98] : memref<10240x128xf32, #tpu.memory_space<vmem_shared>> -> memref<10240x128xf32, #tpu.memory_space<vmem_shared>>
        tpu.enqueue_indirect_dma source(%arg12 : memref<128x128xf32, #tpu.memory_space<vmem>>) target(%dma_start3A_99 : memref<10240x128xf32, #tpu.memory_space<vmem_shared>>) offsets(%dma_start3A_96 : memref<128xi32, #tpu.memory_space<vmem>>) semaphore(%arg17 : memref<!tpu.dma_semaphore, #tpu.memory_space<semaphore_mem>>) {add = true}
        %dma_wait3A_100 = arith.constant 1 : i32
        %dma_wait3A_101 = arith.constant 0 : i32
        %dma_wait3A_102 = tpu.memref_slice %arg10[%dma_wait3A_100, %dma_wait3A_101] : memref<8x128xi32, #tpu.memory_space<vmem>> -> memref<1x128xi32, #tpu.memory_space<vmem>>
        %dma_wait3A_103 = tpu.memref_squeeze %dma_wait3A_102 : memref<1x128xi32, #tpu.memory_space<vmem>> -> memref<128xi32, #tpu.memory_space<vmem>>
        %dma_wait3A_104 = arith.constant 0 : i32
        %dma_wait3A_105 = arith.constant 0 : i32
        %dma_wait3A_106 = tpu.memref_slice %arg13[%dma_wait3A_104, %dma_wait3A_105] : memref<10240x128xf32, #tpu.memory_space<vmem_shared>> -> memref<10240x128xf32, #tpu.memory_space<vmem_shared>>
        tpu.wait_indirect_dma semaphore(%arg17 : memref<!tpu.dma_semaphore, #tpu.memory_space<semaphore_mem>>) src(%arg12 : memref<128x128xf32, #tpu.memory_space<vmem>>) dst(%dma_wait3A_106 : memref<10240x128xf32, #tpu.memory_space<vmem_shared>>)
        %dma_start3A_107 = arith.constant 3 : i32
        %dma_start3A_108 = arith.constant 0 : i32
        %dma_start3A_109 = tpu.memref_slice %arg9[%dma_start3A_107, %dma_start3A_108] : memref<8x128xi32, #tpu.memory_space<vmem>> -> memref<1x128xi32, #tpu.memory_space<vmem>>
        %dma_start3A_110 = tpu.memref_squeeze %dma_start3A_109 : memref<1x128xi32, #tpu.memory_space<vmem>> -> memref<128xi32, #tpu.memory_space<vmem>>
        %dma_start3A_111 = arith.constant 0 : i32
        %dma_start3A_112 = arith.constant 0 : i32
        %dma_start3A_113 = tpu.memref_slice %arg2[%dma_start3A_111, %dma_start3A_112] : memref<10000x128xf32, #tpu.memory_space<hbm>> -> memref<10000x128xf32, #tpu.memory_space<hbm>>
        tpu.enqueue_indirect_dma source(%dma_start3A_113 : memref<10000x128xf32, #tpu.memory_space<hbm>>) target(%arg12 : memref<128x128xf32, #tpu.memory_space<vmem>>) offsets(%dma_start3A_110 : memref<128xi32, #tpu.memory_space<vmem>>) semaphore(%arg15 : memref<!tpu.dma_semaphore, #tpu.memory_space<semaphore_mem>>)
        %dma_wait3A_114 = arith.constant 2 : i32
        %dma_wait3A_115 = arith.constant 0 : i32
        %dma_wait3A_116 = tpu.memref_slice %arg9[%dma_wait3A_114, %dma_wait3A_115] : memref<8x128xi32, #tpu.memory_space<vmem>> -> memref<1x128xi32, #tpu.memory_space<vmem>>
        %dma_wait3A_117 = tpu.memref_squeeze %dma_wait3A_116 : memref<1x128xi32, #tpu.memory_space<vmem>> -> memref<128xi32, #tpu.memory_space<vmem>>
        %dma_wait3A_118 = arith.constant 0 : i32
        %dma_wait3A_119 = arith.constant 0 : i32
        %dma_wait3A_120 = tpu.memref_slice %arg2[%dma_wait3A_118, %dma_wait3A_119] : memref<10000x128xf32, #tpu.memory_space<hbm>> -> memref<10000x128xf32, #tpu.memory_space<hbm>>
        tpu.wait_indirect_dma semaphore(%arg14 : memref<!tpu.dma_semaphore, #tpu.memory_space<semaphore_mem>>) src(%dma_wait3A_120 : memref<10000x128xf32, #tpu.memory_space<hbm>>) dst(%arg11 : memref<128x128xf32, #tpu.memory_space<vmem>>)
        %dma_start3A_121 = arith.constant 2 : i32
        %dma_start3A_122 = arith.constant 0 : i32
        %dma_start3A_123 = tpu.memref_slice %arg10[%dma_start3A_121, %dma_start3A_122] : memref<8x128xi32, #tpu.memory_space<vmem>> -> memref<1x128xi32, #tpu.memory_space<vmem>>
        %dma_start3A_124 = tpu.memref_squeeze %dma_start3A_123 : memref<1x128xi32, #tpu.memory_space<vmem>> -> memref<128xi32, #tpu.memory_space<vmem>>
        %dma_start3A_125 = arith.constant 0 : i32
        %dma_start3A_126 = arith.constant 0 : i32
        %dma_start3A_127 = tpu.memref_slice %arg13[%dma_start3A_125, %dma_start3A_126] : memref<10240x128xf32, #tpu.memory_space<vmem_shared>> -> memref<10240x128xf32, #tpu.memory_space<vmem_shared>>
        tpu.enqueue_indirect_dma source(%arg11 : memref<128x128xf32, #tpu.memory_space<vmem>>) target(%dma_start3A_127 : memref<10240x128xf32, #tpu.memory_space<vmem_shared>>) offsets(%dma_start3A_124 : memref<128xi32, #tpu.memory_space<vmem>>) semaphore(%arg16 : memref<!tpu.dma_semaphore, #tpu.memory_space<semaphore_mem>>) {add = true}
        %dma_wait3A_128 = arith.constant 2 : i32
        %dma_wait3A_129 = arith.constant 0 : i32
        %dma_wait3A_130 = tpu.memref_slice %arg10[%dma_wait3A_128, %dma_wait3A_129] : memref<8x128xi32, #tpu.memory_space<vmem>> -> memref<1x128xi32, #tpu.memory_space<vmem>>
        %dma_wait3A_131 = tpu.memref_squeeze %dma_wait3A_130 : memref<1x128xi32, #tpu.memory_space<vmem>> -> memref<128xi32, #tpu.memory_space<vmem>>
        %dma_wait3A_132 = arith.constant 0 : i32
        %dma_wait3A_133 = arith.constant 0 : i32
        %dma_wait3A_134 = tpu.memref_slice %arg13[%dma_wait3A_132, %dma_wait3A_133] : memref<10240x128xf32, #tpu.memory_space<vmem_shared>> -> memref<10240x128xf32, #tpu.memory_space<vmem_shared>>
        tpu.wait_indirect_dma semaphore(%arg16 : memref<!tpu.dma_semaphore, #tpu.memory_space<semaphore_mem>>) src(%arg11 : memref<128x128xf32, #tpu.memory_space<vmem>>) dst(%dma_wait3A_134 : memref<10240x128xf32, #tpu.memory_space<vmem_shared>>)
        %dma_start3A_135 = arith.constant 4 : i32
        %dma_start3A_136 = arith.constant 0 : i32
        %dma_start3A_137 = tpu.memref_slice %arg9[%dma_start3A_135, %dma_start3A_136] : memref<8x128xi32, #tpu.memory_space<vmem>> -> memref<1x128xi32, #tpu.memory_space<vmem>>
        %dma_start3A_138 = tpu.memref_squeeze %dma_start3A_137 : memref<1x128xi32, #tpu.memory_space<vmem>> -> memref<128xi32, #tpu.memory_space<vmem>>
        %dma_start3A_139 = arith.constant 0 : i32
        %dma_start3A_140 = arith.constant 0 : i32
        %dma_start3A_141 = tpu.memref_slice %arg2[%dma_start3A_139, %dma_start3A_140] : memref<10000x128xf32, #tpu.memory_space<hbm>> -> memref<10000x128xf32, #tpu.memory_space<hbm>>
        tpu.enqueue_indirect_dma source(%dma_start3A_141 : memref<10000x128xf32, #tpu.memory_space<hbm>>) target(%arg11 : memref<128x128xf32, #tpu.memory_space<vmem>>) offsets(%dma_start3A_138 : memref<128xi32, #tpu.memory_space<vmem>>) semaphore(%arg14 : memref<!tpu.dma_semaphore, #tpu.memory_space<semaphore_mem>>)
        %dma_wait3A_142 = arith.constant 3 : i32
        %dma_wait3A_143 = arith.constant 0 : i32
        %dma_wait3A_144 = tpu.memref_slice %arg9[%dma_wait3A_142, %dma_wait3A_143] : memref<8x128xi32, #tpu.memory_space<vmem>> -> memref<1x128xi32, #tpu.memory_space<vmem>>
        %dma_wait3A_145 = tpu.memref_squeeze %dma_wait3A_144 : memref<1x128xi32, #tpu.memory_space<vmem>> -> memref<128xi32, #tpu.memory_space<vmem>>
        %dma_wait3A_146 = arith.constant 0 : i32
        %dma_wait3A_147 = arith.constant 0 : i32
        %dma_wait3A_148 = tpu.memref_slice %arg2[%dma_wait3A_146, %dma_wait3A_147] : memref<10000x128xf32, #tpu.memory_space<hbm>> -> memref<10000x128xf32, #tpu.memory_space<hbm>>
        tpu.wait_indirect_dma semaphore(%arg15 : memref<!tpu.dma_semaphore, #tpu.memory_space<semaphore_mem>>) src(%dma_wait3A_148 : memref<10000x128xf32, #tpu.memory_space<hbm>>) dst(%arg12 : memref<128x128xf32, #tpu.memory_space<vmem>>)
        %dma_start3A_149 = arith.constant 3 : i32
        %dma_start3A_150 = arith.constant 0 : i32
        %dma_start3A_151 = tpu.memref_slice %arg10[%dma_start3A_149, %dma_start3A_150] : memref<8x128xi32, #tpu.memory_space<vmem>> -> memref<1x128xi32, #tpu.memory_space<vmem>>
        %dma_start3A_152 = tpu.memref_squeeze %dma_start3A_151 : memref<1x128xi32, #tpu.memory_space<vmem>> -> memref<128xi32, #tpu.memory_space<vmem>>
        %dma_start3A_153 = arith.constant 0 : i32
        %dma_start3A_154 = arith.constant 0 : i32
        %dma_start3A_155 = tpu.memref_slice %arg13[%dma_start3A_153, %dma_start3A_154] : memref<10240x128xf32, #tpu.memory_space<vmem_shared>> -> memref<10240x128xf32, #tpu.memory_space<vmem_shared>>
        tpu.enqueue_indirect_dma source(%arg12 : memref<128x128xf32, #tpu.memory_space<vmem>>) target(%dma_start3A_155 : memref<10240x128xf32, #tpu.memory_space<vmem_shared>>) offsets(%dma_start3A_152 : memref<128xi32, #tpu.memory_space<vmem>>) semaphore(%arg17 : memref<!tpu.dma_semaphore, #tpu.memory_space<semaphore_mem>>) {add = true}
        %dma_wait3A_156 = arith.constant 3 : i32
        %dma_wait3A_157 = arith.constant 0 : i32
        %dma_wait3A_158 = tpu.memref_slice %arg10[%dma_wait3A_156, %dma_wait3A_157] : memref<8x128xi32, #tpu.memory_space<vmem>> -> memref<1x128xi32, #tpu.memory_space<vmem>>
        %dma_wait3A_159 = tpu.memref_squeeze %dma_wait3A_158 : memref<1x128xi32, #tpu.memory_space<vmem>> -> memref<128xi32, #tpu.memory_space<vmem>>
        %dma_wait3A_160 = arith.constant 0 : i32
        %dma_wait3A_161 = arith.constant 0 : i32
        %dma_wait3A_162 = tpu.memref_slice %arg13[%dma_wait3A_160, %dma_wait3A_161] : memref<10240x128xf32, #tpu.memory_space<vmem_shared>> -> memref<10240x128xf32, #tpu.memory_space<vmem_shared>>
        tpu.wait_indirect_dma semaphore(%arg17 : memref<!tpu.dma_semaphore, #tpu.memory_space<semaphore_mem>>) src(%arg12 : memref<128x128xf32, #tpu.memory_space<vmem>>) dst(%dma_wait3A_162 : memref<10240x128xf32, #tpu.memory_space<vmem_shared>>)
        %dma_start3A_163 = arith.constant 5 : i32
        %dma_start3A_164 = arith.constant 0 : i32
        %dma_start3A_165 = tpu.memref_slice %arg9[%dma_start3A_163, %dma_start3A_164] : memref<8x128xi32, #tpu.memory_space<vmem>> -> memref<1x128xi32, #tpu.memory_space<vmem>>
        %dma_start3A_166 = tpu.memref_squeeze %dma_start3A_165 : memref<1x128xi32, #tpu.memory_space<vmem>> -> memref<128xi32, #tpu.memory_space<vmem>>
        %dma_start3A_167 = arith.constant 0 : i32
        %dma_start3A_168 = arith.constant 0 : i32
        %dma_start3A_169 = tpu.memref_slice %arg2[%dma_start3A_167, %dma_start3A_168] : memref<10000x128xf32, #tpu.memory_space<hbm>> -> memref<10000x128xf32, #tpu.memory_space<hbm>>
        tpu.enqueue_indirect_dma source(%dma_start3A_169 : memref<10000x128xf32, #tpu.memory_space<hbm>>) target(%arg12 : memref<128x128xf32, #tpu.memory_space<vmem>>) offsets(%dma_start3A_166 : memref<128xi32, #tpu.memory_space<vmem>>) semaphore(%arg15 : memref<!tpu.dma_semaphore, #tpu.memory_space<semaphore_mem>>)
        %dma_wait3A_170 = arith.constant 4 : i32
        %dma_wait3A_171 = arith.constant 0 : i32
        %dma_wait3A_172 = tpu.memref_slice %arg9[%dma_wait3A_170, %dma_wait3A_171] : memref<8x128xi32, #tpu.memory_space<vmem>> -> memref<1x128xi32, #tpu.memory_space<vmem>>
        %dma_wait3A_173 = tpu.memref_squeeze %dma_wait3A_172 : memref<1x128xi32, #tpu.memory_space<vmem>> -> memref<128xi32, #tpu.memory_space<vmem>>
        %dma_wait3A_174 = arith.constant 0 : i32
        %dma_wait3A_175 = arith.constant 0 : i32
        %dma_wait3A_176 = tpu.memref_slice %arg2[%dma_wait3A_174, %dma_wait3A_175] : memref<10000x128xf32, #tpu.memory_space<hbm>> -> memref<10000x128xf32, #tpu.memory_space<hbm>>
        tpu.wait_indirect_dma semaphore(%arg14 : memref<!tpu.dma_semaphore, #tpu.memory_space<semaphore_mem>>) src(%dma_wait3A_176 : memref<10000x128xf32, #tpu.memory_space<hbm>>) dst(%arg11 : memref<128x128xf32, #tpu.memory_space<vmem>>)
        %dma_start3A_177 = arith.constant 4 : i32
        %dma_start3A_178 = arith.constant 0 : i32
        %dma_start3A_179 = tpu.memref_slice %arg10[%dma_start3A_177, %dma_start3A_178] : memref<8x128xi32, #tpu.memory_space<vmem>> -> memref<1x128xi32, #tpu.memory_space<vmem>>
        %dma_start3A_180 = tpu.memref_squeeze %dma_start3A_179 : memref<1x128xi32, #tpu.memory_space<vmem>> -> memref<128xi32, #tpu.memory_space<vmem>>
        %dma_start3A_181 = arith.constant 0 : i32
        %dma_start3A_182 = arith.constant 0 : i32
        %dma_start3A_183 = tpu.memref_slice %arg13[%dma_start3A_181, %dma_start3A_182] : memref<10240x128xf32, #tpu.memory_space<vmem_shared>> -> memref<10240x128xf32, #tpu.memory_space<vmem_shared>>
        tpu.enqueue_indirect_dma source(%arg11 : memref<128x128xf32, #tpu.memory_space<vmem>>) target(%dma_start3A_183 : memref<10240x128xf32, #tpu.memory_space<vmem_shared>>) offsets(%dma_start3A_180 : memref<128xi32, #tpu.memory_space<vmem>>) semaphore(%arg16 : memref<!tpu.dma_semaphore, #tpu.memory_space<semaphore_mem>>) {add = true}
        %dma_wait3A_184 = arith.constant 4 : i32
        %dma_wait3A_185 = arith.constant 0 : i32
        %dma_wait3A_186 = tpu.memref_slice %arg10[%dma_wait3A_184, %dma_wait3A_185] : memref<8x128xi32, #tpu.memory_space<vmem>> -> memref<1x128xi32, #tpu.memory_space<vmem>>
        %dma_wait3A_187 = tpu.memref_squeeze %dma_wait3A_186 : memref<1x128xi32, #tpu.memory_space<vmem>> -> memref<128xi32, #tpu.memory_space<vmem>>
        %dma_wait3A_188 = arith.constant 0 : i32
        %dma_wait3A_189 = arith.constant 0 : i32
        %dma_wait3A_190 = tpu.memref_slice %arg13[%dma_wait3A_188, %dma_wait3A_189] : memref<10240x128xf32, #tpu.memory_space<vmem_shared>> -> memref<10240x128xf32, #tpu.memory_space<vmem_shared>>
        tpu.wait_indirect_dma semaphore(%arg16 : memref<!tpu.dma_semaphore, #tpu.memory_space<semaphore_mem>>) src(%arg11 : memref<128x128xf32, #tpu.memory_space<vmem>>) dst(%dma_wait3A_190 : memref<10240x128xf32, #tpu.memory_space<vmem_shared>>)
        %dma_start3A_191 = arith.constant 6 : i32
        %dma_start3A_192 = arith.constant 0 : i32
        %dma_start3A_193 = tpu.memref_slice %arg9[%dma_start3A_191, %dma_start3A_192] : memref<8x128xi32, #tpu.memory_space<vmem>> -> memref<1x128xi32, #tpu.memory_space<vmem>>
        %dma_start3A_194 = tpu.memref_squeeze %dma_start3A_193 : memref<1x128xi32, #tpu.memory_space<vmem>> -> memref<128xi32, #tpu.memory_space<vmem>>
        %dma_start3A_195 = arith.constant 0 : i32
        %dma_start3A_196 = arith.constant 0 : i32
        %dma_start3A_197 = tpu.memref_slice %arg2[%dma_start3A_195, %dma_start3A_196] : memref<10000x128xf32, #tpu.memory_space<hbm>> -> memref<10000x128xf32, #tpu.memory_space<hbm>>
        tpu.enqueue_indirect_dma source(%dma_start3A_197 : memref<10000x128xf32, #tpu.memory_space<hbm>>) target(%arg11 : memref<128x128xf32, #tpu.memory_space<vmem>>) offsets(%dma_start3A_194 : memref<128xi32, #tpu.memory_space<vmem>>) semaphore(%arg14 : memref<!tpu.dma_semaphore, #tpu.memory_space<semaphore_mem>>)
        %dma_wait3A_198 = arith.constant 5 : i32
        %dma_wait3A_199 = arith.constant 0 : i32
        %dma_wait3A_200 = tpu.memref_slice %arg9[%dma_wait3A_198, %dma_wait3A_199] : memref<8x128xi32, #tpu.memory_space<vmem>> -> memref<1x128xi32, #tpu.memory_space<vmem>>
        %dma_wait3A_201 = tpu.memref_squeeze %dma_wait3A_200 : memref<1x128xi32, #tpu.memory_space<vmem>> -> memref<128xi32, #tpu.memory_space<vmem>>
        %dma_wait3A_202 = arith.constant 0 : i32
        %dma_wait3A_203 = arith.constant 0 : i32
        %dma_wait3A_204 = tpu.memref_slice %arg2[%dma_wait3A_202, %dma_wait3A_203] : memref<10000x128xf32, #tpu.memory_space<hbm>> -> memref<10000x128xf32, #tpu.memory_space<hbm>>
        tpu.wait_indirect_dma semaphore(%arg15 : memref<!tpu.dma_semaphore, #tpu.memory_space<semaphore_mem>>) src(%dma_wait3A_204 : memref<10000x128xf32, #tpu.memory_space<hbm>>) dst(%arg12 : memref<128x128xf32, #tpu.memory_space<vmem>>)
        %dma_start3A_205 = arith.constant 5 : i32
        %dma_start3A_206 = arith.constant 0 : i32
        %dma_start3A_207 = tpu.memref_slice %arg10[%dma_start3A_205, %dma_start3A_206] : memref<8x128xi32, #tpu.memory_space<vmem>> -> memref<1x128xi32, #tpu.memory_space<vmem>>
        %dma_start3A_208 = tpu.memref_squeeze %dma_start3A_207 : memref<1x128xi32, #tpu.memory_space<vmem>> -> memref<128xi32, #tpu.memory_space<vmem>>
        %dma_start3A_209 = arith.constant 0 : i32
        %dma_start3A_210 = arith.constant 0 : i32
        %dma_start3A_211 = tpu.memref_slice %arg13[%dma_start3A_209, %dma_start3A_210] : memref<10240x128xf32, #tpu.memory_space<vmem_shared>> -> memref<10240x128xf32, #tpu.memory_space<vmem_shared>>
        tpu.enqueue_indirect_dma source(%arg12 : memref<128x128xf32, #tpu.memory_space<vmem>>) target(%dma_start3A_211 : memref<10240x128xf32, #tpu.memory_space<vmem_shared>>) offsets(%dma_start3A_208 : memref<128xi32, #tpu.memory_space<vmem>>) semaphore(%arg17 : memref<!tpu.dma_semaphore, #tpu.memory_space<semaphore_mem>>) {add = true}
        %dma_wait3A_212 = arith.constant 5 : i32
        %dma_wait3A_213 = arith.constant 0 : i32
        %dma_wait3A_214 = tpu.memref_slice %arg10[%dma_wait3A_212, %dma_wait3A_213] : memref<8x128xi32, #tpu.memory_space<vmem>> -> memref<1x128xi32, #tpu.memory_space<vmem>>
        %dma_wait3A_215 = tpu.memref_squeeze %dma_wait3A_214 : memref<1x128xi32, #tpu.memory_space<vmem>> -> memref<128xi32, #tpu.memory_space<vmem>>
        %dma_wait3A_216 = arith.constant 0 : i32
        %dma_wait3A_217 = arith.constant 0 : i32
        %dma_wait3A_218 = tpu.memref_slice %arg13[%dma_wait3A_216, %dma_wait3A_217] : memref<10240x128xf32, #tpu.memory_space<vmem_shared>> -> memref<10240x128xf32, #tpu.memory_space<vmem_shared>>
        tpu.wait_indirect_dma semaphore(%arg17 : memref<!tpu.dma_semaphore, #tpu.memory_space<semaphore_mem>>) src(%arg12 : memref<128x128xf32, #tpu.memory_space<vmem>>) dst(%dma_wait3A_218 : memref<10240x128xf32, #tpu.memory_space<vmem_shared>>)
        %dma_start3A_219 = arith.constant 7 : i32
        %dma_start3A_220 = arith.constant 0 : i32
        %dma_start3A_221 = tpu.memref_slice %arg9[%dma_start3A_219, %dma_start3A_220] : memref<8x128xi32, #tpu.memory_space<vmem>> -> memref<1x128xi32, #tpu.memory_space<vmem>>
        %dma_start3A_222 = tpu.memref_squeeze %dma_start3A_221 : memref<1x128xi32, #tpu.memory_space<vmem>> -> memref<128xi32, #tpu.memory_space<vmem>>
        %dma_start3A_223 = arith.constant 0 : i32
        %dma_start3A_224 = arith.constant 0 : i32
        %dma_start3A_225 = tpu.memref_slice %arg2[%dma_start3A_223, %dma_start3A_224] : memref<10000x128xf32, #tpu.memory_space<hbm>> -> memref<10000x128xf32, #tpu.memory_space<hbm>>
        tpu.enqueue_indirect_dma source(%dma_start3A_225 : memref<10000x128xf32, #tpu.memory_space<hbm>>) target(%arg12 : memref<128x128xf32, #tpu.memory_space<vmem>>) offsets(%dma_start3A_222 : memref<128xi32, #tpu.memory_space<vmem>>) semaphore(%arg15 : memref<!tpu.dma_semaphore, #tpu.memory_space<semaphore_mem>>)
        %dma_wait3A_226 = arith.constant 6 : i32
        %dma_wait3A_227 = arith.constant 0 : i32
        %dma_wait3A_228 = tpu.memref_slice %arg9[%dma_wait3A_226, %dma_wait3A_227] : memref<8x128xi32, #tpu.memory_space<vmem>> -> memref<1x128xi32, #tpu.memory_space<vmem>>
        %dma_wait3A_229 = tpu.memref_squeeze %dma_wait3A_228 : memref<1x128xi32, #tpu.memory_space<vmem>> -> memref<128xi32, #tpu.memory_space<vmem>>
        %dma_wait3A_230 = arith.constant 0 : i32
        %dma_wait3A_231 = arith.constant 0 : i32
        %dma_wait3A_232 = tpu.memref_slice %arg2[%dma_wait3A_230, %dma_wait3A_231] : memref<10000x128xf32, #tpu.memory_space<hbm>> -> memref<10000x128xf32, #tpu.memory_space<hbm>>
        tpu.wait_indirect_dma semaphore(%arg14 : memref<!tpu.dma_semaphore, #tpu.memory_space<semaphore_mem>>) src(%dma_wait3A_232 : memref<10000x128xf32, #tpu.memory_space<hbm>>) dst(%arg11 : memref<128x128xf32, #tpu.memory_space<vmem>>)
        %dma_start3A_233 = arith.constant 6 : i32
        %dma_start3A_234 = arith.constant 0 : i32
        %dma_start3A_235 = tpu.memref_slice %arg10[%dma_start3A_233, %dma_start3A_234] : memref<8x128xi32, #tpu.memory_space<vmem>> -> memref<1x128xi32, #tpu.memory_space<vmem>>
        %dma_start3A_236 = tpu.memref_squeeze %dma_start3A_235 : memref<1x128xi32, #tpu.memory_space<vmem>> -> memref<128xi32, #tpu.memory_space<vmem>>
        %dma_start3A_237 = arith.constant 0 : i32
        %dma_start3A_238 = arith.constant 0 : i32
        %dma_start3A_239 = tpu.memref_slice %arg13[%dma_start3A_237, %dma_start3A_238] : memref<10240x128xf32, #tpu.memory_space<vmem_shared>> -> memref<10240x128xf32, #tpu.memory_space<vmem_shared>>
        tpu.enqueue_indirect_dma source(%arg11 : memref<128x128xf32, #tpu.memory_space<vmem>>) target(%dma_start3A_239 : memref<10240x128xf32, #tpu.memory_space<vmem_shared>>) offsets(%dma_start3A_236 : memref<128xi32, #tpu.memory_space<vmem>>) semaphore(%arg16 : memref<!tpu.dma_semaphore, #tpu.memory_space<semaphore_mem>>) {add = true}
        %dma_wait3A_240 = arith.constant 7 : i32
        %dma_wait3A_241 = arith.constant 0 : i32
        %dma_wait3A_242 = tpu.memref_slice %arg9[%dma_wait3A_240, %dma_wait3A_241] : memref<8x128xi32, #tpu.memory_space<vmem>> -> memref<1x128xi32, #tpu.memory_space<vmem>>
        %dma_wait3A_243 = tpu.memref_squeeze %dma_wait3A_242 : memref<1x128xi32, #tpu.memory_space<vmem>> -> memref<128xi32, #tpu.memory_space<vmem>>
        %dma_wait3A_244 = arith.constant 0 : i32
        %dma_wait3A_245 = arith.constant 0 : i32
        %dma_wait3A_246 = tpu.memref_slice %arg2[%dma_wait3A_244, %dma_wait3A_245] : memref<10000x128xf32, #tpu.memory_space<hbm>> -> memref<10000x128xf32, #tpu.memory_space<hbm>>
        tpu.wait_indirect_dma semaphore(%arg15 : memref<!tpu.dma_semaphore, #tpu.memory_space<semaphore_mem>>) src(%dma_wait3A_246 : memref<10000x128xf32, #tpu.memory_space<hbm>>) dst(%arg12 : memref<128x128xf32, #tpu.memory_space<vmem>>)
        %dma_start3A_247 = arith.constant 7 : i32
        %dma_start3A_248 = arith.constant 0 : i32
        %dma_start3A_249 = tpu.memref_slice %arg10[%dma_start3A_247, %dma_start3A_248] : memref<8x128xi32, #tpu.memory_space<vmem>> -> memref<1x128xi32, #tpu.memory_space<vmem>>
        %dma_start3A_250 = tpu.memref_squeeze %dma_start3A_249 : memref<1x128xi32, #tpu.memory_space<vmem>> -> memref<128xi32, #tpu.memory_space<vmem>>
        %dma_start3A_251 = arith.constant 0 : i32
        %dma_start3A_252 = arith.constant 0 : i32
        %dma_start3A_253 = tpu.memref_slice %arg13[%dma_start3A_251, %dma_start3A_252] : memref<10240x128xf32, #tpu.memory_space<vmem_shared>> -> memref<10240x128xf32, #tpu.memory_space<vmem_shared>>
        tpu.enqueue_indirect_dma source(%arg12 : memref<128x128xf32, #tpu.memory_space<vmem>>) target(%dma_start3A_253 : memref<10240x128xf32, #tpu.memory_space<vmem_shared>>) offsets(%dma_start3A_250 : memref<128xi32, #tpu.memory_space<vmem>>) semaphore(%arg17 : memref<!tpu.dma_semaphore, #tpu.memory_space<semaphore_mem>>) {add = true}
        %dma_wait3A_254 = arith.constant 6 : i32
        %dma_wait3A_255 = arith.constant 0 : i32
        %dma_wait3A_256 = tpu.memref_slice %arg10[%dma_wait3A_254, %dma_wait3A_255] : memref<8x128xi32, #tpu.memory_space<vmem>> -> memref<1x128xi32, #tpu.memory_space<vmem>>
        %dma_wait3A_257 = tpu.memref_squeeze %dma_wait3A_256 : memref<1x128xi32, #tpu.memory_space<vmem>> -> memref<128xi32, #tpu.memory_space<vmem>>
        %dma_wait3A_258 = arith.constant 0 : i32
        %dma_wait3A_259 = arith.constant 0 : i32
        %dma_wait3A_260 = tpu.memref_slice %arg13[%dma_wait3A_258, %dma_wait3A_259] : memref<10240x128xf32, #tpu.memory_space<vmem_shared>> -> memref<10240x128xf32, #tpu.memory_space<vmem_shared>>
        tpu.wait_indirect_dma semaphore(%arg16 : memref<!tpu.dma_semaphore, #tpu.memory_space<semaphore_mem>>) src(%arg11 : memref<128x128xf32, #tpu.memory_space<vmem>>) dst(%dma_wait3A_260 : memref<10240x128xf32, #tpu.memory_space<vmem_shared>>)
        %dma_wait3A_261 = arith.constant 7 : i32
        %dma_wait3A_262 = arith.constant 0 : i32
        %dma_wait3A_263 = tpu.memref_slice %arg10[%dma_wait3A_261, %dma_wait3A_262] : memref<8x128xi32, #tpu.memory_space<vmem>> -> memref<1x128xi32, #tpu.memory_space<vmem>>
        %dma_wait3A_264 = tpu.memref_squeeze %dma_wait3A_263 : memref<1x128xi32, #tpu.memory_space<vmem>> -> memref<128xi32, #tpu.memory_space<vmem>>
        %dma_wait3A_265 = arith.constant 0 : i32
        %dma_wait3A_266 = arith.constant 0 : i32
        %dma_wait3A_267 = tpu.memref_slice %arg13[%dma_wait3A_265, %dma_wait3A_266] : memref<10240x128xf32, #tpu.memory_space<vmem_shared>> -> memref<10240x128xf32, #tpu.memory_space<vmem_shared>>
        tpu.wait_indirect_dma semaphore(%arg17 : memref<!tpu.dma_semaphore, #tpu.memory_space<semaphore_mem>>) src(%arg12 : memref<128x128xf32, #tpu.memory_space<vmem>>) dst(%dma_wait3A_267 : memref<10240x128xf32, #tpu.memory_space<vmem_shared>>)
      }
      %scan3A_40 = arith.constant 20 : i32
    } else {
    }
    %eq3A_20 = arith.constant 1 : i32
    %eq3A_21 = arith.cmpi eq, %arg0, %eq3A_20 : i32
    %convert_element_type3A_22 = arith.extui %eq3A_21 : i1 to i32
    %cond3A_23 = arith.constant 0 : i32
    %cond3A_24 = arith.cmpi ne, %convert_element_type3A_22, %cond3A_23 : i32
    scf.if %cond3A_24 {
      %scan3A = arith.constant 0 : i32
      %scan3A_36 = arith.constant 0 : i32
      %scan3A_37 = arith.constant 20 : i32
      %scan3A_38 = arith.addi %scan3A_36, %scan3A_37 : i32
      %scan3A_39 = arith.constant 1 : i32
      scf.for %scan3A_41 = %scan3A_36 to %scan3A_38 step %scan3A_39  : i32 {
        %mul3A_42 = arith.constant 8 : i32
        %mul3A_43 = arith.muli %scan3A_41, %mul3A_42 : i32
        "tpu.region"() ({
          %run_scoped3A = tpu.sem_alloc : memref<!tpu.dma_semaphore, #tpu.memory_space<semaphore_mem>>
          %dma_start3A_268 = arith.constant 0 : i32
          %dma_start3A_269 = tpu.memref_slice %arg4[%arg1, %mul3A_43, %dma_start3A_268] : memref<16x160x128xi32, #tpu.memory_space<hbm>> -> memref<1x8x128xi32, #tpu.memory_space<hbm>>
          %dma_start3A_270 = tpu.memref_squeeze %dma_start3A_269 : memref<1x8x128xi32, #tpu.memory_space<hbm>> -> memref<8x128xi32, #tpu.memory_space<hbm>>
          %dma_start3A_271 = arith.constant 0 : i32
          %dma_start3A_272 = tpu.memref_slice %arg4[%arg1, %mul3A_43, %dma_start3A_271] : memref<16x160x128xi32, #tpu.memory_space<hbm>> -> memref<1x8x128xi32, #tpu.memory_space<hbm>>
          %dma_start3A_273 = tpu.memref_squeeze %dma_start3A_272 : memref<1x8x128xi32, #tpu.memory_space<hbm>> -> memref<8x128xi32, #tpu.memory_space<hbm>>
          tpu.enqueue_dma source(%dma_start3A_273 : memref<8x128xi32, #tpu.memory_space<hbm>>) target(%arg9 : memref<8x128xi32, #tpu.memory_space<vmem>>) target_semaphore(%run_scoped3A : memref<!tpu.dma_semaphore, #tpu.memory_space<semaphore_mem>>)
          %dma_wait3A_274 = arith.constant 0 : i32
          %dma_wait3A_275 = tpu.memref_slice %arg4[%arg1, %mul3A_43, %dma_wait3A_274] : memref<16x160x128xi32, #tpu.memory_space<hbm>> -> memref<1x8x128xi32, #tpu.memory_space<hbm>>
          %dma_wait3A_276 = tpu.memref_squeeze %dma_wait3A_275 : memref<1x8x128xi32, #tpu.memory_space<hbm>> -> memref<8x128xi32, #tpu.memory_space<hbm>>
          %dma_wait3A_277 = arith.constant 0 : i32
          %dma_wait3A_278 = tpu.memref_slice %arg4[%arg1, %mul3A_43, %dma_wait3A_277] : memref<16x160x128xi32, #tpu.memory_space<hbm>> -> memref<1x8x128xi32, #tpu.memory_space<hbm>>
          %dma_wait3A_279 = tpu.memref_squeeze %dma_wait3A_278 : memref<1x8x128xi32, #tpu.memory_space<hbm>> -> memref<8x128xi32, #tpu.memory_space<hbm>>
          tpu.wait_dma2 semaphore(%run_scoped3A : memref<!tpu.dma_semaphore, #tpu.memory_space<semaphore_mem>>) src(%dma_wait3A_279 : memref<8x128xi32, #tpu.memory_space<hbm>>) dst(%arg9 : memref<8x128xi32, #tpu.memory_space<vmem>>)
          tpu.yield
        }) : () -> ()
        %mul3A_44 = arith.constant 8 : i32
        %mul3A_45 = arith.muli %scan3A_41, %mul3A_44 : i32
        "tpu.region"() ({
          %run_scoped3A = tpu.sem_alloc : memref<!tpu.dma_semaphore, #tpu.memory_space<semaphore_mem>>
          %dma_start3A_268 = arith.constant 0 : i32
          %dma_start3A_269 = tpu.memref_slice %arg5[%arg1, %mul3A_45, %dma_start3A_268] : memref<16x160x128xi32, #tpu.memory_space<hbm>> -> memref<1x8x128xi32, #tpu.memory_space<hbm>>
          %dma_start3A_270 = tpu.memref_squeeze %dma_start3A_269 : memref<1x8x128xi32, #tpu.memory_space<hbm>> -> memref<8x128xi32, #tpu.memory_space<hbm>>
          %dma_start3A_271 = arith.constant 0 : i32
          %dma_start3A_272 = tpu.memref_slice %arg5[%arg1, %mul3A_45, %dma_start3A_271] : memref<16x160x128xi32, #tpu.memory_space<hbm>> -> memref<1x8x128xi32, #tpu.memory_space<hbm>>
          %dma_start3A_273 = tpu.memref_squeeze %dma_start3A_272 : memref<1x8x128xi32, #tpu.memory_space<hbm>> -> memref<8x128xi32, #tpu.memory_space<hbm>>
          tpu.enqueue_dma source(%dma_start3A_273 : memref<8x128xi32, #tpu.memory_space<hbm>>) target(%arg10 : memref<8x128xi32, #tpu.memory_space<vmem>>) target_semaphore(%run_scoped3A : memref<!tpu.dma_semaphore, #tpu.memory_space<semaphore_mem>>)
          %dma_wait3A_274 = arith.constant 0 : i32
          %dma_wait3A_275 = tpu.memref_slice %arg5[%arg1, %mul3A_45, %dma_wait3A_274] : memref<16x160x128xi32, #tpu.memory_space<hbm>> -> memref<1x8x128xi32, #tpu.memory_space<hbm>>
          %dma_wait3A_276 = tpu.memref_squeeze %dma_wait3A_275 : memref<1x8x128xi32, #tpu.memory_space<hbm>> -> memref<8x128xi32, #tpu.memory_space<hbm>>
          %dma_wait3A_277 = arith.constant 0 : i32
          %dma_wait3A_278 = tpu.memref_slice %arg5[%arg1, %mul3A_45, %dma_wait3A_277] : memref<16x160x128xi32, #tpu.memory_space<hbm>> -> memref<1x8x128xi32, #tpu.memory_space<hbm>>
          %dma_wait3A_279 = tpu.memref_squeeze %dma_wait3A_278 : memref<1x8x128xi32, #tpu.memory_space<hbm>> -> memref<8x128xi32, #tpu.memory_space<hbm>>
          tpu.wait_dma2 semaphore(%run_scoped3A : memref<!tpu.dma_semaphore, #tpu.memory_space<semaphore_mem>>) src(%dma_wait3A_279 : memref<8x128xi32, #tpu.memory_space<hbm>>) dst(%arg10 : memref<8x128xi32, #tpu.memory_space<vmem>>)
          tpu.yield
        }) : () -> ()
        %dma_start3A = arith.constant 0 : i32
        %dma_start3A_46 = arith.constant 0 : i32
        %dma_start3A_47 = tpu.memref_slice %arg9[%dma_start3A, %dma_start3A_46] : memref<8x128xi32, #tpu.memory_space<vmem>> -> memref<1x128xi32, #tpu.memory_space<vmem>>
        %dma_start3A_48 = tpu.memref_squeeze %dma_start3A_47 : memref<1x128xi32, #tpu.memory_space<vmem>> -> memref<128xi32, #tpu.memory_space<vmem>>
        %dma_start3A_49 = arith.constant 0 : i32
        %dma_start3A_50 = arith.constant 0 : i32
        %dma_start3A_51 = tpu.memref_slice %arg3[%dma_start3A_49, %dma_start3A_50] : memref<10000x128xf32, #tpu.memory_space<hbm>> -> memref<10000x128xf32, #tpu.memory_space<hbm>>
        tpu.enqueue_indirect_dma source(%dma_start3A_51 : memref<10000x128xf32, #tpu.memory_space<hbm>>) target(%arg11 : memref<128x128xf32, #tpu.memory_space<vmem>>) offsets(%dma_start3A_48 : memref<128xi32, #tpu.memory_space<vmem>>) semaphore(%arg14 : memref<!tpu.dma_semaphore, #tpu.memory_space<semaphore_mem>>)
        %dma_start3A_52 = arith.constant 1 : i32
        %dma_start3A_53 = arith.constant 0 : i32
        %dma_start3A_54 = tpu.memref_slice %arg9[%dma_start3A_52, %dma_start3A_53] : memref<8x128xi32, #tpu.memory_space<vmem>> -> memref<1x128xi32, #tpu.memory_space<vmem>>
        %dma_start3A_55 = tpu.memref_squeeze %dma_start3A_54 : memref<1x128xi32, #tpu.memory_space<vmem>> -> memref<128xi32, #tpu.memory_space<vmem>>
        %dma_start3A_56 = arith.constant 0 : i32
        %dma_start3A_57 = arith.constant 0 : i32
        %dma_start3A_58 = tpu.memref_slice %arg3[%dma_start3A_56, %dma_start3A_57] : memref<10000x128xf32, #tpu.memory_space<hbm>> -> memref<10000x128xf32, #tpu.memory_space<hbm>>
        tpu.enqueue_indirect_dma source(%dma_start3A_58 : memref<10000x128xf32, #tpu.memory_space<hbm>>) target(%arg12 : memref<128x128xf32, #tpu.memory_space<vmem>>) offsets(%dma_start3A_55 : memref<128xi32, #tpu.memory_space<vmem>>) semaphore(%arg15 : memref<!tpu.dma_semaphore, #tpu.memory_space<semaphore_mem>>)
        %dma_wait3A = arith.constant 0 : i32
        %dma_wait3A_59 = arith.constant 0 : i32
        %dma_wait3A_60 = tpu.memref_slice %arg9[%dma_wait3A, %dma_wait3A_59] : memref<8x128xi32, #tpu.memory_space<vmem>> -> memref<1x128xi32, #tpu.memory_space<vmem>>
        %dma_wait3A_61 = tpu.memref_squeeze %dma_wait3A_60 : memref<1x128xi32, #tpu.memory_space<vmem>> -> memref<128xi32, #tpu.memory_space<vmem>>
        %dma_wait3A_62 = arith.constant 0 : i32
        %dma_wait3A_63 = arith.constant 0 : i32
        %dma_wait3A_64 = tpu.memref_slice %arg3[%dma_wait3A_62, %dma_wait3A_63] : memref<10000x128xf32, #tpu.memory_space<hbm>> -> memref<10000x128xf32, #tpu.memory_space<hbm>>
        tpu.wait_indirect_dma semaphore(%arg14 : memref<!tpu.dma_semaphore, #tpu.memory_space<semaphore_mem>>) src(%dma_wait3A_64 : memref<10000x128xf32, #tpu.memory_space<hbm>>) dst(%arg11 : memref<128x128xf32, #tpu.memory_space<vmem>>)
        %dma_start3A_65 = arith.constant 0 : i32
        %dma_start3A_66 = arith.constant 0 : i32
        %dma_start3A_67 = tpu.memref_slice %arg10[%dma_start3A_65, %dma_start3A_66] : memref<8x128xi32, #tpu.memory_space<vmem>> -> memref<1x128xi32, #tpu.memory_space<vmem>>
        %dma_start3A_68 = tpu.memref_squeeze %dma_start3A_67 : memref<1x128xi32, #tpu.memory_space<vmem>> -> memref<128xi32, #tpu.memory_space<vmem>>
        %dma_start3A_69 = arith.constant 0 : i32
        %dma_start3A_70 = arith.constant 0 : i32
        %dma_start3A_71 = tpu.memref_slice %arg13[%dma_start3A_69, %dma_start3A_70] : memref<10240x128xf32, #tpu.memory_space<vmem_shared>> -> memref<10240x128xf32, #tpu.memory_space<vmem_shared>>
        tpu.enqueue_indirect_dma source(%arg11 : memref<128x128xf32, #tpu.memory_space<vmem>>) target(%dma_start3A_71 : memref<10240x128xf32, #tpu.memory_space<vmem_shared>>) offsets(%dma_start3A_68 : memref<128xi32, #tpu.memory_space<vmem>>) semaphore(%arg16 : memref<!tpu.dma_semaphore, #tpu.memory_space<semaphore_mem>>) {add = true}
        %dma_wait3A_72 = arith.constant 0 : i32
        %dma_wait3A_73 = arith.constant 0 : i32
        %dma_wait3A_74 = tpu.memref_slice %arg10[%dma_wait3A_72, %dma_wait3A_73] : memref<8x128xi32, #tpu.memory_space<vmem>> -> memref<1x128xi32, #tpu.memory_space<vmem>>
        %dma_wait3A_75 = tpu.memref_squeeze %dma_wait3A_74 : memref<1x128xi32, #tpu.memory_space<vmem>> -> memref<128xi32, #tpu.memory_space<vmem>>
        %dma_wait3A_76 = arith.constant 0 : i32
        %dma_wait3A_77 = arith.constant 0 : i32
        %dma_wait3A_78 = tpu.memref_slice %arg13[%dma_wait3A_76, %dma_wait3A_77] : memref<10240x128xf32, #tpu.memory_space<vmem_shared>> -> memref<10240x128xf32, #tpu.memory_space<vmem_shared>>
        tpu.wait_indirect_dma semaphore(%arg16 : memref<!tpu.dma_semaphore, #tpu.memory_space<semaphore_mem>>) src(%arg11 : memref<128x128xf32, #tpu.memory_space<vmem>>) dst(%dma_wait3A_78 : memref<10240x128xf32, #tpu.memory_space<vmem_shared>>)
        %dma_start3A_79 = arith.constant 2 : i32
        %dma_start3A_80 = arith.constant 0 : i32
        %dma_start3A_81 = tpu.memref_slice %arg9[%dma_start3A_79, %dma_start3A_80] : memref<8x128xi32, #tpu.memory_space<vmem>> -> memref<1x128xi32, #tpu.memory_space<vmem>>
        %dma_start3A_82 = tpu.memref_squeeze %dma_start3A_81 : memref<1x128xi32, #tpu.memory_space<vmem>> -> memref<128xi32, #tpu.memory_space<vmem>>
        %dma_start3A_83 = arith.constant 0 : i32
        %dma_start3A_84 = arith.constant 0 : i32
        %dma_start3A_85 = tpu.memref_slice %arg3[%dma_start3A_83, %dma_start3A_84] : memref<10000x128xf32, #tpu.memory_space<hbm>> -> memref<10000x128xf32, #tpu.memory_space<hbm>>
        tpu.enqueue_indirect_dma source(%dma_start3A_85 : memref<10000x128xf32, #tpu.memory_space<hbm>>) target(%arg11 : memref<128x128xf32, #tpu.memory_space<vmem>>) offsets(%dma_start3A_82 : memref<128xi32, #tpu.memory_space<vmem>>) semaphore(%arg14 : memref<!tpu.dma_semaphore, #tpu.memory_space<semaphore_mem>>)
        %dma_wait3A_86 = arith.constant 1 : i32
        %dma_wait3A_87 = arith.constant 0 : i32
        %dma_wait3A_88 = tpu.memref_slice %arg9[%dma_wait3A_86, %dma_wait3A_87] : memref<8x128xi32, #tpu.memory_space<vmem>> -> memref<1x128xi32, #tpu.memory_space<vmem>>
        %dma_wait3A_89 = tpu.memref_squeeze %dma_wait3A_88 : memref<1x128xi32, #tpu.memory_space<vmem>> -> memref<128xi32, #tpu.memory_space<vmem>>
        %dma_wait3A_90 = arith.constant 0 : i32
        %dma_wait3A_91 = arith.constant 0 : i32
        %dma_wait3A_92 = tpu.memref_slice %arg3[%dma_wait3A_90, %dma_wait3A_91] : memref<10000x128xf32, #tpu.memory_space<hbm>> -> memref<10000x128xf32, #tpu.memory_space<hbm>>
        tpu.wait_indirect_dma semaphore(%arg15 : memref<!tpu.dma_semaphore, #tpu.memory_space<semaphore_mem>>) src(%dma_wait3A_92 : memref<10000x128xf32, #tpu.memory_space<hbm>>) dst(%arg12 : memref<128x128xf32, #tpu.memory_space<vmem>>)
        %dma_start3A_93 = arith.constant 1 : i32
        %dma_start3A_94 = arith.constant 0 : i32
        %dma_start3A_95 = tpu.memref_slice %arg10[%dma_start3A_93, %dma_start3A_94] : memref<8x128xi32, #tpu.memory_space<vmem>> -> memref<1x128xi32, #tpu.memory_space<vmem>>
        %dma_start3A_96 = tpu.memref_squeeze %dma_start3A_95 : memref<1x128xi32, #tpu.memory_space<vmem>> -> memref<128xi32, #tpu.memory_space<vmem>>
        %dma_start3A_97 = arith.constant 0 : i32
        %dma_start3A_98 = arith.constant 0 : i32
        %dma_start3A_99 = tpu.memref_slice %arg13[%dma_start3A_97, %dma_start3A_98] : memref<10240x128xf32, #tpu.memory_space<vmem_shared>> -> memref<10240x128xf32, #tpu.memory_space<vmem_shared>>
        tpu.enqueue_indirect_dma source(%arg12 : memref<128x128xf32, #tpu.memory_space<vmem>>) target(%dma_start3A_99 : memref<10240x128xf32, #tpu.memory_space<vmem_shared>>) offsets(%dma_start3A_96 : memref<128xi32, #tpu.memory_space<vmem>>) semaphore(%arg17 : memref<!tpu.dma_semaphore, #tpu.memory_space<semaphore_mem>>) {add = true}
        %dma_wait3A_100 = arith.constant 1 : i32
        %dma_wait3A_101 = arith.constant 0 : i32
        %dma_wait3A_102 = tpu.memref_slice %arg10[%dma_wait3A_100, %dma_wait3A_101] : memref<8x128xi32, #tpu.memory_space<vmem>> -> memref<1x128xi32, #tpu.memory_space<vmem>>
        %dma_wait3A_103 = tpu.memref_squeeze %dma_wait3A_102 : memref<1x128xi32, #tpu.memory_space<vmem>> -> memref<128xi32, #tpu.memory_space<vmem>>
        %dma_wait3A_104 = arith.constant 0 : i32
        %dma_wait3A_105 = arith.constant 0 : i32
        %dma_wait3A_106 = tpu.memref_slice %arg13[%dma_wait3A_104, %dma_wait3A_105] : memref<10240x128xf32, #tpu.memory_space<vmem_shared>> -> memref<10240x128xf32, #tpu.memory_space<vmem_shared>>
        tpu.wait_indirect_dma semaphore(%arg17 : memref<!tpu.dma_semaphore, #tpu.memory_space<semaphore_mem>>) src(%arg12 : memref<128x128xf32, #tpu.memory_space<vmem>>) dst(%dma_wait3A_106 : memref<10240x128xf32, #tpu.memory_space<vmem_shared>>)
        %dma_start3A_107 = arith.constant 3 : i32
        %dma_start3A_108 = arith.constant 0 : i32
        %dma_start3A_109 = tpu.memref_slice %arg9[%dma_start3A_107, %dma_start3A_108] : memref<8x128xi32, #tpu.memory_space<vmem>> -> memref<1x128xi32, #tpu.memory_space<vmem>>
        %dma_start3A_110 = tpu.memref_squeeze %dma_start3A_109 : memref<1x128xi32, #tpu.memory_space<vmem>> -> memref<128xi32, #tpu.memory_space<vmem>>
        %dma_start3A_111 = arith.constant 0 : i32
        %dma_start3A_112 = arith.constant 0 : i32
        %dma_start3A_113 = tpu.memref_slice %arg3[%dma_start3A_111, %dma_start3A_112] : memref<10000x128xf32, #tpu.memory_space<hbm>> -> memref<10000x128xf32, #tpu.memory_space<hbm>>
        tpu.enqueue_indirect_dma source(%dma_start3A_113 : memref<10000x128xf32, #tpu.memory_space<hbm>>) target(%arg12 : memref<128x128xf32, #tpu.memory_space<vmem>>) offsets(%dma_start3A_110 : memref<128xi32, #tpu.memory_space<vmem>>) semaphore(%arg15 : memref<!tpu.dma_semaphore, #tpu.memory_space<semaphore_mem>>)
        %dma_wait3A_114 = arith.constant 2 : i32
        %dma_wait3A_115 = arith.constant 0 : i32
        %dma_wait3A_116 = tpu.memref_slice %arg9[%dma_wait3A_114, %dma_wait3A_115] : memref<8x128xi32, #tpu.memory_space<vmem>> -> memref<1x128xi32, #tpu.memory_space<vmem>>
        %dma_wait3A_117 = tpu.memref_squeeze %dma_wait3A_116 : memref<1x128xi32, #tpu.memory_space<vmem>> -> memref<128xi32, #tpu.memory_space<vmem>>
        %dma_wait3A_118 = arith.constant 0 : i32
        %dma_wait3A_119 = arith.constant 0 : i32
        %dma_wait3A_120 = tpu.memref_slice %arg3[%dma_wait3A_118, %dma_wait3A_119] : memref<10000x128xf32, #tpu.memory_space<hbm>> -> memref<10000x128xf32, #tpu.memory_space<hbm>>
        tpu.wait_indirect_dma semaphore(%arg14 : memref<!tpu.dma_semaphore, #tpu.memory_space<semaphore_mem>>) src(%dma_wait3A_120 : memref<10000x128xf32, #tpu.memory_space<hbm>>) dst(%arg11 : memref<128x128xf32, #tpu.memory_space<vmem>>)
        %dma_start3A_121 = arith.constant 2 : i32
        %dma_start3A_122 = arith.constant 0 : i32
        %dma_start3A_123 = tpu.memref_slice %arg10[%dma_start3A_121, %dma_start3A_122] : memref<8x128xi32, #tpu.memory_space<vmem>> -> memref<1x128xi32, #tpu.memory_space<vmem>>
        %dma_start3A_124 = tpu.memref_squeeze %dma_start3A_123 : memref<1x128xi32, #tpu.memory_space<vmem>> -> memref<128xi32, #tpu.memory_space<vmem>>
        %dma_start3A_125 = arith.constant 0 : i32
        %dma_start3A_126 = arith.constant 0 : i32
        %dma_start3A_127 = tpu.memref_slice %arg13[%dma_start3A_125, %dma_start3A_126] : memref<10240x128xf32, #tpu.memory_space<vmem_shared>> -> memref<10240x128xf32, #tpu.memory_space<vmem_shared>>
        tpu.enqueue_indirect_dma source(%arg11 : memref<128x128xf32, #tpu.memory_space<vmem>>) target(%dma_start3A_127 : memref<10240x128xf32, #tpu.memory_space<vmem_shared>>) offsets(%dma_start3A_124 : memref<128xi32, #tpu.memory_space<vmem>>) semaphore(%arg16 : memref<!tpu.dma_semaphore, #tpu.memory_space<semaphore_mem>>) {add = true}
        %dma_wait3A_128 = arith.constant 2 : i32
        %dma_wait3A_129 = arith.constant 0 : i32
        %dma_wait3A_130 = tpu.memref_slice %arg10[%dma_wait3A_128, %dma_wait3A_129] : memref<8x128xi32, #tpu.memory_space<vmem>> -> memref<1x128xi32, #tpu.memory_space<vmem>>
        %dma_wait3A_131 = tpu.memref_squeeze %dma_wait3A_130 : memref<1x128xi32, #tpu.memory_space<vmem>> -> memref<128xi32, #tpu.memory_space<vmem>>
        %dma_wait3A_132 = arith.constant 0 : i32
        %dma_wait3A_133 = arith.constant 0 : i32
        %dma_wait3A_134 = tpu.memref_slice %arg13[%dma_wait3A_132, %dma_wait3A_133] : memref<10240x128xf32, #tpu.memory_space<vmem_shared>> -> memref<10240x128xf32, #tpu.memory_space<vmem_shared>>
        tpu.wait_indirect_dma semaphore(%arg16 : memref<!tpu.dma_semaphore, #tpu.memory_space<semaphore_mem>>) src(%arg11 : memref<128x128xf32, #tpu.memory_space<vmem>>) dst(%dma_wait3A_134 : memref<10240x128xf32, #tpu.memory_space<vmem_shared>>)
        %dma_start3A_135 = arith.constant 4 : i32
        %dma_start3A_136 = arith.constant 0 : i32
        %dma_start3A_137 = tpu.memref_slice %arg9[%dma_start3A_135, %dma_start3A_136] : memref<8x128xi32, #tpu.memory_space<vmem>> -> memref<1x128xi32, #tpu.memory_space<vmem>>
        %dma_start3A_138 = tpu.memref_squeeze %dma_start3A_137 : memref<1x128xi32, #tpu.memory_space<vmem>> -> memref<128xi32, #tpu.memory_space<vmem>>
        %dma_start3A_139 = arith.constant 0 : i32
        %dma_start3A_140 = arith.constant 0 : i32
        %dma_start3A_141 = tpu.memref_slice %arg3[%dma_start3A_139, %dma_start3A_140] : memref<10000x128xf32, #tpu.memory_space<hbm>> -> memref<10000x128xf32, #tpu.memory_space<hbm>>
        tpu.enqueue_indirect_dma source(%dma_start3A_141 : memref<10000x128xf32, #tpu.memory_space<hbm>>) target(%arg11 : memref<128x128xf32, #tpu.memory_space<vmem>>) offsets(%dma_start3A_138 : memref<128xi32, #tpu.memory_space<vmem>>) semaphore(%arg14 : memref<!tpu.dma_semaphore, #tpu.memory_space<semaphore_mem>>)
        %dma_wait3A_142 = arith.constant 3 : i32
        %dma_wait3A_143 = arith.constant 0 : i32
        %dma_wait3A_144 = tpu.memref_slice %arg9[%dma_wait3A_142, %dma_wait3A_143] : memref<8x128xi32, #tpu.memory_space<vmem>> -> memref<1x128xi32, #tpu.memory_space<vmem>>
        %dma_wait3A_145 = tpu.memref_squeeze %dma_wait3A_144 : memref<1x128xi32, #tpu.memory_space<vmem>> -> memref<128xi32, #tpu.memory_space<vmem>>
        %dma_wait3A_146 = arith.constant 0 : i32
        %dma_wait3A_147 = arith.constant 0 : i32
        %dma_wait3A_148 = tpu.memref_slice %arg3[%dma_wait3A_146, %dma_wait3A_147] : memref<10000x128xf32, #tpu.memory_space<hbm>> -> memref<10000x128xf32, #tpu.memory_space<hbm>>
        tpu.wait_indirect_dma semaphore(%arg15 : memref<!tpu.dma_semaphore, #tpu.memory_space<semaphore_mem>>) src(%dma_wait3A_148 : memref<10000x128xf32, #tpu.memory_space<hbm>>) dst(%arg12 : memref<128x128xf32, #tpu.memory_space<vmem>>)
        %dma_start3A_149 = arith.constant 3 : i32
        %dma_start3A_150 = arith.constant 0 : i32
        %dma_start3A_151 = tpu.memref_slice %arg10[%dma_start3A_149, %dma_start3A_150] : memref<8x128xi32, #tpu.memory_space<vmem>> -> memref<1x128xi32, #tpu.memory_space<vmem>>
        %dma_start3A_152 = tpu.memref_squeeze %dma_start3A_151 : memref<1x128xi32, #tpu.memory_space<vmem>> -> memref<128xi32, #tpu.memory_space<vmem>>
        %dma_start3A_153 = arith.constant 0 : i32
        %dma_start3A_154 = arith.constant 0 : i32
        %dma_start3A_155 = tpu.memref_slice %arg13[%dma_start3A_153, %dma_start3A_154] : memref<10240x128xf32, #tpu.memory_space<vmem_shared>> -> memref<10240x128xf32, #tpu.memory_space<vmem_shared>>
        tpu.enqueue_indirect_dma source(%arg12 : memref<128x128xf32, #tpu.memory_space<vmem>>) target(%dma_start3A_155 : memref<10240x128xf32, #tpu.memory_space<vmem_shared>>) offsets(%dma_start3A_152 : memref<128xi32, #tpu.memory_space<vmem>>) semaphore(%arg17 : memref<!tpu.dma_semaphore, #tpu.memory_space<semaphore_mem>>) {add = true}
        %dma_wait3A_156 = arith.constant 3 : i32
        %dma_wait3A_157 = arith.constant 0 : i32
        %dma_wait3A_158 = tpu.memref_slice %arg10[%dma_wait3A_156, %dma_wait3A_157] : memref<8x128xi32, #tpu.memory_space<vmem>> -> memref<1x128xi32, #tpu.memory_space<vmem>>
        %dma_wait3A_159 = tpu.memref_squeeze %dma_wait3A_158 : memref<1x128xi32, #tpu.memory_space<vmem>> -> memref<128xi32, #tpu.memory_space<vmem>>
        %dma_wait3A_160 = arith.constant 0 : i32
        %dma_wait3A_161 = arith.constant 0 : i32
        %dma_wait3A_162 = tpu.memref_slice %arg13[%dma_wait3A_160, %dma_wait3A_161] : memref<10240x128xf32, #tpu.memory_space<vmem_shared>> -> memref<10240x128xf32, #tpu.memory_space<vmem_shared>>
        tpu.wait_indirect_dma semaphore(%arg17 : memref<!tpu.dma_semaphore, #tpu.memory_space<semaphore_mem>>) src(%arg12 : memref<128x128xf32, #tpu.memory_space<vmem>>) dst(%dma_wait3A_162 : memref<10240x128xf32, #tpu.memory_space<vmem_shared>>)
        %dma_start3A_163 = arith.constant 5 : i32
        %dma_start3A_164 = arith.constant 0 : i32
        %dma_start3A_165 = tpu.memref_slice %arg9[%dma_start3A_163, %dma_start3A_164] : memref<8x128xi32, #tpu.memory_space<vmem>> -> memref<1x128xi32, #tpu.memory_space<vmem>>
        %dma_start3A_166 = tpu.memref_squeeze %dma_start3A_165 : memref<1x128xi32, #tpu.memory_space<vmem>> -> memref<128xi32, #tpu.memory_space<vmem>>
        %dma_start3A_167 = arith.constant 0 : i32
        %dma_start3A_168 = arith.constant 0 : i32
        %dma_start3A_169 = tpu.memref_slice %arg3[%dma_start3A_167, %dma_start3A_168] : memref<10000x128xf32, #tpu.memory_space<hbm>> -> memref<10000x128xf32, #tpu.memory_space<hbm>>
        tpu.enqueue_indirect_dma source(%dma_start3A_169 : memref<10000x128xf32, #tpu.memory_space<hbm>>) target(%arg12 : memref<128x128xf32, #tpu.memory_space<vmem>>) offsets(%dma_start3A_166 : memref<128xi32, #tpu.memory_space<vmem>>) semaphore(%arg15 : memref<!tpu.dma_semaphore, #tpu.memory_space<semaphore_mem>>)
        %dma_wait3A_170 = arith.constant 4 : i32
        %dma_wait3A_171 = arith.constant 0 : i32
        %dma_wait3A_172 = tpu.memref_slice %arg9[%dma_wait3A_170, %dma_wait3A_171] : memref<8x128xi32, #tpu.memory_space<vmem>> -> memref<1x128xi32, #tpu.memory_space<vmem>>
        %dma_wait3A_173 = tpu.memref_squeeze %dma_wait3A_172 : memref<1x128xi32, #tpu.memory_space<vmem>> -> memref<128xi32, #tpu.memory_space<vmem>>
        %dma_wait3A_174 = arith.constant 0 : i32
        %dma_wait3A_175 = arith.constant 0 : i32
        %dma_wait3A_176 = tpu.memref_slice %arg3[%dma_wait3A_174, %dma_wait3A_175] : memref<10000x128xf32, #tpu.memory_space<hbm>> -> memref<10000x128xf32, #tpu.memory_space<hbm>>
        tpu.wait_indirect_dma semaphore(%arg14 : memref<!tpu.dma_semaphore, #tpu.memory_space<semaphore_mem>>) src(%dma_wait3A_176 : memref<10000x128xf32, #tpu.memory_space<hbm>>) dst(%arg11 : memref<128x128xf32, #tpu.memory_space<vmem>>)
        %dma_start3A_177 = arith.constant 4 : i32
        %dma_start3A_178 = arith.constant 0 : i32
        %dma_start3A_179 = tpu.memref_slice %arg10[%dma_start3A_177, %dma_start3A_178] : memref<8x128xi32, #tpu.memory_space<vmem>> -> memref<1x128xi32, #tpu.memory_space<vmem>>
        %dma_start3A_180 = tpu.memref_squeeze %dma_start3A_179 : memref<1x128xi32, #tpu.memory_space<vmem>> -> memref<128xi32, #tpu.memory_space<vmem>>
        %dma_start3A_181 = arith.constant 0 : i32
        %dma_start3A_182 = arith.constant 0 : i32
        %dma_start3A_183 = tpu.memref_slice %arg13[%dma_start3A_181, %dma_start3A_182] : memref<10240x128xf32, #tpu.memory_space<vmem_shared>> -> memref<10240x128xf32, #tpu.memory_space<vmem_shared>>
        tpu.enqueue_indirect_dma source(%arg11 : memref<128x128xf32, #tpu.memory_space<vmem>>) target(%dma_start3A_183 : memref<10240x128xf32, #tpu.memory_space<vmem_shared>>) offsets(%dma_start3A_180 : memref<128xi32, #tpu.memory_space<vmem>>) semaphore(%arg16 : memref<!tpu.dma_semaphore, #tpu.memory_space<semaphore_mem>>) {add = true}
        %dma_wait3A_184 = arith.constant 4 : i32
        %dma_wait3A_185 = arith.constant 0 : i32
        %dma_wait3A_186 = tpu.memref_slice %arg10[%dma_wait3A_184, %dma_wait3A_185] : memref<8x128xi32, #tpu.memory_space<vmem>> -> memref<1x128xi32, #tpu.memory_space<vmem>>
        %dma_wait3A_187 = tpu.memref_squeeze %dma_wait3A_186 : memref<1x128xi32, #tpu.memory_space<vmem>> -> memref<128xi32, #tpu.memory_space<vmem>>
        %dma_wait3A_188 = arith.constant 0 : i32
        %dma_wait3A_189 = arith.constant 0 : i32
        %dma_wait3A_190 = tpu.memref_slice %arg13[%dma_wait3A_188, %dma_wait3A_189] : memref<10240x128xf32, #tpu.memory_space<vmem_shared>> -> memref<10240x128xf32, #tpu.memory_space<vmem_shared>>
        tpu.wait_indirect_dma semaphore(%arg16 : memref<!tpu.dma_semaphore, #tpu.memory_space<semaphore_mem>>) src(%arg11 : memref<128x128xf32, #tpu.memory_space<vmem>>) dst(%dma_wait3A_190 : memref<10240x128xf32, #tpu.memory_space<vmem_shared>>)
        %dma_start3A_191 = arith.constant 6 : i32
        %dma_start3A_192 = arith.constant 0 : i32
        %dma_start3A_193 = tpu.memref_slice %arg9[%dma_start3A_191, %dma_start3A_192] : memref<8x128xi32, #tpu.memory_space<vmem>> -> memref<1x128xi32, #tpu.memory_space<vmem>>
        %dma_start3A_194 = tpu.memref_squeeze %dma_start3A_193 : memref<1x128xi32, #tpu.memory_space<vmem>> -> memref<128xi32, #tpu.memory_space<vmem>>
        %dma_start3A_195 = arith.constant 0 : i32
        %dma_start3A_196 = arith.constant 0 : i32
        %dma_start3A_197 = tpu.memref_slice %arg3[%dma_start3A_195, %dma_start3A_196] : memref<10000x128xf32, #tpu.memory_space<hbm>> -> memref<10000x128xf32, #tpu.memory_space<hbm>>
        tpu.enqueue_indirect_dma source(%dma_start3A_197 : memref<10000x128xf32, #tpu.memory_space<hbm>>) target(%arg11 : memref<128x128xf32, #tpu.memory_space<vmem>>) offsets(%dma_start3A_194 : memref<128xi32, #tpu.memory_space<vmem>>) semaphore(%arg14 : memref<!tpu.dma_semaphore, #tpu.memory_space<semaphore_mem>>)
        %dma_wait3A_198 = arith.constant 5 : i32
        %dma_wait3A_199 = arith.constant 0 : i32
        %dma_wait3A_200 = tpu.memref_slice %arg9[%dma_wait3A_198, %dma_wait3A_199] : memref<8x128xi32, #tpu.memory_space<vmem>> -> memref<1x128xi32, #tpu.memory_space<vmem>>
        %dma_wait3A_201 = tpu.memref_squeeze %dma_wait3A_200 : memref<1x128xi32, #tpu.memory_space<vmem>> -> memref<128xi32, #tpu.memory_space<vmem>>
        %dma_wait3A_202 = arith.constant 0 : i32
        %dma_wait3A_203 = arith.constant 0 : i32
        %dma_wait3A_204 = tpu.memref_slice %arg3[%dma_wait3A_202, %dma_wait3A_203] : memref<10000x128xf32, #tpu.memory_space<hbm>> -> memref<10000x128xf32, #tpu.memory_space<hbm>>
        tpu.wait_indirect_dma semaphore(%arg15 : memref<!tpu.dma_semaphore, #tpu.memory_space<semaphore_mem>>) src(%dma_wait3A_204 : memref<10000x128xf32, #tpu.memory_space<hbm>>) dst(%arg12 : memref<128x128xf32, #tpu.memory_space<vmem>>)
        %dma_start3A_205 = arith.constant 5 : i32
        %dma_start3A_206 = arith.constant 0 : i32
        %dma_start3A_207 = tpu.memref_slice %arg10[%dma_start3A_205, %dma_start3A_206] : memref<8x128xi32, #tpu.memory_space<vmem>> -> memref<1x128xi32, #tpu.memory_space<vmem>>
        %dma_start3A_208 = tpu.memref_squeeze %dma_start3A_207 : memref<1x128xi32, #tpu.memory_space<vmem>> -> memref<128xi32, #tpu.memory_space<vmem>>
        %dma_start3A_209 = arith.constant 0 : i32
        %dma_start3A_210 = arith.constant 0 : i32
        %dma_start3A_211 = tpu.memref_slice %arg13[%dma_start3A_209, %dma_start3A_210] : memref<10240x128xf32, #tpu.memory_space<vmem_shared>> -> memref<10240x128xf32, #tpu.memory_space<vmem_shared>>
        tpu.enqueue_indirect_dma source(%arg12 : memref<128x128xf32, #tpu.memory_space<vmem>>) target(%dma_start3A_211 : memref<10240x128xf32, #tpu.memory_space<vmem_shared>>) offsets(%dma_start3A_208 : memref<128xi32, #tpu.memory_space<vmem>>) semaphore(%arg17 : memref<!tpu.dma_semaphore, #tpu.memory_space<semaphore_mem>>) {add = true}
        %dma_wait3A_212 = arith.constant 5 : i32
        %dma_wait3A_213 = arith.constant 0 : i32
        %dma_wait3A_214 = tpu.memref_slice %arg10[%dma_wait3A_212, %dma_wait3A_213] : memref<8x128xi32, #tpu.memory_space<vmem>> -> memref<1x128xi32, #tpu.memory_space<vmem>>
        %dma_wait3A_215 = tpu.memref_squeeze %dma_wait3A_214 : memref<1x128xi32, #tpu.memory_space<vmem>> -> memref<128xi32, #tpu.memory_space<vmem>>
        %dma_wait3A_216 = arith.constant 0 : i32
        %dma_wait3A_217 = arith.constant 0 : i32
        %dma_wait3A_218 = tpu.memref_slice %arg13[%dma_wait3A_216, %dma_wait3A_217] : memref<10240x128xf32, #tpu.memory_space<vmem_shared>> -> memref<10240x128xf32, #tpu.memory_space<vmem_shared>>
        tpu.wait_indirect_dma semaphore(%arg17 : memref<!tpu.dma_semaphore, #tpu.memory_space<semaphore_mem>>) src(%arg12 : memref<128x128xf32, #tpu.memory_space<vmem>>) dst(%dma_wait3A_218 : memref<10240x128xf32, #tpu.memory_space<vmem_shared>>)
        %dma_start3A_219 = arith.constant 7 : i32
        %dma_start3A_220 = arith.constant 0 : i32
        %dma_start3A_221 = tpu.memref_slice %arg9[%dma_start3A_219, %dma_start3A_220] : memref<8x128xi32, #tpu.memory_space<vmem>> -> memref<1x128xi32, #tpu.memory_space<vmem>>
        %dma_start3A_222 = tpu.memref_squeeze %dma_start3A_221 : memref<1x128xi32, #tpu.memory_space<vmem>> -> memref<128xi32, #tpu.memory_space<vmem>>
        %dma_start3A_223 = arith.constant 0 : i32
        %dma_start3A_224 = arith.constant 0 : i32
        %dma_start3A_225 = tpu.memref_slice %arg3[%dma_start3A_223, %dma_start3A_224] : memref<10000x128xf32, #tpu.memory_space<hbm>> -> memref<10000x128xf32, #tpu.memory_space<hbm>>
        tpu.enqueue_indirect_dma source(%dma_start3A_225 : memref<10000x128xf32, #tpu.memory_space<hbm>>) target(%arg12 : memref<128x128xf32, #tpu.memory_space<vmem>>) offsets(%dma_start3A_222 : memref<128xi32, #tpu.memory_space<vmem>>) semaphore(%arg15 : memref<!tpu.dma_semaphore, #tpu.memory_space<semaphore_mem>>)
        %dma_wait3A_226 = arith.constant 6 : i32
        %dma_wait3A_227 = arith.constant 0 : i32
        %dma_wait3A_228 = tpu.memref_slice %arg9[%dma_wait3A_226, %dma_wait3A_227] : memref<8x128xi32, #tpu.memory_space<vmem>> -> memref<1x128xi32, #tpu.memory_space<vmem>>
        %dma_wait3A_229 = tpu.memref_squeeze %dma_wait3A_228 : memref<1x128xi32, #tpu.memory_space<vmem>> -> memref<128xi32, #tpu.memory_space<vmem>>
        %dma_wait3A_230 = arith.constant 0 : i32
        %dma_wait3A_231 = arith.constant 0 : i32
        %dma_wait3A_232 = tpu.memref_slice %arg3[%dma_wait3A_230, %dma_wait3A_231] : memref<10000x128xf32, #tpu.memory_space<hbm>> -> memref<10000x128xf32, #tpu.memory_space<hbm>>
        tpu.wait_indirect_dma semaphore(%arg14 : memref<!tpu.dma_semaphore, #tpu.memory_space<semaphore_mem>>) src(%dma_wait3A_232 : memref<10000x128xf32, #tpu.memory_space<hbm>>) dst(%arg11 : memref<128x128xf32, #tpu.memory_space<vmem>>)
        %dma_start3A_233 = arith.constant 6 : i32
        %dma_start3A_234 = arith.constant 0 : i32
        %dma_start3A_235 = tpu.memref_slice %arg10[%dma_start3A_233, %dma_start3A_234] : memref<8x128xi32, #tpu.memory_space<vmem>> -> memref<1x128xi32, #tpu.memory_space<vmem>>
        %dma_start3A_236 = tpu.memref_squeeze %dma_start3A_235 : memref<1x128xi32, #tpu.memory_space<vmem>> -> memref<128xi32, #tpu.memory_space<vmem>>
        %dma_start3A_237 = arith.constant 0 : i32
        %dma_start3A_238 = arith.constant 0 : i32
        %dma_start3A_239 = tpu.memref_slice %arg13[%dma_start3A_237, %dma_start3A_238] : memref<10240x128xf32, #tpu.memory_space<vmem_shared>> -> memref<10240x128xf32, #tpu.memory_space<vmem_shared>>
        tpu.enqueue_indirect_dma source(%arg11 : memref<128x128xf32, #tpu.memory_space<vmem>>) target(%dma_start3A_239 : memref<10240x128xf32, #tpu.memory_space<vmem_shared>>) offsets(%dma_start3A_236 : memref<128xi32, #tpu.memory_space<vmem>>) semaphore(%arg16 : memref<!tpu.dma_semaphore, #tpu.memory_space<semaphore_mem>>) {add = true}
        %dma_wait3A_240 = arith.constant 7 : i32
        %dma_wait3A_241 = arith.constant 0 : i32
        %dma_wait3A_242 = tpu.memref_slice %arg9[%dma_wait3A_240, %dma_wait3A_241] : memref<8x128xi32, #tpu.memory_space<vmem>> -> memref<1x128xi32, #tpu.memory_space<vmem>>
        %dma_wait3A_243 = tpu.memref_squeeze %dma_wait3A_242 : memref<1x128xi32, #tpu.memory_space<vmem>> -> memref<128xi32, #tpu.memory_space<vmem>>
        %dma_wait3A_244 = arith.constant 0 : i32
        %dma_wait3A_245 = arith.constant 0 : i32
        %dma_wait3A_246 = tpu.memref_slice %arg3[%dma_wait3A_244, %dma_wait3A_245] : memref<10000x128xf32, #tpu.memory_space<hbm>> -> memref<10000x128xf32, #tpu.memory_space<hbm>>
        tpu.wait_indirect_dma semaphore(%arg15 : memref<!tpu.dma_semaphore, #tpu.memory_space<semaphore_mem>>) src(%dma_wait3A_246 : memref<10000x128xf32, #tpu.memory_space<hbm>>) dst(%arg12 : memref<128x128xf32, #tpu.memory_space<vmem>>)
        %dma_start3A_247 = arith.constant 7 : i32
        %dma_start3A_248 = arith.constant 0 : i32
        %dma_start3A_249 = tpu.memref_slice %arg10[%dma_start3A_247, %dma_start3A_248] : memref<8x128xi32, #tpu.memory_space<vmem>> -> memref<1x128xi32, #tpu.memory_space<vmem>>
        %dma_start3A_250 = tpu.memref_squeeze %dma_start3A_249 : memref<1x128xi32, #tpu.memory_space<vmem>> -> memref<128xi32, #tpu.memory_space<vmem>>
        %dma_start3A_251 = arith.constant 0 : i32
        %dma_start3A_252 = arith.constant 0 : i32
        %dma_start3A_253 = tpu.memref_slice %arg13[%dma_start3A_251, %dma_start3A_252] : memref<10240x128xf32, #tpu.memory_space<vmem_shared>> -> memref<10240x128xf32, #tpu.memory_space<vmem_shared>>
        tpu.enqueue_indirect_dma source(%arg12 : memref<128x128xf32, #tpu.memory_space<vmem>>) target(%dma_start3A_253 : memref<10240x128xf32, #tpu.memory_space<vmem_shared>>) offsets(%dma_start3A_250 : memref<128xi32, #tpu.memory_space<vmem>>) semaphore(%arg17 : memref<!tpu.dma_semaphore, #tpu.memory_space<semaphore_mem>>) {add = true}
        %dma_wait3A_254 = arith.constant 6 : i32
        %dma_wait3A_255 = arith.constant 0 : i32
        %dma_wait3A_256 = tpu.memref_slice %arg10[%dma_wait3A_254, %dma_wait3A_255] : memref<8x128xi32, #tpu.memory_space<vmem>> -> memref<1x128xi32, #tpu.memory_space<vmem>>
        %dma_wait3A_257 = tpu.memref_squeeze %dma_wait3A_256 : memref<1x128xi32, #tpu.memory_space<vmem>> -> memref<128xi32, #tpu.memory_space<vmem>>
        %dma_wait3A_258 = arith.constant 0 : i32
        %dma_wait3A_259 = arith.constant 0 : i32
        %dma_wait3A_260 = tpu.memref_slice %arg13[%dma_wait3A_258, %dma_wait3A_259] : memref<10240x128xf32, #tpu.memory_space<vmem_shared>> -> memref<10240x128xf32, #tpu.memory_space<vmem_shared>>
        tpu.wait_indirect_dma semaphore(%arg16 : memref<!tpu.dma_semaphore, #tpu.memory_space<semaphore_mem>>) src(%arg11 : memref<128x128xf32, #tpu.memory_space<vmem>>) dst(%dma_wait3A_260 : memref<10240x128xf32, #tpu.memory_space<vmem_shared>>)
        %dma_wait3A_261 = arith.constant 7 : i32
        %dma_wait3A_262 = arith.constant 0 : i32
        %dma_wait3A_263 = tpu.memref_slice %arg10[%dma_wait3A_261, %dma_wait3A_262] : memref<8x128xi32, #tpu.memory_space<vmem>> -> memref<1x128xi32, #tpu.memory_space<vmem>>
        %dma_wait3A_264 = tpu.memref_squeeze %dma_wait3A_263 : memref<1x128xi32, #tpu.memory_space<vmem>> -> memref<128xi32, #tpu.memory_space<vmem>>
        %dma_wait3A_265 = arith.constant 0 : i32
        %dma_wait3A_266 = arith.constant 0 : i32
        %dma_wait3A_267 = tpu.memref_slice %arg13[%dma_wait3A_265, %dma_wait3A_266] : memref<10240x128xf32, #tpu.memory_space<vmem_shared>> -> memref<10240x128xf32, #tpu.memory_space<vmem_shared>>
        tpu.wait_indirect_dma semaphore(%arg17 : memref<!tpu.dma_semaphore, #tpu.memory_space<semaphore_mem>>) src(%arg12 : memref<128x128xf32, #tpu.memory_space<vmem>>) dst(%dma_wait3A_267 : memref<10240x128xf32, #tpu.memory_space<vmem_shared>>)
      }
      %scan3A_40 = arith.constant 20 : i32
    } else {
    }
    %barrier3A_25 = arith.constant 0 : index
    tpu.barrier barrier_id(%barrier3A_25)
    %eq3A_26 = arith.constant 0 : i32
    %eq3A_27 = arith.cmpi eq, %arg0, %eq3A_26 : i32
    %convert_element_type3A_28 = arith.extui %eq3A_27 : i1 to i32
    %cond3A_29 = arith.constant 0 : i32
    %cond3A_30 = arith.cmpi ne, %convert_element_type3A_28, %cond3A_29 : i32
    scf.if %cond3A_30 {
      %lt3A = arith.constant 15 : i32
      %lt3A_36 = arith.cmpi slt, %arg1, %lt3A : i32
      %convert_element_type3A_37 = arith.extui %lt3A_36 : i1 to i32
      %cond3A_38 = arith.constant 0 : i32
      %cond3A_39 = arith.cmpi ne, %convert_element_type3A_37, %cond3A_38 : i32
      scf.if %cond3A_39 {
        %mul3A_45 = arith.constant 640 : i32
        %mul3A_46 = arith.muli %arg1, %mul3A_45 : i32
        %mul3A_47 = arith.constant 640 : i32
        %mul3A_48 = arith.muli %arg1, %mul3A_47 : i32
        "tpu.region"() ({
          %run_scoped3A = tpu.sem_alloc : memref<!tpu.dma_semaphore, #tpu.memory_space<semaphore_mem>>
          %dma_start3A = arith.constant 0 : i32
          %dma_start3A_49 = tpu.memref_slice %arg7[%mul3A_48, %dma_start3A] : memref<10000x128xf32, #tpu.memory_space<hbm>> -> memref<640x128xf32, #tpu.memory_space<hbm>>
          %dma_start3A_50 = arith.constant 0 : i32
          %dma_start3A_51 = tpu.memref_slice %arg13[%mul3A_46, %dma_start3A_50] : memref<10240x128xf32, #tpu.memory_space<vmem_shared>> -> memref<640x128xf32, #tpu.memory_space<vmem_shared>>
          tpu.enqueue_dma source(%dma_start3A_51 : memref<640x128xf32, #tpu.memory_space<vmem_shared>>) target(%dma_start3A_49 : memref<640x128xf32, #tpu.memory_space<hbm>>) target_semaphore(%run_scoped3A : memref<!tpu.dma_semaphore, #tpu.memory_space<semaphore_mem>>)
          %dma_wait3A = arith.constant 0 : i32
          %dma_wait3A_52 = tpu.memref_slice %arg7[%mul3A_48, %dma_wait3A] : memref<10000x128xf32, #tpu.memory_space<hbm>> -> memref<640x128xf32, #tpu.memory_space<hbm>>
          %dma_wait3A_53 = arith.constant 0 : i32
          %dma_wait3A_54 = tpu.memref_slice %arg13[%mul3A_46, %dma_wait3A_53] : memref<10240x128xf32, #tpu.memory_space<vmem_shared>> -> memref<640x128xf32, #tpu.memory_space<vmem_shared>>
          tpu.wait_dma2 semaphore(%run_scoped3A : memref<!tpu.dma_semaphore, #tpu.memory_space<semaphore_mem>>) src(%dma_wait3A_54 : memref<640x128xf32, #tpu.memory_space<vmem_shared>>) dst(%dma_wait3A_52 : memref<640x128xf32, #tpu.memory_space<hbm>>)
          tpu.yield
        }) : () -> ()
      } else {
      }
      %eq3A_40 = arith.constant 15 : i32
      %eq3A_41 = arith.cmpi eq, %arg1, %eq3A_40 : i32
      %convert_element_type3A_42 = arith.extui %eq3A_41 : i1 to i32
      %cond3A_43 = arith.constant 0 : i32
      %cond3A_44 = arith.cmpi ne, %convert_element_type3A_42, %cond3A_43 : i32
      scf.if %cond3A_44 {
        "tpu.region"() ({
          %run_scoped3A = tpu.sem_alloc : memref<!tpu.dma_semaphore, #tpu.memory_space<semaphore_mem>>
          %dma_start3A = arith.constant 9600 : i32
          %dma_start3A_45 = arith.constant 0 : i32
          %dma_start3A_46 = tpu.memref_slice %arg7[%dma_start3A, %dma_start3A_45] : memref<10000x128xf32, #tpu.memory_space<hbm>> -> memref<400x128xf32, #tpu.memory_space<hbm>>
          %dma_start3A_47 = arith.constant 9600 : i32
          %dma_start3A_48 = arith.constant 0 : i32
          %dma_start3A_49 = tpu.memref_slice %arg13[%dma_start3A_47, %dma_start3A_48] : memref<10240x128xf32, #tpu.memory_space<vmem_shared>> -> memref<400x128xf32, #tpu.memory_space<vmem_shared>>
          tpu.enqueue_dma source(%dma_start3A_49 : memref<400x128xf32, #tpu.memory_space<vmem_shared>>) target(%dma_start3A_46 : memref<400x128xf32, #tpu.memory_space<hbm>>) target_semaphore(%run_scoped3A : memref<!tpu.dma_semaphore, #tpu.memory_space<semaphore_mem>>)
          %dma_wait3A = arith.constant 9600 : i32
          %dma_wait3A_50 = arith.constant 0 : i32
          %dma_wait3A_51 = tpu.memref_slice %arg7[%dma_wait3A, %dma_wait3A_50] : memref<10000x128xf32, #tpu.memory_space<hbm>> -> memref<400x128xf32, #tpu.memory_space<hbm>>
          %dma_wait3A_52 = arith.constant 9600 : i32
          %dma_wait3A_53 = arith.constant 0 : i32
          %dma_wait3A_54 = tpu.memref_slice %arg13[%dma_wait3A_52, %dma_wait3A_53] : memref<10240x128xf32, #tpu.memory_space<vmem_shared>> -> memref<400x128xf32, #tpu.memory_space<vmem_shared>>
          tpu.wait_dma2 semaphore(%run_scoped3A : memref<!tpu.dma_semaphore, #tpu.memory_space<semaphore_mem>>) src(%dma_wait3A_54 : memref<400x128xf32, #tpu.memory_space<vmem_shared>>) dst(%dma_wait3A_51 : memref<400x128xf32, #tpu.memory_space<hbm>>)
          tpu.yield
        }) : () -> ()
      } else {
      }
    } else {
    }
    %eq3A_31 = arith.constant 1 : i32
    %eq3A_32 = arith.cmpi eq, %arg0, %eq3A_31 : i32
    %convert_element_type3A_33 = arith.extui %eq3A_32 : i1 to i32
    %cond3A_34 = arith.constant 0 : i32
    %cond3A_35 = arith.cmpi ne, %convert_element_type3A_33, %cond3A_34 : i32
    scf.if %cond3A_35 {
      %lt3A = arith.constant 15 : i32
      %lt3A_36 = arith.cmpi slt, %arg1, %lt3A : i32
      %convert_element_type3A_37 = arith.extui %lt3A_36 : i1 to i32
      %cond3A_38 = arith.constant 0 : i32
      %cond3A_39 = arith.cmpi ne, %convert_element_type3A_37, %cond3A_38 : i32
      scf.if %cond3A_39 {
        %mul3A_45 = arith.constant 640 : i32
        %mul3A_46 = arith.muli %arg1, %mul3A_45 : i32
        %mul3A_47 = arith.constant 640 : i32
        %mul3A_48 = arith.muli %arg1, %mul3A_47 : i32
        "tpu.region"() ({
          %run_scoped3A = tpu.sem_alloc : memref<!tpu.dma_semaphore, #tpu.memory_space<semaphore_mem>>
          %dma_start3A = arith.constant 0 : i32
          %dma_start3A_49 = tpu.memref_slice %arg8[%mul3A_48, %dma_start3A] : memref<10000x128xf32, #tpu.memory_space<hbm>> -> memref<640x128xf32, #tpu.memory_space<hbm>>
          %dma_start3A_50 = arith.constant 0 : i32
          %dma_start3A_51 = tpu.memref_slice %arg13[%mul3A_46, %dma_start3A_50] : memref<10240x128xf32, #tpu.memory_space<vmem_shared>> -> memref<640x128xf32, #tpu.memory_space<vmem_shared>>
          tpu.enqueue_dma source(%dma_start3A_51 : memref<640x128xf32, #tpu.memory_space<vmem_shared>>) target(%dma_start3A_49 : memref<640x128xf32, #tpu.memory_space<hbm>>) target_semaphore(%run_scoped3A : memref<!tpu.dma_semaphore, #tpu.memory_space<semaphore_mem>>)
          %dma_wait3A = arith.constant 0 : i32
          %dma_wait3A_52 = tpu.memref_slice %arg8[%mul3A_48, %dma_wait3A] : memref<10000x128xf32, #tpu.memory_space<hbm>> -> memref<640x128xf32, #tpu.memory_space<hbm>>
          %dma_wait3A_53 = arith.constant 0 : i32
          %dma_wait3A_54 = tpu.memref_slice %arg13[%mul3A_46, %dma_wait3A_53] : memref<10240x128xf32, #tpu.memory_space<vmem_shared>> -> memref<640x128xf32, #tpu.memory_space<vmem_shared>>
          tpu.wait_dma2 semaphore(%run_scoped3A : memref<!tpu.dma_semaphore, #tpu.memory_space<semaphore_mem>>) src(%dma_wait3A_54 : memref<640x128xf32, #tpu.memory_space<vmem_shared>>) dst(%dma_wait3A_52 : memref<640x128xf32, #tpu.memory_space<hbm>>)
          tpu.yield
        }) : () -> ()
      } else {
      }
      %eq3A_40 = arith.constant 15 : i32
      %eq3A_41 = arith.cmpi eq, %arg1, %eq3A_40 : i32
      %convert_element_type3A_42 = arith.extui %eq3A_41 : i1 to i32
      %cond3A_43 = arith.constant 0 : i32
      %cond3A_44 = arith.cmpi ne, %convert_element_type3A_42, %cond3A_43 : i32
      scf.if %cond3A_44 {
        "tpu.region"() ({
          %run_scoped3A = tpu.sem_alloc : memref<!tpu.dma_semaphore, #tpu.memory_space<semaphore_mem>>
          %dma_start3A = arith.constant 9600 : i32
          %dma_start3A_45 = arith.constant 0 : i32
          %dma_start3A_46 = tpu.memref_slice %arg8[%dma_start3A, %dma_start3A_45] : memref<10000x128xf32, #tpu.memory_space<hbm>> -> memref<400x128xf32, #tpu.memory_space<hbm>>
          %dma_start3A_47 = arith.constant 9600 : i32
          %dma_start3A_48 = arith.constant 0 : i32
          %dma_start3A_49 = tpu.memref_slice %arg13[%dma_start3A_47, %dma_start3A_48] : memref<10240x128xf32, #tpu.memory_space<vmem_shared>> -> memref<400x128xf32, #tpu.memory_space<vmem_shared>>
          tpu.enqueue_dma source(%dma_start3A_49 : memref<400x128xf32, #tpu.memory_space<vmem_shared>>) target(%dma_start3A_46 : memref<400x128xf32, #tpu.memory_space<hbm>>) target_semaphore(%run_scoped3A : memref<!tpu.dma_semaphore, #tpu.memory_space<semaphore_mem>>)
          %dma_wait3A = arith.constant 9600 : i32
          %dma_wait3A_50 = arith.constant 0 : i32
          %dma_wait3A_51 = tpu.memref_slice %arg8[%dma_wait3A, %dma_wait3A_50] : memref<10000x128xf32, #tpu.memory_space<hbm>> -> memref<400x128xf32, #tpu.memory_space<hbm>>
          %dma_wait3A_52 = arith.constant 9600 : i32
          %dma_wait3A_53 = arith.constant 0 : i32
          %dma_wait3A_54 = tpu.memref_slice %arg13[%dma_wait3A_52, %dma_wait3A_53] : memref<10240x128xf32, #tpu.memory_space<vmem_shared>> -> memref<400x128xf32, #tpu.memory_space<vmem_shared>>
          tpu.wait_dma2 semaphore(%run_scoped3A : memref<!tpu.dma_semaphore, #tpu.memory_space<semaphore_mem>>) src(%dma_wait3A_54 : memref<400x128xf32, #tpu.memory_space<vmem_shared>>) dst(%dma_wait3A_51 : memref<400x128xf32, #tpu.memory_space<hbm>>)
          tpu.yield
        }) : () -> ()
      } else {
      }
    } else {
    }
    return
  }
}

#map = affine_map<(d0, d1) -> (0, 0)>
#map1 = affine_map<(d0, d1) -> (0, 0, 0)>
module attributes {stable_mosaic.version = 14 : i64} {
  func.func @k(%arg0: i32, %arg1: i32, %arg2: memref<10000x128xf32, #tpu.memory_space<hbm>>, %arg3: memref<10000x128xf32, #tpu.memory_space<hbm>>, %arg4: memref<16x160x128xi32, #tpu.memory_space<hbm>>, %arg5: memref<16x160x128xi32, #tpu.memory_space<hbm>>, %arg6: memref<128x128xf32, #tpu.memory_space<hbm>>, %arg7: memref<10000x128xf32, #tpu.memory_space<hbm>>, %arg8: memref<10000x128xf32, #tpu.memory_space<hbm>>, %arg9: memref<8x128xi32, #tpu.memory_space<vmem>>, %arg10: memref<8x128xi32, #tpu.memory_space<vmem>>, %arg11: memref<128x128xf32, #tpu.memory_space<vmem>>, %arg12: memref<128x128xf32, #tpu.memory_space<vmem>>, %arg13: memref<10240x128xf32, #tpu.memory_space<vmem_shared>>, %arg14: memref<!tpu.dma_semaphore, #tpu.memory_space<semaphore_mem>>, %arg15: memref<!tpu.dma_semaphore, #tpu.memory_space<semaphore_mem>>, %arg16: memref<!tpu.dma_semaphore, #tpu.memory_space<semaphore_mem>>, %arg17: memref<!tpu.dma_semaphore, #tpu.memory_space<semaphore_mem>>) attributes {dimension_semantics = [#tpu.dimension_semantics<core_parallel>, #tpu.dimension_semantics<subcore_parallel>], iteration_bounds = array<i64: 2, 16>, scalar_prefetch = 0 : i64, scratch_operands = 9 : i64, tpu.core_type = #tpu.core_type<sc_vector_subcore>, window_params = [{transform_indices = #map}, {transform_indices = #map}, {transform_indices = #map1}, {transform_indices = #map1}, {transform_indices = #map}, {transform_indices = #map}, {transform_indices = #map}]} {
    "tpu.region"() ({
      %run_scoped3A = tpu.sem_alloc : memref<!tpu.dma_semaphore, #tpu.memory_space<semaphore_mem>>
      tpu.enqueue_dma source(%arg6 : memref<128x128xf32, #tpu.memory_space<hbm>>) target(%arg11 : memref<128x128xf32, #tpu.memory_space<vmem>>) target_semaphore(%run_scoped3A : memref<!tpu.dma_semaphore, #tpu.memory_space<semaphore_mem>>)
      tpu.wait_dma2 semaphore(%run_scoped3A : memref<!tpu.dma_semaphore, #tpu.memory_space<semaphore_mem>>) src(%arg6 : memref<128x128xf32, #tpu.memory_space<hbm>>) dst(%arg11 : memref<128x128xf32, #tpu.memory_space<vmem>>)
      tpu.yield
    }) : () -> ()
    %mul3A = arith.constant 640 : i32
    %mul3A_0 = arith.muli %arg1, %mul3A : i32
    %add3A = arith.constant 0 : i32
    %add3A_1 = arith.addi %mul3A_0, %add3A : i32
    "tpu.region"() ({
      %run_scoped3A = tpu.sem_alloc : memref<!tpu.dma_semaphore, #tpu.memory_space<semaphore_mem>>
      %dma_start3A = arith.constant 0 : i32
      %dma_start3A_36 = tpu.memref_slice %arg13[%add3A_1, %dma_start3A] : memref<10240x128xf32, #tpu.memory_space<vmem_shared>> -> memref<128x128xf32, #tpu.memory_space<vmem_shared>>
      %dma_start3A_37 = arith.constant 0 : i32
      %dma_start3A_38 = tpu.memref_slice %arg13[%add3A_1, %dma_start3A_37] : memref<10240x128xf32, #tpu.memory_space<vmem_shared>> -> memref<128x128xf32, #tpu.memory_space<vmem_shared>>
      tpu.enqueue_dma source(%arg11 : memref<128x128xf32, #tpu.memory_space<vmem>>) target(%dma_start3A_38 : memref<128x128xf32, #tpu.memory_space<vmem_shared>>) target_semaphore(%run_scoped3A : memref<!tpu.dma_semaphore, #tpu.memory_space<semaphore_mem>>)
      %dma_wait3A = arith.constant 0 : i32
      %dma_wait3A_39 = tpu.memref_slice %arg13[%add3A_1, %dma_wait3A] : memref<10240x128xf32, #tpu.memory_space<vmem_shared>> -> memref<128x128xf32, #tpu.memory_space<vmem_shared>>
      %dma_wait3A_40 = arith.constant 0 : i32
      %dma_wait3A_41 = tpu.memref_slice %arg13[%add3A_1, %dma_wait3A_40] : memref<10240x128xf32, #tpu.memory_space<vmem_shared>> -> memref<128x128xf32, #tpu.memory_space<vmem_shared>>
      tpu.wait_dma2 semaphore(%run_scoped3A : memref<!tpu.dma_semaphore, #tpu.memory_space<semaphore_mem>>) src(%arg11 : memref<128x128xf32, #tpu.memory_space<vmem>>) dst(%dma_wait3A_41 : memref<128x128xf32, #tpu.memory_space<vmem_shared>>)
      tpu.yield
    }) : () -> ()
    %mul3A_2 = arith.constant 640 : i32
    %mul3A_3 = arith.muli %arg1, %mul3A_2 : i32
    %add3A_4 = arith.constant 128 : i32
    %add3A_5 = arith.addi %mul3A_3, %add3A_4 : i32
    "tpu.region"() ({
      %run_scoped3A = tpu.sem_alloc : memref<!tpu.dma_semaphore, #tpu.memory_space<semaphore_mem>>
      %dma_start3A = arith.constant 0 : i32
      %dma_start3A_36 = tpu.memref_slice %arg13[%add3A_5, %dma_start3A] : memref<10240x128xf32, #tpu.memory_space<vmem_shared>> -> memref<128x128xf32, #tpu.memory_space<vmem_shared>>
      %dma_start3A_37 = arith.constant 0 : i32
      %dma_start3A_38 = tpu.memref_slice %arg13[%add3A_5, %dma_start3A_37] : memref<10240x128xf32, #tpu.memory_space<vmem_shared>> -> memref<128x128xf32, #tpu.memory_space<vmem_shared>>
      tpu.enqueue_dma source(%arg11 : memref<128x128xf32, #tpu.memory_space<vmem>>) target(%dma_start3A_38 : memref<128x128xf32, #tpu.memory_space<vmem_shared>>) target_semaphore(%run_scoped3A : memref<!tpu.dma_semaphore, #tpu.memory_space<semaphore_mem>>)
      %dma_wait3A = arith.constant 0 : i32
      %dma_wait3A_39 = tpu.memref_slice %arg13[%add3A_5, %dma_wait3A] : memref<10240x128xf32, #tpu.memory_space<vmem_shared>> -> memref<128x128xf32, #tpu.memory_space<vmem_shared>>
      %dma_wait3A_40 = arith.constant 0 : i32
      %dma_wait3A_41 = tpu.memref_slice %arg13[%add3A_5, %dma_wait3A_40] : memref<10240x128xf32, #tpu.memory_space<vmem_shared>> -> memref<128x128xf32, #tpu.memory_space<vmem_shared>>
      tpu.wait_dma2 semaphore(%run_scoped3A : memref<!tpu.dma_semaphore, #tpu.memory_space<semaphore_mem>>) src(%arg11 : memref<128x128xf32, #tpu.memory_space<vmem>>) dst(%dma_wait3A_41 : memref<128x128xf32, #tpu.memory_space<vmem_shared>>)
      tpu.yield
    }) : () -> ()
    %mul3A_6 = arith.constant 640 : i32
    %mul3A_7 = arith.muli %arg1, %mul3A_6 : i32
    %add3A_8 = arith.constant 256 : i32
    %add3A_9 = arith.addi %mul3A_7, %add3A_8 : i32
    "tpu.region"() ({
      %run_scoped3A = tpu.sem_alloc : memref<!tpu.dma_semaphore, #tpu.memory_space<semaphore_mem>>
      %dma_start3A = arith.constant 0 : i32
      %dma_start3A_36 = tpu.memref_slice %arg13[%add3A_9, %dma_start3A] : memref<10240x128xf32, #tpu.memory_space<vmem_shared>> -> memref<128x128xf32, #tpu.memory_space<vmem_shared>>
      %dma_start3A_37 = arith.constant 0 : i32
      %dma_start3A_38 = tpu.memref_slice %arg13[%add3A_9, %dma_start3A_37] : memref<10240x128xf32, #tpu.memory_space<vmem_shared>> -> memref<128x128xf32, #tpu.memory_space<vmem_shared>>
      tpu.enqueue_dma source(%arg11 : memref<128x128xf32, #tpu.memory_space<vmem>>) target(%dma_start3A_38 : memref<128x128xf32, #tpu.memory_space<vmem_shared>>) target_semaphore(%run_scoped3A : memref<!tpu.dma_semaphore, #tpu.memory_space<semaphore_mem>>)
      %dma_wait3A = arith.constant 0 : i32
      %dma_wait3A_39 = tpu.memref_slice %arg13[%add3A_9, %dma_wait3A] : memref<10240x128xf32, #tpu.memory_space<vmem_shared>> -> memref<128x128xf32, #tpu.memory_space<vmem_shared>>
      %dma_wait3A_40 = arith.constant 0 : i32
      %dma_wait3A_41 = tpu.memref_slice %arg13[%add3A_9, %dma_wait3A_40] : memref<10240x128xf32, #tpu.memory_space<vmem_shared>> -> memref<128x128xf32, #tpu.memory_space<vmem_shared>>
      tpu.wait_dma2 semaphore(%run_scoped3A : memref<!tpu.dma_semaphore, #tpu.memory_space<semaphore_mem>>) src(%arg11 : memref<128x128xf32, #tpu.memory_space<vmem>>) dst(%dma_wait3A_41 : memref<128x128xf32, #tpu.memory_space<vmem_shared>>)
      tpu.yield
    }) : () -> ()
    %mul3A_10 = arith.constant 640 : i32
    %mul3A_11 = arith.muli %arg1, %mul3A_10 : i32
    %add3A_12 = arith.constant 384 : i32
    %add3A_13 = arith.addi %mul3A_11, %add3A_12 : i32
    "tpu.region"() ({
      %run_scoped3A = tpu.sem_alloc : memref<!tpu.dma_semaphore, #tpu.memory_space<semaphore_mem>>
      %dma_start3A = arith.constant 0 : i32
      %dma_start3A_36 = tpu.memref_slice %arg13[%add3A_13, %dma_start3A] : memref<10240x128xf32, #tpu.memory_space<vmem_shared>> -> memref<128x128xf32, #tpu.memory_space<vmem_shared>>
      %dma_start3A_37 = arith.constant 0 : i32
      %dma_start3A_38 = tpu.memref_slice %arg13[%add3A_13, %dma_start3A_37] : memref<10240x128xf32, #tpu.memory_space<vmem_shared>> -> memref<128x128xf32, #tpu.memory_space<vmem_shared>>
      tpu.enqueue_dma source(%arg11 : memref<128x128xf32, #tpu.memory_space<vmem>>) target(%dma_start3A_38 : memref<128x128xf32, #tpu.memory_space<vmem_shared>>) target_semaphore(%run_scoped3A : memref<!tpu.dma_semaphore, #tpu.memory_space<semaphore_mem>>)
      %dma_wait3A = arith.constant 0 : i32
      %dma_wait3A_39 = tpu.memref_slice %arg13[%add3A_13, %dma_wait3A] : memref<10240x128xf32, #tpu.memory_space<vmem_shared>> -> memref<128x128xf32, #tpu.memory_space<vmem_shared>>
      %dma_wait3A_40 = arith.constant 0 : i32
      %dma_wait3A_41 = tpu.memref_slice %arg13[%add3A_13, %dma_wait3A_40] : memref<10240x128xf32, #tpu.memory_space<vmem_shared>> -> memref<128x128xf32, #tpu.memory_space<vmem_shared>>
      tpu.wait_dma2 semaphore(%run_scoped3A : memref<!tpu.dma_semaphore, #tpu.memory_space<semaphore_mem>>) src(%arg11 : memref<128x128xf32, #tpu.memory_space<vmem>>) dst(%dma_wait3A_41 : memref<128x128xf32, #tpu.memory_space<vmem_shared>>)
      tpu.yield
    }) : () -> ()
    %mul3A_14 = arith.constant 640 : i32
    %mul3A_15 = arith.muli %arg1, %mul3A_14 : i32
    %add3A_16 = arith.constant 512 : i32
    %add3A_17 = arith.addi %mul3A_15, %add3A_16 : i32
    "tpu.region"() ({
      %run_scoped3A = tpu.sem_alloc : memref<!tpu.dma_semaphore, #tpu.memory_space<semaphore_mem>>
      %dma_start3A = arith.constant 0 : i32
      %dma_start3A_36 = tpu.memref_slice %arg13[%add3A_17, %dma_start3A] : memref<10240x128xf32, #tpu.memory_space<vmem_shared>> -> memref<128x128xf32, #tpu.memory_space<vmem_shared>>
      %dma_start3A_37 = arith.constant 0 : i32
      %dma_start3A_38 = tpu.memref_slice %arg13[%add3A_17, %dma_start3A_37] : memref<10240x128xf32, #tpu.memory_space<vmem_shared>> -> memref<128x128xf32, #tpu.memory_space<vmem_shared>>
      tpu.enqueue_dma source(%arg11 : memref<128x128xf32, #tpu.memory_space<vmem>>) target(%dma_start3A_38 : memref<128x128xf32, #tpu.memory_space<vmem_shared>>) target_semaphore(%run_scoped3A : memref<!tpu.dma_semaphore, #tpu.memory_space<semaphore_mem>>)
      %dma_wait3A = arith.constant 0 : i32
      %dma_wait3A_39 = tpu.memref_slice %arg13[%add3A_17, %dma_wait3A] : memref<10240x128xf32, #tpu.memory_space<vmem_shared>> -> memref<128x128xf32, #tpu.memory_space<vmem_shared>>
      %dma_wait3A_40 = arith.constant 0 : i32
      %dma_wait3A_41 = tpu.memref_slice %arg13[%add3A_17, %dma_wait3A_40] : memref<10240x128xf32, #tpu.memory_space<vmem_shared>> -> memref<128x128xf32, #tpu.memory_space<vmem_shared>>
      tpu.wait_dma2 semaphore(%run_scoped3A : memref<!tpu.dma_semaphore, #tpu.memory_space<semaphore_mem>>) src(%arg11 : memref<128x128xf32, #tpu.memory_space<vmem>>) dst(%dma_wait3A_41 : memref<128x128xf32, #tpu.memory_space<vmem_shared>>)
      tpu.yield
    }) : () -> ()
    %barrier3A = arith.constant 0 : index
    tpu.barrier barrier_id(%barrier3A)
    %eq3A = arith.constant 0 : i32
    %eq3A_18 = arith.cmpi eq, %arg0, %eq3A : i32
    %convert_element_type3A = arith.extui %eq3A_18 : i1 to i32
    %cond3A = arith.constant 0 : i32
    %cond3A_19 = arith.cmpi ne, %convert_element_type3A, %cond3A : i32
    scf.if %cond3A_19 {
      %scan3A = arith.constant 0 : i32
      %scan3A_36 = arith.constant 0 : i32
      %scan3A_37 = arith.constant 20 : i32
      %scan3A_38 = arith.addi %scan3A_36, %scan3A_37 : i32
      %scan3A_39 = arith.constant 1 : i32
      scf.for %scan3A_41 = %scan3A_36 to %scan3A_38 step %scan3A_39  : i32 {
        %mul3A_42 = arith.constant 8 : i32
        %mul3A_43 = arith.muli %scan3A_41, %mul3A_42 : i32
        "tpu.region"() ({
          %run_scoped3A = tpu.sem_alloc : memref<!tpu.dma_semaphore, #tpu.memory_space<semaphore_mem>>
          %dma_start3A_268 = arith.constant 0 : i32
          %dma_start3A_269 = tpu.memref_slice %arg4[%arg1, %mul3A_43, %dma_start3A_268] : memref<16x160x128xi32, #tpu.memory_space<hbm>> -> memref<1x8x128xi32, #tpu.memory_space<hbm>>
          %dma_start3A_270 = tpu.memref_squeeze %dma_start3A_269 : memref<1x8x128xi32, #tpu.memory_space<hbm>> -> memref<8x128xi32, #tpu.memory_space<hbm>>
          %dma_start3A_271 = arith.constant 0 : i32
          %dma_start3A_272 = tpu.memref_slice %arg4[%arg1, %mul3A_43, %dma_start3A_271] : memref<16x160x128xi32, #tpu.memory_space<hbm>> -> memref<1x8x128xi32, #tpu.memory_space<hbm>>
          %dma_start3A_273 = tpu.memref_squeeze %dma_start3A_272 : memref<1x8x128xi32, #tpu.memory_space<hbm>> -> memref<8x128xi32, #tpu.memory_space<hbm>>
          tpu.enqueue_dma source(%dma_start3A_273 : memref<8x128xi32, #tpu.memory_space<hbm>>) target(%arg9 : memref<8x128xi32, #tpu.memory_space<vmem>>) target_semaphore(%run_scoped3A : memref<!tpu.dma_semaphore, #tpu.memory_space<semaphore_mem>>)
          %dma_wait3A_274 = arith.constant 0 : i32
          %dma_wait3A_275 = tpu.memref_slice %arg4[%arg1, %mul3A_43, %dma_wait3A_274] : memref<16x160x128xi32, #tpu.memory_space<hbm>> -> memref<1x8x128xi32, #tpu.memory_space<hbm>>
          %dma_wait3A_276 = tpu.memref_squeeze %dma_wait3A_275 : memref<1x8x128xi32, #tpu.memory_space<hbm>> -> memref<8x128xi32, #tpu.memory_space<hbm>>
          %dma_wait3A_277 = arith.constant 0 : i32
          %dma_wait3A_278 = tpu.memref_slice %arg4[%arg1, %mul3A_43, %dma_wait3A_277] : memref<16x160x128xi32, #tpu.memory_space<hbm>> -> memref<1x8x128xi32, #tpu.memory_space<hbm>>
          %dma_wait3A_279 = tpu.memref_squeeze %dma_wait3A_278 : memref<1x8x128xi32, #tpu.memory_space<hbm>> -> memref<8x128xi32, #tpu.memory_space<hbm>>
          tpu.wait_dma2 semaphore(%run_scoped3A : memref<!tpu.dma_semaphore, #tpu.memory_space<semaphore_mem>>) src(%dma_wait3A_279 : memref<8x128xi32, #tpu.memory_space<hbm>>) dst(%arg9 : memref<8x128xi32, #tpu.memory_space<vmem>>)
          tpu.yield
        }) : () -> ()
        %mul3A_44 = arith.constant 8 : i32
        %mul3A_45 = arith.muli %scan3A_41, %mul3A_44 : i32
        "tpu.region"() ({
          %run_scoped3A = tpu.sem_alloc : memref<!tpu.dma_semaphore, #tpu.memory_space<semaphore_mem>>
          %dma_start3A_268 = arith.constant 0 : i32
          %dma_start3A_269 = tpu.memref_slice %arg5[%arg1, %mul3A_45, %dma_start3A_268] : memref<16x160x128xi32, #tpu.memory_space<hbm>> -> memref<1x8x128xi32, #tpu.memory_space<hbm>>
          %dma_start3A_270 = tpu.memref_squeeze %dma_start3A_269 : memref<1x8x128xi32, #tpu.memory_space<hbm>> -> memref<8x128xi32, #tpu.memory_space<hbm>>
          %dma_start3A_271 = arith.constant 0 : i32
          %dma_start3A_272 = tpu.memref_slice %arg5[%arg1, %mul3A_45, %dma_start3A_271] : memref<16x160x128xi32, #tpu.memory_space<hbm>> -> memref<1x8x128xi32, #tpu.memory_space<hbm>>
          %dma_start3A_273 = tpu.memref_squeeze %dma_start3A_272 : memref<1x8x128xi32, #tpu.memory_space<hbm>> -> memref<8x128xi32, #tpu.memory_space<hbm>>
          tpu.enqueue_dma source(%dma_start3A_273 : memref<8x128xi32, #tpu.memory_space<hbm>>) target(%arg10 : memref<8x128xi32, #tpu.memory_space<vmem>>) target_semaphore(%run_scoped3A : memref<!tpu.dma_semaphore, #tpu.memory_space<semaphore_mem>>)
          %dma_wait3A_274 = arith.constant 0 : i32
          %dma_wait3A_275 = tpu.memref_slice %arg5[%arg1, %mul3A_45, %dma_wait3A_274] : memref<16x160x128xi32, #tpu.memory_space<hbm>> -> memref<1x8x128xi32, #tpu.memory_space<hbm>>
          %dma_wait3A_276 = tpu.memref_squeeze %dma_wait3A_275 : memref<1x8x128xi32, #tpu.memory_space<hbm>> -> memref<8x128xi32, #tpu.memory_space<hbm>>
          %dma_wait3A_277 = arith.constant 0 : i32
          %dma_wait3A_278 = tpu.memref_slice %arg5[%arg1, %mul3A_45, %dma_wait3A_277] : memref<16x160x128xi32, #tpu.memory_space<hbm>> -> memref<1x8x128xi32, #tpu.memory_space<hbm>>
          %dma_wait3A_279 = tpu.memref_squeeze %dma_wait3A_278 : memref<1x8x128xi32, #tpu.memory_space<hbm>> -> memref<8x128xi32, #tpu.memory_space<hbm>>
          tpu.wait_dma2 semaphore(%run_scoped3A : memref<!tpu.dma_semaphore, #tpu.memory_space<semaphore_mem>>) src(%dma_wait3A_279 : memref<8x128xi32, #tpu.memory_space<hbm>>) dst(%arg10 : memref<8x128xi32, #tpu.memory_space<vmem>>)
          tpu.yield
        }) : () -> ()
        %dma_start3A = arith.constant 0 : i32
        %dma_start3A_46 = arith.constant 0 : i32
        %dma_start3A_47 = tpu.memref_slice %arg9[%dma_start3A, %dma_start3A_46] : memref<8x128xi32, #tpu.memory_space<vmem>> -> memref<1x128xi32, #tpu.memory_space<vmem>>
        %dma_start3A_48 = tpu.memref_squeeze %dma_start3A_47 : memref<1x128xi32, #tpu.memory_space<vmem>> -> memref<128xi32, #tpu.memory_space<vmem>>
        %dma_start3A_49 = arith.constant 0 : i32
        %dma_start3A_50 = arith.constant 0 : i32
        %dma_start3A_51 = tpu.memref_slice %arg2[%dma_start3A_49, %dma_start3A_50] : memref<10000x128xf32, #tpu.memory_space<hbm>> -> memref<10000x128xf32, #tpu.memory_space<hbm>>
        tpu.enqueue_indirect_dma source(%dma_start3A_51 : memref<10000x128xf32, #tpu.memory_space<hbm>>) target(%arg11 : memref<128x128xf32, #tpu.memory_space<vmem>>) offsets(%dma_start3A_48 : memref<128xi32, #tpu.memory_space<vmem>>) semaphore(%arg14 : memref<!tpu.dma_semaphore, #tpu.memory_space<semaphore_mem>>)
        %dma_start3A_52 = arith.constant 1 : i32
        %dma_start3A_53 = arith.constant 0 : i32
        %dma_start3A_54 = tpu.memref_slice %arg9[%dma_start3A_52, %dma_start3A_53] : memref<8x128xi32, #tpu.memory_space<vmem>> -> memref<1x128xi32, #tpu.memory_space<vmem>>
        %dma_start3A_55 = tpu.memref_squeeze %dma_start3A_54 : memref<1x128xi32, #tpu.memory_space<vmem>> -> memref<128xi32, #tpu.memory_space<vmem>>
        %dma_start3A_56 = arith.constant 0 : i32
        %dma_start3A_57 = arith.constant 0 : i32
        %dma_start3A_58 = tpu.memref_slice %arg2[%dma_start3A_56, %dma_start3A_57] : memref<10000x128xf32, #tpu.memory_space<hbm>> -> memref<10000x128xf32, #tpu.memory_space<hbm>>
        tpu.enqueue_indirect_dma source(%dma_start3A_58 : memref<10000x128xf32, #tpu.memory_space<hbm>>) target(%arg12 : memref<128x128xf32, #tpu.memory_space<vmem>>) offsets(%dma_start3A_55 : memref<128xi32, #tpu.memory_space<vmem>>) semaphore(%arg15 : memref<!tpu.dma_semaphore, #tpu.memory_space<semaphore_mem>>)
        %dma_wait3A = arith.constant 0 : i32
        %dma_wait3A_59 = arith.constant 0 : i32
        %dma_wait3A_60 = tpu.memref_slice %arg9[%dma_wait3A, %dma_wait3A_59] : memref<8x128xi32, #tpu.memory_space<vmem>> -> memref<1x128xi32, #tpu.memory_space<vmem>>
        %dma_wait3A_61 = tpu.memref_squeeze %dma_wait3A_60 : memref<1x128xi32, #tpu.memory_space<vmem>> -> memref<128xi32, #tpu.memory_space<vmem>>
        %dma_wait3A_62 = arith.constant 0 : i32
        %dma_wait3A_63 = arith.constant 0 : i32
        %dma_wait3A_64 = tpu.memref_slice %arg2[%dma_wait3A_62, %dma_wait3A_63] : memref<10000x128xf32, #tpu.memory_space<hbm>> -> memref<10000x128xf32, #tpu.memory_space<hbm>>
        tpu.wait_indirect_dma semaphore(%arg14 : memref<!tpu.dma_semaphore, #tpu.memory_space<semaphore_mem>>) src(%dma_wait3A_64 : memref<10000x128xf32, #tpu.memory_space<hbm>>) dst(%arg11 : memref<128x128xf32, #tpu.memory_space<vmem>>)
        %dma_start3A_65 = arith.constant 0 : i32
        %dma_start3A_66 = arith.constant 0 : i32
        %dma_start3A_67 = tpu.memref_slice %arg10[%dma_start3A_65, %dma_start3A_66] : memref<8x128xi32, #tpu.memory_space<vmem>> -> memref<1x128xi32, #tpu.memory_space<vmem>>
        %dma_start3A_68 = tpu.memref_squeeze %dma_start3A_67 : memref<1x128xi32, #tpu.memory_space<vmem>> -> memref<128xi32, #tpu.memory_space<vmem>>
        %dma_start3A_69 = arith.constant 0 : i32
        %dma_start3A_70 = arith.constant 0 : i32
        %dma_start3A_71 = tpu.memref_slice %arg13[%dma_start3A_69, %dma_start3A_70] : memref<10240x128xf32, #tpu.memory_space<vmem_shared>> -> memref<10240x128xf32, #tpu.memory_space<vmem_shared>>
        tpu.enqueue_indirect_dma source(%arg11 : memref<128x128xf32, #tpu.memory_space<vmem>>) target(%dma_start3A_71 : memref<10240x128xf32, #tpu.memory_space<vmem_shared>>) offsets(%dma_start3A_68 : memref<128xi32, #tpu.memory_space<vmem>>) semaphore(%arg16 : memref<!tpu.dma_semaphore, #tpu.memory_space<semaphore_mem>>) {add = true}
        %dma_wait3A_72 = arith.constant 0 : i32
        %dma_wait3A_73 = arith.constant 0 : i32
        %dma_wait3A_74 = tpu.memref_slice %arg10[%dma_wait3A_72, %dma_wait3A_73] : memref<8x128xi32, #tpu.memory_space<vmem>> -> memref<1x128xi32, #tpu.memory_space<vmem>>
        %dma_wait3A_75 = tpu.memref_squeeze %dma_wait3A_74 : memref<1x128xi32, #tpu.memory_space<vmem>> -> memref<128xi32, #tpu.memory_space<vmem>>
        %dma_wait3A_76 = arith.constant 0 : i32
        %dma_wait3A_77 = arith.constant 0 : i32
        %dma_wait3A_78 = tpu.memref_slice %arg13[%dma_wait3A_76, %dma_wait3A_77] : memref<10240x128xf32, #tpu.memory_space<vmem_shared>> -> memref<10240x128xf32, #tpu.memory_space<vmem_shared>>
        tpu.wait_indirect_dma semaphore(%arg16 : memref<!tpu.dma_semaphore, #tpu.memory_space<semaphore_mem>>) src(%arg11 : memref<128x128xf32, #tpu.memory_space<vmem>>) dst(%dma_wait3A_78 : memref<10240x128xf32, #tpu.memory_space<vmem_shared>>)
        %dma_start3A_79 = arith.constant 2 : i32
        %dma_start3A_80 = arith.constant 0 : i32
        %dma_start3A_81 = tpu.memref_slice %arg9[%dma_start3A_79, %dma_start3A_80] : memref<8x128xi32, #tpu.memory_space<vmem>> -> memref<1x128xi32, #tpu.memory_space<vmem>>
        %dma_start3A_82 = tpu.memref_squeeze %dma_start3A_81 : memref<1x128xi32, #tpu.memory_space<vmem>> -> memref<128xi32, #tpu.memory_space<vmem>>
        %dma_start3A_83 = arith.constant 0 : i32
        %dma_start3A_84 = arith.constant 0 : i32
        %dma_start3A_85 = tpu.memref_slice %arg2[%dma_start3A_83, %dma_start3A_84] : memref<10000x128xf32, #tpu.memory_space<hbm>> -> memref<10000x128xf32, #tpu.memory_space<hbm>>
        tpu.enqueue_indirect_dma source(%dma_start3A_85 : memref<10000x128xf32, #tpu.memory_space<hbm>>) target(%arg11 : memref<128x128xf32, #tpu.memory_space<vmem>>) offsets(%dma_start3A_82 : memref<128xi32, #tpu.memory_space<vmem>>) semaphore(%arg14 : memref<!tpu.dma_semaphore, #tpu.memory_space<semaphore_mem>>)
        %dma_wait3A_86 = arith.constant 1 : i32
        %dma_wait3A_87 = arith.constant 0 : i32
        %dma_wait3A_88 = tpu.memref_slice %arg9[%dma_wait3A_86, %dma_wait3A_87] : memref<8x128xi32, #tpu.memory_space<vmem>> -> memref<1x128xi32, #tpu.memory_space<vmem>>
        %dma_wait3A_89 = tpu.memref_squeeze %dma_wait3A_88 : memref<1x128xi32, #tpu.memory_space<vmem>> -> memref<128xi32, #tpu.memory_space<vmem>>
        %dma_wait3A_90 = arith.constant 0 : i32
        %dma_wait3A_91 = arith.constant 0 : i32
        %dma_wait3A_92 = tpu.memref_slice %arg2[%dma_wait3A_90, %dma_wait3A_91] : memref<10000x128xf32, #tpu.memory_space<hbm>> -> memref<10000x128xf32, #tpu.memory_space<hbm>>
        tpu.wait_indirect_dma semaphore(%arg15 : memref<!tpu.dma_semaphore, #tpu.memory_space<semaphore_mem>>) src(%dma_wait3A_92 : memref<10000x128xf32, #tpu.memory_space<hbm>>) dst(%arg12 : memref<128x128xf32, #tpu.memory_space<vmem>>)
        %dma_start3A_93 = arith.constant 1 : i32
        %dma_start3A_94 = arith.constant 0 : i32
        %dma_start3A_95 = tpu.memref_slice %arg10[%dma_start3A_93, %dma_start3A_94] : memref<8x128xi32, #tpu.memory_space<vmem>> -> memref<1x128xi32, #tpu.memory_space<vmem>>
        %dma_start3A_96 = tpu.memref_squeeze %dma_start3A_95 : memref<1x128xi32, #tpu.memory_space<vmem>> -> memref<128xi32, #tpu.memory_space<vmem>>
        %dma_start3A_97 = arith.constant 0 : i32
        %dma_start3A_98 = arith.constant 0 : i32
        %dma_start3A_99 = tpu.memref_slice %arg13[%dma_start3A_97, %dma_start3A_98] : memref<10240x128xf32, #tpu.memory_space<vmem_shared>> -> memref<10240x128xf32, #tpu.memory_space<vmem_shared>>
        tpu.enqueue_indirect_dma source(%arg12 : memref<128x128xf32, #tpu.memory_space<vmem>>) target(%dma_start3A_99 : memref<10240x128xf32, #tpu.memory_space<vmem_shared>>) offsets(%dma_start3A_96 : memref<128xi32, #tpu.memory_space<vmem>>) semaphore(%arg17 : memref<!tpu.dma_semaphore, #tpu.memory_space<semaphore_mem>>) {add = true}
        %dma_wait3A_100 = arith.constant 1 : i32
        %dma_wait3A_101 = arith.constant 0 : i32
        %dma_wait3A_102 = tpu.memref_slice %arg10[%dma_wait3A_100, %dma_wait3A_101] : memref<8x128xi32, #tpu.memory_space<vmem>> -> memref<1x128xi32, #tpu.memory_space<vmem>>
        %dma_wait3A_103 = tpu.memref_squeeze %dma_wait3A_102 : memref<1x128xi32, #tpu.memory_space<vmem>> -> memref<128xi32, #tpu.memory_space<vmem>>
        %dma_wait3A_104 = arith.constant 0 : i32
        %dma_wait3A_105 = arith.constant 0 : i32
        %dma_wait3A_106 = tpu.memref_slice %arg13[%dma_wait3A_104, %dma_wait3A_105] : memref<10240x128xf32, #tpu.memory_space<vmem_shared>> -> memref<10240x128xf32, #tpu.memory_space<vmem_shared>>
        tpu.wait_indirect_dma semaphore(%arg17 : memref<!tpu.dma_semaphore, #tpu.memory_space<semaphore_mem>>) src(%arg12 : memref<128x128xf32, #tpu.memory_space<vmem>>) dst(%dma_wait3A_106 : memref<10240x128xf32, #tpu.memory_space<vmem_shared>>)
        %dma_start3A_107 = arith.constant 3 : i32
        %dma_start3A_108 = arith.constant 0 : i32
        %dma_start3A_109 = tpu.memref_slice %arg9[%dma_start3A_107, %dma_start3A_108] : memref<8x128xi32, #tpu.memory_space<vmem>> -> memref<1x128xi32, #tpu.memory_space<vmem>>
        %dma_start3A_110 = tpu.memref_squeeze %dma_start3A_109 : memref<1x128xi32, #tpu.memory_space<vmem>> -> memref<128xi32, #tpu.memory_space<vmem>>
        %dma_start3A_111 = arith.constant 0 : i32
        %dma_start3A_112 = arith.constant 0 : i32
        %dma_start3A_113 = tpu.memref_slice %arg2[%dma_start3A_111, %dma_start3A_112] : memref<10000x128xf32, #tpu.memory_space<hbm>> -> memref<10000x128xf32, #tpu.memory_space<hbm>>
        tpu.enqueue_indirect_dma source(%dma_start3A_113 : memref<10000x128xf32, #tpu.memory_space<hbm>>) target(%arg12 : memref<128x128xf32, #tpu.memory_space<vmem>>) offsets(%dma_start3A_110 : memref<128xi32, #tpu.memory_space<vmem>>) semaphore(%arg15 : memref<!tpu.dma_semaphore, #tpu.memory_space<semaphore_mem>>)
        %dma_wait3A_114 = arith.constant 2 : i32
        %dma_wait3A_115 = arith.constant 0 : i32
        %dma_wait3A_116 = tpu.memref_slice %arg9[%dma_wait3A_114, %dma_wait3A_115] : memref<8x128xi32, #tpu.memory_space<vmem>> -> memref<1x128xi32, #tpu.memory_space<vmem>>
        %dma_wait3A_117 = tpu.memref_squeeze %dma_wait3A_116 : memref<1x128xi32, #tpu.memory_space<vmem>> -> memref<128xi32, #tpu.memory_space<vmem>>
        %dma_wait3A_118 = arith.constant 0 : i32
        %dma_wait3A_119 = arith.constant 0 : i32
        %dma_wait3A_120 = tpu.memref_slice %arg2[%dma_wait3A_118, %dma_wait3A_119] : memref<10000x128xf32, #tpu.memory_space<hbm>> -> memref<10000x128xf32, #tpu.memory_space<hbm>>
        tpu.wait_indirect_dma semaphore(%arg14 : memref<!tpu.dma_semaphore, #tpu.memory_space<semaphore_mem>>) src(%dma_wait3A_120 : memref<10000x128xf32, #tpu.memory_space<hbm>>) dst(%arg11 : memref<128x128xf32, #tpu.memory_space<vmem>>)
        %dma_start3A_121 = arith.constant 2 : i32
        %dma_start3A_122 = arith.constant 0 : i32
        %dma_start3A_123 = tpu.memref_slice %arg10[%dma_start3A_121, %dma_start3A_122] : memref<8x128xi32, #tpu.memory_space<vmem>> -> memref<1x128xi32, #tpu.memory_space<vmem>>
        %dma_start3A_124 = tpu.memref_squeeze %dma_start3A_123 : memref<1x128xi32, #tpu.memory_space<vmem>> -> memref<128xi32, #tpu.memory_space<vmem>>
        %dma_start3A_125 = arith.constant 0 : i32
        %dma_start3A_126 = arith.constant 0 : i32
        %dma_start3A_127 = tpu.memref_slice %arg13[%dma_start3A_125, %dma_start3A_126] : memref<10240x128xf32, #tpu.memory_space<vmem_shared>> -> memref<10240x128xf32, #tpu.memory_space<vmem_shared>>
        tpu.enqueue_indirect_dma source(%arg11 : memref<128x128xf32, #tpu.memory_space<vmem>>) target(%dma_start3A_127 : memref<10240x128xf32, #tpu.memory_space<vmem_shared>>) offsets(%dma_start3A_124 : memref<128xi32, #tpu.memory_space<vmem>>) semaphore(%arg16 : memref<!tpu.dma_semaphore, #tpu.memory_space<semaphore_mem>>) {add = true}
        %dma_wait3A_128 = arith.constant 2 : i32
        %dma_wait3A_129 = arith.constant 0 : i32
        %dma_wait3A_130 = tpu.memref_slice %arg10[%dma_wait3A_128, %dma_wait3A_129] : memref<8x128xi32, #tpu.memory_space<vmem>> -> memref<1x128xi32, #tpu.memory_space<vmem>>
        %dma_wait3A_131 = tpu.memref_squeeze %dma_wait3A_130 : memref<1x128xi32, #tpu.memory_space<vmem>> -> memref<128xi32, #tpu.memory_space<vmem>>
        %dma_wait3A_132 = arith.constant 0 : i32
        %dma_wait3A_133 = arith.constant 0 : i32
        %dma_wait3A_134 = tpu.memref_slice %arg13[%dma_wait3A_132, %dma_wait3A_133] : memref<10240x128xf32, #tpu.memory_space<vmem_shared>> -> memref<10240x128xf32, #tpu.memory_space<vmem_shared>>
        tpu.wait_indirect_dma semaphore(%arg16 : memref<!tpu.dma_semaphore, #tpu.memory_space<semaphore_mem>>) src(%arg11 : memref<128x128xf32, #tpu.memory_space<vmem>>) dst(%dma_wait3A_134 : memref<10240x128xf32, #tpu.memory_space<vmem_shared>>)
        %dma_start3A_135 = arith.constant 4 : i32
        %dma_start3A_136 = arith.constant 0 : i32
        %dma_start3A_137 = tpu.memref_slice %arg9[%dma_start3A_135, %dma_start3A_136] : memref<8x128xi32, #tpu.memory_space<vmem>> -> memref<1x128xi32, #tpu.memory_space<vmem>>
        %dma_start3A_138 = tpu.memref_squeeze %dma_start3A_137 : memref<1x128xi32, #tpu.memory_space<vmem>> -> memref<128xi32, #tpu.memory_space<vmem>>
        %dma_start3A_139 = arith.constant 0 : i32
        %dma_start3A_140 = arith.constant 0 : i32
        %dma_start3A_141 = tpu.memref_slice %arg2[%dma_start3A_139, %dma_start3A_140] : memref<10000x128xf32, #tpu.memory_space<hbm>> -> memref<10000x128xf32, #tpu.memory_space<hbm>>
        tpu.enqueue_indirect_dma source(%dma_start3A_141 : memref<10000x128xf32, #tpu.memory_space<hbm>>) target(%arg11 : memref<128x128xf32, #tpu.memory_space<vmem>>) offsets(%dma_start3A_138 : memref<128xi32, #tpu.memory_space<vmem>>) semaphore(%arg14 : memref<!tpu.dma_semaphore, #tpu.memory_space<semaphore_mem>>)
        %dma_wait3A_142 = arith.constant 3 : i32
        %dma_wait3A_143 = arith.constant 0 : i32
        %dma_wait3A_144 = tpu.memref_slice %arg9[%dma_wait3A_142, %dma_wait3A_143] : memref<8x128xi32, #tpu.memory_space<vmem>> -> memref<1x128xi32, #tpu.memory_space<vmem>>
        %dma_wait3A_145 = tpu.memref_squeeze %dma_wait3A_144 : memref<1x128xi32, #tpu.memory_space<vmem>> -> memref<128xi32, #tpu.memory_space<vmem>>
        %dma_wait3A_146 = arith.constant 0 : i32
        %dma_wait3A_147 = arith.constant 0 : i32
        %dma_wait3A_148 = tpu.memref_slice %arg2[%dma_wait3A_146, %dma_wait3A_147] : memref<10000x128xf32, #tpu.memory_space<hbm>> -> memref<10000x128xf32, #tpu.memory_space<hbm>>
        tpu.wait_indirect_dma semaphore(%arg15 : memref<!tpu.dma_semaphore, #tpu.memory_space<semaphore_mem>>) src(%dma_wait3A_148 : memref<10000x128xf32, #tpu.memory_space<hbm>>) dst(%arg12 : memref<128x128xf32, #tpu.memory_space<vmem>>)
        %dma_start3A_149 = arith.constant 3 : i32
        %dma_start3A_150 = arith.constant 0 : i32
        %dma_start3A_151 = tpu.memref_slice %arg10[%dma_start3A_149, %dma_start3A_150] : memref<8x128xi32, #tpu.memory_space<vmem>> -> memref<1x128xi32, #tpu.memory_space<vmem>>
        %dma_start3A_152 = tpu.memref_squeeze %dma_start3A_151 : memref<1x128xi32, #tpu.memory_space<vmem>> -> memref<128xi32, #tpu.memory_space<vmem>>
        %dma_start3A_153 = arith.constant 0 : i32
        %dma_start3A_154 = arith.constant 0 : i32
        %dma_start3A_155 = tpu.memref_slice %arg13[%dma_start3A_153, %dma_start3A_154] : memref<10240x128xf32, #tpu.memory_space<vmem_shared>> -> memref<10240x128xf32, #tpu.memory_space<vmem_shared>>
        tpu.enqueue_indirect_dma source(%arg12 : memref<128x128xf32, #tpu.memory_space<vmem>>) target(%dma_start3A_155 : memref<10240x128xf32, #tpu.memory_space<vmem_shared>>) offsets(%dma_start3A_152 : memref<128xi32, #tpu.memory_space<vmem>>) semaphore(%arg17 : memref<!tpu.dma_semaphore, #tpu.memory_space<semaphore_mem>>) {add = true}
        %dma_wait3A_156 = arith.constant 3 : i32
        %dma_wait3A_157 = arith.constant 0 : i32
        %dma_wait3A_158 = tpu.memref_slice %arg10[%dma_wait3A_156, %dma_wait3A_157] : memref<8x128xi32, #tpu.memory_space<vmem>> -> memref<1x128xi32, #tpu.memory_space<vmem>>
        %dma_wait3A_159 = tpu.memref_squeeze %dma_wait3A_158 : memref<1x128xi32, #tpu.memory_space<vmem>> -> memref<128xi32, #tpu.memory_space<vmem>>
        %dma_wait3A_160 = arith.constant 0 : i32
        %dma_wait3A_161 = arith.constant 0 : i32
        %dma_wait3A_162 = tpu.memref_slice %arg13[%dma_wait3A_160, %dma_wait3A_161] : memref<10240x128xf32, #tpu.memory_space<vmem_shared>> -> memref<10240x128xf32, #tpu.memory_space<vmem_shared>>
        tpu.wait_indirect_dma semaphore(%arg17 : memref<!tpu.dma_semaphore, #tpu.memory_space<semaphore_mem>>) src(%arg12 : memref<128x128xf32, #tpu.memory_space<vmem>>) dst(%dma_wait3A_162 : memref<10240x128xf32, #tpu.memory_space<vmem_shared>>)
        %dma_start3A_163 = arith.constant 5 : i32
        %dma_start3A_164 = arith.constant 0 : i32
        %dma_start3A_165 = tpu.memref_slice %arg9[%dma_start3A_163, %dma_start3A_164] : memref<8x128xi32, #tpu.memory_space<vmem>> -> memref<1x128xi32, #tpu.memory_space<vmem>>
        %dma_start3A_166 = tpu.memref_squeeze %dma_start3A_165 : memref<1x128xi32, #tpu.memory_space<vmem>> -> memref<128xi32, #tpu.memory_space<vmem>>
        %dma_start3A_167 = arith.constant 0 : i32
        %dma_start3A_168 = arith.constant 0 : i32
        %dma_start3A_169 = tpu.memref_slice %arg2[%dma_start3A_167, %dma_start3A_168] : memref<10000x128xf32, #tpu.memory_space<hbm>> -> memref<10000x128xf32, #tpu.memory_space<hbm>>
        tpu.enqueue_indirect_dma source(%dma_start3A_169 : memref<10000x128xf32, #tpu.memory_space<hbm>>) target(%arg12 : memref<128x128xf32, #tpu.memory_space<vmem>>) offsets(%dma_start3A_166 : memref<128xi32, #tpu.memory_space<vmem>>) semaphore(%arg15 : memref<!tpu.dma_semaphore, #tpu.memory_space<semaphore_mem>>)
        %dma_wait3A_170 = arith.constant 4 : i32
        %dma_wait3A_171 = arith.constant 0 : i32
        %dma_wait3A_172 = tpu.memref_slice %arg9[%dma_wait3A_170, %dma_wait3A_171] : memref<8x128xi32, #tpu.memory_space<vmem>> -> memref<1x128xi32, #tpu.memory_space<vmem>>
        %dma_wait3A_173 = tpu.memref_squeeze %dma_wait3A_172 : memref<1x128xi32, #tpu.memory_space<vmem>> -> memref<128xi32, #tpu.memory_space<vmem>>
        %dma_wait3A_174 = arith.constant 0 : i32
        %dma_wait3A_175 = arith.constant 0 : i32
        %dma_wait3A_176 = tpu.memref_slice %arg2[%dma_wait3A_174, %dma_wait3A_175] : memref<10000x128xf32, #tpu.memory_space<hbm>> -> memref<10000x128xf32, #tpu.memory_space<hbm>>
        tpu.wait_indirect_dma semaphore(%arg14 : memref<!tpu.dma_semaphore, #tpu.memory_space<semaphore_mem>>) src(%dma_wait3A_176 : memref<10000x128xf32, #tpu.memory_space<hbm>>) dst(%arg11 : memref<128x128xf32, #tpu.memory_space<vmem>>)
        %dma_start3A_177 = arith.constant 4 : i32
        %dma_start3A_178 = arith.constant 0 : i32
        %dma_start3A_179 = tpu.memref_slice %arg10[%dma_start3A_177, %dma_start3A_178] : memref<8x128xi32, #tpu.memory_space<vmem>> -> memref<1x128xi32, #tpu.memory_space<vmem>>
        %dma_start3A_180 = tpu.memref_squeeze %dma_start3A_179 : memref<1x128xi32, #tpu.memory_space<vmem>> -> memref<128xi32, #tpu.memory_space<vmem>>
        %dma_start3A_181 = arith.constant 0 : i32
        %dma_start3A_182 = arith.constant 0 : i32
        %dma_start3A_183 = tpu.memref_slice %arg13[%dma_start3A_181, %dma_start3A_182] : memref<10240x128xf32, #tpu.memory_space<vmem_shared>> -> memref<10240x128xf32, #tpu.memory_space<vmem_shared>>
        tpu.enqueue_indirect_dma source(%arg11 : memref<128x128xf32, #tpu.memory_space<vmem>>) target(%dma_start3A_183 : memref<10240x128xf32, #tpu.memory_space<vmem_shared>>) offsets(%dma_start3A_180 : memref<128xi32, #tpu.memory_space<vmem>>) semaphore(%arg16 : memref<!tpu.dma_semaphore, #tpu.memory_space<semaphore_mem>>) {add = true}
        %dma_wait3A_184 = arith.constant 4 : i32
        %dma_wait3A_185 = arith.constant 0 : i32
        %dma_wait3A_186 = tpu.memref_slice %arg10[%dma_wait3A_184, %dma_wait3A_185] : memref<8x128xi32, #tpu.memory_space<vmem>> -> memref<1x128xi32, #tpu.memory_space<vmem>>
        %dma_wait3A_187 = tpu.memref_squeeze %dma_wait3A_186 : memref<1x128xi32, #tpu.memory_space<vmem>> -> memref<128xi32, #tpu.memory_space<vmem>>
        %dma_wait3A_188 = arith.constant 0 : i32
        %dma_wait3A_189 = arith.constant 0 : i32
        %dma_wait3A_190 = tpu.memref_slice %arg13[%dma_wait3A_188, %dma_wait3A_189] : memref<10240x128xf32, #tpu.memory_space<vmem_shared>> -> memref<10240x128xf32, #tpu.memory_space<vmem_shared>>
        tpu.wait_indirect_dma semaphore(%arg16 : memref<!tpu.dma_semaphore, #tpu.memory_space<semaphore_mem>>) src(%arg11 : memref<128x128xf32, #tpu.memory_space<vmem>>) dst(%dma_wait3A_190 : memref<10240x128xf32, #tpu.memory_space<vmem_shared>>)
        %dma_start3A_191 = arith.constant 6 : i32
        %dma_start3A_192 = arith.constant 0 : i32
        %dma_start3A_193 = tpu.memref_slice %arg9[%dma_start3A_191, %dma_start3A_192] : memref<8x128xi32, #tpu.memory_space<vmem>> -> memref<1x128xi32, #tpu.memory_space<vmem>>
        %dma_start3A_194 = tpu.memref_squeeze %dma_start3A_193 : memref<1x128xi32, #tpu.memory_space<vmem>> -> memref<128xi32, #tpu.memory_space<vmem>>
        %dma_start3A_195 = arith.constant 0 : i32
        %dma_start3A_196 = arith.constant 0 : i32
        %dma_start3A_197 = tpu.memref_slice %arg2[%dma_start3A_195, %dma_start3A_196] : memref<10000x128xf32, #tpu.memory_space<hbm>> -> memref<10000x128xf32, #tpu.memory_space<hbm>>
        tpu.enqueue_indirect_dma source(%dma_start3A_197 : memref<10000x128xf32, #tpu.memory_space<hbm>>) target(%arg11 : memref<128x128xf32, #tpu.memory_space<vmem>>) offsets(%dma_start3A_194 : memref<128xi32, #tpu.memory_space<vmem>>) semaphore(%arg14 : memref<!tpu.dma_semaphore, #tpu.memory_space<semaphore_mem>>)
        %dma_wait3A_198 = arith.constant 5 : i32
        %dma_wait3A_199 = arith.constant 0 : i32
        %dma_wait3A_200 = tpu.memref_slice %arg9[%dma_wait3A_198, %dma_wait3A_199] : memref<8x128xi32, #tpu.memory_space<vmem>> -> memref<1x128xi32, #tpu.memory_space<vmem>>
        %dma_wait3A_201 = tpu.memref_squeeze %dma_wait3A_200 : memref<1x128xi32, #tpu.memory_space<vmem>> -> memref<128xi32, #tpu.memory_space<vmem>>
        %dma_wait3A_202 = arith.constant 0 : i32
        %dma_wait3A_203 = arith.constant 0 : i32
        %dma_wait3A_204 = tpu.memref_slice %arg2[%dma_wait3A_202, %dma_wait3A_203] : memref<10000x128xf32, #tpu.memory_space<hbm>> -> memref<10000x128xf32, #tpu.memory_space<hbm>>
        tpu.wait_indirect_dma semaphore(%arg15 : memref<!tpu.dma_semaphore, #tpu.memory_space<semaphore_mem>>) src(%dma_wait3A_204 : memref<10000x128xf32, #tpu.memory_space<hbm>>) dst(%arg12 : memref<128x128xf32, #tpu.memory_space<vmem>>)
        %dma_start3A_205 = arith.constant 5 : i32
        %dma_start3A_206 = arith.constant 0 : i32
        %dma_start3A_207 = tpu.memref_slice %arg10[%dma_start3A_205, %dma_start3A_206] : memref<8x128xi32, #tpu.memory_space<vmem>> -> memref<1x128xi32, #tpu.memory_space<vmem>>
        %dma_start3A_208 = tpu.memref_squeeze %dma_start3A_207 : memref<1x128xi32, #tpu.memory_space<vmem>> -> memref<128xi32, #tpu.memory_space<vmem>>
        %dma_start3A_209 = arith.constant 0 : i32
        %dma_start3A_210 = arith.constant 0 : i32
        %dma_start3A_211 = tpu.memref_slice %arg13[%dma_start3A_209, %dma_start3A_210] : memref<10240x128xf32, #tpu.memory_space<vmem_shared>> -> memref<10240x128xf32, #tpu.memory_space<vmem_shared>>
        tpu.enqueue_indirect_dma source(%arg12 : memref<128x128xf32, #tpu.memory_space<vmem>>) target(%dma_start3A_211 : memref<10240x128xf32, #tpu.memory_space<vmem_shared>>) offsets(%dma_start3A_208 : memref<128xi32, #tpu.memory_space<vmem>>) semaphore(%arg17 : memref<!tpu.dma_semaphore, #tpu.memory_space<semaphore_mem>>) {add = true}
        %dma_wait3A_212 = arith.constant 5 : i32
        %dma_wait3A_213 = arith.constant 0 : i32
        %dma_wait3A_214 = tpu.memref_slice %arg10[%dma_wait3A_212, %dma_wait3A_213] : memref<8x128xi32, #tpu.memory_space<vmem>> -> memref<1x128xi32, #tpu.memory_space<vmem>>
        %dma_wait3A_215 = tpu.memref_squeeze %dma_wait3A_214 : memref<1x128xi32, #tpu.memory_space<vmem>> -> memref<128xi32, #tpu.memory_space<vmem>>
        %dma_wait3A_216 = arith.constant 0 : i32
        %dma_wait3A_217 = arith.constant 0 : i32
        %dma_wait3A_218 = tpu.memref_slice %arg13[%dma_wait3A_216, %dma_wait3A_217] : memref<10240x128xf32, #tpu.memory_space<vmem_shared>> -> memref<10240x128xf32, #tpu.memory_space<vmem_shared>>
        tpu.wait_indirect_dma semaphore(%arg17 : memref<!tpu.dma_semaphore, #tpu.memory_space<semaphore_mem>>) src(%arg12 : memref<128x128xf32, #tpu.memory_space<vmem>>) dst(%dma_wait3A_218 : memref<10240x128xf32, #tpu.memory_space<vmem_shared>>)
        %dma_start3A_219 = arith.constant 7 : i32
        %dma_start3A_220 = arith.constant 0 : i32
        %dma_start3A_221 = tpu.memref_slice %arg9[%dma_start3A_219, %dma_start3A_220] : memref<8x128xi32, #tpu.memory_space<vmem>> -> memref<1x128xi32, #tpu.memory_space<vmem>>
        %dma_start3A_222 = tpu.memref_squeeze %dma_start3A_221 : memref<1x128xi32, #tpu.memory_space<vmem>> -> memref<128xi32, #tpu.memory_space<vmem>>
        %dma_start3A_223 = arith.constant 0 : i32
        %dma_start3A_224 = arith.constant 0 : i32
        %dma_start3A_225 = tpu.memref_slice %arg2[%dma_start3A_223, %dma_start3A_224] : memref<10000x128xf32, #tpu.memory_space<hbm>> -> memref<10000x128xf32, #tpu.memory_space<hbm>>
        tpu.enqueue_indirect_dma source(%dma_start3A_225 : memref<10000x128xf32, #tpu.memory_space<hbm>>) target(%arg12 : memref<128x128xf32, #tpu.memory_space<vmem>>) offsets(%dma_start3A_222 : memref<128xi32, #tpu.memory_space<vmem>>) semaphore(%arg15 : memref<!tpu.dma_semaphore, #tpu.memory_space<semaphore_mem>>)
        %dma_wait3A_226 = arith.constant 6 : i32
        %dma_wait3A_227 = arith.constant 0 : i32
        %dma_wait3A_228 = tpu.memref_slice %arg9[%dma_wait3A_226, %dma_wait3A_227] : memref<8x128xi32, #tpu.memory_space<vmem>> -> memref<1x128xi32, #tpu.memory_space<vmem>>
        %dma_wait3A_229 = tpu.memref_squeeze %dma_wait3A_228 : memref<1x128xi32, #tpu.memory_space<vmem>> -> memref<128xi32, #tpu.memory_space<vmem>>
        %dma_wait3A_230 = arith.constant 0 : i32
        %dma_wait3A_231 = arith.constant 0 : i32
        %dma_wait3A_232 = tpu.memref_slice %arg2[%dma_wait3A_230, %dma_wait3A_231] : memref<10000x128xf32, #tpu.memory_space<hbm>> -> memref<10000x128xf32, #tpu.memory_space<hbm>>
        tpu.wait_indirect_dma semaphore(%arg14 : memref<!tpu.dma_semaphore, #tpu.memory_space<semaphore_mem>>) src(%dma_wait3A_232 : memref<10000x128xf32, #tpu.memory_space<hbm>>) dst(%arg11 : memref<128x128xf32, #tpu.memory_space<vmem>>)
        %dma_start3A_233 = arith.constant 6 : i32
        %dma_start3A_234 = arith.constant 0 : i32
        %dma_start3A_235 = tpu.memref_slice %arg10[%dma_start3A_233, %dma_start3A_234] : memref<8x128xi32, #tpu.memory_space<vmem>> -> memref<1x128xi32, #tpu.memory_space<vmem>>
        %dma_start3A_236 = tpu.memref_squeeze %dma_start3A_235 : memref<1x128xi32, #tpu.memory_space<vmem>> -> memref<128xi32, #tpu.memory_space<vmem>>
        %dma_start3A_237 = arith.constant 0 : i32
        %dma_start3A_238 = arith.constant 0 : i32
        %dma_start3A_239 = tpu.memref_slice %arg13[%dma_start3A_237, %dma_start3A_238] : memref<10240x128xf32, #tpu.memory_space<vmem_shared>> -> memref<10240x128xf32, #tpu.memory_space<vmem_shared>>
        tpu.enqueue_indirect_dma source(%arg11 : memref<128x128xf32, #tpu.memory_space<vmem>>) target(%dma_start3A_239 : memref<10240x128xf32, #tpu.memory_space<vmem_shared>>) offsets(%dma_start3A_236 : memref<128xi32, #tpu.memory_space<vmem>>) semaphore(%arg16 : memref<!tpu.dma_semaphore, #tpu.memory_space<semaphore_mem>>) {add = true}
        %dma_wait3A_240 = arith.constant 7 : i32
        %dma_wait3A_241 = arith.constant 0 : i32
        %dma_wait3A_242 = tpu.memref_slice %arg9[%dma_wait3A_240, %dma_wait3A_241] : memref<8x128xi32, #tpu.memory_space<vmem>> -> memref<1x128xi32, #tpu.memory_space<vmem>>
        %dma_wait3A_243 = tpu.memref_squeeze %dma_wait3A_242 : memref<1x128xi32, #tpu.memory_space<vmem>> -> memref<128xi32, #tpu.memory_space<vmem>>
        %dma_wait3A_244 = arith.constant 0 : i32
        %dma_wait3A_245 = arith.constant 0 : i32
        %dma_wait3A_246 = tpu.memref_slice %arg2[%dma_wait3A_244, %dma_wait3A_245] : memref<10000x128xf32, #tpu.memory_space<hbm>> -> memref<10000x128xf32, #tpu.memory_space<hbm>>
        tpu.wait_indirect_dma semaphore(%arg15 : memref<!tpu.dma_semaphore, #tpu.memory_space<semaphore_mem>>) src(%dma_wait3A_246 : memref<10000x128xf32, #tpu.memory_space<hbm>>) dst(%arg12 : memref<128x128xf32, #tpu.memory_space<vmem>>)
        %dma_start3A_247 = arith.constant 7 : i32
        %dma_start3A_248 = arith.constant 0 : i32
        %dma_start3A_249 = tpu.memref_slice %arg10[%dma_start3A_247, %dma_start3A_248] : memref<8x128xi32, #tpu.memory_space<vmem>> -> memref<1x128xi32, #tpu.memory_space<vmem>>
        %dma_start3A_250 = tpu.memref_squeeze %dma_start3A_249 : memref<1x128xi32, #tpu.memory_space<vmem>> -> memref<128xi32, #tpu.memory_space<vmem>>
        %dma_start3A_251 = arith.constant 0 : i32
        %dma_start3A_252 = arith.constant 0 : i32
        %dma_start3A_253 = tpu.memref_slice %arg13[%dma_start3A_251, %dma_start3A_252] : memref<10240x128xf32, #tpu.memory_space<vmem_shared>> -> memref<10240x128xf32, #tpu.memory_space<vmem_shared>>
        tpu.enqueue_indirect_dma source(%arg12 : memref<128x128xf32, #tpu.memory_space<vmem>>) target(%dma_start3A_253 : memref<10240x128xf32, #tpu.memory_space<vmem_shared>>) offsets(%dma_start3A_250 : memref<128xi32, #tpu.memory_space<vmem>>) semaphore(%arg17 : memref<!tpu.dma_semaphore, #tpu.memory_space<semaphore_mem>>) {add = true}
        %dma_wait3A_254 = arith.constant 6 : i32
        %dma_wait3A_255 = arith.constant 0 : i32
        %dma_wait3A_256 = tpu.memref_slice %arg10[%dma_wait3A_254, %dma_wait3A_255] : memref<8x128xi32, #tpu.memory_space<vmem>> -> memref<1x128xi32, #tpu.memory_space<vmem>>
        %dma_wait3A_257 = tpu.memref_squeeze %dma_wait3A_256 : memref<1x128xi32, #tpu.memory_space<vmem>> -> memref<128xi32, #tpu.memory_space<vmem>>
        %dma_wait3A_258 = arith.constant 0 : i32
        %dma_wait3A_259 = arith.constant 0 : i32
        %dma_wait3A_260 = tpu.memref_slice %arg13[%dma_wait3A_258, %dma_wait3A_259] : memref<10240x128xf32, #tpu.memory_space<vmem_shared>> -> memref<10240x128xf32, #tpu.memory_space<vmem_shared>>
        tpu.wait_indirect_dma semaphore(%arg16 : memref<!tpu.dma_semaphore, #tpu.memory_space<semaphore_mem>>) src(%arg11 : memref<128x128xf32, #tpu.memory_space<vmem>>) dst(%dma_wait3A_260 : memref<10240x128xf32, #tpu.memory_space<vmem_shared>>)
        %dma_wait3A_261 = arith.constant 7 : i32
        %dma_wait3A_262 = arith.constant 0 : i32
        %dma_wait3A_263 = tpu.memref_slice %arg10[%dma_wait3A_261, %dma_wait3A_262] : memref<8x128xi32, #tpu.memory_space<vmem>> -> memref<1x128xi32, #tpu.memory_space<vmem>>
        %dma_wait3A_264 = tpu.memref_squeeze %dma_wait3A_263 : memref<1x128xi32, #tpu.memory_space<vmem>> -> memref<128xi32, #tpu.memory_space<vmem>>
        %dma_wait3A_265 = arith.constant 0 : i32
        %dma_wait3A_266 = arith.constant 0 : i32
        %dma_wait3A_267 = tpu.memref_slice %arg13[%dma_wait3A_265, %dma_wait3A_266] : memref<10240x128xf32, #tpu.memory_space<vmem_shared>> -> memref<10240x128xf32, #tpu.memory_space<vmem_shared>>
        tpu.wait_indirect_dma semaphore(%arg17 : memref<!tpu.dma_semaphore, #tpu.memory_space<semaphore_mem>>) src(%arg12 : memref<128x128xf32, #tpu.memory_space<vmem>>) dst(%dma_wait3A_267 : memref<10240x128xf32, #tpu.memory_space<vmem_shared>>)
      }
      %scan3A_40 = arith.constant 20 : i32
    } else {
    }
    %eq3A_20 = arith.constant 1 : i32
    %eq3A_21 = arith.cmpi eq, %arg0, %eq3A_20 : i32
    %convert_element_type3A_22 = arith.extui %eq3A_21 : i1 to i32
    %cond3A_23 = arith.constant 0 : i32
    %cond3A_24 = arith.cmpi ne, %convert_element_type3A_22, %cond3A_23 : i32
    scf.if %cond3A_24 {
      %scan3A = arith.constant 0 : i32
      %scan3A_36 = arith.constant 0 : i32
      %scan3A_37 = arith.constant 20 : i32
      %scan3A_38 = arith.addi %scan3A_36, %scan3A_37 : i32
      %scan3A_39 = arith.constant 1 : i32
      scf.for %scan3A_41 = %scan3A_36 to %scan3A_38 step %scan3A_39  : i32 {
        %mul3A_42 = arith.constant 8 : i32
        %mul3A_43 = arith.muli %scan3A_41, %mul3A_42 : i32
        "tpu.region"() ({
          %run_scoped3A = tpu.sem_alloc : memref<!tpu.dma_semaphore, #tpu.memory_space<semaphore_mem>>
          %dma_start3A_268 = arith.constant 0 : i32
          %dma_start3A_269 = tpu.memref_slice %arg4[%arg1, %mul3A_43, %dma_start3A_268] : memref<16x160x128xi32, #tpu.memory_space<hbm>> -> memref<1x8x128xi32, #tpu.memory_space<hbm>>
          %dma_start3A_270 = tpu.memref_squeeze %dma_start3A_269 : memref<1x8x128xi32, #tpu.memory_space<hbm>> -> memref<8x128xi32, #tpu.memory_space<hbm>>
          %dma_start3A_271 = arith.constant 0 : i32
          %dma_start3A_272 = tpu.memref_slice %arg4[%arg1, %mul3A_43, %dma_start3A_271] : memref<16x160x128xi32, #tpu.memory_space<hbm>> -> memref<1x8x128xi32, #tpu.memory_space<hbm>>
          %dma_start3A_273 = tpu.memref_squeeze %dma_start3A_272 : memref<1x8x128xi32, #tpu.memory_space<hbm>> -> memref<8x128xi32, #tpu.memory_space<hbm>>
          tpu.enqueue_dma source(%dma_start3A_273 : memref<8x128xi32, #tpu.memory_space<hbm>>) target(%arg9 : memref<8x128xi32, #tpu.memory_space<vmem>>) target_semaphore(%run_scoped3A : memref<!tpu.dma_semaphore, #tpu.memory_space<semaphore_mem>>)
          %dma_wait3A_274 = arith.constant 0 : i32
          %dma_wait3A_275 = tpu.memref_slice %arg4[%arg1, %mul3A_43, %dma_wait3A_274] : memref<16x160x128xi32, #tpu.memory_space<hbm>> -> memref<1x8x128xi32, #tpu.memory_space<hbm>>
          %dma_wait3A_276 = tpu.memref_squeeze %dma_wait3A_275 : memref<1x8x128xi32, #tpu.memory_space<hbm>> -> memref<8x128xi32, #tpu.memory_space<hbm>>
          %dma_wait3A_277 = arith.constant 0 : i32
          %dma_wait3A_278 = tpu.memref_slice %arg4[%arg1, %mul3A_43, %dma_wait3A_277] : memref<16x160x128xi32, #tpu.memory_space<hbm>> -> memref<1x8x128xi32, #tpu.memory_space<hbm>>
          %dma_wait3A_279 = tpu.memref_squeeze %dma_wait3A_278 : memref<1x8x128xi32, #tpu.memory_space<hbm>> -> memref<8x128xi32, #tpu.memory_space<hbm>>
          tpu.wait_dma2 semaphore(%run_scoped3A : memref<!tpu.dma_semaphore, #tpu.memory_space<semaphore_mem>>) src(%dma_wait3A_279 : memref<8x128xi32, #tpu.memory_space<hbm>>) dst(%arg9 : memref<8x128xi32, #tpu.memory_space<vmem>>)
          tpu.yield
        }) : () -> ()
        %mul3A_44 = arith.constant 8 : i32
        %mul3A_45 = arith.muli %scan3A_41, %mul3A_44 : i32
        "tpu.region"() ({
          %run_scoped3A = tpu.sem_alloc : memref<!tpu.dma_semaphore, #tpu.memory_space<semaphore_mem>>
          %dma_start3A_268 = arith.constant 0 : i32
          %dma_start3A_269 = tpu.memref_slice %arg5[%arg1, %mul3A_45, %dma_start3A_268] : memref<16x160x128xi32, #tpu.memory_space<hbm>> -> memref<1x8x128xi32, #tpu.memory_space<hbm>>
          %dma_start3A_270 = tpu.memref_squeeze %dma_start3A_269 : memref<1x8x128xi32, #tpu.memory_space<hbm>> -> memref<8x128xi32, #tpu.memory_space<hbm>>
          %dma_start3A_271 = arith.constant 0 : i32
          %dma_start3A_272 = tpu.memref_slice %arg5[%arg1, %mul3A_45, %dma_start3A_271] : memref<16x160x128xi32, #tpu.memory_space<hbm>> -> memref<1x8x128xi32, #tpu.memory_space<hbm>>
          %dma_start3A_273 = tpu.memref_squeeze %dma_start3A_272 : memref<1x8x128xi32, #tpu.memory_space<hbm>> -> memref<8x128xi32, #tpu.memory_space<hbm>>
          tpu.enqueue_dma source(%dma_start3A_273 : memref<8x128xi32, #tpu.memory_space<hbm>>) target(%arg10 : memref<8x128xi32, #tpu.memory_space<vmem>>) target_semaphore(%run_scoped3A : memref<!tpu.dma_semaphore, #tpu.memory_space<semaphore_mem>>)
          %dma_wait3A_274 = arith.constant 0 : i32
          %dma_wait3A_275 = tpu.memref_slice %arg5[%arg1, %mul3A_45, %dma_wait3A_274] : memref<16x160x128xi32, #tpu.memory_space<hbm>> -> memref<1x8x128xi32, #tpu.memory_space<hbm>>
          %dma_wait3A_276 = tpu.memref_squeeze %dma_wait3A_275 : memref<1x8x128xi32, #tpu.memory_space<hbm>> -> memref<8x128xi32, #tpu.memory_space<hbm>>
          %dma_wait3A_277 = arith.constant 0 : i32
          %dma_wait3A_278 = tpu.memref_slice %arg5[%arg1, %mul3A_45, %dma_wait3A_277] : memref<16x160x128xi32, #tpu.memory_space<hbm>> -> memref<1x8x128xi32, #tpu.memory_space<hbm>>
          %dma_wait3A_279 = tpu.memref_squeeze %dma_wait3A_278 : memref<1x8x128xi32, #tpu.memory_space<hbm>> -> memref<8x128xi32, #tpu.memory_space<hbm>>
          tpu.wait_dma2 semaphore(%run_scoped3A : memref<!tpu.dma_semaphore, #tpu.memory_space<semaphore_mem>>) src(%dma_wait3A_279 : memref<8x128xi32, #tpu.memory_space<hbm>>) dst(%arg10 : memref<8x128xi32, #tpu.memory_space<vmem>>)
          tpu.yield
        }) : () -> ()
        %dma_start3A = arith.constant 0 : i32
        %dma_start3A_46 = arith.constant 0 : i32
        %dma_start3A_47 = tpu.memref_slice %arg9[%dma_start3A, %dma_start3A_46] : memref<8x128xi32, #tpu.memory_space<vmem>> -> memref<1x128xi32, #tpu.memory_space<vmem>>
        %dma_start3A_48 = tpu.memref_squeeze %dma_start3A_47 : memref<1x128xi32, #tpu.memory_space<vmem>> -> memref<128xi32, #tpu.memory_space<vmem>>
        %dma_start3A_49 = arith.constant 0 : i32
        %dma_start3A_50 = arith.constant 0 : i32
        %dma_start3A_51 = tpu.memref_slice %arg3[%dma_start3A_49, %dma_start3A_50] : memref<10000x128xf32, #tpu.memory_space<hbm>> -> memref<10000x128xf32, #tpu.memory_space<hbm>>
        tpu.enqueue_indirect_dma source(%dma_start3A_51 : memref<10000x128xf32, #tpu.memory_space<hbm>>) target(%arg11 : memref<128x128xf32, #tpu.memory_space<vmem>>) offsets(%dma_start3A_48 : memref<128xi32, #tpu.memory_space<vmem>>) semaphore(%arg14 : memref<!tpu.dma_semaphore, #tpu.memory_space<semaphore_mem>>)
        %dma_start3A_52 = arith.constant 1 : i32
        %dma_start3A_53 = arith.constant 0 : i32
        %dma_start3A_54 = tpu.memref_slice %arg9[%dma_start3A_52, %dma_start3A_53] : memref<8x128xi32, #tpu.memory_space<vmem>> -> memref<1x128xi32, #tpu.memory_space<vmem>>
        %dma_start3A_55 = tpu.memref_squeeze %dma_start3A_54 : memref<1x128xi32, #tpu.memory_space<vmem>> -> memref<128xi32, #tpu.memory_space<vmem>>
        %dma_start3A_56 = arith.constant 0 : i32
        %dma_start3A_57 = arith.constant 0 : i32
        %dma_start3A_58 = tpu.memref_slice %arg3[%dma_start3A_56, %dma_start3A_57] : memref<10000x128xf32, #tpu.memory_space<hbm>> -> memref<10000x128xf32, #tpu.memory_space<hbm>>
        tpu.enqueue_indirect_dma source(%dma_start3A_58 : memref<10000x128xf32, #tpu.memory_space<hbm>>) target(%arg12 : memref<128x128xf32, #tpu.memory_space<vmem>>) offsets(%dma_start3A_55 : memref<128xi32, #tpu.memory_space<vmem>>) semaphore(%arg15 : memref<!tpu.dma_semaphore, #tpu.memory_space<semaphore_mem>>)
        %dma_wait3A = arith.constant 0 : i32
        %dma_wait3A_59 = arith.constant 0 : i32
        %dma_wait3A_60 = tpu.memref_slice %arg9[%dma_wait3A, %dma_wait3A_59] : memref<8x128xi32, #tpu.memory_space<vmem>> -> memref<1x128xi32, #tpu.memory_space<vmem>>
        %dma_wait3A_61 = tpu.memref_squeeze %dma_wait3A_60 : memref<1x128xi32, #tpu.memory_space<vmem>> -> memref<128xi32, #tpu.memory_space<vmem>>
        %dma_wait3A_62 = arith.constant 0 : i32
        %dma_wait3A_63 = arith.constant 0 : i32
        %dma_wait3A_64 = tpu.memref_slice %arg3[%dma_wait3A_62, %dma_wait3A_63] : memref<10000x128xf32, #tpu.memory_space<hbm>> -> memref<10000x128xf32, #tpu.memory_space<hbm>>
        tpu.wait_indirect_dma semaphore(%arg14 : memref<!tpu.dma_semaphore, #tpu.memory_space<semaphore_mem>>) src(%dma_wait3A_64 : memref<10000x128xf32, #tpu.memory_space<hbm>>) dst(%arg11 : memref<128x128xf32, #tpu.memory_space<vmem>>)
        %dma_start3A_65 = arith.constant 0 : i32
        %dma_start3A_66 = arith.constant 0 : i32
        %dma_start3A_67 = tpu.memref_slice %arg10[%dma_start3A_65, %dma_start3A_66] : memref<8x128xi32, #tpu.memory_space<vmem>> -> memref<1x128xi32, #tpu.memory_space<vmem>>
        %dma_start3A_68 = tpu.memref_squeeze %dma_start3A_67 : memref<1x128xi32, #tpu.memory_space<vmem>> -> memref<128xi32, #tpu.memory_space<vmem>>
        %dma_start3A_69 = arith.constant 0 : i32
        %dma_start3A_70 = arith.constant 0 : i32
        %dma_start3A_71 = tpu.memref_slice %arg13[%dma_start3A_69, %dma_start3A_70] : memref<10240x128xf32, #tpu.memory_space<vmem_shared>> -> memref<10240x128xf32, #tpu.memory_space<vmem_shared>>
        tpu.enqueue_indirect_dma source(%arg11 : memref<128x128xf32, #tpu.memory_space<vmem>>) target(%dma_start3A_71 : memref<10240x128xf32, #tpu.memory_space<vmem_shared>>) offsets(%dma_start3A_68 : memref<128xi32, #tpu.memory_space<vmem>>) semaphore(%arg16 : memref<!tpu.dma_semaphore, #tpu.memory_space<semaphore_mem>>) {add = true}
        %dma_wait3A_72 = arith.constant 0 : i32
        %dma_wait3A_73 = arith.constant 0 : i32
        %dma_wait3A_74 = tpu.memref_slice %arg10[%dma_wait3A_72, %dma_wait3A_73] : memref<8x128xi32, #tpu.memory_space<vmem>> -> memref<1x128xi32, #tpu.memory_space<vmem>>
        %dma_wait3A_75 = tpu.memref_squeeze %dma_wait3A_74 : memref<1x128xi32, #tpu.memory_space<vmem>> -> memref<128xi32, #tpu.memory_space<vmem>>
        %dma_wait3A_76 = arith.constant 0 : i32
        %dma_wait3A_77 = arith.constant 0 : i32
        %dma_wait3A_78 = tpu.memref_slice %arg13[%dma_wait3A_76, %dma_wait3A_77] : memref<10240x128xf32, #tpu.memory_space<vmem_shared>> -> memref<10240x128xf32, #tpu.memory_space<vmem_shared>>
        tpu.wait_indirect_dma semaphore(%arg16 : memref<!tpu.dma_semaphore, #tpu.memory_space<semaphore_mem>>) src(%arg11 : memref<128x128xf32, #tpu.memory_space<vmem>>) dst(%dma_wait3A_78 : memref<10240x128xf32, #tpu.memory_space<vmem_shared>>)
        %dma_start3A_79 = arith.constant 2 : i32
        %dma_start3A_80 = arith.constant 0 : i32
        %dma_start3A_81 = tpu.memref_slice %arg9[%dma_start3A_79, %dma_start3A_80] : memref<8x128xi32, #tpu.memory_space<vmem>> -> memref<1x128xi32, #tpu.memory_space<vmem>>
        %dma_start3A_82 = tpu.memref_squeeze %dma_start3A_81 : memref<1x128xi32, #tpu.memory_space<vmem>> -> memref<128xi32, #tpu.memory_space<vmem>>
        %dma_start3A_83 = arith.constant 0 : i32
        %dma_start3A_84 = arith.constant 0 : i32
        %dma_start3A_85 = tpu.memref_slice %arg3[%dma_start3A_83, %dma_start3A_84] : memref<10000x128xf32, #tpu.memory_space<hbm>> -> memref<10000x128xf32, #tpu.memory_space<hbm>>
        tpu.enqueue_indirect_dma source(%dma_start3A_85 : memref<10000x128xf32, #tpu.memory_space<hbm>>) target(%arg11 : memref<128x128xf32, #tpu.memory_space<vmem>>) offsets(%dma_start3A_82 : memref<128xi32, #tpu.memory_space<vmem>>) semaphore(%arg14 : memref<!tpu.dma_semaphore, #tpu.memory_space<semaphore_mem>>)
        %dma_wait3A_86 = arith.constant 1 : i32
        %dma_wait3A_87 = arith.constant 0 : i32
        %dma_wait3A_88 = tpu.memref_slice %arg9[%dma_wait3A_86, %dma_wait3A_87] : memref<8x128xi32, #tpu.memory_space<vmem>> -> memref<1x128xi32, #tpu.memory_space<vmem>>
        %dma_wait3A_89 = tpu.memref_squeeze %dma_wait3A_88 : memref<1x128xi32, #tpu.memory_space<vmem>> -> memref<128xi32, #tpu.memory_space<vmem>>
        %dma_wait3A_90 = arith.constant 0 : i32
        %dma_wait3A_91 = arith.constant 0 : i32
        %dma_wait3A_92 = tpu.memref_slice %arg3[%dma_wait3A_90, %dma_wait3A_91] : memref<10000x128xf32, #tpu.memory_space<hbm>> -> memref<10000x128xf32, #tpu.memory_space<hbm>>
        tpu.wait_indirect_dma semaphore(%arg15 : memref<!tpu.dma_semaphore, #tpu.memory_space<semaphore_mem>>) src(%dma_wait3A_92 : memref<10000x128xf32, #tpu.memory_space<hbm>>) dst(%arg12 : memref<128x128xf32, #tpu.memory_space<vmem>>)
        %dma_start3A_93 = arith.constant 1 : i32
        %dma_start3A_94 = arith.constant 0 : i32
        %dma_start3A_95 = tpu.memref_slice %arg10[%dma_start3A_93, %dma_start3A_94] : memref<8x128xi32, #tpu.memory_space<vmem>> -> memref<1x128xi32, #tpu.memory_space<vmem>>
        %dma_start3A_96 = tpu.memref_squeeze %dma_start3A_95 : memref<1x128xi32, #tpu.memory_space<vmem>> -> memref<128xi32, #tpu.memory_space<vmem>>
        %dma_start3A_97 = arith.constant 0 : i32
        %dma_start3A_98 = arith.constant 0 : i32
        %dma_start3A_99 = tpu.memref_slice %arg13[%dma_start3A_97, %dma_start3A_98] : memref<10240x128xf32, #tpu.memory_space<vmem_shared>> -> memref<10240x128xf32, #tpu.memory_space<vmem_shared>>
        tpu.enqueue_indirect_dma source(%arg12 : memref<128x128xf32, #tpu.memory_space<vmem>>) target(%dma_start3A_99 : memref<10240x128xf32, #tpu.memory_space<vmem_shared>>) offsets(%dma_start3A_96 : memref<128xi32, #tpu.memory_space<vmem>>) semaphore(%arg17 : memref<!tpu.dma_semaphore, #tpu.memory_space<semaphore_mem>>) {add = true}
        %dma_wait3A_100 = arith.constant 1 : i32
        %dma_wait3A_101 = arith.constant 0 : i32
        %dma_wait3A_102 = tpu.memref_slice %arg10[%dma_wait3A_100, %dma_wait3A_101] : memref<8x128xi32, #tpu.memory_space<vmem>> -> memref<1x128xi32, #tpu.memory_space<vmem>>
        %dma_wait3A_103 = tpu.memref_squeeze %dma_wait3A_102 : memref<1x128xi32, #tpu.memory_space<vmem>> -> memref<128xi32, #tpu.memory_space<vmem>>
        %dma_wait3A_104 = arith.constant 0 : i32
        %dma_wait3A_105 = arith.constant 0 : i32
        %dma_wait3A_106 = tpu.memref_slice %arg13[%dma_wait3A_104, %dma_wait3A_105] : memref<10240x128xf32, #tpu.memory_space<vmem_shared>> -> memref<10240x128xf32, #tpu.memory_space<vmem_shared>>
        tpu.wait_indirect_dma semaphore(%arg17 : memref<!tpu.dma_semaphore, #tpu.memory_space<semaphore_mem>>) src(%arg12 : memref<128x128xf32, #tpu.memory_space<vmem>>) dst(%dma_wait3A_106 : memref<10240x128xf32, #tpu.memory_space<vmem_shared>>)
        %dma_start3A_107 = arith.constant 3 : i32
        %dma_start3A_108 = arith.constant 0 : i32
        %dma_start3A_109 = tpu.memref_slice %arg9[%dma_start3A_107, %dma_start3A_108] : memref<8x128xi32, #tpu.memory_space<vmem>> -> memref<1x128xi32, #tpu.memory_space<vmem>>
        %dma_start3A_110 = tpu.memref_squeeze %dma_start3A_109 : memref<1x128xi32, #tpu.memory_space<vmem>> -> memref<128xi32, #tpu.memory_space<vmem>>
        %dma_start3A_111 = arith.constant 0 : i32
        %dma_start3A_112 = arith.constant 0 : i32
        %dma_start3A_113 = tpu.memref_slice %arg3[%dma_start3A_111, %dma_start3A_112] : memref<10000x128xf32, #tpu.memory_space<hbm>> -> memref<10000x128xf32, #tpu.memory_space<hbm>>
        tpu.enqueue_indirect_dma source(%dma_start3A_113 : memref<10000x128xf32, #tpu.memory_space<hbm>>) target(%arg12 : memref<128x128xf32, #tpu.memory_space<vmem>>) offsets(%dma_start3A_110 : memref<128xi32, #tpu.memory_space<vmem>>) semaphore(%arg15 : memref<!tpu.dma_semaphore, #tpu.memory_space<semaphore_mem>>)
        %dma_wait3A_114 = arith.constant 2 : i32
        %dma_wait3A_115 = arith.constant 0 : i32
        %dma_wait3A_116 = tpu.memref_slice %arg9[%dma_wait3A_114, %dma_wait3A_115] : memref<8x128xi32, #tpu.memory_space<vmem>> -> memref<1x128xi32, #tpu.memory_space<vmem>>
        %dma_wait3A_117 = tpu.memref_squeeze %dma_wait3A_116 : memref<1x128xi32, #tpu.memory_space<vmem>> -> memref<128xi32, #tpu.memory_space<vmem>>
        %dma_wait3A_118 = arith.constant 0 : i32
        %dma_wait3A_119 = arith.constant 0 : i32
        %dma_wait3A_120 = tpu.memref_slice %arg3[%dma_wait3A_118, %dma_wait3A_119] : memref<10000x128xf32, #tpu.memory_space<hbm>> -> memref<10000x128xf32, #tpu.memory_space<hbm>>
        tpu.wait_indirect_dma semaphore(%arg14 : memref<!tpu.dma_semaphore, #tpu.memory_space<semaphore_mem>>) src(%dma_wait3A_120 : memref<10000x128xf32, #tpu.memory_space<hbm>>) dst(%arg11 : memref<128x128xf32, #tpu.memory_space<vmem>>)
        %dma_start3A_121 = arith.constant 2 : i32
        %dma_start3A_122 = arith.constant 0 : i32
        %dma_start3A_123 = tpu.memref_slice %arg10[%dma_start3A_121, %dma_start3A_122] : memref<8x128xi32, #tpu.memory_space<vmem>> -> memref<1x128xi32, #tpu.memory_space<vmem>>
        %dma_start3A_124 = tpu.memref_squeeze %dma_start3A_123 : memref<1x128xi32, #tpu.memory_space<vmem>> -> memref<128xi32, #tpu.memory_space<vmem>>
        %dma_start3A_125 = arith.constant 0 : i32
        %dma_start3A_126 = arith.constant 0 : i32
        %dma_start3A_127 = tpu.memref_slice %arg13[%dma_start3A_125, %dma_start3A_126] : memref<10240x128xf32, #tpu.memory_space<vmem_shared>> -> memref<10240x128xf32, #tpu.memory_space<vmem_shared>>
        tpu.enqueue_indirect_dma source(%arg11 : memref<128x128xf32, #tpu.memory_space<vmem>>) target(%dma_start3A_127 : memref<10240x128xf32, #tpu.memory_space<vmem_shared>>) offsets(%dma_start3A_124 : memref<128xi32, #tpu.memory_space<vmem>>) semaphore(%arg16 : memref<!tpu.dma_semaphore, #tpu.memory_space<semaphore_mem>>) {add = true}
        %dma_wait3A_128 = arith.constant 2 : i32
        %dma_wait3A_129 = arith.constant 0 : i32
        %dma_wait3A_130 = tpu.memref_slice %arg10[%dma_wait3A_128, %dma_wait3A_129] : memref<8x128xi32, #tpu.memory_space<vmem>> -> memref<1x128xi32, #tpu.memory_space<vmem>>
        %dma_wait3A_131 = tpu.memref_squeeze %dma_wait3A_130 : memref<1x128xi32, #tpu.memory_space<vmem>> -> memref<128xi32, #tpu.memory_space<vmem>>
        %dma_wait3A_132 = arith.constant 0 : i32
        %dma_wait3A_133 = arith.constant 0 : i32
        %dma_wait3A_134 = tpu.memref_slice %arg13[%dma_wait3A_132, %dma_wait3A_133] : memref<10240x128xf32, #tpu.memory_space<vmem_shared>> -> memref<10240x128xf32, #tpu.memory_space<vmem_shared>>
        tpu.wait_indirect_dma semaphore(%arg16 : memref<!tpu.dma_semaphore, #tpu.memory_space<semaphore_mem>>) src(%arg11 : memref<128x128xf32, #tpu.memory_space<vmem>>) dst(%dma_wait3A_134 : memref<10240x128xf32, #tpu.memory_space<vmem_shared>>)
        %dma_start3A_135 = arith.constant 4 : i32
        %dma_start3A_136 = arith.constant 0 : i32
        %dma_start3A_137 = tpu.memref_slice %arg9[%dma_start3A_135, %dma_start3A_136] : memref<8x128xi32, #tpu.memory_space<vmem>> -> memref<1x128xi32, #tpu.memory_space<vmem>>
        %dma_start3A_138 = tpu.memref_squeeze %dma_start3A_137 : memref<1x128xi32, #tpu.memory_space<vmem>> -> memref<128xi32, #tpu.memory_space<vmem>>
        %dma_start3A_139 = arith.constant 0 : i32
        %dma_start3A_140 = arith.constant 0 : i32
        %dma_start3A_141 = tpu.memref_slice %arg3[%dma_start3A_139, %dma_start3A_140] : memref<10000x128xf32, #tpu.memory_space<hbm>> -> memref<10000x128xf32, #tpu.memory_space<hbm>>
        tpu.enqueue_indirect_dma source(%dma_start3A_141 : memref<10000x128xf32, #tpu.memory_space<hbm>>) target(%arg11 : memref<128x128xf32, #tpu.memory_space<vmem>>) offsets(%dma_start3A_138 : memref<128xi32, #tpu.memory_space<vmem>>) semaphore(%arg14 : memref<!tpu.dma_semaphore, #tpu.memory_space<semaphore_mem>>)
        %dma_wait3A_142 = arith.constant 3 : i32
        %dma_wait3A_143 = arith.constant 0 : i32
        %dma_wait3A_144 = tpu.memref_slice %arg9[%dma_wait3A_142, %dma_wait3A_143] : memref<8x128xi32, #tpu.memory_space<vmem>> -> memref<1x128xi32, #tpu.memory_space<vmem>>
        %dma_wait3A_145 = tpu.memref_squeeze %dma_wait3A_144 : memref<1x128xi32, #tpu.memory_space<vmem>> -> memref<128xi32, #tpu.memory_space<vmem>>
        %dma_wait3A_146 = arith.constant 0 : i32
        %dma_wait3A_147 = arith.constant 0 : i32
        %dma_wait3A_148 = tpu.memref_slice %arg3[%dma_wait3A_146, %dma_wait3A_147] : memref<10000x128xf32, #tpu.memory_space<hbm>> -> memref<10000x128xf32, #tpu.memory_space<hbm>>
        tpu.wait_indirect_dma semaphore(%arg15 : memref<!tpu.dma_semaphore, #tpu.memory_space<semaphore_mem>>) src(%dma_wait3A_148 : memref<10000x128xf32, #tpu.memory_space<hbm>>) dst(%arg12 : memref<128x128xf32, #tpu.memory_space<vmem>>)
        %dma_start3A_149 = arith.constant 3 : i32
        %dma_start3A_150 = arith.constant 0 : i32
        %dma_start3A_151 = tpu.memref_slice %arg10[%dma_start3A_149, %dma_start3A_150] : memref<8x128xi32, #tpu.memory_space<vmem>> -> memref<1x128xi32, #tpu.memory_space<vmem>>
        %dma_start3A_152 = tpu.memref_squeeze %dma_start3A_151 : memref<1x128xi32, #tpu.memory_space<vmem>> -> memref<128xi32, #tpu.memory_space<vmem>>
        %dma_start3A_153 = arith.constant 0 : i32
        %dma_start3A_154 = arith.constant 0 : i32
        %dma_start3A_155 = tpu.memref_slice %arg13[%dma_start3A_153, %dma_start3A_154] : memref<10240x128xf32, #tpu.memory_space<vmem_shared>> -> memref<10240x128xf32, #tpu.memory_space<vmem_shared>>
        tpu.enqueue_indirect_dma source(%arg12 : memref<128x128xf32, #tpu.memory_space<vmem>>) target(%dma_start3A_155 : memref<10240x128xf32, #tpu.memory_space<vmem_shared>>) offsets(%dma_start3A_152 : memref<128xi32, #tpu.memory_space<vmem>>) semaphore(%arg17 : memref<!tpu.dma_semaphore, #tpu.memory_space<semaphore_mem>>) {add = true}
        %dma_wait3A_156 = arith.constant 3 : i32
        %dma_wait3A_157 = arith.constant 0 : i32
        %dma_wait3A_158 = tpu.memref_slice %arg10[%dma_wait3A_156, %dma_wait3A_157] : memref<8x128xi32, #tpu.memory_space<vmem>> -> memref<1x128xi32, #tpu.memory_space<vmem>>
        %dma_wait3A_159 = tpu.memref_squeeze %dma_wait3A_158 : memref<1x128xi32, #tpu.memory_space<vmem>> -> memref<128xi32, #tpu.memory_space<vmem>>
        %dma_wait3A_160 = arith.constant 0 : i32
        %dma_wait3A_161 = arith.constant 0 : i32
        %dma_wait3A_162 = tpu.memref_slice %arg13[%dma_wait3A_160, %dma_wait3A_161] : memref<10240x128xf32, #tpu.memory_space<vmem_shared>> -> memref<10240x128xf32, #tpu.memory_space<vmem_shared>>
        tpu.wait_indirect_dma semaphore(%arg17 : memref<!tpu.dma_semaphore, #tpu.memory_space<semaphore_mem>>) src(%arg12 : memref<128x128xf32, #tpu.memory_space<vmem>>) dst(%dma_wait3A_162 : memref<10240x128xf32, #tpu.memory_space<vmem_shared>>)
        %dma_start3A_163 = arith.constant 5 : i32
        %dma_start3A_164 = arith.constant 0 : i32
        %dma_start3A_165 = tpu.memref_slice %arg9[%dma_start3A_163, %dma_start3A_164] : memref<8x128xi32, #tpu.memory_space<vmem>> -> memref<1x128xi32, #tpu.memory_space<vmem>>
        %dma_start3A_166 = tpu.memref_squeeze %dma_start3A_165 : memref<1x128xi32, #tpu.memory_space<vmem>> -> memref<128xi32, #tpu.memory_space<vmem>>
        %dma_start3A_167 = arith.constant 0 : i32
        %dma_start3A_168 = arith.constant 0 : i32
        %dma_start3A_169 = tpu.memref_slice %arg3[%dma_start3A_167, %dma_start3A_168] : memref<10000x128xf32, #tpu.memory_space<hbm>> -> memref<10000x128xf32, #tpu.memory_space<hbm>>
        tpu.enqueue_indirect_dma source(%dma_start3A_169 : memref<10000x128xf32, #tpu.memory_space<hbm>>) target(%arg12 : memref<128x128xf32, #tpu.memory_space<vmem>>) offsets(%dma_start3A_166 : memref<128xi32, #tpu.memory_space<vmem>>) semaphore(%arg15 : memref<!tpu.dma_semaphore, #tpu.memory_space<semaphore_mem>>)
        %dma_wait3A_170 = arith.constant 4 : i32
        %dma_wait3A_171 = arith.constant 0 : i32
        %dma_wait3A_172 = tpu.memref_slice %arg9[%dma_wait3A_170, %dma_wait3A_171] : memref<8x128xi32, #tpu.memory_space<vmem>> -> memref<1x128xi32, #tpu.memory_space<vmem>>
        %dma_wait3A_173 = tpu.memref_squeeze %dma_wait3A_172 : memref<1x128xi32, #tpu.memory_space<vmem>> -> memref<128xi32, #tpu.memory_space<vmem>>
        %dma_wait3A_174 = arith.constant 0 : i32
        %dma_wait3A_175 = arith.constant 0 : i32
        %dma_wait3A_176 = tpu.memref_slice %arg3[%dma_wait3A_174, %dma_wait3A_175] : memref<10000x128xf32, #tpu.memory_space<hbm>> -> memref<10000x128xf32, #tpu.memory_space<hbm>>
        tpu.wait_indirect_dma semaphore(%arg14 : memref<!tpu.dma_semaphore, #tpu.memory_space<semaphore_mem>>) src(%dma_wait3A_176 : memref<10000x128xf32, #tpu.memory_space<hbm>>) dst(%arg11 : memref<128x128xf32, #tpu.memory_space<vmem>>)
        %dma_start3A_177 = arith.constant 4 : i32
        %dma_start3A_178 = arith.constant 0 : i32
        %dma_start3A_179 = tpu.memref_slice %arg10[%dma_start3A_177, %dma_start3A_178] : memref<8x128xi32, #tpu.memory_space<vmem>> -> memref<1x128xi32, #tpu.memory_space<vmem>>
        %dma_start3A_180 = tpu.memref_squeeze %dma_start3A_179 : memref<1x128xi32, #tpu.memory_space<vmem>> -> memref<128xi32, #tpu.memory_space<vmem>>
        %dma_start3A_181 = arith.constant 0 : i32
        %dma_start3A_182 = arith.constant 0 : i32
        %dma_start3A_183 = tpu.memref_slice %arg13[%dma_start3A_181, %dma_start3A_182] : memref<10240x128xf32, #tpu.memory_space<vmem_shared>> -> memref<10240x128xf32, #tpu.memory_space<vmem_shared>>
        tpu.enqueue_indirect_dma source(%arg11 : memref<128x128xf32, #tpu.memory_space<vmem>>) target(%dma_start3A_183 : memref<10240x128xf32, #tpu.memory_space<vmem_shared>>) offsets(%dma_start3A_180 : memref<128xi32, #tpu.memory_space<vmem>>) semaphore(%arg16 : memref<!tpu.dma_semaphore, #tpu.memory_space<semaphore_mem>>) {add = true}
        %dma_wait3A_184 = arith.constant 4 : i32
        %dma_wait3A_185 = arith.constant 0 : i32
        %dma_wait3A_186 = tpu.memref_slice %arg10[%dma_wait3A_184, %dma_wait3A_185] : memref<8x128xi32, #tpu.memory_space<vmem>> -> memref<1x128xi32, #tpu.memory_space<vmem>>
        %dma_wait3A_187 = tpu.memref_squeeze %dma_wait3A_186 : memref<1x128xi32, #tpu.memory_space<vmem>> -> memref<128xi32, #tpu.memory_space<vmem>>
        %dma_wait3A_188 = arith.constant 0 : i32
        %dma_wait3A_189 = arith.constant 0 : i32
        %dma_wait3A_190 = tpu.memref_slice %arg13[%dma_wait3A_188, %dma_wait3A_189] : memref<10240x128xf32, #tpu.memory_space<vmem_shared>> -> memref<10240x128xf32, #tpu.memory_space<vmem_shared>>
        tpu.wait_indirect_dma semaphore(%arg16 : memref<!tpu.dma_semaphore, #tpu.memory_space<semaphore_mem>>) src(%arg11 : memref<128x128xf32, #tpu.memory_space<vmem>>) dst(%dma_wait3A_190 : memref<10240x128xf32, #tpu.memory_space<vmem_shared>>)
        %dma_start3A_191 = arith.constant 6 : i32
        %dma_start3A_192 = arith.constant 0 : i32
        %dma_start3A_193 = tpu.memref_slice %arg9[%dma_start3A_191, %dma_start3A_192] : memref<8x128xi32, #tpu.memory_space<vmem>> -> memref<1x128xi32, #tpu.memory_space<vmem>>
        %dma_start3A_194 = tpu.memref_squeeze %dma_start3A_193 : memref<1x128xi32, #tpu.memory_space<vmem>> -> memref<128xi32, #tpu.memory_space<vmem>>
        %dma_start3A_195 = arith.constant 0 : i32
        %dma_start3A_196 = arith.constant 0 : i32
        %dma_start3A_197 = tpu.memref_slice %arg3[%dma_start3A_195, %dma_start3A_196] : memref<10000x128xf32, #tpu.memory_space<hbm>> -> memref<10000x128xf32, #tpu.memory_space<hbm>>
        tpu.enqueue_indirect_dma source(%dma_start3A_197 : memref<10000x128xf32, #tpu.memory_space<hbm>>) target(%arg11 : memref<128x128xf32, #tpu.memory_space<vmem>>) offsets(%dma_start3A_194 : memref<128xi32, #tpu.memory_space<vmem>>) semaphore(%arg14 : memref<!tpu.dma_semaphore, #tpu.memory_space<semaphore_mem>>)
        %dma_wait3A_198 = arith.constant 5 : i32
        %dma_wait3A_199 = arith.constant 0 : i32
        %dma_wait3A_200 = tpu.memref_slice %arg9[%dma_wait3A_198, %dma_wait3A_199] : memref<8x128xi32, #tpu.memory_space<vmem>> -> memref<1x128xi32, #tpu.memory_space<vmem>>
        %dma_wait3A_201 = tpu.memref_squeeze %dma_wait3A_200 : memref<1x128xi32, #tpu.memory_space<vmem>> -> memref<128xi32, #tpu.memory_space<vmem>>
        %dma_wait3A_202 = arith.constant 0 : i32
        %dma_wait3A_203 = arith.constant 0 : i32
        %dma_wait3A_204 = tpu.memref_slice %arg3[%dma_wait3A_202, %dma_wait3A_203] : memref<10000x128xf32, #tpu.memory_space<hbm>> -> memref<10000x128xf32, #tpu.memory_space<hbm>>
        tpu.wait_indirect_dma semaphore(%arg15 : memref<!tpu.dma_semaphore, #tpu.memory_space<semaphore_mem>>) src(%dma_wait3A_204 : memref<10000x128xf32, #tpu.memory_space<hbm>>) dst(%arg12 : memref<128x128xf32, #tpu.memory_space<vmem>>)
        %dma_start3A_205 = arith.constant 5 : i32
        %dma_start3A_206 = arith.constant 0 : i32
        %dma_start3A_207 = tpu.memref_slice %arg10[%dma_start3A_205, %dma_start3A_206] : memref<8x128xi32, #tpu.memory_space<vmem>> -> memref<1x128xi32, #tpu.memory_space<vmem>>
        %dma_start3A_208 = tpu.memref_squeeze %dma_start3A_207 : memref<1x128xi32, #tpu.memory_space<vmem>> -> memref<128xi32, #tpu.memory_space<vmem>>
        %dma_start3A_209 = arith.constant 0 : i32
        %dma_start3A_210 = arith.constant 0 : i32
        %dma_start3A_211 = tpu.memref_slice %arg13[%dma_start3A_209, %dma_start3A_210] : memref<10240x128xf32, #tpu.memory_space<vmem_shared>> -> memref<10240x128xf32, #tpu.memory_space<vmem_shared>>
        tpu.enqueue_indirect_dma source(%arg12 : memref<128x128xf32, #tpu.memory_space<vmem>>) target(%dma_start3A_211 : memref<10240x128xf32, #tpu.memory_space<vmem_shared>>) offsets(%dma_start3A_208 : memref<128xi32, #tpu.memory_space<vmem>>) semaphore(%arg17 : memref<!tpu.dma_semaphore, #tpu.memory_space<semaphore_mem>>) {add = true}
        %dma_wait3A_212 = arith.constant 5 : i32
        %dma_wait3A_213 = arith.constant 0 : i32
        %dma_wait3A_214 = tpu.memref_slice %arg10[%dma_wait3A_212, %dma_wait3A_213] : memref<8x128xi32, #tpu.memory_space<vmem>> -> memref<1x128xi32, #tpu.memory_space<vmem>>
        %dma_wait3A_215 = tpu.memref_squeeze %dma_wait3A_214 : memref<1x128xi32, #tpu.memory_space<vmem>> -> memref<128xi32, #tpu.memory_space<vmem>>
        %dma_wait3A_216 = arith.constant 0 : i32
        %dma_wait3A_217 = arith.constant 0 : i32
        %dma_wait3A_218 = tpu.memref_slice %arg13[%dma_wait3A_216, %dma_wait3A_217] : memref<10240x128xf32, #tpu.memory_space<vmem_shared>> -> memref<10240x128xf32, #tpu.memory_space<vmem_shared>>
        tpu.wait_indirect_dma semaphore(%arg17 : memref<!tpu.dma_semaphore, #tpu.memory_space<semaphore_mem>>) src(%arg12 : memref<128x128xf32, #tpu.memory_space<vmem>>) dst(%dma_wait3A_218 : memref<10240x128xf32, #tpu.memory_space<vmem_shared>>)
        %dma_start3A_219 = arith.constant 7 : i32
        %dma_start3A_220 = arith.constant 0 : i32
        %dma_start3A_221 = tpu.memref_slice %arg9[%dma_start3A_219, %dma_start3A_220] : memref<8x128xi32, #tpu.memory_space<vmem>> -> memref<1x128xi32, #tpu.memory_space<vmem>>
        %dma_start3A_222 = tpu.memref_squeeze %dma_start3A_221 : memref<1x128xi32, #tpu.memory_space<vmem>> -> memref<128xi32, #tpu.memory_space<vmem>>
        %dma_start3A_223 = arith.constant 0 : i32
        %dma_start3A_224 = arith.constant 0 : i32
        %dma_start3A_225 = tpu.memref_slice %arg3[%dma_start3A_223, %dma_start3A_224] : memref<10000x128xf32, #tpu.memory_space<hbm>> -> memref<10000x128xf32, #tpu.memory_space<hbm>>
        tpu.enqueue_indirect_dma source(%dma_start3A_225 : memref<10000x128xf32, #tpu.memory_space<hbm>>) target(%arg12 : memref<128x128xf32, #tpu.memory_space<vmem>>) offsets(%dma_start3A_222 : memref<128xi32, #tpu.memory_space<vmem>>) semaphore(%arg15 : memref<!tpu.dma_semaphore, #tpu.memory_space<semaphore_mem>>)
        %dma_wait3A_226 = arith.constant 6 : i32
        %dma_wait3A_227 = arith.constant 0 : i32
        %dma_wait3A_228 = tpu.memref_slice %arg9[%dma_wait3A_226, %dma_wait3A_227] : memref<8x128xi32, #tpu.memory_space<vmem>> -> memref<1x128xi32, #tpu.memory_space<vmem>>
        %dma_wait3A_229 = tpu.memref_squeeze %dma_wait3A_228 : memref<1x128xi32, #tpu.memory_space<vmem>> -> memref<128xi32, #tpu.memory_space<vmem>>
        %dma_wait3A_230 = arith.constant 0 : i32
        %dma_wait3A_231 = arith.constant 0 : i32
        %dma_wait3A_232 = tpu.memref_slice %arg3[%dma_wait3A_230, %dma_wait3A_231] : memref<10000x128xf32, #tpu.memory_space<hbm>> -> memref<10000x128xf32, #tpu.memory_space<hbm>>
        tpu.wait_indirect_dma semaphore(%arg14 : memref<!tpu.dma_semaphore, #tpu.memory_space<semaphore_mem>>) src(%dma_wait3A_232 : memref<10000x128xf32, #tpu.memory_space<hbm>>) dst(%arg11 : memref<128x128xf32, #tpu.memory_space<vmem>>)
        %dma_start3A_233 = arith.constant 6 : i32
        %dma_start3A_234 = arith.constant 0 : i32
        %dma_start3A_235 = tpu.memref_slice %arg10[%dma_start3A_233, %dma_start3A_234] : memref<8x128xi32, #tpu.memory_space<vmem>> -> memref<1x128xi32, #tpu.memory_space<vmem>>
        %dma_start3A_236 = tpu.memref_squeeze %dma_start3A_235 : memref<1x128xi32, #tpu.memory_space<vmem>> -> memref<128xi32, #tpu.memory_space<vmem>>
        %dma_start3A_237 = arith.constant 0 : i32
        %dma_start3A_238 = arith.constant 0 : i32
        %dma_start3A_239 = tpu.memref_slice %arg13[%dma_start3A_237, %dma_start3A_238] : memref<10240x128xf32, #tpu.memory_space<vmem_shared>> -> memref<10240x128xf32, #tpu.memory_space<vmem_shared>>
        tpu.enqueue_indirect_dma source(%arg11 : memref<128x128xf32, #tpu.memory_space<vmem>>) target(%dma_start3A_239 : memref<10240x128xf32, #tpu.memory_space<vmem_shared>>) offsets(%dma_start3A_236 : memref<128xi32, #tpu.memory_space<vmem>>) semaphore(%arg16 : memref<!tpu.dma_semaphore, #tpu.memory_space<semaphore_mem>>) {add = true}
        %dma_wait3A_240 = arith.constant 7 : i32
        %dma_wait3A_241 = arith.constant 0 : i32
        %dma_wait3A_242 = tpu.memref_slice %arg9[%dma_wait3A_240, %dma_wait3A_241] : memref<8x128xi32, #tpu.memory_space<vmem>> -> memref<1x128xi32, #tpu.memory_space<vmem>>
        %dma_wait3A_243 = tpu.memref_squeeze %dma_wait3A_242 : memref<1x128xi32, #tpu.memory_space<vmem>> -> memref<128xi32, #tpu.memory_space<vmem>>
        %dma_wait3A_244 = arith.constant 0 : i32
        %dma_wait3A_245 = arith.constant 0 : i32
        %dma_wait3A_246 = tpu.memref_slice %arg3[%dma_wait3A_244, %dma_wait3A_245] : memref<10000x128xf32, #tpu.memory_space<hbm>> -> memref<10000x128xf32, #tpu.memory_space<hbm>>
        tpu.wait_indirect_dma semaphore(%arg15 : memref<!tpu.dma_semaphore, #tpu.memory_space<semaphore_mem>>) src(%dma_wait3A_246 : memref<10000x128xf32, #tpu.memory_space<hbm>>) dst(%arg12 : memref<128x128xf32, #tpu.memory_space<vmem>>)
        %dma_start3A_247 = arith.constant 7 : i32
        %dma_start3A_248 = arith.constant 0 : i32
        %dma_start3A_249 = tpu.memref_slice %arg10[%dma_start3A_247, %dma_start3A_248] : memref<8x128xi32, #tpu.memory_space<vmem>> -> memref<1x128xi32, #tpu.memory_space<vmem>>
        %dma_start3A_250 = tpu.memref_squeeze %dma_start3A_249 : memref<1x128xi32, #tpu.memory_space<vmem>> -> memref<128xi32, #tpu.memory_space<vmem>>
        %dma_start3A_251 = arith.constant 0 : i32
        %dma_start3A_252 = arith.constant 0 : i32
        %dma_start3A_253 = tpu.memref_slice %arg13[%dma_start3A_251, %dma_start3A_252] : memref<10240x128xf32, #tpu.memory_space<vmem_shared>> -> memref<10240x128xf32, #tpu.memory_space<vmem_shared>>
        tpu.enqueue_indirect_dma source(%arg12 : memref<128x128xf32, #tpu.memory_space<vmem>>) target(%dma_start3A_253 : memref<10240x128xf32, #tpu.memory_space<vmem_shared>>) offsets(%dma_start3A_250 : memref<128xi32, #tpu.memory_space<vmem>>) semaphore(%arg17 : memref<!tpu.dma_semaphore, #tpu.memory_space<semaphore_mem>>) {add = true}
        %dma_wait3A_254 = arith.constant 6 : i32
        %dma_wait3A_255 = arith.constant 0 : i32
        %dma_wait3A_256 = tpu.memref_slice %arg10[%dma_wait3A_254, %dma_wait3A_255] : memref<8x128xi32, #tpu.memory_space<vmem>> -> memref<1x128xi32, #tpu.memory_space<vmem>>
        %dma_wait3A_257 = tpu.memref_squeeze %dma_wait3A_256 : memref<1x128xi32, #tpu.memory_space<vmem>> -> memref<128xi32, #tpu.memory_space<vmem>>
        %dma_wait3A_258 = arith.constant 0 : i32
        %dma_wait3A_259 = arith.constant 0 : i32
        %dma_wait3A_260 = tpu.memref_slice %arg13[%dma_wait3A_258, %dma_wait3A_259] : memref<10240x128xf32, #tpu.memory_space<vmem_shared>> -> memref<10240x128xf32, #tpu.memory_space<vmem_shared>>
        tpu.wait_indirect_dma semaphore(%arg16 : memref<!tpu.dma_semaphore, #tpu.memory_space<semaphore_mem>>) src(%arg11 : memref<128x128xf32, #tpu.memory_space<vmem>>) dst(%dma_wait3A_260 : memref<10240x128xf32, #tpu.memory_space<vmem_shared>>)
        %dma_wait3A_261 = arith.constant 7 : i32
        %dma_wait3A_262 = arith.constant 0 : i32
        %dma_wait3A_263 = tpu.memref_slice %arg10[%dma_wait3A_261, %dma_wait3A_262] : memref<8x128xi32, #tpu.memory_space<vmem>> -> memref<1x128xi32, #tpu.memory_space<vmem>>
        %dma_wait3A_264 = tpu.memref_squeeze %dma_wait3A_263 : memref<1x128xi32, #tpu.memory_space<vmem>> -> memref<128xi32, #tpu.memory_space<vmem>>
        %dma_wait3A_265 = arith.constant 0 : i32
        %dma_wait3A_266 = arith.constant 0 : i32
        %dma_wait3A_267 = tpu.memref_slice %arg13[%dma_wait3A_265, %dma_wait3A_266] : memref<10240x128xf32, #tpu.memory_space<vmem_shared>> -> memref<10240x128xf32, #tpu.memory_space<vmem_shared>>
        tpu.wait_indirect_dma semaphore(%arg17 : memref<!tpu.dma_semaphore, #tpu.memory_space<semaphore_mem>>) src(%arg12 : memref<128x128xf32, #tpu.memory_space<vmem>>) dst(%dma_wait3A_267 : memref<10240x128xf32, #tpu.memory_space<vmem_shared>>)
      }
      %scan3A_40 = arith.constant 20 : i32
    } else {
    }
    %barrier3A_25 = arith.constant 0 : index
    tpu.barrier barrier_id(%barrier3A_25)
    %eq3A_26 = arith.constant 0 : i32
    %eq3A_27 = arith.cmpi eq, %arg0, %eq3A_26 : i32
    %convert_element_type3A_28 = arith.extui %eq3A_27 : i1 to i32
    %cond3A_29 = arith.constant 0 : i32
    %cond3A_30 = arith.cmpi ne, %convert_element_type3A_28, %cond3A_29 : i32
    scf.if %cond3A_30 {
      %lt3A = arith.constant 15 : i32
      %lt3A_36 = arith.cmpi slt, %arg1, %lt3A : i32
      %convert_element_type3A_37 = arith.extui %lt3A_36 : i1 to i32
      %cond3A_38 = arith.constant 0 : i32
      %cond3A_39 = arith.cmpi ne, %convert_element_type3A_37, %cond3A_38 : i32
      scf.if %cond3A_39 {
        %mul3A_45 = arith.constant 640 : i32
        %mul3A_46 = arith.muli %arg1, %mul3A_45 : i32
        %mul3A_47 = arith.constant 640 : i32
        %mul3A_48 = arith.muli %arg1, %mul3A_47 : i32
        "tpu.region"() ({
          %run_scoped3A = tpu.sem_alloc : memref<!tpu.dma_semaphore, #tpu.memory_space<semaphore_mem>>
          %dma_start3A = arith.constant 0 : i32
          %dma_start3A_49 = tpu.memref_slice %arg7[%mul3A_48, %dma_start3A] : memref<10000x128xf32, #tpu.memory_space<hbm>> -> memref<640x128xf32, #tpu.memory_space<hbm>>
          %dma_start3A_50 = arith.constant 0 : i32
          %dma_start3A_51 = tpu.memref_slice %arg13[%mul3A_46, %dma_start3A_50] : memref<10240x128xf32, #tpu.memory_space<vmem_shared>> -> memref<640x128xf32, #tpu.memory_space<vmem_shared>>
          tpu.enqueue_dma source(%dma_start3A_51 : memref<640x128xf32, #tpu.memory_space<vmem_shared>>) target(%dma_start3A_49 : memref<640x128xf32, #tpu.memory_space<hbm>>) target_semaphore(%run_scoped3A : memref<!tpu.dma_semaphore, #tpu.memory_space<semaphore_mem>>)
          %dma_wait3A = arith.constant 0 : i32
          %dma_wait3A_52 = tpu.memref_slice %arg7[%mul3A_48, %dma_wait3A] : memref<10000x128xf32, #tpu.memory_space<hbm>> -> memref<640x128xf32, #tpu.memory_space<hbm>>
          %dma_wait3A_53 = arith.constant 0 : i32
          %dma_wait3A_54 = tpu.memref_slice %arg13[%mul3A_46, %dma_wait3A_53] : memref<10240x128xf32, #tpu.memory_space<vmem_shared>> -> memref<640x128xf32, #tpu.memory_space<vmem_shared>>
          tpu.wait_dma2 semaphore(%run_scoped3A : memref<!tpu.dma_semaphore, #tpu.memory_space<semaphore_mem>>) src(%dma_wait3A_54 : memref<640x128xf32, #tpu.memory_space<vmem_shared>>) dst(%dma_wait3A_52 : memref<640x128xf32, #tpu.memory_space<hbm>>)
          tpu.yield
        }) : () -> ()
      } else {
      }
      %eq3A_40 = arith.constant 15 : i32
      %eq3A_41 = arith.cmpi eq, %arg1, %eq3A_40 : i32
      %convert_element_type3A_42 = arith.extui %eq3A_41 : i1 to i32
      %cond3A_43 = arith.constant 0 : i32
      %cond3A_44 = arith.cmpi ne, %convert_element_type3A_42, %cond3A_43 : i32
      scf.if %cond3A_44 {
        "tpu.region"() ({
          %run_scoped3A = tpu.sem_alloc : memref<!tpu.dma_semaphore, #tpu.memory_space<semaphore_mem>>
          %dma_start3A = arith.constant 9600 : i32
          %dma_start3A_45 = arith.constant 0 : i32
          %dma_start3A_46 = tpu.memref_slice %arg7[%dma_start3A, %dma_start3A_45] : memref<10000x128xf32, #tpu.memory_space<hbm>> -> memref<400x128xf32, #tpu.memory_space<hbm>>
          %dma_start3A_47 = arith.constant 9600 : i32
          %dma_start3A_48 = arith.constant 0 : i32
          %dma_start3A_49 = tpu.memref_slice %arg13[%dma_start3A_47, %dma_start3A_48] : memref<10240x128xf32, #tpu.memory_space<vmem_shared>> -> memref<400x128xf32, #tpu.memory_space<vmem_shared>>
          tpu.enqueue_dma source(%dma_start3A_49 : memref<400x128xf32, #tpu.memory_space<vmem_shared>>) target(%dma_start3A_46 : memref<400x128xf32, #tpu.memory_space<hbm>>) target_semaphore(%run_scoped3A : memref<!tpu.dma_semaphore, #tpu.memory_space<semaphore_mem>>)
          %dma_wait3A = arith.constant 9600 : i32
          %dma_wait3A_50 = arith.constant 0 : i32
          %dma_wait3A_51 = tpu.memref_slice %arg7[%dma_wait3A, %dma_wait3A_50] : memref<10000x128xf32, #tpu.memory_space<hbm>> -> memref<400x128xf32, #tpu.memory_space<hbm>>
          %dma_wait3A_52 = arith.constant 9600 : i32
          %dma_wait3A_53 = arith.constant 0 : i32
          %dma_wait3A_54 = tpu.memref_slice %arg13[%dma_wait3A_52, %dma_wait3A_53] : memref<10240x128xf32, #tpu.memory_space<vmem_shared>> -> memref<400x128xf32, #tpu.memory_space<vmem_shared>>
          tpu.wait_dma2 semaphore(%run_scoped3A : memref<!tpu.dma_semaphore, #tpu.memory_space<semaphore_mem>>) src(%dma_wait3A_54 : memref<400x128xf32, #tpu.memory_space<vmem_shared>>) dst(%dma_wait3A_51 : memref<400x128xf32, #tpu.memory_space<hbm>>)
          tpu.yield
        }) : () -> ()
      } else {
      }
    } else {
    }
    %eq3A_31 = arith.constant 1 : i32
    %eq3A_32 = arith.cmpi eq, %arg0, %eq3A_31 : i32
    %convert_element_type3A_33 = arith.extui %eq3A_32 : i1 to i32
    %cond3A_34 = arith.constant 0 : i32
    %cond3A_35 = arith.cmpi ne, %convert_element_type3A_33, %cond3A_34 : i32
    scf.if %cond3A_35 {
      %lt3A = arith.constant 15 : i32
      %lt3A_36 = arith.cmpi slt, %arg1, %lt3A : i32
      %convert_element_type3A_37 = arith.extui %lt3A_36 : i1 to i32
      %cond3A_38 = arith.constant 0 : i32
      %cond3A_39 = arith.cmpi ne, %convert_element_type3A_37, %cond3A_38 : i32
      scf.if %cond3A_39 {
        %mul3A_45 = arith.constant 640 : i32
        %mul3A_46 = arith.muli %arg1, %mul3A_45 : i32
        %mul3A_47 = arith.constant 640 : i32
        %mul3A_48 = arith.muli %arg1, %mul3A_47 : i32
        "tpu.region"() ({
          %run_scoped3A = tpu.sem_alloc : memref<!tpu.dma_semaphore, #tpu.memory_space<semaphore_mem>>
          %dma_start3A = arith.constant 0 : i32
          %dma_start3A_49 = tpu.memref_slice %arg8[%mul3A_48, %dma_start3A] : memref<10000x128xf32, #tpu.memory_space<hbm>> -> memref<640x128xf32, #tpu.memory_space<hbm>>
          %dma_start3A_50 = arith.constant 0 : i32
          %dma_start3A_51 = tpu.memref_slice %arg13[%mul3A_46, %dma_start3A_50] : memref<10240x128xf32, #tpu.memory_space<vmem_shared>> -> memref<640x128xf32, #tpu.memory_space<vmem_shared>>
          tpu.enqueue_dma source(%dma_start3A_51 : memref<640x128xf32, #tpu.memory_space<vmem_shared>>) target(%dma_start3A_49 : memref<640x128xf32, #tpu.memory_space<hbm>>) target_semaphore(%run_scoped3A : memref<!tpu.dma_semaphore, #tpu.memory_space<semaphore_mem>>)
          %dma_wait3A = arith.constant 0 : i32
          %dma_wait3A_52 = tpu.memref_slice %arg8[%mul3A_48, %dma_wait3A] : memref<10000x128xf32, #tpu.memory_space<hbm>> -> memref<640x128xf32, #tpu.memory_space<hbm>>
          %dma_wait3A_53 = arith.constant 0 : i32
          %dma_wait3A_54 = tpu.memref_slice %arg13[%mul3A_46, %dma_wait3A_53] : memref<10240x128xf32, #tpu.memory_space<vmem_shared>> -> memref<640x128xf32, #tpu.memory_space<vmem_shared>>
          tpu.wait_dma2 semaphore(%run_scoped3A : memref<!tpu.dma_semaphore, #tpu.memory_space<semaphore_mem>>) src(%dma_wait3A_54 : memref<640x128xf32, #tpu.memory_space<vmem_shared>>) dst(%dma_wait3A_52 : memref<640x128xf32, #tpu.memory_space<hbm>>)
          tpu.yield
        }) : () -> ()
      } else {
      }
      %eq3A_40 = arith.constant 15 : i32
      %eq3A_41 = arith.cmpi eq, %arg1, %eq3A_40 : i32
      %convert_element_type3A_42 = arith.extui %eq3A_41 : i1 to i32
      %cond3A_43 = arith.constant 0 : i32
      %cond3A_44 = arith.cmpi ne, %convert_element_type3A_42, %cond3A_43 : i32
      scf.if %cond3A_44 {
        "tpu.region"() ({
          %run_scoped3A = tpu.sem_alloc : memref<!tpu.dma_semaphore, #tpu.memory_space<semaphore_mem>>
          %dma_start3A = arith.constant 9600 : i32
          %dma_start3A_45 = arith.constant 0 : i32
          %dma_start3A_46 = tpu.memref_slice %arg8[%dma_start3A, %dma_start3A_45] : memref<10000x128xf32, #tpu.memory_space<hbm>> -> memref<400x128xf32, #tpu.memory_space<hbm>>
          %dma_start3A_47 = arith.constant 9600 : i32
          %dma_start3A_48 = arith.constant 0 : i32
          %dma_start3A_49 = tpu.memref_slice %arg13[%dma_start3A_47, %dma_start3A_48] : memref<10240x128xf32, #tpu.memory_space<vmem_shared>> -> memref<400x128xf32, #tpu.memory_space<vmem_shared>>
          tpu.enqueue_dma source(%dma_start3A_49 : memref<400x128xf32, #tpu.memory_space<vmem_shared>>) target(%dma_start3A_46 : memref<400x128xf32, #tpu.memory_space<hbm>>) target_semaphore(%run_scoped3A : memref<!tpu.dma_semaphore, #tpu.memory_space<semaphore_mem>>)
          %dma_wait3A = arith.constant 9600 : i32
          %dma_wait3A_50 = arith.constant 0 : i32
          %dma_wait3A_51 = tpu.memref_slice %arg8[%dma_wait3A, %dma_wait3A_50] : memref<10000x128xf32, #tpu.memory_space<hbm>> -> memref<400x128xf32, #tpu.memory_space<hbm>>
          %dma_wait3A_52 = arith.constant 9600 : i32
          %dma_wait3A_53 = arith.constant 0 : i32
          %dma_wait3A_54 = tpu.memref_slice %arg13[%dma_wait3A_52, %dma_wait3A_53] : memref<10240x128xf32, #tpu.memory_space<vmem_shared>> -> memref<400x128xf32, #tpu.memory_space<vmem_shared>>
          tpu.wait_dma2 semaphore(%run_scoped3A : memref<!tpu.dma_semaphore, #tpu.memory_space<semaphore_mem>>) src(%dma_wait3A_54 : memref<400x128xf32, #tpu.memory_space<vmem_shared>>) dst(%dma_wait3A_51 : memref<400x128xf32, #tpu.memory_space<hbm>>)
          tpu.yield
        }) : () -> ()
      } else {
      }
    } else {
    }
    return
  }
}

module attributes {stable_mosaic.version = 14 : i64} {
  func.func @body(%arg0: i32, %arg1: memref<2000x128xf32, #tpu.memory_space<vmem>>, %arg2: memref<128x128xf32, #tpu.memory_space<vmem>>, %arg3: memref<1x128xf32, #tpu.memory_space<vmem>>, %arg4: memref<2000x128xf32, #tpu.memory_space<vmem>>, %arg5: memref<2000x128xf32, #tpu.memory_space<vmem>>) attributes {dimension_semantics = [#tpu.dimension_semantics<arbitrary>], iteration_bounds = array<i64: 5>, scalar_prefetch = 0 : i64, scratch_operands = 0 : i64, tpu.core_type = #tpu.core_type<tc>, window_params = [{transform_indices = @transform_0, window_bounds = array<i64: 2000, 128>}, {pipeline_mode = #tpu.pipeline_mode<synchronous>, transform_indices = @transform_1, window_bounds = array<i64: 128, 128>}, {pipeline_mode = #tpu.pipeline_mode<synchronous>, transform_indices = @transform_2, window_bounds = array<i64: 1, 128>}, {transform_indices = @transform_3, window_bounds = array<i64: 2000, 128>}, {transform_indices = @transform_4, window_bounds = array<i64: 2000, 128>}]} {
    %get3A = arith.constant 0 : index
    %get3A_0 = arith.constant 0 : index
    %get3A_1 = vector.load %arg1[%get3A, %get3A_0] : memref<2000x128xf32, #tpu.memory_space<vmem>>, vector<2000x128xf32>
    %get3A_2 = arith.constant 0 : index
    %get3A_3 = arith.constant 0 : index
    %get3A_4 = vector.load %arg2[%get3A_2, %get3A_3] : memref<128x128xf32, #tpu.memory_space<vmem>>, vector<128x128xf32>
    %dot_general3A = arith.constant dense<0.000000e+00> : vector<2000x128xf32>
    %dot_general3A_5 = tpu.matmul %get3A_1, %get3A_4, %dot_general3A {dimension_numbers = #tpu.dot_dimension_numbers<[1], [0], [0], [1], [0, 0, 1, 1], [], []>, transpose_lhs_hint = false} : vector<2000x128xf32>, vector<128x128xf32>, vector<2000x128xf32> -> vector<2000x128xf32>
    %get3A_6 = arith.constant 0 : index
    %get3A_7 = arith.constant 0 : index
    %get3A_8 = vector.load %arg3[%get3A_6, %get3A_7] : memref<1x128xf32, #tpu.memory_space<vmem>>, vector<1x128xf32>
    %add3A = vector.broadcast %get3A_8 : vector<1x128xf32> to vector<2000x128xf32>
    %add3A_9 = arith.addf %dot_general3A_5, %add3A : vector<2000x128xf32>
    %max3A = arith.constant 0.000000e+00 : f32
    %max3A_10 = vector.broadcast %max3A : f32 to vector<2000x128xf32>
    %max3A_11 = arith.maximumf %add3A_9, %max3A_10 : vector<2000x128xf32>
    %gt3A = arith.constant 0.000000e+00 : f32
    %gt3A_12 = vector.broadcast %gt3A : f32 to vector<2000x128xf32>
    %gt3A_13 = arith.cmpf ogt, %add3A_9, %gt3A_12 : vector<2000x128xf32>
    %exp3A = math.exp %add3A_9 : vector<2000x128xf32>
    %sub3A = arith.constant 1.000000e+00 : f32
    %sub3A_14 = vector.broadcast %sub3A : f32 to vector<2000x128xf32>
    %sub3A_15 = arith.subf %exp3A, %sub3A_14 : vector<2000x128xf32>
    %select_n3A = arith.select %gt3A_13, %add3A_9, %sub3A_15 : vector<2000x128xi1>, vector<2000x128xf32>
    %neg3A = arith.constant 0.000000e+00 : f32
    %neg3A_16 = vector.broadcast %neg3A : f32 to vector<2000x128xf32>
    %neg3A_17 = arith.subf %neg3A_16, %max3A_11 : vector<2000x128xf32>
    %exp3A_18 = math.exp %neg3A_17 : vector<2000x128xf32>
    %mul3A = arith.mulf %select_n3A, %exp3A_18 : vector<2000x128xf32>
    %swap3A = arith.constant 0 : index
    %swap3A_19 = arith.constant 0 : index
    %swap3A_20 = vector.load %arg4[%swap3A, %swap3A_19] : memref<2000x128xf32, #tpu.memory_space<vmem>>, vector<2000x128xf32>
    tpu.vector_store %arg4[%swap3A, %swap3A_19], %mul3A {strides = array<i32>} : memref<2000x128xf32, #tpu.memory_space<vmem>>, vector<2000x128xf32>,
    %mul3A_21 = arith.mulf %max3A_11, %exp3A_18 : vector<2000x128xf32>
    %mul3A_22 = arith.mulf %mul3A_21, %exp3A_18 : vector<2000x128xf32>
    %swap3A_23 = arith.constant 0 : index
    %swap3A_24 = arith.constant 0 : index
    %swap3A_25 = vector.load %arg5[%swap3A_23, %swap3A_24] : memref<2000x128xf32, #tpu.memory_space<vmem>>, vector<2000x128xf32>
    tpu.vector_store %arg5[%swap3A_23, %swap3A_24], %mul3A_22 {strides = array<i32>} : memref<2000x128xf32, #tpu.memory_space<vmem>>, vector<2000x128xf32>,
    return
  }
  func.func @transform_0(%arg0: i32) -> (i32, i32) {
    %c0_i32 = arith.constant 0 : i32
    %c0_i32_0 = arith.constant 0 : i32
    return %arg0, %c0_i32 : i32, i32
  }
  func.func @transform_1(%arg0: i32) -> (i32, i32) {
    %c0_i32 = arith.constant 0 : i32
    %c0_i32_0 = arith.constant 0 : i32
    %c0_i32_1 = arith.constant 0 : i32
    return %c0_i32, %c0_i32_0 : i32, i32
  }
  func.func @transform_2(%arg0: i32) -> (i32, i32) {
    %c0_i32 = arith.constant 0 : i32
    %c0_i32_0 = arith.constant 0 : i32
    %c0_i32_1 = arith.constant 0 : i32
    return %c0_i32, %c0_i32_0 : i32, i32
  }
  func.func @transform_3(%arg0: i32) -> (i32, i32) {
    %c0_i32 = arith.constant 0 : i32
    %c0_i32_0 = arith.constant 0 : i32
    return %arg0, %c0_i32 : i32, i32
  }
  func.func @transform_4(%arg0: i32) -> (i32, i32) {
    %c0_i32 = arith.constant 0 : i32
    %c0_i32_0 = arith.constant 0 : i32
    return %arg0, %c0_i32 : i32, i32
  }
}

module attributes {stable_mosaic.version = 14 : i64} {
  func.func @body(%arg0: i32, %arg1: memref<2000x128xf32, #tpu.memory_space<vmem>>, %arg2: memref<2000x128xf32, #tpu.memory_space<vmem>>, %arg3: memref<128x128xf32, #tpu.memory_space<vmem>>, %arg4: memref<1x128xf32, #tpu.memory_space<vmem>>, %arg5: memref<128x128xf32, #tpu.memory_space<vmem>>, %arg6: memref<1x128xf32, #tpu.memory_space<vmem>>, %arg7: memref<2000x128xf32, #tpu.memory_space<vmem>>, %arg8: memref<2000x128xf32, #tpu.memory_space<vmem>>) attributes {dimension_semantics = [#tpu.dimension_semantics<arbitrary>], iteration_bounds = array<i64: 5>, scalar_prefetch = 0 : i64, scratch_operands = 0 : i64, tpu.core_type = #tpu.core_type<tc>, window_params = [{transform_indices = @transform_0, window_bounds = array<i64: 2000, 128>}, {transform_indices = @transform_1, window_bounds = array<i64: 2000, 128>}, {pipeline_mode = #tpu.pipeline_mode<synchronous>, transform_indices = @transform_2, window_bounds = array<i64: 128, 128>}, {pipeline_mode = #tpu.pipeline_mode<synchronous>, transform_indices = @transform_3, window_bounds = array<i64: 1, 128>}, {pipeline_mode = #tpu.pipeline_mode<synchronous>, transform_indices = @transform_4, window_bounds = array<i64: 128, 128>}, {pipeline_mode = #tpu.pipeline_mode<synchronous>, transform_indices = @transform_5, window_bounds = array<i64: 1, 128>}, {transform_indices = @transform_6, window_bounds = array<i64: 2000, 128>}, {transform_indices = @transform_7, window_bounds = array<i64: 2000, 128>}]} {
    %get3A = arith.constant 0 : index
    %get3A_0 = arith.constant 0 : index
    %get3A_1 = vector.load %arg1[%get3A, %get3A_0] : memref<2000x128xf32, #tpu.memory_space<vmem>>, vector<2000x128xf32>
    %get3A_2 = arith.constant 0 : index
    %get3A_3 = arith.constant 0 : index
    %get3A_4 = vector.load %arg2[%get3A_2, %get3A_3] : memref<2000x128xf32, #tpu.memory_space<vmem>>, vector<2000x128xf32>
    %gt3A = arith.constant 0.000000e+00 : f32
    %gt3A_5 = vector.broadcast %gt3A : f32 to vector<2000x128xf32>
    %gt3A_6 = arith.cmpf ogt, %get3A_1, %gt3A_5 : vector<2000x128xf32>
    %exp3A = math.exp %get3A_1 : vector<2000x128xf32>
    %sub3A = arith.constant 1.000000e+00 : f32
    %sub3A_7 = vector.broadcast %sub3A : f32 to vector<2000x128xf32>
    %sub3A_8 = arith.subf %exp3A, %sub3A_7 : vector<2000x128xf32>
    %select_n3A = arith.select %gt3A_6, %get3A_1, %sub3A_8 : vector<2000x128xi1>, vector<2000x128xf32>
    %gt3A_9 = arith.constant 0.000000e+00 : f32
    %gt3A_10 = vector.broadcast %gt3A_9 : f32 to vector<2000x128xf32>
    %gt3A_11 = arith.cmpf ogt, %get3A_4, %gt3A_10 : vector<2000x128xf32>
    %exp3A_12 = math.exp %get3A_4 : vector<2000x128xf32>
    %sub3A_13 = arith.constant 1.000000e+00 : f32
    %sub3A_14 = vector.broadcast %sub3A_13 : f32 to vector<2000x128xf32>
    %sub3A_15 = arith.subf %exp3A_12, %sub3A_14 : vector<2000x128xf32>
    %select_n3A_16 = arith.select %gt3A_11, %get3A_4, %sub3A_15 : vector<2000x128xi1>, vector<2000x128xf32>
    %get3A_17 = arith.constant 0 : index
    %get3A_18 = arith.constant 0 : index
    %get3A_19 = vector.load %arg3[%get3A_17, %get3A_18] : memref<128x128xf32, #tpu.memory_space<vmem>>, vector<128x128xf32>
    %dot_general3A = arith.constant dense<0.000000e+00> : vector<2000x128xf32>
    %dot_general3A_20 = tpu.matmul %select_n3A, %get3A_19, %dot_general3A {dimension_numbers = #tpu.dot_dimension_numbers<[1], [0], [0], [1], [0, 0, 1, 1], [], []>, transpose_lhs_hint = false} : vector<2000x128xf32>, vector<128x128xf32>, vector<2000x128xf32> -> vector<2000x128xf32>
    %get3A_21 = arith.constant 0 : index
    %get3A_22 = arith.constant 0 : index
    %get3A_23 = vector.load %arg4[%get3A_21, %get3A_22] : memref<1x128xf32, #tpu.memory_space<vmem>>, vector<1x128xf32>
    %add3A = vector.broadcast %get3A_23 : vector<1x128xf32> to vector<2000x128xf32>
    %add3A_24 = arith.addf %dot_general3A_20, %add3A : vector<2000x128xf32>
    %get3A_25 = arith.constant 0 : index
    %get3A_26 = arith.constant 0 : index
    %get3A_27 = vector.load %arg5[%get3A_25, %get3A_26] : memref<128x128xf32, #tpu.memory_space<vmem>>, vector<128x128xf32>
    %dot_general3A_28 = arith.constant dense<0.000000e+00> : vector<2000x128xf32>
    %dot_general3A_29 = tpu.matmul %select_n3A_16, %get3A_27, %dot_general3A_28 {dimension_numbers = #tpu.dot_dimension_numbers<[1], [0], [0], [1], [0, 0, 1, 1], [], []>, transpose_lhs_hint = false} : vector<2000x128xf32>, vector<128x128xf32>, vector<2000x128xf32> -> vector<2000x128xf32>
    %get3A_30 = arith.constant 0 : index
    %get3A_31 = arith.constant 0 : index
    %get3A_32 = vector.load %arg6[%get3A_30, %get3A_31] : memref<1x128xf32, #tpu.memory_space<vmem>>, vector<1x128xf32>
    %add3A_33 = vector.broadcast %get3A_32 : vector<1x128xf32> to vector<2000x128xf32>
    %add3A_34 = arith.addf %dot_general3A_29, %add3A_33 : vector<2000x128xf32>
    %gt3A_35 = arith.constant 0.000000e+00 : f32
    %gt3A_36 = vector.broadcast %gt3A_35 : f32 to vector<2000x128xf32>
    %gt3A_37 = arith.cmpf ogt, %add3A_24, %gt3A_36 : vector<2000x128xf32>
    %exp3A_38 = math.exp %add3A_24 : vector<2000x128xf32>
    %sub3A_39 = arith.constant 1.000000e+00 : f32
    %sub3A_40 = vector.broadcast %sub3A_39 : f32 to vector<2000x128xf32>
    %sub3A_41 = arith.subf %exp3A_38, %sub3A_40 : vector<2000x128xf32>
    %select_n3A_42 = arith.select %gt3A_37, %add3A_24, %sub3A_41 : vector<2000x128xi1>, vector<2000x128xf32>
    %max3A = arith.constant 0.000000e+00 : f32
    %max3A_43 = vector.broadcast %max3A : f32 to vector<2000x128xf32>
    %max3A_44 = arith.maximumf %add3A_34, %max3A_43 : vector<2000x128xf32>
    %neg3A = arith.constant 0.000000e+00 : f32
    %neg3A_45 = vector.broadcast %neg3A : f32 to vector<2000x128xf32>
    %neg3A_46 = arith.subf %neg3A_45, %max3A_44 : vector<2000x128xf32>
    %exp3A_47 = math.exp %neg3A_46 : vector<2000x128xf32>
    %mul3A = arith.mulf %select_n3A_42, %exp3A_47 : vector<2000x128xf32>
    %swap3A = arith.constant 0 : index
    %swap3A_48 = arith.constant 0 : index
    %swap3A_49 = vector.load %arg7[%swap3A, %swap3A_48] : memref<2000x128xf32, #tpu.memory_space<vmem>>, vector<2000x128xf32>
    tpu.vector_store %arg7[%swap3A, %swap3A_48], %mul3A {strides = array<i32>} : memref<2000x128xf32, #tpu.memory_space<vmem>>, vector<2000x128xf32>,
    %mul3A_50 = arith.mulf %max3A_44, %exp3A_47 : vector<2000x128xf32>
    %mul3A_51 = arith.mulf %mul3A_50, %exp3A_47 : vector<2000x128xf32>
    %swap3A_52 = arith.constant 0 : index
    %swap3A_53 = arith.constant 0 : index
    %swap3A_54 = vector.load %arg8[%swap3A_52, %swap3A_53] : memref<2000x128xf32, #tpu.memory_space<vmem>>, vector<2000x128xf32>
    tpu.vector_store %arg8[%swap3A_52, %swap3A_53], %mul3A_51 {strides = array<i32>} : memref<2000x128xf32, #tpu.memory_space<vmem>>, vector<2000x128xf32>,
    return
  }
  func.func @transform_0(%arg0: i32) -> (i32, i32) {
    %c0_i32 = arith.constant 0 : i32
    %c0_i32_0 = arith.constant 0 : i32
    return %arg0, %c0_i32 : i32, i32
  }
  func.func @transform_1(%arg0: i32) -> (i32, i32) {
    %c0_i32 = arith.constant 0 : i32
    %c0_i32_0 = arith.constant 0 : i32
    return %arg0, %c0_i32 : i32, i32
  }
  func.func @transform_2(%arg0: i32) -> (i32, i32) {
    %c0_i32 = arith.constant 0 : i32
    %c0_i32_0 = arith.constant 0 : i32
    %c0_i32_1 = arith.constant 0 : i32
    return %c0_i32, %c0_i32_0 : i32, i32
  }
  func.func @transform_3(%arg0: i32) -> (i32, i32) {
    %c0_i32 = arith.constant 0 : i32
    %c0_i32_0 = arith.constant 0 : i32
    %c0_i32_1 = arith.constant 0 : i32
    return %c0_i32, %c0_i32_0 : i32, i32
  }
  func.func @transform_4(%arg0: i32) -> (i32, i32) {
    %c0_i32 = arith.constant 0 : i32
    %c0_i32_0 = arith.constant 0 : i32
    %c0_i32_1 = arith.constant 0 : i32
    return %c0_i32, %c0_i32_0 : i32, i32
  }
  func.func @transform_5(%arg0: i32) -> (i32, i32) {
    %c0_i32 = arith.constant 0 : i32
    %c0_i32_0 = arith.constant 0 : i32
    %c0_i32_1 = arith.constant 0 : i32
    return %c0_i32, %c0_i32_0 : i32, i32
  }
  func.func @transform_6(%arg0: i32) -> (i32, i32) {
    %c0_i32 = arith.constant 0 : i32
    %c0_i32_0 = arith.constant 0 : i32
    return %arg0, %c0_i32 : i32, i32
  }
  func.func @transform_7(%arg0: i32) -> (i32, i32) {
    %c0_i32 = arith.constant 0 : i32
    %c0_i32_0 = arith.constant 0 : i32
    return %arg0, %c0_i32 : i32, i32
  }
}

module attributes {stable_mosaic.version = 14 : i64} {
  func.func @body(%arg0: i32, %arg1: memref<2000x128xf32, #tpu.memory_space<vmem>>, %arg2: memref<2000x128xf32, #tpu.memory_space<vmem>>, %arg3: memref<2000x128xf32, #tpu.memory_space<vmem>>, %arg4: memref<2000x128xf32, #tpu.memory_space<vmem>>) attributes {dimension_semantics = [#tpu.dimension_semantics<arbitrary>], iteration_bounds = array<i64: 5>, scalar_prefetch = 0 : i64, scratch_operands = 0 : i64, tpu.core_type = #tpu.core_type<tc>, window_params = [{transform_indices = @transform_0, window_bounds = array<i64: 2000, 128>}, {transform_indices = @transform_1, window_bounds = array<i64: 2000, 128>}, {transform_indices = @transform_2, window_bounds = array<i64: 2000, 128>}, {transform_indices = @transform_3, window_bounds = array<i64: 2000, 128>}]} {
    %get3A = arith.constant 0 : index
    %get3A_0 = arith.constant 0 : index
    %get3A_1 = vector.load %arg1[%get3A, %get3A_0] : memref<2000x128xf32, #tpu.memory_space<vmem>>, vector<2000x128xf32>
    %get3A_2 = arith.constant 0 : index
    %get3A_3 = arith.constant 0 : index
    %get3A_4 = vector.load %arg3[%get3A_2, %get3A_3] : memref<2000x128xf32, #tpu.memory_space<vmem>>, vector<2000x128xf32>
    %get3A_5 = arith.constant 0 : index
    %get3A_6 = arith.constant 0 : index
    %get3A_7 = vector.load %arg2[%get3A_5, %get3A_6] : memref<2000x128xf32, #tpu.memory_space<vmem>>, vector<2000x128xf32>
    %sqrt3A = math.sqrt %get3A_7 : vector<2000x128xf32>
    %mul3A = arith.mulf %get3A_4, %sqrt3A : vector<2000x128xf32>
    %add3A = arith.addf %get3A_1, %mul3A : vector<2000x128xf32>
    %swap3A = arith.constant 0 : index
    %swap3A_8 = arith.constant 0 : index
    %swap3A_9 = vector.load %arg4[%swap3A, %swap3A_8] : memref<2000x128xf32, #tpu.memory_space<vmem>>, vector<2000x128xf32>
    tpu.vector_store %arg4[%swap3A, %swap3A_8], %add3A {strides = array<i32>} : memref<2000x128xf32, #tpu.memory_space<vmem>>, vector<2000x128xf32>,
    return
  }
  func.func @transform_0(%arg0: i32) -> (i32, i32) {
    %c0_i32 = arith.constant 0 : i32
    %c0_i32_0 = arith.constant 0 : i32
    return %arg0, %c0_i32 : i32, i32
  }
  func.func @transform_1(%arg0: i32) -> (i32, i32) {
    %c0_i32 = arith.constant 0 : i32
    %c0_i32_0 = arith.constant 0 : i32
    return %arg0, %c0_i32 : i32, i32
  }
  func.func @transform_2(%arg0: i32) -> (i32, i32) {
    %c0_i32 = arith.constant 0 : i32
    %c0_i32_0 = arith.constant 0 : i32
    return %arg0, %c0_i32 : i32, i32
  }
  func.func @transform_3(%arg0: i32) -> (i32, i32) {
    %c0_i32 = arith.constant 0 : i32
    %c0_i32_0 = arith.constant 0 : i32
    return %arg0, %c0_i32 : i32, i32
  }
}

</mosaic_0001>

<sc_bundles>
// kernel: kernel.10.cloned.1.call-start
scs
__scs_entry_jumppad:
0x0: {  	(pc) =	sbr.rel $0x88, $3  }
0x1: {  	(tag) =	ssettag $0x0;
	lr =	simm.s32 $0x1  }
0x2: {  	[smem:$0x3F98] =	sst lr;
	_ =	strace $0xD0000000  }
0x3: {  	_ = 	snop  }
0x4: {  	_ = 	snop  }
0x5: {  	_ = 	snop  }
0x6: {  	_ = 	snop  }
0x7: {  	_ = 	snop  }
__scs_overlays_trampoline_lowered:
0x8: {  	[smem:$0x3FA7] =	sst s0  }
0x9: {  	[smem:$0x3FA8] =	sst s1  }
0xa: {  	[smem:$0x3FA9] =	sst s2  }
0xb: {  	[smem:$0x3FAA] =	sst s3  }
0xc: {  	[smem:$0x3FAB] =	sst s4  }
0xd: {  	[smem:$0x3FAC] =	sst s5  }
0xe: {  	[smem:$0x3FAD] =	sst s6  }
0xf: {  	[smem:$0x3FAE] =	sst s7  }
0x10: {  	[smem:$0x3FAF] =	sst s8  }
0x11: {  	[smem:$0x3FB0] =	sst s9;
	s0 =	simm.s32 @!p0 $0x0  }
0x12: {  	s1 =	sld [smem:$0x3F96];
	s0 =	simm.s32 @p0 $0x1  }
0x13: {  	[smem:$0x3FB1] =	sst s0;
	s0 =	simm.s32 @!p1 $0x0  }
0x14: {  	s2 =	sld [smem:$0x3F95];
	s0 =	simm.s32 @p1 $0x1  }
0x15: {  	[smem:$0x3FB2] =	sst s0;
	s0 =	simm.s32 @!p2 $0x0  }
0x16: {  	s3 =	sld [smem:$0x3FDB];
	s0 =	simm.s32 @p2 $0x1  }
0x17: {  	s4 =	simm.s32 $0x1BF5;
	[smem:$0x3FB4] =	sst s0  }
0x18: {  	s0 =	sld [smem:$0x3F97];
	_ =	swait.ge [sflag:s4], $0x0  }
0x19: {  	s7 =	sld [smem:$0x3F98]  }
0x1a: {  	s8 =	sadd.s32 $0xFFFFE003, lr  }
0x1b: {  	s9 =	sadd.s32 $0xFFFFFEF7, lr;
	s5 =	simm.s32 $0xFFFFFFFF;
	p2 =	slt.u32 s8, $0xFFFFF086  }
0x1c: {  	p1 =	slt.u32 s9, $0xF7A;
	s5 =	simm.s32 @!p2 $0x0  }
0x1d: {  	s5 =	simm.s32 @p1 $0x1;
	p0 =	seq.s32 s7, s2  }
0x1e: {  	s7 =	smul.u32 @!p0 $0xF7A, s2;
	p2 =	seq.s32 @!p0 s5, $0x0  }
0x1f: {  	s9 =	smul.u32 $0xF7A, s1;
	s8 =	simm.s32 @!p0 $0x1BF5;
	p2 =	por !p2, p0  }
0x20: {  	[sflag:s8] =	ssyncset.s32 @!p0 $0xFFFFF086;
	s6 =	sadd.s32 @!p0 s3, s7;
	s7 =	simm.s32 @!p0 $0x108  }
0x21: {  	s3 =	sadd.s32 s3, s9;
	s6 =	sadd.s32 @!p0 $0x88, s6;
	s7 =	simm.s32 @p2 $0x1082  }
0x22: {  	[simem:s7], [sflag:s8] =	dma.local @!p0 [hbm:s6], $0xF7A  }
0x23: {  	s9 =	sor.u32 $0xD0000000, s2;
	s6 =	simm.s32 $0x108;
	_ =	swait.ge @!p0 [sflag:s8], $0x0  }
0x24: {  	s3 =	sadd.s32 $0x88, s3;
	s6 =	simm.s32 @!p1 $0x1082;
	[sflag:s4] =	ssyncset.s32 $0xFFFFF086  }
0x25: {  	[simem:s6], [sflag:s4] =	dma.local [hbm:s3], $0xF7A  }
0x26: {  	[smem:$0x3F98] =	sst s1;
	(tag) =	ssettag s2;
	_ =	strace s9  }
0x27: {  	s1 =	sld [smem:$0x3FA8]  }
0x28: {  	s2 =	sld [smem:$0x3FA9]  }
0x29: {  	s4 =	sld [smem:$0x3FAB]  }
0x2a: {  	p0 =	seq.s32 s5, $0x0;
	s5 =	sld [smem:$0x3FAC]  }
0x2b: {  	s6 =	sld [smem:$0x3FAD]  }
0x2c: {  	s7 =	sld [smem:$0x3FAE]  }
0x2d: {  	s3 =	simm.s32 $0x108;
	s8 =	sld [smem:$0x3FAF]  }
0x2e: {  	s3 =	simm.s32 @!p0 $0x1082;
	s9 =	sld [smem:$0x3FB0]  }
0x2f: {  	lr =	sadd.s32 s0, s3;
	s0 =	sld [smem:$0x3FA7]  }
0x30: {  	s3 =	sld [smem:$0x3FAA]  }
0x31: {  	[smem:$0x3FB3] =	sst s10  }
0x32: {  	s10 =	sld [smem:$0x3FB1];
	_ =	sdelay $0x3  }
0x33: {  	p0 =	seq.s32 s10, $0x1;
	s10 =	sld [smem:$0x3FB3];
	_ =	sdelay $0x3  }
0x34: {  	[smem:$0x3FB3] =	sst s10  }
0x35: {  	s10 =	sld [smem:$0x3FB2];
	_ =	sdelay $0x3  }
0x36: {  	p1 =	seq.s32 s10, $0x1;
	s10 =	sld [smem:$0x3FB3];
	_ =	sdelay $0x3  }
0x37: {  	[smem:$0x3FB3] =	sst s10  }
0x38: {  	s10 =	sld [smem:$0x3FB4]  }
0x39: {  	_ = 	snop;
	(pc) =	sbr.ind lr, $3  }
0x3a: {  	_ = 	snop  }
0x3b: {  	_ = 	snop  }
0x3c: {  	p2 =	seq.s32 s10, $0x1;
	s10 =	sld [smem:$0x3FB3]  }
0x3d: {  	_ =	shalt  }
0x3e: {  	_ =	shalt  }
0x3f: {  	_ =	shalt  }
0x40: {  	_ =	shalt  }
0x41: {  	_ =	shalt  }
0x42: {  	_ =	shalt  }
0x43: {  	_ =	shalt  }
0x44: {  	_ =	shalt  }
0x45: {  	_ =	shalt  }
0x46: {  	_ =	shalt  }
0x47: {  	_ =	shalt  }
0x48: {  	_ =	shalt  }
0x49: {  	_ =	shalt  }
0x4a: {  	_ =	shalt  }
0x4b: {  	_ =	shalt  }
0x4c: {  	_ =	shalt  }
0x4d: {  	_ =	shalt  }
0x4e: {  	_ =	shalt  }
0x4f: {  	_ =	shalt  }
0x50: {  	_ =	shalt  }
0x51: {  	_ =	shalt  }
0x52: {  	_ =	shalt  }
0x53: {  	_ =	shalt  }
0x54: {  	_ =	shalt  }
0x55: {  	_ =	shalt  }
0x56: {  	_ =	shalt  }
0x57: {  	_ =	shalt  }
0x58: {  	_ =	shalt  }
0x59: {  	_ =	shalt  }
0x5a: {  	_ =	shalt  }
0x5b: {  	_ =	shalt  }
0x5c: {  	_ =	shalt  }
0x5d: {  	_ =	shalt  }
0x5e: {  	_ =	shalt  }
0x5f: {  	_ =	shalt  }
0x60: {  	_ =	shalt  }
0x61: {  	_ =	shalt  }
0x62: {  	_ =	shalt  }
0x63: {  	_ =	shalt  }
0x64: {  	_ =	shalt  }
0x65: {  	_ =	shalt  }
0x66: {  	_ =	shalt  }
0x67: {  	_ =	shalt  }
0x68: {  	_ =	shalt  }
0x69: {  	_ =	shalt  }
0x6a: {  	_ =	shalt  }
0x6b: {  	_ =	shalt  }
0x6c: {  	_ =	shalt  }
0x6d: {  	_ =	shalt  }
0x6e: {  	_ =	shalt  }
0x6f: {  	_ =	shalt  }
0x70: {  	_ =	shalt  }
0x71: {  	_ =	shalt  }
0x72: {  	_ =	shalt  }
0x73: {  	_ =	shalt  }
0x74: {  	_ =	shalt  }
0x75: {  	_ =	shalt  }
0x76: {  	_ =	shalt  }
0x77: {  	_ =	shalt  }
0x78: {  	_ =	shalt  }
0x79: {  	_ =	shalt  }
0x7a: {  	_ =	shalt  }
0x7b: {  	_ =	shalt  }
0x7c: {  	_ =	shalt  }
0x7d: {  	_ =	shalt  }
0x7e: {  	_ =	shalt  }
0x7f: {  	_ =	shalt  }
0x80: {  	_ =	shalt  }
0x81: {  	_ =	shalt  }
0x82: {  	_ =	shalt  }
0x83: {  	_ =	shalt  }
0x84: {  	_ =	shalt  }
0x85: {  	_ =	shalt  }
0x86: {  	_ =	shalt  }
0x87: {  	_ =	shalt  }
.Lfunc_end0:
.L_simem_size_0:
called_computation.1_lowered:
.L_overlay_start_0:
0x88: {  	s2 =	sld [smem:$0x3FD9]  }
0x89: {  	s3 =	sld [smem:$0x3FFE];
	_ =	sdelay $0x1  }
0x8a: {  	s1 =	srdreg.scid  }
0x8b: {  	s0 =	sand.u32 $0x1, s1  }
0x8c: {  	s17 =	sshll.u32 s0, $0xA;
	s2 =	sadd.s32 s3, s2  }
0x8d: {  	s2 =	sadd.s32 s2, s17  }
0x8e: {  	[smem:$0x3FBF] =	sst s2  }
0x8f: {  	_ = 	snop  }
0x90: {  	s2 =	sld [smem:$0x3FD0];
	(tm) =	ssettm $0x1  }
0x91: {  	s18 =	sld [smem:$0x3FFB];
	_ =	sdelay $0x3  }
0x92: {  	_ =	strace s18  }
0x93: {  	s3 =	sld [smem:$0x3FFC];
	_ =	sdelay $0x3  }
0x94: {  	_ =	strace s3  }
0x95: {  	s3 =	sld [smem:$0x3FFD];
	_ =	sdelay $0x3  }
0x96: {  	_ =	strace s3  }
0x97: {  	_ =	strace $0x8FFFFFFF  }
0x98: {  	s19 =	sld [smem:$0x3FDB];
	_ =	sdelay $0x1  }
0x99: {  	s4 =	simm.s32 $_scs_section_size  }
0x9a: {  	s5 =	simm.s32 $_size__tile_overlayer_lowered;
	s6 =	simm.s32 $_tile_overlayer_lowered  }
0x9b: {  	s22 =	simm.s32 $0x1BFF;
	s21 =	sshll.u32 s6, $0x1;
	s3 =	sadd.s32 s4, s19  }
0x9c: {  	s7 =	simm.s32 $0x0;
	s20 =	sshll.u32 s5, $0x1;
	s5 =	sadd.s32 s21, s3  }
0x9d: {  	[timem:s7], [sflag:s22] =	dma.local [hbm:s5], s20  }
0x9e: {  	_ =	swait.ge [sflag:s22], s20  }
0x9f: {  	s4 =	ssub.s32 $0x0, s20;
	[sflag:s22] =	ssyncset.done $0x0  }
0xa0: {  	[sflag:s22] =	ssyncadd.s32 s4;
	_ =	sdelay $0x1  }
0xa1: {  	s23 =	simm.s32 $0x1B8B  }
0xa2: {  	_ =	swait.ge [sflag:s23], $0x1  }
0xa3: {  	[sflag:s23] =	ssyncset.done $0x0  }
0xa4: {  	s25 =	simm.s32 $0x1B8E;
	s24 =	sld [smem:$0x3FFE];
	[sflag:s23] =	ssyncadd.s32 $0xFFFFFFFF  }
0xa5: {  	s26 =	simm.s32 $execute0_lowered;
	[smem:$0x3FD2] =	sst s25  }
0xa6: {  	s5 =	sshll.u32 s26, $0x1;
	_ =	strace $0x80000049;
	[dreg:$0x1] =	wrdreg $0xFFFFFFFF  }
0xa7: {  	s28 =	simm.s32 $_size_execute0_lowered;
	s3 =	sadd.s32 s3, s5;
	[dreg:$0x0] =	wrdreg $0x0  }
0xa8: {  	s5 =	sshll.u32 s28, $0x1;
	[dreg:$0x2] =	wrdreg s3  }
0xa9: {  	[dreg:$0x3] =	wrdreg s5  }
0xaa: {  	[dreg:$0x4] =	wrdreg $0xC0  }
0xab: {  	_ =	task [dreg:s7], $0x5FFFF  }
0xac: {  	[dreg:$0x1] =	wrdreg $0xFFFFFFFF  }
0xad: {  	[dreg:$0x0] =	wrdreg $0x60  }
0xae: {  	[dreg:$0x2] =	wrdreg s2  }
0xaf: {  	[dreg:$0x3] =	wrdreg s24  }
0xb0: {  	[dreg:$0x4] =	wrdreg $0x88000  }
0xb1: {  	[dreg:$0x5] =	wrdreg $0x9  }
0xb2: {  	_ =	task.clear_ibuf [dreg:s7], $0x6FFFF;
	_ =	strace $0x90000049  }
0xb3: {  	s29 =	simm.s32 $0x9;
	_ =	strace $0x8000004B  }
0xb4: {  	_ =	swait.ge [sflag:s29], $0x1  }
0xb5: {  	[sflag:s29] =	ssyncadd.s32 $0xFFFFFFFF  }
0xb6: {  	_ =	strace $0x9000004B  }
0xb7: {  	_ =	sfence  }
0xb8: {  	s30 =	sld [smem:$0x0];
	_ =	sdelay $0x2  }
0xb9: {  	s31 =	sshll.u32 s1, $0xD;
	s1 =	sshrl.u32 s1, $0x2  }
0xba: {  	s3 =	sand.u32 $0x4000, s31;
	s1 =	sadd.s32 s1, s30  }
0xbb: {  	s0 =	sor.u32 s3, s0;
	s1 =	sshll.u32 s1, $0x11  }
0xbc: {  	s0 =	sor.u32 s1, s0  }
0xbd: {  	s0 =	sadd.s32 $0x8F2B, s0  }
0xbe: {  	[sflag:s0] =	ssyncadd.remote.s32 $0x1  }
0xbf: {  	_ =	sfence.sel $0xFFFF  }
0xc0: {  	[dreg:$0x0] =	wrdreg $0xFFFFFFFF;
	(pc) =	sbr.abs _section_cstart, $3  }
0xc1: {  	[dreg:$0x1] =	wrdreg $0xFFFFFFFF  }
0xc2: {  	_ =	task.clear_ibuf [dreg:s7], $0x2FFFF;
	_ =	strace $0x9FFFFFFF  }
0xc3: {  	(tm) =	ssettm $0x7FFFFFFF  }
tec
execute0_lowered:
.L_overlay_start_1:
0x0: {  	(tag) =	ssettag $0x1  }
0x1: {  	s1 =	rddreg [dreg:$0x0]  }
0x2: {  	s0 =	rddreg [dreg:$0x1]  }
0x3: {  	s3 =	rddreg [dreg:$0x2];
	s4 =	simm.s32 $0x0;
	s11 =	stileid.u32  }
0x4: {  	s6 =	srdreg.scid;
	s28 =	simm.s32 $0x100;
	s29 =	simm.s32 $0x2  }
0x5: {  	s30 =	simm.s32 $0x480;
	s31 =	simm.s32 $0x4;
	s14 =	simm.s32 $0x200  }
0x6: {  	s15 =	simm.s32 $0x580;
	s13 =	simm.s32 $0x0;
	s2 =	smul.u32 $0xA00, s11  }
0x7: {  	[smem:$0x7FF] =	sst s4;
	s7 =	smul.u32 $0x50000, s11;
	s5 =	sadd.s32 $0x17200, s0  }
0x8: {  	s6 =	sand.u32 $0x1, s6;
	s8 =	smul.u32 $0x2800, s11;
	s10 =	sadd.s32 $0x3E400, s0  }
0x9: {  	s24 =	sadd.s32 $0x12C000, s3;
	_ =	strace $0x8000004A;
	[dreg:$0x4] =	wrdreg s10  }
0xa: {  	s25 =	sadd.s32 $0x8B600, s0;
	p1 =	seq.s32 s11, $0xF;
	[dreg:$0xb] =	wrdreg s24  }
0xb: {  	s11 =	simm.s32 $0x780;
	s9 =	ssub.s32 $0x2, s6;
	[dreg:$0xc] =	wrdreg s25  }
0xc: {  	p0 =	sne.s32 s6, $0x0;
	s24 =	simm.s32 $0x4800;
	s25 =	simm.s32 $0x1  }
0xd: {  	s6 =	simm.s32 $0x300;
	s10 =	simm.s32 $0x700;
	s2 =	sadd.s32 s2, s0  }
0xe: {  	s7 =	sshrl.u32 s7, $0x2;
	s17 =	sadd.s32 s8, s0;
	s0 =	sadd.s32 $0x64400, s0  }
0xf: {  	s16 =	sshrl.u32 s9, $0x1;
	s12 =	sadd.s32 s7, s3;
	[dreg:$0xe] =	wrdreg s0  }
0x10: {  	s8 =	simm.s32 $0x680;
	s23 =	sadd.s32 $0x65E00, s17;
	[dreg:$0x5] =	wrdreg s12  }
0x11: {  	s18 =	ssub.s32 s9, s16;
	s7 =	sadd.s32 $0x3EC00, s17;
	[dreg:$0xa] =	wrdreg s23  }
0x12: {  	s0 =	simm.s32 $0x180;
	s19 =	sadd.s32 $0x4000, s12;
	[dreg:$0xd] =	wrdreg s7  }
0x13: {  	s16 =	simm.s32 $0x280;
	s20 =	sadd.s32 $0x8000, s12;
	[dreg:$0x6] =	wrdreg s19  }
0x14: {  	s9 =	simm.s32 $0x380;
	s21 =	sadd.s32 $0xC000, s12;
	[dreg:$0x7] =	wrdreg s20  }
.Ltmp0:
0x15: {  	s22 =	sadd.s32 $0x10000, s12;
	[dreg:$0x8] =	wrdreg s21;
	(pc) =	sbr.rel .LBB2_1-.Ltmp0, $4  }
0x16: {  	s26 =	smax.u32 s18, $0x1;
	s18 =	sadd.s32 $0x3200, s2;
	[dreg:$0x9] =	wrdreg s22  }
0x17: {  	s23 =	simm.s32 $0x80;
	s12 =	simm.s32 $0x500;
	[dreg:$0xf] =	wrdreg s26  }
0x18: {  	s19 =	sadd.s32 $0xD200, s2;
	s20 =	simm.s32 $0x800;
	s21 =	simm.s32 $0x5  }
0x19: {  	s22 =	simm.s32 $0x400;
	s26 =	simm.s32 $0x3;
	s2 =	simm.s32 $0x600  }
.LBB2_7:
0x1a: {  	s13 =	sadd.s32 s7, s19;
	[sflag:s31] =	ssyncadd.s32 $0xFFFFC000  }
0x1b: {  	[tilespmem:s4], [sflag:$0x5] =	stream.linear.gather [hbm4b:s13+s4], $0x400, $0x38;
	[tilespmem:$0x1C800] =	vst v63  }
0x1c: {  	_ =	swait.ge [sflag:s21], $0x400  }
0x1d: {  	[sflag:s21] =	ssyncset.done $0x0  }
0x1e: {  	s17 =	sadd.s32 s7, s18;
	[sflag:s21] =	ssyncadd.s32 $0xFFFFFC00  }
0x1f: {  	[tilespmem:s22], [sflag:$0x5] =	stream.linear.gather [hbm4b:s17+s4], $0x400, $0x38;
	[tilespmem:$0x1C800] =	vst v63  }
0x20: {  	_ =	swait.ge [sflag:s21], $0x400  }
0x21: {  	[sflag:s21] =	ssyncset.done $0x0  }
0x22: {  	[sflag:s21] =	ssyncadd.s32 $0xFFFFFC00  }
0x23: {  	[tilespmem:s20], [sflag:$0x1] =	stream.indirect.gather [hbm4b:s5+s23], $0x80, s4, s23, $0xb8;
	[tilespmem:$0x1C800] =	vst v63  }
0x24: {  	_ = 	snop  }
0x25: {  	[tilespmem:s24], [sflag:$0x2] =	stream.indirect.gather [hbm4b:s5+s23], $0x80, s23, s23, $0xb8;
	[tilespmem:$0x1C800] =	vst v63  }
0x26: {  	_ =	swait.ge [sflag:s25], $0x4000  }
0x27: {  	[sflag:s25] =	ssyncset.done $0x0  }
0x28: {  	[sflag:s25] =	ssyncadd.s32 $0xFFFFC000  }
0x29: {  	[spmem:s3] =	stream.indirect.scatter.add.f32 [tilespmem:s20], [sflag:$0x3], $0x80, s22, s23, $0xb8;
	[tilespmem:$0x1C800] =	vst v63  }
0x2a: {  	_ =	swait.ge [sflag:s26], $0x4000  }
0x2b: {  	[sflag:s26] =	ssyncset.done $0x0  }
0x2c: {  	[sflag:s26] =	ssyncadd.s32 $0xFFFFC000  }
0x2d: {  	[tilespmem:s20], [sflag:$0x1] =	stream.indirect.gather [hbm4b:s5+s23], $0x80, s28, s23, $0xb8;
	[tilespmem:$0x1C800] =	vst v63  }
0x2e: {  	_ =	swait.ge [sflag:s29], $0x4000  }
0x2f: {  	[sflag:s29] =	ssyncset.done $0x0  }
0x30: {  	[sflag:s29] =	ssyncadd.s32 $0xFFFFC000  }
0x31: {  	[spmem:s3] =	stream.indirect.scatter.add.f32 [tilespmem:s24], [sflag:$0x4], $0x80, s30, s23, $0xb8;
	[tilespmem:$0x1C800] =	vst v63  }
0x32: {  	_ =	swait.ge [sflag:s31], $0x4000  }
0x33: {  	[sflag:s31] =	ssyncset.done $0x0  }
0x34: {  	[sflag:s31] =	ssyncadd.s32 $0xFFFFC000  }
0x35: {  	[tilespmem:s24], [sflag:$0x2] =	stream.indirect.gather [hbm4b:s5+s23], $0x80, s0, s23, $0xb8;
	[tilespmem:$0x1C800] =	vst v63  }
0x36: {  	_ =	swait.ge [sflag:s25], $0x4000  }
0x37: {  	[sflag:s25] =	ssyncset.done $0x0  }
0x38: {  	[sflag:s25] =	ssyncadd.s32 $0xFFFFC000  }
0x39: {  	[spmem:s3] =	stream.indirect.scatter.add.f32 [tilespmem:s20], [sflag:$0x3], $0x80, s12, s23, $0xb8;
	[tilespmem:$0x1C800] =	vst v63  }
0x3a: {  	_ =	swait.ge [sflag:s26], $0x4000  }
0x3b: {  	[sflag:s26] =	ssyncset.done $0x0  }
0x3c: {  	[sflag:s26] =	ssyncadd.s32 $0xFFFFC000  }
0x3d: {  	[tilespmem:s20], [sflag:$0x1] =	stream.indirect.gather [hbm4b:s5+s23], $0x80, s14, s23, $0xb8;
	[tilespmem:$0x1C800] =	vst v63  }
0x3e: {  	_ =	swait.ge [sflag:s29], $0x4000  }
0x3f: {  	[sflag:s29] =	ssyncset.done $0x0  }
0x40: {  	[sflag:s29] =	ssyncadd.s32 $0xFFFFC000  }
0x41: {  	[spmem:s3] =	stream.indirect.scatter.add.f32 [tilespmem:s24], [sflag:$0x4], $0x80, s15, s23, $0xb8;
	[tilespmem:$0x1C800] =	vst v63  }
0x42: {  	_ =	swait.ge [sflag:s31], $0x4000  }
0x43: {  	[sflag:s31] =	ssyncset.done $0x0  }
0x44: {  	[sflag:s31] =	ssyncadd.s32 $0xFFFFC000  }
0x45: {  	[tilespmem:s24], [sflag:$0x2] =	stream.indirect.gather [hbm4b:s5+s23], $0x80, s16, s23, $0xb8;
	[tilespmem:$0x1C800] =	vst v63  }
0x46: {  	_ =	swait.ge [sflag:s25], $0x4000  }
0x47: {  	[sflag:s25] =	ssyncset.done $0x0  }
0x48: {  	[sflag:s25] =	ssyncadd.s32 $0xFFFFC000  }
0x49: {  	[spmem:s3] =	stream.indirect.scatter.add.f32 [tilespmem:s20], [sflag:$0x3], $0x80, s2, s23, $0xb8;
	[tilespmem:$0x1C800] =	vst v63  }
0x4a: {  	_ =	swait.ge [sflag:s26], $0x4000  }
0x4b: {  	[sflag:s26] =	ssyncset.done $0x0  }
0x4c: {  	[sflag:s26] =	ssyncadd.s32 $0xFFFFC000  }
0x4d: {  	[tilespmem:s20], [sflag:$0x1] =	stream.indirect.gather [hbm4b:s5+s23], $0x80, s6, s23, $0xb8;
	[tilespmem:$0x1C800] =	vst v63  }
0x4e: {  	_ =	swait.ge [sflag:s29], $0x4000  }
0x4f: {  	[sflag:s29] =	ssyncset.done $0x0  }
0x50: {  	[sflag:s29] =	ssyncadd.s32 $0xFFFFC000  }
0x51: {  	[spmem:s3] =	stream.indirect.scatter.add.f32 [tilespmem:s24], [sflag:$0x4], $0x80, s8, s23, $0xb8;
	[tilespmem:$0x1C800] =	vst v63  }
0x52: {  	_ =	swait.ge [sflag:s31], $0x4000  }
0x53: {  	[sflag:s31] =	ssyncset.done $0x0  }
0x54: {  	[sflag:s31] =	ssyncadd.s32 $0xFFFFC000  }
0x55: {  	[tilespmem:s24], [sflag:$0x2] =	stream.indirect.gather [hbm4b:s5+s23], $0x80, s9, s23, $0xb8;
	[tilespmem:$0x1C800] =	vst v63  }
0x56: {  	_ =	swait.ge [sflag:s25], $0x4000  }
0x57: {  	[sflag:s25] =	ssyncset.done $0x0  }
0x58: {  	[sflag:s25] =	ssyncadd.s32 $0xFFFFC000  }
0x59: {  	[spmem:s3] =	stream.indirect.scatter.add.f32 [tilespmem:s20], [sflag:$0x3], $0x80, s10, s23, $0xb8;
	[tilespmem:$0x1C800] =	vst v63  }
0x5a: {  	_ =	swait.ge [sflag:s29], $0x4000  }
0x5b: {  	[sflag:s29] =	ssyncset.done $0x0  }
0x5c: {  	[sflag:s29] =	ssyncadd.s32 $0xFFFFC000  }
0x5d: {  	[spmem:s3] =	stream.indirect.scatter.add.f32 [tilespmem:s24], [sflag:$0x4], $0x80, s11, s23, $0xb8;
	[tilespmem:$0x1C800] =	vst v63  }
0x5e: {  	_ =	swait.ge [sflag:s26], $0x4000  }
0x5f: {  	[sflag:s26] =	ssyncset.done $0x0  }
0x60: {  	[sflag:s26] =	ssyncadd.s32 $0xFFFFC000  }
0x61: {  	_ =	swait.ge [sflag:s31], $0x4000  }
0x62: {  	[sflag:s31] =	ssyncset.done $0x0  }
0x63: {  	[sflag:s31] =	ssyncadd.s32 $0xFFFFC000  }
0x64: {  	[bflag:$0x0] =	sbarrier.arrive $0xFFFF  }
0x65: {  	s13 =	rddreg [dreg:$0xc]  }
0x66: {  	s7 =	simm.s32 @p1 $0x1FC5;
	s17 =	rddreg [dreg:$0x13]  }
0x67: {  	[hbm:s13], [sflag:s7] =	dma.local @p1 [spmem:s17], $0x1900  }
0x68: {  	s7 =	simm.s32 @p1 $0x5  }
0x69: {  	_ =	swait.ge @p1 [sflag:s7], $0x1900  }
0x6a: {  	s13 =	rddreg [dreg:$0x11]  }
0x6b: {  	[sflag:s7] =	ssyncset.done @p1 $0x0;
	s17 =	rddreg [dreg:$0x12]  }
0x6c: {  	[sflag:s7] =	ssyncadd.s32 @p1 $0xFFFFE700;
	s7 =	rddreg [dreg:$0xa]  }
0x6d: {  	[hbm:s7], [sflag:s17] =	dma.local @!p1 [spmem:s13], $0x2800  }
0x6e: {  	s7 =	simm.s32 @!p1 $0x5  }
0x6f: {  	_ =	swait.ge @!p1 [sflag:s7], $0x2800  }
0x70: {  	[sflag:s7] =	ssyncset.done @!p1 $0x0  }
0x71: {  	s13 =	rddreg [dreg:$0x10];
	[sflag:s7] =	ssyncadd.s32 @!p1 $0xFFFFD800  }
.LBB2_8:
0x72: {  	s13 =	sadd.s32 $0x1, s13;
	s7 =	rddreg [dreg:$0xf]  }
0x73: {  	p2 =	sne.s32 s13, s7  }
.Ltmp1:
0x74: {  	_ = 	snop;
	(pc) =	sbr.rel @!p2 .LBB2_9-.Ltmp1, $1  }
0x75: {  	_ =	sdelay $0x3  }
.LBB2_1:
0x76: {  	[dreg:$0x10] =	wrdreg s13  }
0x77: {  	s7 =	rddreg [dreg:$0x4]  }
0x78: {  	[tilespmem:s20], [sflag:$0x5] =	stream.linear.gather [hbm4b:s7+s4], $0x4000, $0x38;
	[tilespmem:$0x1C800] =	vst v63  }
0x79: {  	_ =	swait.ge [sflag:s21], $0x4000  }
0x7a: {  	[sflag:s21] =	ssyncset.done $0x0  }
0x7b: {  	s13 =	rddreg [dreg:$0x5];
	[sflag:s21] =	ssyncadd.s32 $0xFFFFC000  }
0x7c: {  	[spmem:s13] =	stream.linear.scatter [tilespmem:s20], [sflag:$0x5], $0x4000, $0x38;
	[tilespmem:$0x1C800] =	vst v63  }
0x7d: {  	_ =	swait.ge [sflag:s21], $0x4000  }
0x7e: {  	[sflag:s21] =	ssyncset.done $0x0  }
0x7f: {  	s17 =	rddreg [dreg:$0x6];
	[sflag:s21] =	ssyncadd.s32 $0xFFFFC000  }
0x80: {  	[spmem:s17] =	stream.linear.scatter [tilespmem:s20], [sflag:$0x5], $0x4000, $0x38;
	[tilespmem:$0x1C800] =	vst v63  }
0x81: {  	_ =	swait.ge [sflag:s21], $0x4000  }
0x82: {  	[sflag:s21] =	ssyncset.done $0x0  }
0x83: {  	s17 =	rddreg [dreg:$0x7];
	[sflag:s21] =	ssyncadd.s32 $0xFFFFC000  }
0x84: {  	[spmem:s17] =	stream.linear.scatter [tilespmem:s20], [sflag:$0x5], $0x4000, $0x38;
	[tilespmem:$0x1C800] =	vst v63  }
0x85: {  	_ =	swait.ge [sflag:s21], $0x4000  }
0x86: {  	[sflag:s21] =	ssyncset.done $0x0  }
0x87: {  	s17 =	rddreg [dreg:$0x8];
	[sflag:s21] =	ssyncadd.s32 $0xFFFFC000  }
0x88: {  	[spmem:s17] =	stream.linear.scatter [tilespmem:s20], [sflag:$0x5], $0x4000, $0x38;
	[tilespmem:$0x1C800] =	vst v63  }
0x89: {  	_ =	swait.ge [sflag:s21], $0x4000  }
0x8a: {  	[sflag:s21] =	ssyncset.done $0x0  }
0x8b: {  	s17 =	rddreg [dreg:$0x9];
	[sflag:s21] =	ssyncadd.s32 $0xFFFFC000  }
0x8c: {  	[spmem:s17] =	stream.linear.scatter [tilespmem:s20], [sflag:$0x5], $0x4000, $0x38;
	[tilespmem:$0x1C800] =	vst v63  }
0x8d: {  	_ =	swait.ge [sflag:s21], $0x4000  }
0x8e: {  	[sflag:s21] =	ssyncset.done $0x0  }
0x8f: {  	[sflag:s21] =	ssyncadd.s32 $0xFFFFC000  }
.Ltmp2:
0x90: {  	s7 =	stileid.u32;
	[bflag:$0x0] =	sbarrier.arrive $0xFFFF;
	(pc) =	sbr.rel @p0 .LBB2_5-.Ltmp2, $4  }
0x91: {  	s7 =	sshll.u32 @!p1 s7, $0x6;
	s13 =	sshrl.u32 @!p1 s13, $0x3;
	s17 =	rddreg [dreg:$0xb]  }
0x92: {  	s7 =	sor.u32 @!p1 $0x1C05, s7;
	[dreg:$0x11] =	wrdreg s13  }
0x93: {  	[dreg:$0x12] =	wrdreg s7;
	s17 =	sshrl.u32 @p1 s17, $0x3  }
0x94: {  	s7 =	sadd.s32 $0x0, s19;
	[dreg:$0x13] =	wrdreg s17  }
0x95: {  	[tilespmem:s4], [sflag:$0x5] =	stream.linear.gather [hbm4b:s7+s4], $0x400, $0x38;
	[tilespmem:$0x1C800] =	vst v63  }
0x96: {  	_ =	swait.ge [sflag:s21], $0x400  }
0x97: {  	[sflag:s21] =	ssyncset.done $0x0  }
0x98: {  	s17 =	sadd.s32 $0x0, s18;
	[sflag:s21] =	ssyncadd.s32 $0xFFFFFC00  }
0x99: {  	[tilespmem:s22], [sflag:$0x5] =	stream.linear.gather [hbm4b:s17+s4], $0x400, $0x38;
	[tilespmem:$0x1C800] =	vst v63  }
0x9a: {  	_ =	swait.ge [sflag:s21], $0x400  }
0x9b: {  	[sflag:s21] =	ssyncset.done $0x0  }
0x9c: {  	[sflag:s21] =	ssyncadd.s32 $0xFFFFFC00  }
0x9d: {  	[tilespmem:s20], [sflag:$0x1] =	stream.indirect.gather [hbm4b:s1+s23], $0x80, s4, s23, $0xb8;
	[tilespmem:$0x1C800] =	vst v63  }
0x9e: {  	_ = 	snop  }
0x9f: {  	[tilespmem:s24], [sflag:$0x2] =	stream.indirect.gather [hbm4b:s1+s23], $0x80, s23, s23, $0xb8;
	[tilespmem:$0x1C800] =	vst v63  }
0xa0: {  	_ =	swait.ge [sflag:s25], $0x4000  }
0xa1: {  	[sflag:s25] =	ssyncset.done $0x0  }
0xa2: {  	[sflag:s25] =	ssyncadd.s32 $0xFFFFC000  }
0xa3: {  	[spmem:s3] =	stream.indirect.scatter.add.f32 [tilespmem:s20], [sflag:$0x3], $0x80, s22, s23, $0xb8;
	[tilespmem:$0x1C800] =	vst v63  }
0xa4: {  	_ =	swait.ge [sflag:s26], $0x4000  }
0xa5: {  	[sflag:s26] =	ssyncset.done $0x0  }
0xa6: {  	[sflag:s26] =	ssyncadd.s32 $0xFFFFC000  }
0xa7: {  	[tilespmem:s20], [sflag:$0x1] =	stream.indirect.gather [hbm4b:s1+s23], $0x80, s28, s23, $0xb8;
	[tilespmem:$0x1C800] =	vst v63  }
0xa8: {  	_ =	swait.ge [sflag:s29], $0x4000  }
0xa9: {  	[sflag:s29] =	ssyncset.done $0x0  }
0xaa: {  	[sflag:s29] =	ssyncadd.s32 $0xFFFFC000  }
0xab: {  	[spmem:s3] =	stream.indirect.scatter.add.f32 [tilespmem:s24], [sflag:$0x4], $0x80, s30, s23, $0xb8;
	[tilespmem:$0x1C800] =	vst v63  }
0xac: {  	_ =	swait.ge [sflag:s31], $0x4000  }
0xad: {  	[sflag:s31] =	ssyncset.done $0x0  }
0xae: {  	[sflag:s31] =	ssyncadd.s32 $0xFFFFC000  }
0xaf: {  	[tilespmem:s24], [sflag:$0x2] =	stream.indirect.gather [hbm4b:s1+s23], $0x80, s0, s23, $0xb8;
	[tilespmem:$0x1C800] =	vst v63  }
0xb0: {  	_ =	swait.ge [sflag:s25], $0x4000  }
0xb1: {  	[sflag:s25] =	ssyncset.done $0x0  }
0xb2: {  	[sflag:s25] =	ssyncadd.s32 $0xFFFFC000  }
0xb3: {  	[spmem:s3] =	stream.indirect.scatter.add.f32 [tilespmem:s20], [sflag:$0x3], $0x80, s12, s23, $0xb8;
	[tilespmem:$0x1C800] =	vst v63  }
0xb4: {  	_ =	swait.ge [sflag:s26], $0x4000  }
0xb5: {  	[sflag:s26] =	ssyncset.done $0x0  }
0xb6: {  	[sflag:s26] =	ssyncadd.s32 $0xFFFFC000  }
0xb7: {  	[tilespmem:s20], [sflag:$0x1] =	stream.indirect.gather [hbm4b:s1+s23], $0x80, s14, s23, $0xb8;
	[tilespmem:$0x1C800] =	vst v63  }
0xb8: {  	_ =	swait.ge [sflag:s29], $0x4000  }
0xb9: {  	[sflag:s29] =	ssyncset.done $0x0  }
0xba: {  	[sflag:s29] =	ssyncadd.s32 $0xFFFFC000  }
0xbb: {  	[spmem:s3] =	stream.indirect.scatter.add.f32 [tilespmem:s24], [sflag:$0x4], $0x80, s15, s23, $0xb8;
	[tilespmem:$0x1C800] =	vst v63  }
0xbc: {  	_ =	swait.ge [sflag:s31], $0x4000  }
0xbd: {  	[sflag:s31] =	ssyncset.done $0x0  }
0xbe: {  	[sflag:s31] =	ssyncadd.s32 $0xFFFFC000  }
0xbf: {  	[tilespmem:s24], [sflag:$0x2] =	stream.indirect.gather [hbm4b:s1+s23], $0x80, s16, s23, $0xb8;
	[tilespmem:$0x1C800] =	vst v63  }
0xc0: {  	_ =	swait.ge [sflag:s25], $0x4000  }
0xc1: {  	[sflag:s25] =	ssyncset.done $0x0  }
0xc2: {  	[sflag:s25] =	ssyncadd.s32 $0xFFFFC000  }
0xc3: {  	[spmem:s3] =	stream.indirect.scatter.add.f32 [tilespmem:s20], [sflag:$0x3], $0x80, s2, s23, $0xb8;
	[tilespmem:$0x1C800] =	vst v63  }
0xc4: {  	_ =	swait.ge [sflag:s26], $0x4000  }
0xc5: {  	[sflag:s26] =	ssyncset.done $0x0  }
0xc6: {  	[sflag:s26] =	ssyncadd.s32 $0xFFFFC000  }
0xc7: {  	[tilespmem:s20], [sflag:$0x1] =	stream.indirect.gather [hbm4b:s1+s23], $0x80, s6, s23, $0xb8;
	[tilespmem:$0x1C800] =	vst v63  }
0xc8: {  	_ =	swait.ge [sflag:s29], $0x4000  }
0xc9: {  	[sflag:s29] =	ssyncset.done $0x0  }
0xca: {  	[sflag:s29] =	ssyncadd.s32 $0xFFFFC000  }
0xcb: {  	[spmem:s3] =	stream.indirect.scatter.add.f32 [tilespmem:s24], [sflag:$0x4], $0x80, s8, s23, $0xb8;
	[tilespmem:$0x1C800] =	vst v63  }
0xcc: {  	_ =	swait.ge [sflag:s31], $0x4000  }
0xcd: {  	[sflag:s31] =	ssyncset.done $0x0  }
0xce: {  	[sflag:s31] =	ssyncadd.s32 $0xFFFFC000  }
0xcf: {  	[tilespmem:s24], [sflag:$0x2] =	stream.indirect.gather [hbm4b:s1+s23], $0x80, s9, s23, $0xb8;
	[tilespmem:$0x1C800] =	vst v63  }
0xd0: {  	_ =	swait.ge [sflag:s25], $0x4000  }
0xd1: {  	[sflag:s25] =	ssyncset.done $0x0  }
0xd2: {  	[sflag:s25] =	ssyncadd.s32 $0xFFFFC000  }
0xd3: {  	[spmem:s3] =	stream.indirect.scatter.add.f32 [tilespmem:s20], [sflag:$0x3], $0x80, s10, s23, $0xb8;
	[tilespmem:$0x1C800] =	vst v63  }
0xd4: {  	_ =	swait.ge [sflag:s29], $0x4000  }
0xd5: {  	[sflag:s29] =	ssyncset.done $0x0  }
0xd6: {  	[sflag:s29] =	ssyncadd.s32 $0xFFFFC000  }
0xd7: {  	[spmem:s3] =	stream.indirect.scatter.add.f32 [tilespmem:s24], [sflag:$0x4], $0x80, s11, s23, $0xb8;
	[tilespmem:$0x1C800] =	vst v63  }
0xd8: {  	_ =	swait.ge [sflag:s26], $0x4000  }
0xd9: {  	[sflag:s26] =	ssyncset.done $0x0  }
0xda: {  	[sflag:s26] =	ssyncadd.s32 $0xFFFFC000  }
0xdb: {  	_ =	swait.ge [sflag:s31], $0x4000  }
0xdc: {  	s7 =	simm.s32 $0x80;
	s17 =	simm.s32 $0x100;
	[sflag:s31] =	ssyncset.done $0x0  }
.LBB2_3:
0xdd: {  	s28 =	sadd.s32 s7, s19  }
0xde: {  	[sflag:s31] =	ssyncadd.s32 $0xFFFFC000;
	s30 =	smov.u32 s17;
	s13 =	sadd.s32 $0x80, s17  }
0xdf: {  	[tilespmem:s4], [sflag:$0x5] =	stream.linear.gather [hbm4b:s28+s4], $0x400, $0x38;
	[tilespmem:$0x1C800] =	vst v63  }
0xe0: {  	s28 =	simm.s32 $0x100  }
0xe1: {  	p2 =	sne.s32 s17, $0x980;
	_ =	swait.ge [sflag:s21], $0x400  }
0xe2: {  	s17 =	sadd.s32 s7, s18;
	[sflag:s21] =	ssyncset.done $0x0  }
0xe3: {  	s7 =	smov.u32 s30;
	s30 =	simm.s32 $0x480;
	[sflag:s21] =	ssyncadd.s32 $0xFFFFFC00  }
0xe4: {  	[tilespmem:s22], [sflag:$0x5] =	stream.linear.gather [hbm4b:s17+s4], $0x400, $0x38;
	[tilespmem:$0x1C800] =	vst v63  }
0xe5: {  	_ =	swait.ge [sflag:s21], $0x400  }
0xe6: {  	[sflag:s21] =	ssyncset.done $0x0  }
0xe7: {  	[sflag:s21] =	ssyncadd.s32 $0xFFFFFC00  }
0xe8: {  	[tilespmem:s20], [sflag:$0x1] =	stream.indirect.gather [hbm4b:s1+s23], $0x80, s4, s23, $0xb8;
	[tilespmem:$0x1C800] =	vst v63  }
0xe9: {  	_ = 	snop  }
0xea: {  	[tilespmem:s24], [sflag:$0x2] =	stream.indirect.gather [hbm4b:s1+s23], $0x80, s23, s23, $0xb8;
	[tilespmem:$0x1C800] =	vst v63  }
0xeb: {  	_ =	swait.ge [sflag:s25], $0x4000  }
0xec: {  	[sflag:s25] =	ssyncset.done $0x0  }
0xed: {  	[sflag:s25] =	ssyncadd.s32 $0xFFFFC000  }
0xee: {  	[spmem:s3] =	stream.indirect.scatter.add.f32 [tilespmem:s20], [sflag:$0x3], $0x80, s22, s23, $0xb8;
	[tilespmem:$0x1C800] =	vst v63  }
0xef: {  	_ =	swait.ge [sflag:s26], $0x4000  }
0xf0: {  	[sflag:s26] =	ssyncset.done $0x0  }
0xf1: {  	[sflag:s26] =	ssyncadd.s32 $0xFFFFC000  }
0xf2: {  	[tilespmem:s20], [sflag:$0x1] =	stream.indirect.gather [hbm4b:s1+s23], $0x80, s28, s23, $0xb8;
	[tilespmem:$0x1C800] =	vst v63  }
0xf3: {  	_ =	swait.ge [sflag:s29], $0x4000  }
0xf4: {  	[sflag:s29] =	ssyncset.done $0x0  }
0xf5: {  	[sflag:s29] =	ssyncadd.s32 $0xFFFFC000  }
0xf6: {  	[spmem:s3] =	stream.indirect.scatter.add.f32 [tilespmem:s24], [sflag:$0x4], $0x80, s30, s23, $0xb8;
	[tilespmem:$0x1C800] =	vst v63  }
0xf7: {  	_ =	swait.ge [sflag:s31], $0x4000  }
0xf8: {  	[sflag:s31] =	ssyncset.done $0x0  }
0xf9: {  	[sflag:s31] =	ssyncadd.s32 $0xFFFFC000  }
0xfa: {  	[tilespmem:s24], [sflag:$0x2] =	stream.indirect.gather [hbm4b:s1+s23], $0x80, s0, s23, $0xb8;
	[tilespmem:$0x1C800] =	vst v63  }
0xfb: {  	_ =	swait.ge [sflag:s25], $0x4000  }
0xfc: {  	[sflag:s25] =	ssyncset.done $0x0  }
0xfd: {  	[sflag:s25] =	ssyncadd.s32 $0xFFFFC000  }
0xfe: {  	[spmem:s3] =	stream.indirect.scatter.add.f32 [tilespmem:s20], [sflag:$0x3], $0x80, s12, s23, $0xb8;
	[tilespmem:$0x1C800] =	vst v63  }
0xff: {  	_ =	swait.ge [sflag:s26], $0x4000  }
0x100: {  	[sflag:s26] =	ssyncset.done $0x0  }
0x101: {  	[sflag:s26] =	ssyncadd.s32 $0xFFFFC000  }
0x102: {  	[tilespmem:s20], [sflag:$0x1] =	stream.indirect.gather [hbm4b:s1+s23], $0x80, s14, s23, $0xb8;
	[tilespmem:$0x1C800] =	vst v63  }
0x103: {  	_ =	swait.ge [sflag:s29], $0x4000  }
0x104: {  	[sflag:s29] =	ssyncset.done $0x0  }
0x105: {  	[sflag:s29] =	ssyncadd.s32 $0xFFFFC000  }
0x106: {  	[spmem:s3] =	stream.indirect.scatter.add.f32 [tilespmem:s24], [sflag:$0x4], $0x80, s15, s23, $0xb8;
	[tilespmem:$0x1C800] =	vst v63  }
0x107: {  	_ =	swait.ge [sflag:s31], $0x4000  }
0x108: {  	[sflag:s31] =	ssyncset.done $0x0  }
0x109: {  	[sflag:s31] =	ssyncadd.s32 $0xFFFFC000  }
0x10a: {  	[tilespmem:s24], [sflag:$0x2] =	stream.indirect.gather [hbm4b:s1+s23], $0x80, s16, s23, $0xb8;
	[tilespmem:$0x1C800] =	vst v63  }
0x10b: {  	_ =	swait.ge [sflag:s25], $0x4000  }
0x10c: {  	[sflag:s25] =	ssyncset.done $0x0  }
0x10d: {  	[sflag:s25] =	ssyncadd.s32 $0xFFFFC000  }
0x10e: {  	[spmem:s3] =	stream.indirect.scatter.add.f32 [tilespmem:s20], [sflag:$0x3], $0x80, s2, s23, $0xb8;
	[tilespmem:$0x1C800] =	vst v63  }
0x10f: {  	_ =	swait.ge [sflag:s26], $0x4000  }
0x110: {  	[sflag:s26] =	ssyncset.done $0x0  }
0x111: {  	[sflag:s26] =	ssyncadd.s32 $0xFFFFC000  }
0x112: {  	[tilespmem:s20], [sflag:$0x1] =	stream.indirect.gather [hbm4b:s1+s23], $0x80, s6, s23, $0xb8;
	[tilespmem:$0x1C800] =	vst v63  }
0x113: {  	_ =	swait.ge [sflag:s29], $0x4000  }
0x114: {  	[sflag:s29] =	ssyncset.done $0x0  }
0x115: {  	[sflag:s29] =	ssyncadd.s32 $0xFFFFC000  }
0x116: {  	[spmem:s3] =	stream.indirect.scatter.add.f32 [tilespmem:s24], [sflag:$0x4], $0x80, s8, s23, $0xb8;
	[tilespmem:$0x1C800] =	vst v63  }
0x117: {  	_ =	swait.ge [sflag:s31], $0x4000  }
0x118: {  	[sflag:s31] =	ssyncset.done $0x0  }
0x119: {  	[sflag:s31] =	ssyncadd.s32 $0xFFFFC000  }
0x11a: {  	[tilespmem:s24], [sflag:$0x2] =	stream.indirect.gather [hbm4b:s1+s23], $0x80, s9, s23, $0xb8;
	[tilespmem:$0x1C800] =	vst v63  }
0x11b: {  	_ =	swait.ge [sflag:s25], $0x4000  }
0x11c: {  	[sflag:s25] =	ssyncset.done $0x0  }
0x11d: {  	[sflag:s25] =	ssyncadd.s32 $0xFFFFC000  }
0x11e: {  	[spmem:s3] =	stream.indirect.scatter.add.f32 [tilespmem:s20], [sflag:$0x3], $0x80, s10, s23, $0xb8;
	[tilespmem:$0x1C800] =	vst v63  }
0x11f: {  	_ =	swait.ge [sflag:s29], $0x4000  }
0x120: {  	[sflag:s29] =	ssyncset.done $0x0  }
0x121: {  	[sflag:s29] =	ssyncadd.s32 $0xFFFFC000  }
0x122: {  	[spmem:s3] =	stream.indirect.scatter.add.f32 [tilespmem:s24], [sflag:$0x4], $0x80, s11, s23, $0xb8;
	[tilespmem:$0x1C800] =	vst v63  }
.Ltmp3:
0x123: {  	_ =	swait.ge [sflag:s26], $0x4000;
	(pc) =	sbr.rel @p2 .LBB2_3-.Ltmp3, $4  }
0x124: {  	[sflag:s26] =	ssyncset.done $0x0  }
0x125: {  	[sflag:s26] =	ssyncadd.s32 $0xFFFFC000  }
0x126: {  	_ =	swait.ge [sflag:s31], $0x4000  }
0x127: {  	s17 =	smov.u32 s13;
	[sflag:s31] =	ssyncset.done $0x0  }
0x128: {  	s13 =	sadd.s32 s7, s19;
	[sflag:s31] =	ssyncadd.s32 $0xFFFFC000  }
0x129: {  	[tilespmem:s4], [sflag:$0x5] =	stream.linear.gather [hbm4b:s13+s4], $0x400, $0x38;
	[tilespmem:$0x1C800] =	vst v63  }
0x12a: {  	_ =	swait.ge [sflag:s21], $0x400  }
0x12b: {  	[sflag:s21] =	ssyncset.done $0x0  }
0x12c: {  	s17 =	sadd.s32 s7, s18;
	[sflag:s21] =	ssyncadd.s32 $0xFFFFFC00  }
0x12d: {  	[tilespmem:s22], [sflag:$0x5] =	stream.linear.gather [hbm4b:s17+s4], $0x400, $0x38;
	[tilespmem:$0x1C800] =	vst v63  }
0x12e: {  	_ =	swait.ge [sflag:s21], $0x400  }
0x12f: {  	[sflag:s21] =	ssyncset.done $0x0  }
0x130: {  	[sflag:s21] =	ssyncadd.s32 $0xFFFFFC00  }
0x131: {  	[tilespmem:s20], [sflag:$0x1] =	stream.indirect.gather [hbm4b:s1+s23], $0x80, s4, s23, $0xb8;
	[tilespmem:$0x1C800] =	vst v63  }
0x132: {  	_ = 	snop  }
0x133: {  	[tilespmem:s24], [sflag:$0x2] =	stream.indirect.gather [hbm4b:s1+s23], $0x80, s23, s23, $0xb8;
	[tilespmem:$0x1C800] =	vst v63  }
0x134: {  	_ =	swait.ge [sflag:s25], $0x4000  }
0x135: {  	[sflag:s25] =	ssyncset.done $0x0  }
0x136: {  	[sflag:s25] =	ssyncadd.s32 $0xFFFFC000  }
0x137: {  	[spmem:s3] =	stream.indirect.scatter.add.f32 [tilespmem:s20], [sflag:$0x3], $0x80, s22, s23, $0xb8;
	[tilespmem:$0x1C800] =	vst v63  }
0x138: {  	_ =	swait.ge [sflag:s26], $0x4000  }
0x139: {  	[sflag:s26] =	ssyncset.done $0x0  }
0x13a: {  	[sflag:s26] =	ssyncadd.s32 $0xFFFFC000  }
0x13b: {  	[tilespmem:s20], [sflag:$0x1] =	stream.indirect.gather [hbm4b:s1+s23], $0x80, s28, s23, $0xb8;
	[tilespmem:$0x1C800] =	vst v63  }
0x13c: {  	_ =	swait.ge [sflag:s29], $0x4000  }
0x13d: {  	[sflag:s29] =	ssyncset.done $0x0  }
0x13e: {  	[sflag:s29] =	ssyncadd.s32 $0xFFFFC000  }
0x13f: {  	[spmem:s3] =	stream.indirect.scatter.add.f32 [tilespmem:s24], [sflag:$0x4], $0x80, s30, s23, $0xb8;
	[tilespmem:$0x1C800] =	vst v63  }
0x140: {  	_ =	swait.ge [sflag:s31], $0x4000  }
0x141: {  	[sflag:s31] =	ssyncset.done $0x0  }
0x142: {  	[sflag:s31] =	ssyncadd.s32 $0xFFFFC000  }
0x143: {  	[tilespmem:s24], [sflag:$0x2] =	stream.indirect.gather [hbm4b:s1+s23], $0x80, s0, s23, $0xb8;
	[tilespmem:$0x1C800] =	vst v63  }
0x144: {  	_ =	swait.ge [sflag:s25], $0x4000  }
0x145: {  	[sflag:s25] =	ssyncset.done $0x0  }
0x146: {  	[sflag:s25] =	ssyncadd.s32 $0xFFFFC000  }
0x147: {  	[spmem:s3] =	stream.indirect.scatter.add.f32 [tilespmem:s20], [sflag:$0x3], $0x80, s12, s23, $0xb8;
	[tilespmem:$0x1C800] =	vst v63  }
0x148: {  	_ =	swait.ge [sflag:s26], $0x4000  }
0x149: {  	[sflag:s26] =	ssyncset.done $0x0  }
0x14a: {  	[sflag:s26] =	ssyncadd.s32 $0xFFFFC000  }
0x14b: {  	[tilespmem:s20], [sflag:$0x1] =	stream.indirect.gather [hbm4b:s1+s23], $0x80, s14, s23, $0xb8;
	[tilespmem:$0x1C800] =	vst v63  }
0x14c: {  	_ =	swait.ge [sflag:s29], $0x4000  }
0x14d: {  	[sflag:s29] =	ssyncset.done $0x0  }
0x14e: {  	[sflag:s29] =	ssyncadd.s32 $0xFFFFC000  }
0x14f: {  	[spmem:s3] =	stream.indirect.scatter.add.f32 [tilespmem:s24], [sflag:$0x4], $0x80, s15, s23, $0xb8;
	[tilespmem:$0x1C800] =	vst v63  }
0x150: {  	_ =	swait.ge [sflag:s31], $0x4000  }
0x151: {  	[sflag:s31] =	ssyncset.done $0x0  }
0x152: {  	[sflag:s31] =	ssyncadd.s32 $0xFFFFC000  }
0x153: {  	[tilespmem:s24], [sflag:$0x2] =	stream.indirect.gather [hbm4b:s1+s23], $0x80, s16, s23, $0xb8;
	[tilespmem:$0x1C800] =	vst v63  }
0x154: {  	_ =	swait.ge [sflag:s25], $0x4000  }
0x155: {  	[sflag:s25] =	ssyncset.done $0x0  }
0x156: {  	[sflag:s25] =	ssyncadd.s32 $0xFFFFC000  }
0x157: {  	[spmem:s3] =	stream.indirect.scatter.add.f32 [tilespmem:s20], [sflag:$0x3], $0x80, s2, s23, $0xb8;
	[tilespmem:$0x1C800] =	vst v63  }
0x158: {  	_ =	swait.ge [sflag:s26], $0x4000  }
0x159: {  	[sflag:s26] =	ssyncset.done $0x0  }
0x15a: {  	[sflag:s26] =	ssyncadd.s32 $0xFFFFC000  }
0x15b: {  	[tilespmem:s20], [sflag:$0x1] =	stream.indirect.gather [hbm4b:s1+s23], $0x80, s6, s23, $0xb8;
	[tilespmem:$0x1C800] =	vst v63  }
0x15c: {  	_ =	swait.ge [sflag:s29], $0x4000  }
0x15d: {  	[sflag:s29] =	ssyncset.done $0x0  }
0x15e: {  	[sflag:s29] =	ssyncadd.s32 $0xFFFFC000  }
0x15f: {  	[spmem:s3] =	stream.indirect.scatter.add.f32 [tilespmem:s24], [sflag:$0x4], $0x80, s8, s23, $0xb8;
	[tilespmem:$0x1C800] =	vst v63  }
0x160: {  	_ =	swait.ge [sflag:s31], $0x4000  }
0x161: {  	[sflag:s31] =	ssyncset.done $0x0  }
0x162: {  	[sflag:s31] =	ssyncadd.s32 $0xFFFFC000  }
0x163: {  	[tilespmem:s24], [sflag:$0x2] =	stream.indirect.gather [hbm4b:s1+s23], $0x80, s9, s23, $0xb8;
	[tilespmem:$0x1C800] =	vst v63  }
0x164: {  	_ =	swait.ge [sflag:s25], $0x4000  }
0x165: {  	[sflag:s25] =	ssyncset.done $0x0  }
0x166: {  	[sflag:s25] =	ssyncadd.s32 $0xFFFFC000  }
0x167: {  	[spmem:s3] =	stream.indirect.scatter.add.f32 [tilespmem:s20], [sflag:$0x3], $0x80, s10, s23, $0xb8;
	[tilespmem:$0x1C800] =	vst v63  }
0x168: {  	_ =	swait.ge [sflag:s29], $0x4000  }
0x169: {  	[sflag:s29] =	ssyncset.done $0x0  }
0x16a: {  	[sflag:s29] =	ssyncadd.s32 $0xFFFFC000  }
0x16b: {  	[spmem:s3] =	stream.indirect.scatter.add.f32 [tilespmem:s24], [sflag:$0x4], $0x80, s11, s23, $0xb8;
	[tilespmem:$0x1C800] =	vst v63  }
0x16c: {  	_ =	swait.ge [sflag:s26], $0x4000  }
0x16d: {  	[sflag:s26] =	ssyncset.done $0x0  }
0x16e: {  	[sflag:s26] =	ssyncadd.s32 $0xFFFFC000  }
0x16f: {  	_ =	swait.ge [sflag:s31], $0x4000  }
0x170: {  	[sflag:s31] =	ssyncset.done $0x0  }
0x171: {  	[sflag:s31] =	ssyncadd.s32 $0xFFFFC000  }
0x172: {  	[bflag:$0x0] =	sbarrier.arrive $0xFFFF  }
0x173: {  	s13 =	rddreg [dreg:$0xe]  }
0x174: {  	s7 =	simm.s32 @p1 $0x1FC5;
	s17 =	rddreg [dreg:$0x13]  }
0x175: {  	[hbm:s13], [sflag:s7] =	dma.local @p1 [spmem:s17], $0x1900  }
0x176: {  	s7 =	simm.s32 @p1 $0x5  }
0x177: {  	_ =	swait.ge @p1 [sflag:s7], $0x1900  }
0x178: {  	s13 =	rddreg [dreg:$0x11]  }
0x179: {  	[sflag:s7] =	ssyncset.done @p1 $0x0;
	s17 =	rddreg [dreg:$0x12]  }
0x17a: {  	[sflag:s7] =	ssyncadd.s32 @p1 $0xFFFFE700;
	s7 =	rddreg [dreg:$0xd]  }
0x17b: {  	[hbm:s7], [sflag:s17] =	dma.local @!p1 [spmem:s13], $0x2800  }
.Ltmp4:
0x17c: {  	_ = 	snop;
	(pc) =	sbr.rel .LBB2_8-.Ltmp4, $4  }
0x17d: {  	s7 =	simm.s32 @!p1 $0x5  }
0x17e: {  	_ =	swait.ge @!p1 [sflag:s7], $0x2800  }
0x17f: {  	[sflag:s7] =	ssyncset.done @!p1 $0x0  }
0x180: {  	s13 =	rddreg [dreg:$0x10];
	[sflag:s7] =	ssyncadd.s32 @!p1 $0xFFFFD800  }
.LBB2_5:
0x181: {  	[tilespmem:s4], [sflag:$0x5] =	stream.linear.gather [hbm4b:s7+s4], $0x400, $0x38;
	[tilespmem:$0x1C800] =	vst v63  }
0x182: {  	_ =	swait.ge [sflag:s21], $0x400  }
0x183: {  	[sflag:s21] =	ssyncset.done $0x0  }
0x184: {  	s17 =	sadd.s32 $0x0, s18;
	[sflag:s21] =	ssyncadd.s32 $0xFFFFFC00  }
0x185: {  	[tilespmem:s22], [sflag:$0x5] =	stream.linear.gather [hbm4b:s17+s4], $0x400, $0x38;
	[tilespmem:$0x1C800] =	vst v63  }
0x186: {  	_ =	swait.ge [sflag:s21], $0x400  }
0x187: {  	[sflag:s21] =	ssyncset.done $0x0  }
0x188: {  	[sflag:s21] =	ssyncadd.s32 $0xFFFFFC00  }
0x189: {  	[tilespmem:s20], [sflag:$0x1] =	stream.indirect.gather [hbm4b:s5+s23], $0x80, s4, s23, $0xb8;
	[tilespmem:$0x1C800] =	vst v63  }
0x18a: {  	_ = 	snop  }
0x18b: {  	[tilespmem:s24], [sflag:$0x2] =	stream.indirect.gather [hbm4b:s5+s23], $0x80, s23, s23, $0xb8;
	[tilespmem:$0x1C800] =	vst v63  }
0x18c: {  	_ =	swait.ge [sflag:s25], $0x4000  }
0x18d: {  	[sflag:s25] =	ssyncset.done $0x0  }
0x18e: {  	[sflag:s25] =	ssyncadd.s32 $0xFFFFC000  }
0x18f: {  	[spmem:s3] =	stream.indirect.scatter.add.f32 [tilespmem:s20], [sflag:$0x3], $0x80, s22, s23, $0xb8;
	[tilespmem:$0x1C800] =	vst v63  }
0x190: {  	_ =	swait.ge [sflag:s26], $0x4000  }
0x191: {  	[sflag:s26] =	ssyncset.done $0x0  }
0x192: {  	[sflag:s26] =	ssyncadd.s32 $0xFFFFC000  }
0x193: {  	[tilespmem:s20], [sflag:$0x1] =	stream.indirect.gather [hbm4b:s5+s23], $0x80, s28, s23, $0xb8;
	[tilespmem:$0x1C800] =	vst v63  }
0x194: {  	_ =	swait.ge [sflag:s29], $0x4000  }
0x195: {  	[sflag:s29] =	ssyncset.done $0x0  }
0x196: {  	[sflag:s29] =	ssyncadd.s32 $0xFFFFC000  }
0x197: {  	[spmem:s3] =	stream.indirect.scatter.add.f32 [tilespmem:s24], [sflag:$0x4], $0x80, s30, s23, $0xb8;
	[tilespmem:$0x1C800] =	vst v63  }
0x198: {  	_ =	swait.ge [sflag:s31], $0x4000  }
0x199: {  	[sflag:s31] =	ssyncset.done $0x0  }
0x19a: {  	[sflag:s31] =	ssyncadd.s32 $0xFFFFC000  }
0x19b: {  	[tilespmem:s24], [sflag:$0x2] =	stream.indirect.gather [hbm4b:s5+s23], $0x80, s0, s23, $0xb8;
	[tilespmem:$0x1C800] =	vst v63  }
0x19c: {  	_ =	swait.ge [sflag:s25], $0x4000  }
0x19d: {  	[sflag:s25] =	ssyncset.done $0x0  }
0x19e: {  	[sflag:s25] =	ssyncadd.s32 $0xFFFFC000  }
0x19f: {  	[spmem:s3] =	stream.indirect.scatter.add.f32 [tilespmem:s20], [sflag:$0x3], $0x80, s12, s23, $0xb8;
	[tilespmem:$0x1C800] =	vst v63  }
0x1a0: {  	_ =	swait.ge [sflag:s26], $0x4000  }
0x1a1: {  	[sflag:s26] =	ssyncset.done $0x0  }
0x1a2: {  	[sflag:s26] =	ssyncadd.s32 $0xFFFFC000  }
0x1a3: {  	[tilespmem:s20], [sflag:$0x1] =	stream.indirect.gather [hbm4b:s5+s23], $0x80, s14, s23, $0xb8;
	[tilespmem:$0x1C800] =	vst v63  }
0x1a4: {  	_ =	swait.ge [sflag:s29], $0x4000  }
0x1a5: {  	[sflag:s29] =	ssyncset.done $0x0  }
0x1a6: {  	[sflag:s29] =	ssyncadd.s32 $0xFFFFC000  }
0x1a7: {  	[spmem:s3] =	stream.indirect.scatter.add.f32 [tilespmem:s24], [sflag:$0x4], $0x80, s15, s23, $0xb8;
	[tilespmem:$0x1C800] =	vst v63  }
0x1a8: {  	_ =	swait.ge [sflag:s31], $0x4000  }
0x1a9: {  	[sflag:s31] =	ssyncset.done $0x0  }
0x1aa: {  	[sflag:s31] =	ssyncadd.s32 $0xFFFFC000  }
0x1ab: {  	[tilespmem:s24], [sflag:$0x2] =	stream.indirect.gather [hbm4b:s5+s23], $0x80, s16, s23, $0xb8;
	[tilespmem:$0x1C800] =	vst v63  }
0x1ac: {  	_ =	swait.ge [sflag:s25], $0x4000  }
0x1ad: {  	[sflag:s25] =	ssyncset.done $0x0  }
0x1ae: {  	[sflag:s25] =	ssyncadd.s32 $0xFFFFC000  }
0x1af: {  	[spmem:s3] =	stream.indirect.scatter.add.f32 [tilespmem:s20], [sflag:$0x3], $0x80, s2, s23, $0xb8;
	[tilespmem:$0x1C800] =	vst v63  }
0x1b0: {  	_ =	swait.ge [sflag:s26], $0x4000  }
0x1b1: {  	[sflag:s26] =	ssyncset.done $0x0  }
0x1b2: {  	[sflag:s26] =	ssyncadd.s32 $0xFFFFC000  }
0x1b3: {  	[tilespmem:s20], [sflag:$0x1] =	stream.indirect.gather [hbm4b:s5+s23], $0x80, s6, s23, $0xb8;
	[tilespmem:$0x1C800] =	vst v63  }
0x1b4: {  	_ =	swait.ge [sflag:s29], $0x4000  }
0x1b5: {  	[sflag:s29] =	ssyncset.done $0x0  }
0x1b6: {  	[sflag:s29] =	ssyncadd.s32 $0xFFFFC000  }
0x1b7: {  	[spmem:s3] =	stream.indirect.scatter.add.f32 [tilespmem:s24], [sflag:$0x4], $0x80, s8, s23, $0xb8;
	[tilespmem:$0x1C800] =	vst v63  }
0x1b8: {  	_ =	swait.ge [sflag:s31], $0x4000  }
0x1b9: {  	[sflag:s31] =	ssyncset.done $0x0  }
0x1ba: {  	[sflag:s31] =	ssyncadd.s32 $0xFFFFC000  }
0x1bb: {  	[tilespmem:s24], [sflag:$0x2] =	stream.indirect.gather [hbm4b:s5+s23], $0x80, s9, s23, $0xb8;
	[tilespmem:$0x1C800] =	vst v63  }
0x1bc: {  	_ =	swait.ge [sflag:s25], $0x4000  }
0x1bd: {  	[sflag:s25] =	ssyncset.done $0x0  }
0x1be: {  	[sflag:s25] =	ssyncadd.s32 $0xFFFFC000  }
0x1bf: {  	[spmem:s3] =	stream.indirect.scatter.add.f32 [tilespmem:s20], [sflag:$0x3], $0x80, s10, s23, $0xb8;
	[tilespmem:$0x1C800] =	vst v63  }
0x1c0: {  	_ =	swait.ge [sflag:s29], $0x4000  }
0x1c1: {  	[sflag:s29] =	ssyncset.done $0x0  }
0x1c2: {  	[sflag:s29] =	ssyncadd.s32 $0xFFFFC000  }
0x1c3: {  	[spmem:s3] =	stream.indirect.scatter.add.f32 [tilespmem:s24], [sflag:$0x4], $0x80, s11, s23, $0xb8;
	[tilespmem:$0x1C800] =	vst v63  }
0x1c4: {  	_ =	swait.ge [sflag:s26], $0x4000  }
0x1c5: {  	[sflag:s26] =	ssyncset.done $0x0  }
0x1c6: {  	[sflag:s26] =	ssyncadd.s32 $0xFFFFC000  }
0x1c7: {  	_ =	swait.ge [sflag:s31], $0x4000  }
0x1c8: {  	s7 =	simm.s32 $0x80;
	s13 =	simm.s32 $0x100;
	[sflag:s31] =	ssyncset.done $0x0  }
.LBB2_6:
0x1c9: {  	s28 =	sadd.s32 s7, s19  }
0x1ca: {  	[sflag:s31] =	ssyncadd.s32 $0xFFFFC000;
	s30 =	smov.u32 s13;
	s17 =	sadd.s32 $0x80, s13  }
0x1cb: {  	[tilespmem:s4], [sflag:$0x5] =	stream.linear.gather [hbm4b:s28+s4], $0x400, $0x38;
	[tilespmem:$0x1C800] =	vst v63  }
0x1cc: {  	s28 =	simm.s32 $0x100  }
0x1cd: {  	p2 =	sne.s32 s13, $0x980;
	_ =	swait.ge [sflag:s21], $0x400  }
0x1ce: {  	s13 =	sadd.s32 s7, s18;
	[sflag:s21] =	ssyncset.done $0x0  }
0x1cf: {  	s7 =	smov.u32 s30;
	s30 =	simm.s32 $0x480;
	[sflag:s21] =	ssyncadd.s32 $0xFFFFFC00  }
0x1d0: {  	[tilespmem:s22], [sflag:$0x5] =	stream.linear.gather [hbm4b:s13+s4], $0x400, $0x38;
	[tilespmem:$0x1C800] =	vst v63  }
0x1d1: {  	_ =	swait.ge [sflag:s21], $0x400  }
0x1d2: {  	[sflag:s21] =	ssyncset.done $0x0  }
0x1d3: {  	[sflag:s21] =	ssyncadd.s32 $0xFFFFFC00  }
0x1d4: {  	[tilespmem:s20], [sflag:$0x1] =	stream.indirect.gather [hbm4b:s5+s23], $0x80, s4, s23, $0xb8;
	[tilespmem:$0x1C800] =	vst v63  }
0x1d5: {  	_ = 	snop  }
0x1d6: {  	[tilespmem:s24], [sflag:$0x2] =	stream.indirect.gather [hbm4b:s5+s23], $0x80, s23, s23, $0xb8;
	[tilespmem:$0x1C800] =	vst v63  }
0x1d7: {  	_ =	swait.ge [sflag:s25], $0x4000  }
0x1d8: {  	[sflag:s25] =	ssyncset.done $0x0  }
0x1d9: {  	[sflag:s25] =	ssyncadd.s32 $0xFFFFC000  }
0x1da: {  	[spmem:s3] =	stream.indirect.scatter.add.f32 [tilespmem:s20], [sflag:$0x3], $0x80, s22, s23, $0xb8;
	[tilespmem:$0x1C800] =	vst v63  }
0x1db: {  	_ =	swait.ge [sflag:s26], $0x4000  }
0x1dc: {  	[sflag:s26] =	ssyncset.done $0x0  }
0x1dd: {  	[sflag:s26] =	ssyncadd.s32 $0xFFFFC000  }
0x1de: {  	[tilespmem:s20], [sflag:$0x1] =	stream.indirect.gather [hbm4b:s5+s23], $0x80, s28, s23, $0xb8;
	[tilespmem:$0x1C800] =	vst v63  }
0x1df: {  	_ =	swait.ge [sflag:s29], $0x4000  }
0x1e0: {  	[sflag:s29] =	ssyncset.done $0x0  }
0x1e1: {  	[sflag:s29] =	ssyncadd.s32 $0xFFFFC000  }
0x1e2: {  	[spmem:s3] =	stream.indirect.scatter.add.f32 [tilespmem:s24], [sflag:$0x4], $0x80, s30, s23, $0xb8;
	[tilespmem:$0x1C800] =	vst v63  }
0x1e3: {  	_ =	swait.ge [sflag:s31], $0x4000  }
0x1e4: {  	[sflag:s31] =	ssyncset.done $0x0  }
0x1e5: {  	[sflag:s31] =	ssyncadd.s32 $0xFFFFC000  }
0x1e6: {  	[tilespmem:s24], [sflag:$0x2] =	stream.indirect.gather [hbm4b:s5+s23], $0x80, s0, s23, $0xb8;
	[tilespmem:$0x1C800] =	vst v63  }
0x1e7: {  	_ =	swait.ge [sflag:s25], $0x4000  }
0x1e8: {  	[sflag:s25] =	ssyncset.done $0x0  }
0x1e9: {  	[sflag:s25] =	ssyncadd.s32 $0xFFFFC000  }
0x1ea: {  	[spmem:s3] =	stream.indirect.scatter.add.f32 [tilespmem:s20], [sflag:$0x3], $0x80, s12, s23, $0xb8;
	[tilespmem:$0x1C800] =	vst v63  }
0x1eb: {  	_ =	swait.ge [sflag:s26], $0x4000  }
0x1ec: {  	[sflag:s26] =	ssyncset.done $0x0  }
0x1ed: {  	[sflag:s26] =	ssyncadd.s32 $0xFFFFC000  }
0x1ee: {  	[tilespmem:s20], [sflag:$0x1] =	stream.indirect.gather [hbm4b:s5+s23], $0x80, s14, s23, $0xb8;
	[tilespmem:$0x1C800] =	vst v63  }
0x1ef: {  	_ =	swait.ge [sflag:s29], $0x4000  }
0x1f0: {  	[sflag:s29] =	ssyncset.done $0x0  }
0x1f1: {  	[sflag:s29] =	ssyncadd.s32 $0xFFFFC000  }
0x1f2: {  	[spmem:s3] =	stream.indirect.scatter.add.f32 [tilespmem:s24], [sflag:$0x4], $0x80, s15, s23, $0xb8;
	[tilespmem:$0x1C800] =	vst v63  }
0x1f3: {  	_ =	swait.ge [sflag:s31], $0x4000  }
0x1f4: {  	[sflag:s31] =	ssyncset.done $0x0  }
0x1f5: {  	[sflag:s31] =	ssyncadd.s32 $0xFFFFC000  }
0x1f6: {  	[tilespmem:s24], [sflag:$0x2] =	stream.indirect.gather [hbm4b:s5+s23], $0x80, s16, s23, $0xb8;
	[tilespmem:$0x1C800] =	vst v63  }
0x1f7: {  	_ =	swait.ge [sflag:s25], $0x4000  }
0x1f8: {  	[sflag:s25] =	ssyncset.done $0x0  }
0x1f9: {  	[sflag:s25] =	ssyncadd.s32 $0xFFFFC000  }
0x1fa: {  	[spmem:s3] =	stream.indirect.scatter.add.f32 [tilespmem:s20], [sflag:$0x3], $0x80, s2, s23, $0xb8;
	[tilespmem:$0x1C800] =	vst v63  }
0x1fb: {  	_ =	swait.ge [sflag:s26], $0x4000  }
0x1fc: {  	[sflag:s26] =	ssyncset.done $0x0  }
0x1fd: {  	[sflag:s26] =	ssyncadd.s32 $0xFFFFC000  }
0x1fe: {  	[tilespmem:s20], [sflag:$0x1] =	stream.indirect.gather [hbm4b:s5+s23], $0x80, s6, s23, $0xb8;
	[tilespmem:$0x1C800] =	vst v63  }
0x1ff: {  	_ =	swait.ge [sflag:s29], $0x4000  }
0x200: {  	[sflag:s29] =	ssyncset.done $0x0  }
0x201: {  	[sflag:s29] =	ssyncadd.s32 $0xFFFFC000  }
0x202: {  	[spmem:s3] =	stream.indirect.scatter.add.f32 [tilespmem:s24], [sflag:$0x4], $0x80, s8, s23, $0xb8;
	[tilespmem:$0x1C800] =	vst v63  }
0x203: {  	_ =	swait.ge [sflag:s31], $0x4000  }
0x204: {  	[sflag:s31] =	ssyncset.done $0x0  }
0x205: {  	[sflag:s31] =	ssyncadd.s32 $0xFFFFC000  }
0x206: {  	[tilespmem:s24], [sflag:$0x2] =	stream.indirect.gather [hbm4b:s5+s23], $0x80, s9, s23, $0xb8;
	[tilespmem:$0x1C800] =	vst v63  }
0x207: {  	_ =	swait.ge [sflag:s25], $0x4000  }
0x208: {  	[sflag:s25] =	ssyncset.done $0x0  }
0x209: {  	[sflag:s25] =	ssyncadd.s32 $0xFFFFC000  }
0x20a: {  	[spmem:s3] =	stream.indirect.scatter.add.f32 [tilespmem:s20], [sflag:$0x3], $0x80, s10, s23, $0xb8;
	[tilespmem:$0x1C800] =	vst v63  }
0x20b: {  	_ =	swait.ge [sflag:s29], $0x4000  }
0x20c: {  	[sflag:s29] =	ssyncset.done $0x0  }
0x20d: {  	[sflag:s29] =	ssyncadd.s32 $0xFFFFC000  }
0x20e: {  	[spmem:s3] =	stream.indirect.scatter.add.f32 [tilespmem:s24], [sflag:$0x4], $0x80, s11, s23, $0xb8;
	[tilespmem:$0x1C800] =	vst v63  }
.Ltmp5:
0x20f: {  	_ =	swait.ge [sflag:s26], $0x4000;
	(pc) =	sbr.rel @p2 .LBB2_6-.Ltmp5, $4  }
0x210: {  	[sflag:s26] =	ssyncset.done $0x0  }
0x211: {  	[sflag:s26] =	ssyncadd.s32 $0xFFFFC000  }
0x212: {  	_ =	swait.ge [sflag:s31], $0x4000  }
0x213: {  	s13 =	smov.u32 s17;
	[sflag:s31] =	ssyncset.done $0x0  }
.Ltmp6:
0x214: {  	_ = 	snop;
	(pc) =	sbr.rel .LBB2_7-.Ltmp6, $1  }
0x215: {  	_ =	sdelay $0x3  }
.LBB2_9:
0x216: {  	_ =	sfence.sel $0x180000  }
0x217: {  	[bflag:$0x0] =	sbarrier.arrive $0xFFFF  }
0x218: {  	_ =	strace $0x9000004A  }
0x219: {  	s0 =	stileid.u32;
	[bflag:$0x2] =	sbarrier.arrive $0xFFFF  }
0x21a: {  	p0 =	sne.s32 s0, $0x0;
	s0 =	rddreg [dreg:$0x3]  }
0x21b: {  	s0 =	sadd.s32 @!p0 $0x100000, s0  }
0x21c: {  	[sflag:s0] =	ssyncadd.tile.s32 @!p0 $0x1;
	_ =	shalt  }
.Lfunc_end2:
_tile_overlayer_lowered:
.L_overlay_start_2:
0x21d: {  	(tag) =	ssettag $0x2  }
0x21e: {  	s0 =	rddreg [dreg:$0x0];
	s2 =	stileid.u32  }
0x21f: {  	s1 =	rddreg [dreg:$0x1];
	p0 =	sne.s32 s2, $0x0  }
0x220: {  	s3 =	rddreg [dreg:$0x2];
	[bflag:$0x3] =	sbarrier.arrive $0xFFFF;
	s2 =	simm.s32 @!p0 $0x1C05  }
0x221: {  	[timem:s3], [sflag:s2] =	dma.local @!p0 [hbm:s0], s1  }
0x222: {  	s0 =	simm.s32 @!p0 $0x5  }
0x223: {  	_ =	swait.ge @!p0 [sflag:s0], s1  }
0x224: {  	s1 =	ssub.s32 @!p0 $0x0, s1;
	[sflag:s0] =	ssyncset.done @!p0 $0x0  }
0x225: {  	[sflag:s0] =	ssyncadd.s32 @!p0 s1  }
0x226: {  	[bflag:$0x3] =	sbarrier.arrive $0xFFFF  }
0x227: {  	_ =	shalt  }

// kernel: kernel.7.cloned.1.call-start
scs
__scs_entry_jumppad:
0x0: {  	(pc) =	sbr.rel $0x88, $3  }
0x1: {  	(tag) =	ssettag $0x0;
	lr =	simm.s32 $0x1  }
0x2: {  	[smem:$0x3F98] =	sst lr;
	_ =	strace $0xD0000000  }
0x3: {  	_ = 	snop  }
0x4: {  	_ = 	snop  }
0x5: {  	_ = 	snop  }
0x6: {  	_ = 	snop  }
0x7: {  	_ = 	snop  }
__scs_overlays_trampoline_lowered:
0x8: {  	[smem:$0x3FA7] =	sst s0  }
0x9: {  	[smem:$0x3FA8] =	sst s1  }
0xa: {  	[smem:$0x3FA9] =	sst s2  }
0xb: {  	[smem:$0x3FAA] =	sst s3  }
0xc: {  	[smem:$0x3FAB] =	sst s4  }
0xd: {  	[smem:$0x3FAC] =	sst s5  }
0xe: {  	[smem:$0x3FAD] =	sst s6  }
0xf: {  	[smem:$0x3FAE] =	sst s7  }
0x10: {  	[smem:$0x3FAF] =	sst s8  }
0x11: {  	[smem:$0x3FB0] =	sst s9;
	s0 =	simm.s32 @!p0 $0x0  }
0x12: {  	s1 =	sld [smem:$0x3F96];
	s0 =	simm.s32 @p0 $0x1  }
0x13: {  	[smem:$0x3FB1] =	sst s0;
	s0 =	simm.s32 @!p1 $0x0  }
0x14: {  	s2 =	sld [smem:$0x3F95];
	s0 =	simm.s32 @p1 $0x1  }
0x15: {  	[smem:$0x3FB2] =	sst s0;
	s0 =	simm.s32 @!p2 $0x0  }
0x16: {  	s3 =	sld [smem:$0x3FDB];
	s0 =	simm.s32 @p2 $0x1  }
0x17: {  	s4 =	simm.s32 $0x1BF5;
	[smem:$0x3FB4] =	sst s0  }
0x18: {  	s0 =	sld [smem:$0x3F97];
	_ =	swait.ge [sflag:s4], $0x0  }
0x19: {  	s7 =	sld [smem:$0x3F98]  }
0x1a: {  	s8 =	sadd.s32 $0xFFFFE003, lr  }
0x1b: {  	s9 =	sadd.s32 $0xFFFFFEF7, lr;
	s5 =	simm.s32 $0xFFFFFFFF;
	p2 =	slt.u32 s8, $0xFFFFF086  }
0x1c: {  	p1 =	slt.u32 s9, $0xF7A;
	s5 =	simm.s32 @!p2 $0x0  }
0x1d: {  	s5 =	simm.s32 @p1 $0x1;
	p0 =	seq.s32 s7, s2  }
0x1e: {  	s7 =	smul.u32 @!p0 $0xF7A, s2;
	p2 =	seq.s32 @!p0 s5, $0x0  }
0x1f: {  	s9 =	smul.u32 $0xF7A, s1;
	s8 =	simm.s32 @!p0 $0x1BF5;
	p2 =	por !p2, p0  }
0x20: {  	[sflag:s8] =	ssyncset.s32 @!p0 $0xFFFFF086;
	s6 =	sadd.s32 @!p0 s3, s7;
	s7 =	simm.s32 @!p0 $0x108  }
0x21: {  	s3 =	sadd.s32 s3, s9;
	s6 =	sadd.s32 @!p0 $0x88, s6;
	s7 =	simm.s32 @p2 $0x1082  }
0x22: {  	[simem:s7], [sflag:s8] =	dma.local @!p0 [hbm:s6], $0xF7A  }
0x23: {  	s9 =	sor.u32 $0xD0000000, s2;
	s6 =	simm.s32 $0x108;
	_ =	swait.ge @!p0 [sflag:s8], $0x0  }
0x24: {  	s3 =	sadd.s32 $0x88, s3;
	s6 =	simm.s32 @!p1 $0x1082;
	[sflag:s4] =	ssyncset.s32 $0xFFFFF086  }
0x25: {  	[simem:s6], [sflag:s4] =	dma.local [hbm:s3], $0xF7A  }
0x26: {  	[smem:$0x3F98] =	sst s1;
	(tag) =	ssettag s2;
	_ =	strace s9  }
0x27: {  	s1 =	sld [smem:$0x3FA8]  }
0x28: {  	s2 =	sld [smem:$0x3FA9]  }
0x29: {  	s4 =	sld [smem:$0x3FAB]  }
0x2a: {  	p0 =	seq.s32 s5, $0x0;
	s5 =	sld [smem:$0x3FAC]  }
0x2b: {  	s6 =	sld [smem:$0x3FAD]  }
0x2c: {  	s7 =	sld [smem:$0x3FAE]  }
0x2d: {  	s3 =	simm.s32 $0x108;
	s8 =	sld [smem:$0x3FAF]  }
0x2e: {  	s3 =	simm.s32 @!p0 $0x1082;
	s9 =	sld [smem:$0x3FB0]  }
0x2f: {  	lr =	sadd.s32 s0, s3;
	s0 =	sld [smem:$0x3FA7]  }
0x30: {  	s3 =	sld [smem:$0x3FAA]  }
0x31: {  	[smem:$0x3FB3] =	sst s10  }
0x32: {  	s10 =	sld [smem:$0x3FB1];
	_ =	sdelay $0x3  }
0x33: {  	p0 =	seq.s32 s10, $0x1;
	s10 =	sld [smem:$0x3FB3];
	_ =	sdelay $0x3  }
0x34: {  	[smem:$0x3FB3] =	sst s10  }
0x35: {  	s10 =	sld [smem:$0x3FB2];
	_ =	sdelay $0x3  }
0x36: {  	p1 =	seq.s32 s10, $0x1;
	s10 =	sld [smem:$0x3FB3];
	_ =	sdelay $0x3  }
0x37: {  	[smem:$0x3FB3] =	sst s10  }
0x38: {  	s10 =	sld [smem:$0x3FB4]  }
0x39: {  	_ = 	snop;
	(pc) =	sbr.ind lr, $3  }
0x3a: {  	_ = 	snop  }
0x3b: {  	_ = 	snop  }
0x3c: {  	p2 =	seq.s32 s10, $0x1;
	s10 =	sld [smem:$0x3FB3]  }
0x3d: {  	_ =	shalt  }
0x3e: {  	_ =	shalt  }
0x3f: {  	_ =	shalt  }
0x40: {  	_ =	shalt  }
0x41: {  	_ =	shalt  }
0x42: {  	_ =	shalt  }
0x43: {  	_ =	shalt  }
0x44: {  	_ =	shalt  }
0x45: {  	_ =	shalt  }
0x46: {  	_ =	shalt  }
0x47: {  	_ =	shalt  }
0x48: {  	_ =	shalt  }
0x49: {  	_ =	shalt  }
0x4a: {  	_ =	shalt  }
0x4b: {  	_ =	shalt  }
0x4c: {  	_ =	shalt  }
0x4d: {  	_ =	shalt  }
0x4e: {  	_ =	shalt  }
0x4f: {  	_ =	shalt  }
0x50: {  	_ =	shalt  }
0x51: {  	_ =	shalt  }
0x52: {  	_ =	shalt  }
0x53: {  	_ =	shalt  }
0x54: {  	_ =	shalt  }
0x55: {  	_ =	shalt  }
0x56: {  	_ =	shalt  }
0x57: {  	_ =	shalt  }
0x58: {  	_ =	shalt  }
0x59: {  	_ =	shalt  }
0x5a: {  	_ =	shalt  }
0x5b: {  	_ =	shalt  }
0x5c: {  	_ =	shalt  }
0x5d: {  	_ =	shalt  }
0x5e: {  	_ =	shalt  }
0x5f: {  	_ =	shalt  }
0x60: {  	_ =	shalt  }
0x61: {  	_ =	shalt  }
0x62: {  	_ =	shalt  }
0x63: {  	_ =	shalt  }
0x64: {  	_ =	shalt  }
0x65: {  	_ =	shalt  }
0x66: {  	_ =	shalt  }
0x67: {  	_ =	shalt  }
0x68: {  	_ =	shalt  }
0x69: {  	_ =	shalt  }
0x6a: {  	_ =	shalt  }
0x6b: {  	_ =	shalt  }
0x6c: {  	_ =	shalt  }
0x6d: {  	_ =	shalt  }
0x6e: {  	_ =	shalt  }
0x6f: {  	_ =	shalt  }
0x70: {  	_ =	shalt  }
0x71: {  	_ =	shalt  }
0x72: {  	_ =	shalt  }
0x73: {  	_ =	shalt  }
0x74: {  	_ =	shalt  }
0x75: {  	_ =	shalt  }
0x76: {  	_ =	shalt  }
0x77: {  	_ =	shalt  }
0x78: {  	_ =	shalt  }
0x79: {  	_ =	shalt  }
0x7a: {  	_ =	shalt  }
0x7b: {  	_ =	shalt  }
0x7c: {  	_ =	shalt  }
0x7d: {  	_ =	shalt  }
0x7e: {  	_ =	shalt  }
0x7f: {  	_ =	shalt  }
0x80: {  	_ =	shalt  }
0x81: {  	_ =	shalt  }
0x82: {  	_ =	shalt  }
0x83: {  	_ =	shalt  }
0x84: {  	_ =	shalt  }
0x85: {  	_ =	shalt  }
0x86: {  	_ =	shalt  }
0x87: {  	_ =	shalt  }
.Lfunc_end0:
.L_simem_size_0:
called_computation_lowered:
.L_overlay_start_0:
0x88: {  	s2 =	sld [smem:$0x3FD9]  }
0x89: {  	s3 =	sld [smem:$0x3FFE];
	_ =	sdelay $0x1  }
0x8a: {  	s1 =	srdreg.scid  }
0x8b: {  	s0 =	sand.u32 $0x1, s1  }
0x8c: {  	s17 =	sshll.u32 s0, $0xA;
	s2 =	sadd.s32 s3, s2  }
0x8d: {  	s2 =	sadd.s32 s2, s17  }
0x8e: {  	[smem:$0x3FBF] =	sst s2  }
0x8f: {  	_ = 	snop  }
0x90: {  	s2 =	sld [smem:$0x3FD0];
	(tm) =	ssettm $0x1  }
0x91: {  	s18 =	sld [smem:$0x3FFB];
	_ =	sdelay $0x3  }
0x92: {  	_ =	strace s18  }
0x93: {  	s3 =	sld [smem:$0x3FFC];
	_ =	sdelay $0x3  }
0x94: {  	_ =	strace s3  }
0x95: {  	s3 =	sld [smem:$0x3FFD];
	_ =	sdelay $0x3  }
0x96: {  	_ =	strace s3  }
0x97: {  	_ =	strace $0x8FFFFFFF  }
0x98: {  	s19 =	sld [smem:$0x3FDB];
	_ =	sdelay $0x1  }
0x99: {  	s4 =	simm.s32 $_scs_section_size  }
0x9a: {  	s5 =	simm.s32 $_size__tile_overlayer_lowered;
	s6 =	simm.s32 $_tile_overlayer_lowered  }
0x9b: {  	s22 =	simm.s32 $0x1BFF;
	s21 =	sshll.u32 s6, $0x1;
	s3 =	sadd.s32 s4, s19  }
0x9c: {  	s7 =	simm.s32 $0x0;
	s20 =	sshll.u32 s5, $0x1;
	s5 =	sadd.s32 s21, s3  }
0x9d: {  	[timem:s7], [sflag:s22] =	dma.local [hbm:s5], s20  }
0x9e: {  	_ =	swait.ge [sflag:s22], s20  }
0x9f: {  	s4 =	ssub.s32 $0x0, s20;
	[sflag:s22] =	ssyncset.done $0x0  }
0xa0: {  	[sflag:s22] =	ssyncadd.s32 s4;
	_ =	sdelay $0x1  }
0xa1: {  	s23 =	simm.s32 $0x1B8B  }
0xa2: {  	_ =	swait.ge [sflag:s23], $0x1  }
0xa3: {  	[sflag:s23] =	ssyncset.done $0x0  }
0xa4: {  	s25 =	simm.s32 $0x1B8E;
	s24 =	sld [smem:$0x3FFE];
	[sflag:s23] =	ssyncadd.s32 $0xFFFFFFFF  }
0xa5: {  	s26 =	simm.s32 $execute0_lowered;
	[smem:$0x3FD2] =	sst s25  }
0xa6: {  	s5 =	sshll.u32 s26, $0x1;
	_ =	strace $0x80000046;
	[dreg:$0x1] =	wrdreg $0xFFFFFFFF  }
0xa7: {  	s28 =	simm.s32 $_size_execute0_lowered;
	s3 =	sadd.s32 s3, s5;
	[dreg:$0x0] =	wrdreg $0x0  }
0xa8: {  	s5 =	sshll.u32 s28, $0x1;
	[dreg:$0x2] =	wrdreg s3  }
0xa9: {  	[dreg:$0x3] =	wrdreg s5  }
0xaa: {  	[dreg:$0x4] =	wrdreg $0xC0  }
0xab: {  	_ =	task [dreg:s7], $0x5FFFF  }
0xac: {  	[dreg:$0x1] =	wrdreg $0xFFFFFFFF  }
0xad: {  	[dreg:$0x0] =	wrdreg $0x60  }
0xae: {  	[dreg:$0x2] =	wrdreg s2  }
0xaf: {  	[dreg:$0x3] =	wrdreg s24  }
0xb0: {  	[dreg:$0x4] =	wrdreg $0x88000  }
0xb1: {  	[dreg:$0x5] =	wrdreg $0x9  }
0xb2: {  	_ =	task.clear_ibuf [dreg:s7], $0x6FFFF;
	_ =	strace $0x90000046  }
0xb3: {  	s29 =	simm.s32 $0x9;
	_ =	strace $0x80000048  }
0xb4: {  	_ =	swait.ge [sflag:s29], $0x1  }
0xb5: {  	[sflag:s29] =	ssyncadd.s32 $0xFFFFFFFF  }
0xb6: {  	_ =	strace $0x90000048  }
0xb7: {  	_ =	sfence  }
0xb8: {  	s30 =	sld [smem:$0x0];
	_ =	sdelay $0x2  }
0xb9: {  	s31 =	sshll.u32 s1, $0xD;
	s1 =	sshrl.u32 s1, $0x2  }
0xba: {  	s3 =	sand.u32 $0x4000, s31;
	s1 =	sadd.s32 s1, s30  }
0xbb: {  	s0 =	sor.u32 s3, s0;
	s1 =	sshll.u32 s1, $0x11  }
0xbc: {  	s0 =	sor.u32 s1, s0  }
0xbd: {  	s0 =	sadd.s32 $0x8F2B, s0  }
0xbe: {  	[sflag:s0] =	ssyncadd.remote.s32 $0x1  }
0xbf: {  	_ =	sfence.sel $0xFFFF  }
0xc0: {  	[dreg:$0x0] =	wrdreg $0xFFFFFFFF;
	(pc) =	sbr.abs _section_cstart, $3  }
0xc1: {  	[dreg:$0x1] =	wrdreg $0xFFFFFFFF  }
0xc2: {  	_ =	task.clear_ibuf [dreg:s7], $0x2FFFF;
	_ =	strace $0x9FFFFFFF  }
0xc3: {  	(tm) =	ssettm $0x7FFFFFFF  }
tec
execute0_lowered:
.L_overlay_start_1:
0x0: {  	(tag) =	ssettag $0x1  }
0x1: {  	s1 =	rddreg [dreg:$0x0]  }
0x2: {  	s0 =	rddreg [dreg:$0x1]  }
0x3: {  	s3 =	rddreg [dreg:$0x2];
	s4 =	simm.s32 $0x0;
	s11 =	stileid.u32  }
0x4: {  	s6 =	srdreg.scid;
	s28 =	simm.s32 $0x100;
	s29 =	simm.s32 $0x2  }
0x5: {  	s30 =	simm.s32 $0x480;
	s31 =	simm.s32 $0x4;
	s14 =	simm.s32 $0x200  }
0x6: {  	s15 =	simm.s32 $0x580;
	s13 =	simm.s32 $0x0;
	s2 =	smul.u32 $0xA00, s11  }
0x7: {  	[smem:$0x7FF] =	sst s4;
	s7 =	smul.u32 $0x50000, s11;
	s5 =	sadd.s32 $0x17200, s0  }
0x8: {  	s6 =	sand.u32 $0x1, s6;
	s8 =	smul.u32 $0x2800, s11;
	s10 =	sadd.s32 $0x3E400, s0  }
0x9: {  	s24 =	sadd.s32 $0x12C000, s3;
	_ =	strace $0x80000047;
	[dreg:$0x4] =	wrdreg s10  }
0xa: {  	s25 =	sadd.s32 $0x8B600, s0;
	p1 =	seq.s32 s11, $0xF;
	[dreg:$0xb] =	wrdreg s24  }
0xb: {  	s11 =	simm.s32 $0x780;
	s9 =	ssub.s32 $0x2, s6;
	[dreg:$0xc] =	wrdreg s25  }
0xc: {  	p0 =	sne.s32 s6, $0x0;
	s24 =	simm.s32 $0x4800;
	s25 =	simm.s32 $0x1  }
0xd: {  	s6 =	simm.s32 $0x300;
	s10 =	simm.s32 $0x700;
	s2 =	sadd.s32 s2, s0  }
0xe: {  	s7 =	sshrl.u32 s7, $0x2;
	s17 =	sadd.s32 s8, s0;
	s0 =	sadd.s32 $0x64400, s0  }
0xf: {  	s16 =	sshrl.u32 s9, $0x1;
	s12 =	sadd.s32 s7, s3;
	[dreg:$0xe] =	wrdreg s0  }
0x10: {  	s8 =	simm.s32 $0x680;
	s23 =	sadd.s32 $0x65E00, s17;
	[dreg:$0x5] =	wrdreg s12  }
0x11: {  	s18 =	ssub.s32 s9, s16;
	s7 =	sadd.s32 $0x3EC00, s17;
	[dreg:$0xa] =	wrdreg s23  }
0x12: {  	s0 =	simm.s32 $0x180;
	s19 =	sadd.s32 $0x4000, s12;
	[dreg:$0xd] =	wrdreg s7  }
0x13: {  	s16 =	simm.s32 $0x280;
	s20 =	sadd.s32 $0x8000, s12;
	[dreg:$0x6] =	wrdreg s19  }
0x14: {  	s9 =	simm.s32 $0x380;
	s21 =	sadd.s32 $0xC000, s12;
	[dreg:$0x7] =	wrdreg s20  }
.Ltmp0:
0x15: {  	s22 =	sadd.s32 $0x10000, s12;
	[dreg:$0x8] =	wrdreg s21;
	(pc) =	sbr.rel .LBB2_1-.Ltmp0, $4  }
0x16: {  	s26 =	smax.u32 s18, $0x1;
	s18 =	sadd.s32 $0x3200, s2;
	[dreg:$0x9] =	wrdreg s22  }
0x17: {  	s23 =	simm.s32 $0x80;
	s12 =	simm.s32 $0x500;
	[dreg:$0xf] =	wrdreg s26  }
0x18: {  	s19 =	sadd.s32 $0xD200, s2;
	s20 =	simm.s32 $0x800;
	s21 =	simm.s32 $0x5  }
0x19: {  	s22 =	simm.s32 $0x400;
	s26 =	simm.s32 $0x3;
	s2 =	simm.s32 $0x600  }
.LBB2_7:
0x1a: {  	s13 =	sadd.s32 s7, s19;
	[sflag:s31] =	ssyncadd.s32 $0xFFFFC000  }
0x1b: {  	[tilespmem:s4], [sflag:$0x5] =	stream.linear.gather [hbm4b:s13+s4], $0x400, $0x38;
	[tilespmem:$0x1C800] =	vst v63  }
0x1c: {  	_ =	swait.ge [sflag:s21], $0x400  }
0x1d: {  	[sflag:s21] =	ssyncset.done $0x0  }
0x1e: {  	s17 =	sadd.s32 s7, s18;
	[sflag:s21] =	ssyncadd.s32 $0xFFFFFC00  }
0x1f: {  	[tilespmem:s22], [sflag:$0x5] =	stream.linear.gather [hbm4b:s17+s4], $0x400, $0x38;
	[tilespmem:$0x1C800] =	vst v63  }
0x20: {  	_ =	swait.ge [sflag:s21], $0x400  }
0x21: {  	[sflag:s21] =	ssyncset.done $0x0  }
0x22: {  	[sflag:s21] =	ssyncadd.s32 $0xFFFFFC00  }
0x23: {  	[tilespmem:s20], [sflag:$0x1] =	stream.indirect.gather [hbm4b:s5+s23], $0x80, s4, s23, $0xb8;
	[tilespmem:$0x1C800] =	vst v63  }
0x24: {  	_ = 	snop  }
0x25: {  	[tilespmem:s24], [sflag:$0x2] =	stream.indirect.gather [hbm4b:s5+s23], $0x80, s23, s23, $0xb8;
	[tilespmem:$0x1C800] =	vst v63  }
0x26: {  	_ =	swait.ge [sflag:s25], $0x4000  }
0x27: {  	[sflag:s25] =	ssyncset.done $0x0  }
0x28: {  	[sflag:s25] =	ssyncadd.s32 $0xFFFFC000  }
0x29: {  	[spmem:s3] =	stream.indirect.scatter.add.f32 [tilespmem:s20], [sflag:$0x3], $0x80, s22, s23, $0xb8;
	[tilespmem:$0x1C800] =	vst v63  }
0x2a: {  	_ =	swait.ge [sflag:s26], $0x4000  }
0x2b: {  	[sflag:s26] =	ssyncset.done $0x0  }
0x2c: {  	[sflag:s26] =	ssyncadd.s32 $0xFFFFC000  }
0x2d: {  	[tilespmem:s20], [sflag:$0x1] =	stream.indirect.gather [hbm4b:s5+s23], $0x80, s28, s23, $0xb8;
	[tilespmem:$0x1C800] =	vst v63  }
0x2e: {  	_ =	swait.ge [sflag:s29], $0x4000  }
0x2f: {  	[sflag:s29] =	ssyncset.done $0x0  }
0x30: {  	[sflag:s29] =	ssyncadd.s32 $0xFFFFC000  }
0x31: {  	[spmem:s3] =	stream.indirect.scatter.add.f32 [tilespmem:s24], [sflag:$0x4], $0x80, s30, s23, $0xb8;
	[tilespmem:$0x1C800] =	vst v63  }
0x32: {  	_ =	swait.ge [sflag:s31], $0x4000  }
0x33: {  	[sflag:s31] =	ssyncset.done $0x0  }
0x34: {  	[sflag:s31] =	ssyncadd.s32 $0xFFFFC000  }
0x35: {  	[tilespmem:s24], [sflag:$0x2] =	stream.indirect.gather [hbm4b:s5+s23], $0x80, s0, s23, $0xb8;
	[tilespmem:$0x1C800] =	vst v63  }
0x36: {  	_ =	swait.ge [sflag:s25], $0x4000  }
0x37: {  	[sflag:s25] =	ssyncset.done $0x0  }
0x38: {  	[sflag:s25] =	ssyncadd.s32 $0xFFFFC000  }
0x39: {  	[spmem:s3] =	stream.indirect.scatter.add.f32 [tilespmem:s20], [sflag:$0x3], $0x80, s12, s23, $0xb8;
	[tilespmem:$0x1C800] =	vst v63  }
0x3a: {  	_ =	swait.ge [sflag:s26], $0x4000  }
0x3b: {  	[sflag:s26] =	ssyncset.done $0x0  }
0x3c: {  	[sflag:s26] =	ssyncadd.s32 $0xFFFFC000  }
0x3d: {  	[tilespmem:s20], [sflag:$0x1] =	stream.indirect.gather [hbm4b:s5+s23], $0x80, s14, s23, $0xb8;
	[tilespmem:$0x1C800] =	vst v63  }
0x3e: {  	_ =	swait.ge [sflag:s29], $0x4000  }
0x3f: {  	[sflag:s29] =	ssyncset.done $0x0  }
0x40: {  	[sflag:s29] =	ssyncadd.s32 $0xFFFFC000  }
0x41: {  	[spmem:s3] =	stream.indirect.scatter.add.f32 [tilespmem:s24], [sflag:$0x4], $0x80, s15, s23, $0xb8;
	[tilespmem:$0x1C800] =	vst v63  }
0x42: {  	_ =	swait.ge [sflag:s31], $0x4000  }
0x43: {  	[sflag:s31] =	ssyncset.done $0x0  }
0x44: {  	[sflag:s31] =	ssyncadd.s32 $0xFFFFC000  }
0x45: {  	[tilespmem:s24], [sflag:$0x2] =	stream.indirect.gather [hbm4b:s5+s23], $0x80, s16, s23, $0xb8;
	[tilespmem:$0x1C800] =	vst v63  }
0x46: {  	_ =	swait.ge [sflag:s25], $0x4000  }
0x47: {  	[sflag:s25] =	ssyncset.done $0x0  }
0x48: {  	[sflag:s25] =	ssyncadd.s32 $0xFFFFC000  }
0x49: {  	[spmem:s3] =	stream.indirect.scatter.add.f32 [tilespmem:s20], [sflag:$0x3], $0x80, s2, s23, $0xb8;
	[tilespmem:$0x1C800] =	vst v63  }
0x4a: {  	_ =	swait.ge [sflag:s26], $0x4000  }
0x4b: {  	[sflag:s26] =	ssyncset.done $0x0  }
0x4c: {  	[sflag:s26] =	ssyncadd.s32 $0xFFFFC000  }
0x4d: {  	[tilespmem:s20], [sflag:$0x1] =	stream.indirect.gather [hbm4b:s5+s23], $0x80, s6, s23, $0xb8;
	[tilespmem:$0x1C800] =	vst v63  }
0x4e: {  	_ =	swait.ge [sflag:s29], $0x4000  }
0x4f: {  	[sflag:s29] =	ssyncset.done $0x0  }
0x50: {  	[sflag:s29] =	ssyncadd.s32 $0xFFFFC000  }
0x51: {  	[spmem:s3] =	stream.indirect.scatter.add.f32 [tilespmem:s24], [sflag:$0x4], $0x80, s8, s23, $0xb8;
	[tilespmem:$0x1C800] =	vst v63  }
0x52: {  	_ =	swait.ge [sflag:s31], $0x4000  }
0x53: {  	[sflag:s31] =	ssyncset.done $0x0  }
0x54: {  	[sflag:s31] =	ssyncadd.s32 $0xFFFFC000  }
0x55: {  	[tilespmem:s24], [sflag:$0x2] =	stream.indirect.gather [hbm4b:s5+s23], $0x80, s9, s23, $0xb8;
	[tilespmem:$0x1C800] =	vst v63  }
0x56: {  	_ =	swait.ge [sflag:s25], $0x4000  }
0x57: {  	[sflag:s25] =	ssyncset.done $0x0  }
0x58: {  	[sflag:s25] =	ssyncadd.s32 $0xFFFFC000  }
0x59: {  	[spmem:s3] =	stream.indirect.scatter.add.f32 [tilespmem:s20], [sflag:$0x3], $0x80, s10, s23, $0xb8;
	[tilespmem:$0x1C800] =	vst v63  }
0x5a: {  	_ =	swait.ge [sflag:s29], $0x4000  }
0x5b: {  	[sflag:s29] =	ssyncset.done $0x0  }
0x5c: {  	[sflag:s29] =	ssyncadd.s32 $0xFFFFC000  }
0x5d: {  	[spmem:s3] =	stream.indirect.scatter.add.f32 [tilespmem:s24], [sflag:$0x4], $0x80, s11, s23, $0xb8;
	[tilespmem:$0x1C800] =	vst v63  }
0x5e: {  	_ =	swait.ge [sflag:s26], $0x4000  }
0x5f: {  	[sflag:s26] =	ssyncset.done $0x0  }
0x60: {  	[sflag:s26] =	ssyncadd.s32 $0xFFFFC000  }
0x61: {  	_ =	swait.ge [sflag:s31], $0x4000  }
0x62: {  	[sflag:s31] =	ssyncset.done $0x0  }
0x63: {  	[sflag:s31] =	ssyncadd.s32 $0xFFFFC000  }
0x64: {  	[bflag:$0x0] =	sbarrier.arrive $0xFFFF  }
0x65: {  	s13 =	rddreg [dreg:$0xc]  }
0x66: {  	s7 =	simm.s32 @p1 $0x1FC5;
	s17 =	rddreg [dreg:$0x13]  }
0x67: {  	[hbm:s13], [sflag:s7] =	dma.local @p1 [spmem:s17], $0x1900  }
0x68: {  	s7 =	simm.s32 @p1 $0x5  }
0x69: {  	_ =	swait.ge @p1 [sflag:s7], $0x1900  }
0x6a: {  	s13 =	rddreg [dreg:$0x11]  }
0x6b: {  	[sflag:s7] =	ssyncset.done @p1 $0x0;
	s17 =	rddreg [dreg:$0x12]  }
0x6c: {  	[sflag:s7] =	ssyncadd.s32 @p1 $0xFFFFE700;
	s7 =	rddreg [dreg:$0xa]  }
0x6d: {  	[hbm:s7], [sflag:s17] =	dma.local @!p1 [spmem:s13], $0x2800  }
0x6e: {  	s7 =	simm.s32 @!p1 $0x5  }
0x6f: {  	_ =	swait.ge @!p1 [sflag:s7], $0x2800  }
0x70: {  	[sflag:s7] =	ssyncset.done @!p1 $0x0  }
0x71: {  	s13 =	rddreg [dreg:$0x10];
	[sflag:s7] =	ssyncadd.s32 @!p1 $0xFFFFD800  }
.LBB2_8:
0x72: {  	s13 =	sadd.s32 $0x1, s13;
	s7 =	rddreg [dreg:$0xf]  }
0x73: {  	p2 =	sne.s32 s13, s7  }
.Ltmp1:
0x74: {  	_ = 	snop;
	(pc) =	sbr.rel @!p2 .LBB2_9-.Ltmp1, $1  }
0x75: {  	_ =	sdelay $0x3  }
.LBB2_1:
0x76: {  	[dreg:$0x10] =	wrdreg s13  }
0x77: {  	s7 =	rddreg [dreg:$0x4]  }
0x78: {  	[tilespmem:s20], [sflag:$0x5] =	stream.linear.gather [hbm4b:s7+s4], $0x4000, $0x38;
	[tilespmem:$0x1C800] =	vst v63  }
0x79: {  	_ =	swait.ge [sflag:s21], $0x4000  }
0x7a: {  	[sflag:s21] =	ssyncset.done $0x0  }
0x7b: {  	s13 =	rddreg [dreg:$0x5];
	[sflag:s21] =	ssyncadd.s32 $0xFFFFC000  }
0x7c: {  	[spmem:s13] =	stream.linear.scatter [tilespmem:s20], [sflag:$0x5], $0x4000, $0x38;
	[tilespmem:$0x1C800] =	vst v63  }
0x7d: {  	_ =	swait.ge [sflag:s21], $0x4000  }
0x7e: {  	[sflag:s21] =	ssyncset.done $0x0  }
0x7f: {  	s17 =	rddreg [dreg:$0x6];
	[sflag:s21] =	ssyncadd.s32 $0xFFFFC000  }
0x80: {  	[spmem:s17] =	stream.linear.scatter [tilespmem:s20], [sflag:$0x5], $0x4000, $0x38;
	[tilespmem:$0x1C800] =	vst v63  }
0x81: {  	_ =	swait.ge [sflag:s21], $0x4000  }
0x82: {  	[sflag:s21] =	ssyncset.done $0x0  }
0x83: {  	s17 =	rddreg [dreg:$0x7];
	[sflag:s21] =	ssyncadd.s32 $0xFFFFC000  }
0x84: {  	[spmem:s17] =	stream.linear.scatter [tilespmem:s20], [sflag:$0x5], $0x4000, $0x38;
	[tilespmem:$0x1C800] =	vst v63  }
0x85: {  	_ =	swait.ge [sflag:s21], $0x4000  }
0x86: {  	[sflag:s21] =	ssyncset.done $0x0  }
0x87: {  	s17 =	rddreg [dreg:$0x8];
	[sflag:s21] =	ssyncadd.s32 $0xFFFFC000  }
0x88: {  	[spmem:s17] =	stream.linear.scatter [tilespmem:s20], [sflag:$0x5], $0x4000, $0x38;
	[tilespmem:$0x1C800] =	vst v63  }
0x89: {  	_ =	swait.ge [sflag:s21], $0x4000  }
0x8a: {  	[sflag:s21] =	ssyncset.done $0x0  }
0x8b: {  	s17 =	rddreg [dreg:$0x9];
	[sflag:s21] =	ssyncadd.s32 $0xFFFFC000  }
0x8c: {  	[spmem:s17] =	stream.linear.scatter [tilespmem:s20], [sflag:$0x5], $0x4000, $0x38;
	[tilespmem:$0x1C800] =	vst v63  }
0x8d: {  	_ =	swait.ge [sflag:s21], $0x4000  }
0x8e: {  	[sflag:s21] =	ssyncset.done $0x0  }
0x8f: {  	[sflag:s21] =	ssyncadd.s32 $0xFFFFC000  }
.Ltmp2:
0x90: {  	s7 =	stileid.u32;
	[bflag:$0x0] =	sbarrier.arrive $0xFFFF;
	(pc) =	sbr.rel @p0 .LBB2_5-.Ltmp2, $4  }
0x91: {  	s7 =	sshll.u32 @!p1 s7, $0x6;
	s13 =	sshrl.u32 @!p1 s13, $0x3;
	s17 =	rddreg [dreg:$0xb]  }
0x92: {  	s7 =	sor.u32 @!p1 $0x1C05, s7;
	[dreg:$0x11] =	wrdreg s13  }
0x93: {  	[dreg:$0x12] =	wrdreg s7;
	s17 =	sshrl.u32 @p1 s17, $0x3  }
0x94: {  	s7 =	sadd.s32 $0x0, s19;
	[dreg:$0x13] =	wrdreg s17  }
0x95: {  	[tilespmem:s4], [sflag:$0x5] =	stream.linear.gather [hbm4b:s7+s4], $0x400, $0x38;
	[tilespmem:$0x1C800] =	vst v63  }
0x96: {  	_ =	swait.ge [sflag:s21], $0x400  }
0x97: {  	[sflag:s21] =	ssyncset.done $0x0  }
0x98: {  	s17 =	sadd.s32 $0x0, s18;
	[sflag:s21] =	ssyncadd.s32 $0xFFFFFC00  }
0x99: {  	[tilespmem:s22], [sflag:$0x5] =	stream.linear.gather [hbm4b:s17+s4], $0x400, $0x38;
	[tilespmem:$0x1C800] =	vst v63  }
0x9a: {  	_ =	swait.ge [sflag:s21], $0x400  }
0x9b: {  	[sflag:s21] =	ssyncset.done $0x0  }
0x9c: {  	[sflag:s21] =	ssyncadd.s32 $0xFFFFFC00  }
0x9d: {  	[tilespmem:s20], [sflag:$0x1] =	stream.indirect.gather [hbm4b:s1+s23], $0x80, s4, s23, $0xb8;
	[tilespmem:$0x1C800] =	vst v63  }
0x9e: {  	_ = 	snop  }
0x9f: {  	[tilespmem:s24], [sflag:$0x2] =	stream.indirect.gather [hbm4b:s1+s23], $0x80, s23, s23, $0xb8;
	[tilespmem:$0x1C800] =	vst v63  }
0xa0: {  	_ =	swait.ge [sflag:s25], $0x4000  }
0xa1: {  	[sflag:s25] =	ssyncset.done $0x0  }
0xa2: {  	[sflag:s25] =	ssyncadd.s32 $0xFFFFC000  }
0xa3: {  	[spmem:s3] =	stream.indirect.scatter.add.f32 [tilespmem:s20], [sflag:$0x3], $0x80, s22, s23, $0xb8;
	[tilespmem:$0x1C800] =	vst v63  }
0xa4: {  	_ =	swait.ge [sflag:s26], $0x4000  }
0xa5: {  	[sflag:s26] =	ssyncset.done $0x0  }
0xa6: {  	[sflag:s26] =	ssyncadd.s32 $0xFFFFC000  }
0xa7: {  	[tilespmem:s20], [sflag:$0x1] =	stream.indirect.gather [hbm4b:s1+s23], $0x80, s28, s23, $0xb8;
	[tilespmem:$0x1C800] =	vst v63  }
0xa8: {  	_ =	swait.ge [sflag:s29], $0x4000  }
0xa9: {  	[sflag:s29] =	ssyncset.done $0x0  }
0xaa: {  	[sflag:s29] =	ssyncadd.s32 $0xFFFFC000  }
0xab: {  	[spmem:s3] =	stream.indirect.scatter.add.f32 [tilespmem:s24], [sflag:$0x4], $0x80, s30, s23, $0xb8;
	[tilespmem:$0x1C800] =	vst v63  }
0xac: {  	_ =	swait.ge [sflag:s31], $0x4000  }
0xad: {  	[sflag:s31] =	ssyncset.done $0x0  }
0xae: {  	[sflag:s31] =	ssyncadd.s32 $0xFFFFC000  }
0xaf: {  	[tilespmem:s24], [sflag:$0x2] =	stream.indirect.gather [hbm4b:s1+s23], $0x80, s0, s23, $0xb8;
	[tilespmem:$0x1C800] =	vst v63  }
0xb0: {  	_ =	swait.ge [sflag:s25], $0x4000  }
0xb1: {  	[sflag:s25] =	ssyncset.done $0x0  }
0xb2: {  	[sflag:s25] =	ssyncadd.s32 $0xFFFFC000  }
0xb3: {  	[spmem:s3] =	stream.indirect.scatter.add.f32 [tilespmem:s20], [sflag:$0x3], $0x80, s12, s23, $0xb8;
	[tilespmem:$0x1C800] =	vst v63  }
0xb4: {  	_ =	swait.ge [sflag:s26], $0x4000  }
0xb5: {  	[sflag:s26] =	ssyncset.done $0x0  }
0xb6: {  	[sflag:s26] =	ssyncadd.s32 $0xFFFFC000  }
0xb7: {  	[tilespmem:s20], [sflag:$0x1] =	stream.indirect.gather [hbm4b:s1+s23], $0x80, s14, s23, $0xb8;
	[tilespmem:$0x1C800] =	vst v63  }
0xb8: {  	_ =	swait.ge [sflag:s29], $0x4000  }
0xb9: {  	[sflag:s29] =	ssyncset.done $0x0  }
0xba: {  	[sflag:s29] =	ssyncadd.s32 $0xFFFFC000  }
0xbb: {  	[spmem:s3] =	stream.indirect.scatter.add.f32 [tilespmem:s24], [sflag:$0x4], $0x80, s15, s23, $0xb8;
	[tilespmem:$0x1C800] =	vst v63  }
0xbc: {  	_ =	swait.ge [sflag:s31], $0x4000  }
0xbd: {  	[sflag:s31] =	ssyncset.done $0x0  }
0xbe: {  	[sflag:s31] =	ssyncadd.s32 $0xFFFFC000  }
0xbf: {  	[tilespmem:s24], [sflag:$0x2] =	stream.indirect.gather [hbm4b:s1+s23], $0x80, s16, s23, $0xb8;
	[tilespmem:$0x1C800] =	vst v63  }
0xc0: {  	_ =	swait.ge [sflag:s25], $0x4000  }
0xc1: {  	[sflag:s25] =	ssyncset.done $0x0  }
0xc2: {  	[sflag:s25] =	ssyncadd.s32 $0xFFFFC000  }
0xc3: {  	[spmem:s3] =	stream.indirect.scatter.add.f32 [tilespmem:s20], [sflag:$0x3], $0x80, s2, s23, $0xb8;
	[tilespmem:$0x1C800] =	vst v63  }
0xc4: {  	_ =	swait.ge [sflag:s26], $0x4000  }
0xc5: {  	[sflag:s26] =	ssyncset.done $0x0  }
0xc6: {  	[sflag:s26] =	ssyncadd.s32 $0xFFFFC000  }
0xc7: {  	[tilespmem:s20], [sflag:$0x1] =	stream.indirect.gather [hbm4b:s1+s23], $0x80, s6, s23, $0xb8;
	[tilespmem:$0x1C800] =	vst v63  }
0xc8: {  	_ =	swait.ge [sflag:s29], $0x4000  }
0xc9: {  	[sflag:s29] =	ssyncset.done $0x0  }
0xca: {  	[sflag:s29] =	ssyncadd.s32 $0xFFFFC000  }
0xcb: {  	[spmem:s3] =	stream.indirect.scatter.add.f32 [tilespmem:s24], [sflag:$0x4], $0x80, s8, s23, $0xb8;
	[tilespmem:$0x1C800] =	vst v63  }
0xcc: {  	_ =	swait.ge [sflag:s31], $0x4000  }
0xcd: {  	[sflag:s31] =	ssyncset.done $0x0  }
0xce: {  	[sflag:s31] =	ssyncadd.s32 $0xFFFFC000  }
0xcf: {  	[tilespmem:s24], [sflag:$0x2] =	stream.indirect.gather [hbm4b:s1+s23], $0x80, s9, s23, $0xb8;
	[tilespmem:$0x1C800] =	vst v63  }
0xd0: {  	_ =	swait.ge [sflag:s25], $0x4000  }
0xd1: {  	[sflag:s25] =	ssyncset.done $0x0  }
0xd2: {  	[sflag:s25] =	ssyncadd.s32 $0xFFFFC000  }
0xd3: {  	[spmem:s3] =	stream.indirect.scatter.add.f32 [tilespmem:s20], [sflag:$0x3], $0x80, s10, s23, $0xb8;
	[tilespmem:$0x1C800] =	vst v63  }
0xd4: {  	_ =	swait.ge [sflag:s29], $0x4000  }
0xd5: {  	[sflag:s29] =	ssyncset.done $0x0  }
0xd6: {  	[sflag:s29] =	ssyncadd.s32 $0xFFFFC000  }
0xd7: {  	[spmem:s3] =	stream.indirect.scatter.add.f32 [tilespmem:s24], [sflag:$0x4], $0x80, s11, s23, $0xb8;
	[tilespmem:$0x1C800] =	vst v63  }
0xd8: {  	_ =	swait.ge [sflag:s26], $0x4000  }
0xd9: {  	[sflag:s26] =	ssyncset.done $0x0  }
0xda: {  	[sflag:s26] =	ssyncadd.s32 $0xFFFFC000  }
0xdb: {  	_ =	swait.ge [sflag:s31], $0x4000  }
0xdc: {  	s7 =	simm.s32 $0x80;
	s17 =	simm.s32 $0x100;
	[sflag:s31] =	ssyncset.done $0x0  }
.LBB2_3:
0xdd: {  	s28 =	sadd.s32 s7, s19  }
0xde: {  	[sflag:s31] =	ssyncadd.s32 $0xFFFFC000;
	s30 =	smov.u32 s17;
	s13 =	sadd.s32 $0x80, s17  }
0xdf: {  	[tilespmem:s4], [sflag:$0x5] =	stream.linear.gather [hbm4b:s28+s4], $0x400, $0x38;
	[tilespmem:$0x1C800] =	vst v63  }
0xe0: {  	s28 =	simm.s32 $0x100  }
0xe1: {  	p2 =	sne.s32 s17, $0x980;
	_ =	swait.ge [sflag:s21], $0x400  }
0xe2: {  	s17 =	sadd.s32 s7, s18;
	[sflag:s21] =	ssyncset.done $0x0  }
0xe3: {  	s7 =	smov.u32 s30;
	s30 =	simm.s32 $0x480;
	[sflag:s21] =	ssyncadd.s32 $0xFFFFFC00  }
0xe4: {  	[tilespmem:s22], [sflag:$0x5] =	stream.linear.gather [hbm4b:s17+s4], $0x400, $0x38;
	[tilespmem:$0x1C800] =	vst v63  }
0xe5: {  	_ =	swait.ge [sflag:s21], $0x400  }
0xe6: {  	[sflag:s21] =	ssyncset.done $0x0  }
0xe7: {  	[sflag:s21] =	ssyncadd.s32 $0xFFFFFC00  }
0xe8: {  	[tilespmem:s20], [sflag:$0x1] =	stream.indirect.gather [hbm4b:s1+s23], $0x80, s4, s23, $0xb8;
	[tilespmem:$0x1C800] =	vst v63  }
0xe9: {  	_ = 	snop  }
0xea: {  	[tilespmem:s24], [sflag:$0x2] =	stream.indirect.gather [hbm4b:s1+s23], $0x80, s23, s23, $0xb8;
	[tilespmem:$0x1C800] =	vst v63  }
0xeb: {  	_ =	swait.ge [sflag:s25], $0x4000  }
0xec: {  	[sflag:s25] =	ssyncset.done $0x0  }
0xed: {  	[sflag:s25] =	ssyncadd.s32 $0xFFFFC000  }
0xee: {  	[spmem:s3] =	stream.indirect.scatter.add.f32 [tilespmem:s20], [sflag:$0x3], $0x80, s22, s23, $0xb8;
	[tilespmem:$0x1C800] =	vst v63  }
0xef: {  	_ =	swait.ge [sflag:s26], $0x4000  }
0xf0: {  	[sflag:s26] =	ssyncset.done $0x0  }
0xf1: {  	[sflag:s26] =	ssyncadd.s32 $0xFFFFC000  }
0xf2: {  	[tilespmem:s20], [sflag:$0x1] =	stream.indirect.gather [hbm4b:s1+s23], $0x80, s28, s23, $0xb8;
	[tilespmem:$0x1C800] =	vst v63  }
0xf3: {  	_ =	swait.ge [sflag:s29], $0x4000  }
0xf4: {  	[sflag:s29] =	ssyncset.done $0x0  }
0xf5: {  	[sflag:s29] =	ssyncadd.s32 $0xFFFFC000  }
0xf6: {  	[spmem:s3] =	stream.indirect.scatter.add.f32 [tilespmem:s24], [sflag:$0x4], $0x80, s30, s23, $0xb8;
	[tilespmem:$0x1C800] =	vst v63  }
0xf7: {  	_ =	swait.ge [sflag:s31], $0x4000  }
0xf8: {  	[sflag:s31] =	ssyncset.done $0x0  }
0xf9: {  	[sflag:s31] =	ssyncadd.s32 $0xFFFFC000  }
0xfa: {  	[tilespmem:s24], [sflag:$0x2] =	stream.indirect.gather [hbm4b:s1+s23], $0x80, s0, s23, $0xb8;
	[tilespmem:$0x1C800] =	vst v63  }
0xfb: {  	_ =	swait.ge [sflag:s25], $0x4000  }
0xfc: {  	[sflag:s25] =	ssyncset.done $0x0  }
0xfd: {  	[sflag:s25] =	ssyncadd.s32 $0xFFFFC000  }
0xfe: {  	[spmem:s3] =	stream.indirect.scatter.add.f32 [tilespmem:s20], [sflag:$0x3], $0x80, s12, s23, $0xb8;
	[tilespmem:$0x1C800] =	vst v63  }
0xff: {  	_ =	swait.ge [sflag:s26], $0x4000  }
0x100: {  	[sflag:s26] =	ssyncset.done $0x0  }
0x101: {  	[sflag:s26] =	ssyncadd.s32 $0xFFFFC000  }
0x102: {  	[tilespmem:s20], [sflag:$0x1] =	stream.indirect.gather [hbm4b:s1+s23], $0x80, s14, s23, $0xb8;
	[tilespmem:$0x1C800] =	vst v63  }
0x103: {  	_ =	swait.ge [sflag:s29], $0x4000  }
0x104: {  	[sflag:s29] =	ssyncset.done $0x0  }
0x105: {  	[sflag:s29] =	ssyncadd.s32 $0xFFFFC000  }
0x106: {  	[spmem:s3] =	stream.indirect.scatter.add.f32 [tilespmem:s24], [sflag:$0x4], $0x80, s15, s23, $0xb8;
	[tilespmem:$0x1C800] =	vst v63  }
0x107: {  	_ =	swait.ge [sflag:s31], $0x4000  }
0x108: {  	[sflag:s31] =	ssyncset.done $0x0  }
0x109: {  	[sflag:s31] =	ssyncadd.s32 $0xFFFFC000  }
0x10a: {  	[tilespmem:s24], [sflag:$0x2] =	stream.indirect.gather [hbm4b:s1+s23], $0x80, s16, s23, $0xb8;
	[tilespmem:$0x1C800] =	vst v63  }
0x10b: {  	_ =	swait.ge [sflag:s25], $0x4000  }
0x10c: {  	[sflag:s25] =	ssyncset.done $0x0  }
0x10d: {  	[sflag:s25] =	ssyncadd.s32 $0xFFFFC000  }
0x10e: {  	[spmem:s3] =	stream.indirect.scatter.add.f32 [tilespmem:s20], [sflag:$0x3], $0x80, s2, s23, $0xb8;
	[tilespmem:$0x1C800] =	vst v63  }
0x10f: {  	_ =	swait.ge [sflag:s26], $0x4000  }
0x110: {  	[sflag:s26] =	ssyncset.done $0x0  }
0x111: {  	[sflag:s26] =	ssyncadd.s32 $0xFFFFC000  }
0x112: {  	[tilespmem:s20], [sflag:$0x1] =	stream.indirect.gather [hbm4b:s1+s23], $0x80, s6, s23, $0xb8;
	[tilespmem:$0x1C800] =	vst v63  }
0x113: {  	_ =	swait.ge [sflag:s29], $0x4000  }
0x114: {  	[sflag:s29] =	ssyncset.done $0x0  }
0x115: {  	[sflag:s29] =	ssyncadd.s32 $0xFFFFC000  }
0x116: {  	[spmem:s3] =	stream.indirect.scatter.add.f32 [tilespmem:s24], [sflag:$0x4], $0x80, s8, s23, $0xb8;
	[tilespmem:$0x1C800] =	vst v63  }
0x117: {  	_ =	swait.ge [sflag:s31], $0x4000  }
0x118: {  	[sflag:s31] =	ssyncset.done $0x0  }
0x119: {  	[sflag:s31] =	ssyncadd.s32 $0xFFFFC000  }
0x11a: {  	[tilespmem:s24], [sflag:$0x2] =	stream.indirect.gather [hbm4b:s1+s23], $0x80, s9, s23, $0xb8;
	[tilespmem:$0x1C800] =	vst v63  }
0x11b: {  	_ =	swait.ge [sflag:s25], $0x4000  }
0x11c: {  	[sflag:s25] =	ssyncset.done $0x0  }
0x11d: {  	[sflag:s25] =	ssyncadd.s32 $0xFFFFC000  }
0x11e: {  	[spmem:s3] =	stream.indirect.scatter.add.f32 [tilespmem:s20], [sflag:$0x3], $0x80, s10, s23, $0xb8;
	[tilespmem:$0x1C800] =	vst v63  }
0x11f: {  	_ =	swait.ge [sflag:s29], $0x4000  }
0x120: {  	[sflag:s29] =	ssyncset.done $0x0  }
0x121: {  	[sflag:s29] =	ssyncadd.s32 $0xFFFFC000  }
0x122: {  	[spmem:s3] =	stream.indirect.scatter.add.f32 [tilespmem:s24], [sflag:$0x4], $0x80, s11, s23, $0xb8;
	[tilespmem:$0x1C800] =	vst v63  }
.Ltmp3:
0x123: {  	_ =	swait.ge [sflag:s26], $0x4000;
	(pc) =	sbr.rel @p2 .LBB2_3-.Ltmp3, $4  }
0x124: {  	[sflag:s26] =	ssyncset.done $0x0  }
0x125: {  	[sflag:s26] =	ssyncadd.s32 $0xFFFFC000  }
0x126: {  	_ =	swait.ge [sflag:s31], $0x4000  }
0x127: {  	s17 =	smov.u32 s13;
	[sflag:s31] =	ssyncset.done $0x0  }
0x128: {  	s13 =	sadd.s32 s7, s19;
	[sflag:s31] =	ssyncadd.s32 $0xFFFFC000  }
0x129: {  	[tilespmem:s4], [sflag:$0x5] =	stream.linear.gather [hbm4b:s13+s4], $0x400, $0x38;
	[tilespmem:$0x1C800] =	vst v63  }
0x12a: {  	_ =	swait.ge [sflag:s21], $0x400  }
0x12b: {  	[sflag:s21] =	ssyncset.done $0x0  }
0x12c: {  	s17 =	sadd.s32 s7, s18;
	[sflag:s21] =	ssyncadd.s32 $0xFFFFFC00  }
0x12d: {  	[tilespmem:s22], [sflag:$0x5] =	stream.linear.gather [hbm4b:s17+s4], $0x400, $0x38;
	[tilespmem:$0x1C800] =	vst v63  }
0x12e: {  	_ =	swait.ge [sflag:s21], $0x400  }
0x12f: {  	[sflag:s21] =	ssyncset.done $0x0  }
0x130: {  	[sflag:s21] =	ssyncadd.s32 $0xFFFFFC00  }
0x131: {  	[tilespmem:s20], [sflag:$0x1] =	stream.indirect.gather [hbm4b:s1+s23], $0x80, s4, s23, $0xb8;
	[tilespmem:$0x1C800] =	vst v63  }
0x132: {  	_ = 	snop  }
0x133: {  	[tilespmem:s24], [sflag:$0x2] =	stream.indirect.gather [hbm4b:s1+s23], $0x80, s23, s23, $0xb8;
	[tilespmem:$0x1C800] =	vst v63  }
0x134: {  	_ =	swait.ge [sflag:s25], $0x4000  }
0x135: {  	[sflag:s25] =	ssyncset.done $0x0  }
0x136: {  	[sflag:s25] =	ssyncadd.s32 $0xFFFFC000  }
0x137: {  	[spmem:s3] =	stream.indirect.scatter.add.f32 [tilespmem:s20], [sflag:$0x3], $0x80, s22, s23, $0xb8;
	[tilespmem:$0x1C800] =	vst v63  }
0x138: {  	_ =	swait.ge [sflag:s26], $0x4000  }
0x139: {  	[sflag:s26] =	ssyncset.done $0x0  }
0x13a: {  	[sflag:s26] =	ssyncadd.s32 $0xFFFFC000  }
0x13b: {  	[tilespmem:s20], [sflag:$0x1] =	stream.indirect.gather [hbm4b:s1+s23], $0x80, s28, s23, $0xb8;
	[tilespmem:$0x1C800] =	vst v63  }
0x13c: {  	_ =	swait.ge [sflag:s29], $0x4000  }
0x13d: {  	[sflag:s29] =	ssyncset.done $0x0  }
0x13e: {  	[sflag:s29] =	ssyncadd.s32 $0xFFFFC000  }
0x13f: {  	[spmem:s3] =	stream.indirect.scatter.add.f32 [tilespmem:s24], [sflag:$0x4], $0x80, s30, s23, $0xb8;
	[tilespmem:$0x1C800] =	vst v63  }
0x140: {  	_ =	swait.ge [sflag:s31], $0x4000  }
0x141: {  	[sflag:s31] =	ssyncset.done $0x0  }
0x142: {  	[sflag:s31] =	ssyncadd.s32 $0xFFFFC000  }
0x143: {  	[tilespmem:s24], [sflag:$0x2] =	stream.indirect.gather [hbm4b:s1+s23], $0x80, s0, s23, $0xb8;
	[tilespmem:$0x1C800] =	vst v63  }
0x144: {  	_ =	swait.ge [sflag:s25], $0x4000  }
0x145: {  	[sflag:s25] =	ssyncset.done $0x0  }
0x146: {  	[sflag:s25] =	ssyncadd.s32 $0xFFFFC000  }
0x147: {  	[spmem:s3] =	stream.indirect.scatter.add.f32 [tilespmem:s20], [sflag:$0x3], $0x80, s12, s23, $0xb8;
	[tilespmem:$0x1C800] =	vst v63  }
0x148: {  	_ =	swait.ge [sflag:s26], $0x4000  }
0x149: {  	[sflag:s26] =	ssyncset.done $0x0  }
0x14a: {  	[sflag:s26] =	ssyncadd.s32 $0xFFFFC000  }
0x14b: {  	[tilespmem:s20], [sflag:$0x1] =	stream.indirect.gather [hbm4b:s1+s23], $0x80, s14, s23, $0xb8;
	[tilespmem:$0x1C800] =	vst v63  }
0x14c: {  	_ =	swait.ge [sflag:s29], $0x4000  }
0x14d: {  	[sflag:s29] =	ssyncset.done $0x0  }
0x14e: {  	[sflag:s29] =	ssyncadd.s32 $0xFFFFC000  }
0x14f: {  	[spmem:s3] =	stream.indirect.scatter.add.f32 [tilespmem:s24], [sflag:$0x4], $0x80, s15, s23, $0xb8;
	[tilespmem:$0x1C800] =	vst v63  }
0x150: {  	_ =	swait.ge [sflag:s31], $0x4000  }
0x151: {  	[sflag:s31] =	ssyncset.done $0x0  }
0x152: {  	[sflag:s31] =	ssyncadd.s32 $0xFFFFC000  }
0x153: {  	[tilespmem:s24], [sflag:$0x2] =	stream.indirect.gather [hbm4b:s1+s23], $0x80, s16, s23, $0xb8;
	[tilespmem:$0x1C800] =	vst v63  }
0x154: {  	_ =	swait.ge [sflag:s25], $0x4000  }
0x155: {  	[sflag:s25] =	ssyncset.done $0x0  }
0x156: {  	[sflag:s25] =	ssyncadd.s32 $0xFFFFC000  }
0x157: {  	[spmem:s3] =	stream.indirect.scatter.add.f32 [tilespmem:s20], [sflag:$0x3], $0x80, s2, s23, $0xb8;
	[tilespmem:$0x1C800] =	vst v63  }
0x158: {  	_ =	swait.ge [sflag:s26], $0x4000  }
0x159: {  	[sflag:s26] =	ssyncset.done $0x0  }
0x15a: {  	[sflag:s26] =	ssyncadd.s32 $0xFFFFC000  }
0x15b: {  	[tilespmem:s20], [sflag:$0x1] =	stream.indirect.gather [hbm4b:s1+s23], $0x80, s6, s23, $0xb8;
	[tilespmem:$0x1C800] =	vst v63  }
0x15c: {  	_ =	swait.ge [sflag:s29], $0x4000  }
0x15d: {  	[sflag:s29] =	ssyncset.done $0x0  }
0x15e: {  	[sflag:s29] =	ssyncadd.s32 $0xFFFFC000  }
0x15f: {  	[spmem:s3] =	stream.indirect.scatter.add.f32 [tilespmem:s24], [sflag:$0x4], $0x80, s8, s23, $0xb8;
	[tilespmem:$0x1C800] =	vst v63  }
0x160: {  	_ =	swait.ge [sflag:s31], $0x4000  }
0x161: {  	[sflag:s31] =	ssyncset.done $0x0  }
0x162: {  	[sflag:s31] =	ssyncadd.s32 $0xFFFFC000  }
0x163: {  	[tilespmem:s24], [sflag:$0x2] =	stream.indirect.gather [hbm4b:s1+s23], $0x80, s9, s23, $0xb8;
	[tilespmem:$0x1C800] =	vst v63  }
0x164: {  	_ =	swait.ge [sflag:s25], $0x4000  }
0x165: {  	[sflag:s25] =	ssyncset.done $0x0  }
0x166: {  	[sflag:s25] =	ssyncadd.s32 $0xFFFFC000  }
0x167: {  	[spmem:s3] =	stream.indirect.scatter.add.f32 [tilespmem:s20], [sflag:$0x3], $0x80, s10, s23, $0xb8;
	[tilespmem:$0x1C800] =	vst v63  }
0x168: {  	_ =	swait.ge [sflag:s29], $0x4000  }
0x169: {  	[sflag:s29] =	ssyncset.done $0x0  }
0x16a: {  	[sflag:s29] =	ssyncadd.s32 $0xFFFFC000  }
0x16b: {  	[spmem:s3] =	stream.indirect.scatter.add.f32 [tilespmem:s24], [sflag:$0x4], $0x80, s11, s23, $0xb8;
	[tilespmem:$0x1C800] =	vst v63  }
0x16c: {  	_ =	swait.ge [sflag:s26], $0x4000  }
0x16d: {  	[sflag:s26] =	ssyncset.done $0x0  }
0x16e: {  	[sflag:s26] =	ssyncadd.s32 $0xFFFFC000  }
0x16f: {  	_ =	swait.ge [sflag:s31], $0x4000  }
0x170: {  	[sflag:s31] =	ssyncset.done $0x0  }
0x171: {  	[sflag:s31] =	ssyncadd.s32 $0xFFFFC000  }
0x172: {  	[bflag:$0x0] =	sbarrier.arrive $0xFFFF  }
0x173: {  	s13 =	rddreg [dreg:$0xe]  }
0x174: {  	s7 =	simm.s32 @p1 $0x1FC5;
	s17 =	rddreg [dreg:$0x13]  }
0x175: {  	[hbm:s13], [sflag:s7] =	dma.local @p1 [spmem:s17], $0x1900  }
0x176: {  	s7 =	simm.s32 @p1 $0x5  }
0x177: {  	_ =	swait.ge @p1 [sflag:s7], $0x1900  }
0x178: {  	s13 =	rddreg [dreg:$0x11]  }
0x179: {  	[sflag:s7] =	ssyncset.done @p1 $0x0;
	s17 =	rddreg [dreg:$0x12]  }
0x17a: {  	[sflag:s7] =	ssyncadd.s32 @p1 $0xFFFFE700;
	s7 =	rddreg [dreg:$0xd]  }
0x17b: {  	[hbm:s7], [sflag:s17] =	dma.local @!p1 [spmem:s13], $0x2800  }
.Ltmp4:
0x17c: {  	_ = 	snop;
	(pc) =	sbr.rel .LBB2_8-.Ltmp4, $4  }
0x17d: {  	s7 =	simm.s32 @!p1 $0x5  }
0x17e: {  	_ =	swait.ge @!p1 [sflag:s7], $0x2800  }
0x17f: {  	[sflag:s7] =	ssyncset.done @!p1 $0x0  }
0x180: {  	s13 =	rddreg [dreg:$0x10];
	[sflag:s7] =	ssyncadd.s32 @!p1 $0xFFFFD800  }
.LBB2_5:
0x181: {  	[tilespmem:s4], [sflag:$0x5] =	stream.linear.gather [hbm4b:s7+s4], $0x400, $0x38;
	[tilespmem:$0x1C800] =	vst v63  }
0x182: {  	_ =	swait.ge [sflag:s21], $0x400  }
0x183: {  	[sflag:s21] =	ssyncset.done $0x0  }
0x184: {  	s17 =	sadd.s32 $0x0, s18;
	[sflag:s21] =	ssyncadd.s32 $0xFFFFFC00  }
0x185: {  	[tilespmem:s22], [sflag:$0x5] =	stream.linear.gather [hbm4b:s17+s4], $0x400, $0x38;
	[tilespmem:$0x1C800] =	vst v63  }
0x186: {  	_ =	swait.ge [sflag:s21], $0x400  }
0x187: {  	[sflag:s21] =	ssyncset.done $0x0  }
0x188: {  	[sflag:s21] =	ssyncadd.s32 $0xFFFFFC00  }
0x189: {  	[tilespmem:s20], [sflag:$0x1] =	stream.indirect.gather [hbm4b:s5+s23], $0x80, s4, s23, $0xb8;
	[tilespmem:$0x1C800] =	vst v63  }
0x18a: {  	_ = 	snop  }
0x18b: {  	[tilespmem:s24], [sflag:$0x2] =	stream.indirect.gather [hbm4b:s5+s23], $0x80, s23, s23, $0xb8;
	[tilespmem:$0x1C800] =	vst v63  }
0x18c: {  	_ =	swait.ge [sflag:s25], $0x4000  }
0x18d: {  	[sflag:s25] =	ssyncset.done $0x0  }
0x18e: {  	[sflag:s25] =	ssyncadd.s32 $0xFFFFC000  }
0x18f: {  	[spmem:s3] =	stream.indirect.scatter.add.f32 [tilespmem:s20], [sflag:$0x3], $0x80, s22, s23, $0xb8;
	[tilespmem:$0x1C800] =	vst v63  }
0x190: {  	_ =	swait.ge [sflag:s26], $0x4000  }
0x191: {  	[sflag:s26] =	ssyncset.done $0x0  }
0x192: {  	[sflag:s26] =	ssyncadd.s32 $0xFFFFC000  }
0x193: {  	[tilespmem:s20], [sflag:$0x1] =	stream.indirect.gather [hbm4b:s5+s23], $0x80, s28, s23, $0xb8;
	[tilespmem:$0x1C800] =	vst v63  }
0x194: {  	_ =	swait.ge [sflag:s29], $0x4000  }
0x195: {  	[sflag:s29] =	ssyncset.done $0x0  }
0x196: {  	[sflag:s29] =	ssyncadd.s32 $0xFFFFC000  }
0x197: {  	[spmem:s3] =	stream.indirect.scatter.add.f32 [tilespmem:s24], [sflag:$0x4], $0x80, s30, s23, $0xb8;
	[tilespmem:$0x1C800] =	vst v63  }
0x198: {  	_ =	swait.ge [sflag:s31], $0x4000  }
0x199: {  	[sflag:s31] =	ssyncset.done $0x0  }
0x19a: {  	[sflag:s31] =	ssyncadd.s32 $0xFFFFC000  }
0x19b: {  	[tilespmem:s24], [sflag:$0x2] =	stream.indirect.gather [hbm4b:s5+s23], $0x80, s0, s23, $0xb8;
	[tilespmem:$0x1C800] =	vst v63  }
0x19c: {  	_ =	swait.ge [sflag:s25], $0x4000  }
0x19d: {  	[sflag:s25] =	ssyncset.done $0x0  }
0x19e: {  	[sflag:s25] =	ssyncadd.s32 $0xFFFFC000  }
0x19f: {  	[spmem:s3] =	stream.indirect.scatter.add.f32 [tilespmem:s20], [sflag:$0x3], $0x80, s12, s23, $0xb8;
	[tilespmem:$0x1C800] =	vst v63  }
0x1a0: {  	_ =	swait.ge [sflag:s26], $0x4000  }
0x1a1: {  	[sflag:s26] =	ssyncset.done $0x0  }
0x1a2: {  	[sflag:s26] =	ssyncadd.s32 $0xFFFFC000  }
0x1a3: {  	[tilespmem:s20], [sflag:$0x1] =	stream.indirect.gather [hbm4b:s5+s23], $0x80, s14, s23, $0xb8;
	[tilespmem:$0x1C800] =	vst v63  }
0x1a4: {  	_ =	swait.ge [sflag:s29], $0x4000  }
0x1a5: {  	[sflag:s29] =	ssyncset.done $0x0  }
0x1a6: {  	[sflag:s29] =	ssyncadd.s32 $0xFFFFC000  }
0x1a7: {  	[spmem:s3] =	stream.indirect.scatter.add.f32 [tilespmem:s24], [sflag:$0x4], $0x80, s15, s23, $0xb8;
	[tilespmem:$0x1C800] =	vst v63  }
0x1a8: {  	_ =	swait.ge [sflag:s31], $0x4000  }
0x1a9: {  	[sflag:s31] =	ssyncset.done $0x0  }
0x1aa: {  	[sflag:s31] =	ssyncadd.s32 $0xFFFFC000  }
0x1ab: {  	[tilespmem:s24], [sflag:$0x2] =	stream.indirect.gather [hbm4b:s5+s23], $0x80, s16, s23, $0xb8;
	[tilespmem:$0x1C800] =	vst v63  }
0x1ac: {  	_ =	swait.ge [sflag:s25], $0x4000  }
0x1ad: {  	[sflag:s25] =	ssyncset.done $0x0  }
0x1ae: {  	[sflag:s25] =	ssyncadd.s32 $0xFFFFC000  }
0x1af: {  	[spmem:s3] =	stream.indirect.scatter.add.f32 [tilespmem:s20], [sflag:$0x3], $0x80, s2, s23, $0xb8;
	[tilespmem:$0x1C800] =	vst v63  }
0x1b0: {  	_ =	swait.ge [sflag:s26], $0x4000  }
0x1b1: {  	[sflag:s26] =	ssyncset.done $0x0  }
0x1b2: {  	[sflag:s26] =	ssyncadd.s32 $0xFFFFC000  }
0x1b3: {  	[tilespmem:s20], [sflag:$0x1] =	stream.indirect.gather [hbm4b:s5+s23], $0x80, s6, s23, $0xb8;
	[tilespmem:$0x1C800] =	vst v63  }
0x1b4: {  	_ =	swait.ge [sflag:s29], $0x4000  }
0x1b5: {  	[sflag:s29] =	ssyncset.done $0x0  }
0x1b6: {  	[sflag:s29] =	ssyncadd.s32 $0xFFFFC000  }
0x1b7: {  	[spmem:s3] =	stream.indirect.scatter.add.f32 [tilespmem:s24], [sflag:$0x4], $0x80, s8, s23, $0xb8;
	[tilespmem:$0x1C800] =	vst v63  }
0x1b8: {  	_ =	swait.ge [sflag:s31], $0x4000  }
0x1b9: {  	[sflag:s31] =	ssyncset.done $0x0  }
0x1ba: {  	[sflag:s31] =	ssyncadd.s32 $0xFFFFC000  }
0x1bb: {  	[tilespmem:s24], [sflag:$0x2] =	stream.indirect.gather [hbm4b:s5+s23], $0x80, s9, s23, $0xb8;
	[tilespmem:$0x1C800] =	vst v63  }
0x1bc: {  	_ =	swait.ge [sflag:s25], $0x4000  }
0x1bd: {  	[sflag:s25] =	ssyncset.done $0x0  }
0x1be: {  	[sflag:s25] =	ssyncadd.s32 $0xFFFFC000  }
0x1bf: {  	[spmem:s3] =	stream.indirect.scatter.add.f32 [tilespmem:s20], [sflag:$0x3], $0x80, s10, s23, $0xb8;
	[tilespmem:$0x1C800] =	vst v63  }
0x1c0: {  	_ =	swait.ge [sflag:s29], $0x4000  }
0x1c1: {  	[sflag:s29] =	ssyncset.done $0x0  }
0x1c2: {  	[sflag:s29] =	ssyncadd.s32 $0xFFFFC000  }
0x1c3: {  	[spmem:s3] =	stream.indirect.scatter.add.f32 [tilespmem:s24], [sflag:$0x4], $0x80, s11, s23, $0xb8;
	[tilespmem:$0x1C800] =	vst v63  }
0x1c4: {  	_ =	swait.ge [sflag:s26], $0x4000  }
0x1c5: {  	[sflag:s26] =	ssyncset.done $0x0  }
0x1c6: {  	[sflag:s26] =	ssyncadd.s32 $0xFFFFC000  }
0x1c7: {  	_ =	swait.ge [sflag:s31], $0x4000  }
0x1c8: {  	s7 =	simm.s32 $0x80;
	s13 =	simm.s32 $0x100;
	[sflag:s31] =	ssyncset.done $0x0  }
.LBB2_6:
0x1c9: {  	s28 =	sadd.s32 s7, s19  }
0x1ca: {  	[sflag:s31] =	ssyncadd.s32 $0xFFFFC000;
	s30 =	smov.u32 s13;
	s17 =	sadd.s32 $0x80, s13  }
0x1cb: {  	[tilespmem:s4], [sflag:$0x5] =	stream.linear.gather [hbm4b:s28+s4], $0x400, $0x38;
	[tilespmem:$0x1C800] =	vst v63  }
0x1cc: {  	s28 =	simm.s32 $0x100  }
0x1cd: {  	p2 =	sne.s32 s13, $0x980;
	_ =	swait.ge [sflag:s21], $0x400  }
0x1ce: {  	s13 =	sadd.s32 s7, s18;
	[sflag:s21] =	ssyncset.done $0x0  }
0x1cf: {  	s7 =	smov.u32 s30;
	s30 =	simm.s32 $0x480;
	[sflag:s21] =	ssyncadd.s32 $0xFFFFFC00  }
0x1d0: {  	[tilespmem:s22], [sflag:$0x5] =	stream.linear.gather [hbm4b:s13+s4], $0x400, $0x38;
	[tilespmem:$0x1C800] =	vst v63  }
0x1d1: {  	_ =	swait.ge [sflag:s21], $0x400  }
0x1d2: {  	[sflag:s21] =	ssyncset.done $0x0  }
0x1d3: {  	[sflag:s21] =	ssyncadd.s32 $0xFFFFFC00  }
0x1d4: {  	[tilespmem:s20], [sflag:$0x1] =	stream.indirect.gather [hbm4b:s5+s23], $0x80, s4, s23, $0xb8;
	[tilespmem:$0x1C800] =	vst v63  }
0x1d5: {  	_ = 	snop  }
0x1d6: {  	[tilespmem:s24], [sflag:$0x2] =	stream.indirect.gather [hbm4b:s5+s23], $0x80, s23, s23, $0xb8;
	[tilespmem:$0x1C800] =	vst v63  }
0x1d7: {  	_ =	swait.ge [sflag:s25], $0x4000  }
0x1d8: {  	[sflag:s25] =	ssyncset.done $0x0  }
0x1d9: {  	[sflag:s25] =	ssyncadd.s32 $0xFFFFC000  }
0x1da: {  	[spmem:s3] =	stream.indirect.scatter.add.f32 [tilespmem:s20], [sflag:$0x3], $0x80, s22, s23, $0xb8;
	[tilespmem:$0x1C800] =	vst v63  }
0x1db: {  	_ =	swait.ge [sflag:s26], $0x4000  }
0x1dc: {  	[sflag:s26] =	ssyncset.done $0x0  }
0x1dd: {  	[sflag:s26] =	ssyncadd.s32 $0xFFFFC000  }
0x1de: {  	[tilespmem:s20], [sflag:$0x1] =	stream.indirect.gather [hbm4b:s5+s23], $0x80, s28, s23, $0xb8;
	[tilespmem:$0x1C800] =	vst v63  }
0x1df: {  	_ =	swait.ge [sflag:s29], $0x4000  }
0x1e0: {  	[sflag:s29] =	ssyncset.done $0x0  }
0x1e1: {  	[sflag:s29] =	ssyncadd.s32 $0xFFFFC000  }
0x1e2: {  	[spmem:s3] =	stream.indirect.scatter.add.f32 [tilespmem:s24], [sflag:$0x4], $0x80, s30, s23, $0xb8;
	[tilespmem:$0x1C800] =	vst v63  }
0x1e3: {  	_ =	swait.ge [sflag:s31], $0x4000  }
0x1e4: {  	[sflag:s31] =	ssyncset.done $0x0  }
0x1e5: {  	[sflag:s31] =	ssyncadd.s32 $0xFFFFC000  }
0x1e6: {  	[tilespmem:s24], [sflag:$0x2] =	stream.indirect.gather [hbm4b:s5+s23], $0x80, s0, s23, $0xb8;
	[tilespmem:$0x1C800] =	vst v63  }
0x1e7: {  	_ =	swait.ge [sflag:s25], $0x4000  }
0x1e8: {  	[sflag:s25] =	ssyncset.done $0x0  }
0x1e9: {  	[sflag:s25] =	ssyncadd.s32 $0xFFFFC000  }
0x1ea: {  	[spmem:s3] =	stream.indirect.scatter.add.f32 [tilespmem:s20], [sflag:$0x3], $0x80, s12, s23, $0xb8;
	[tilespmem:$0x1C800] =	vst v63  }
0x1eb: {  	_ =	swait.ge [sflag:s26], $0x4000  }
0x1ec: {  	[sflag:s26] =	ssyncset.done $0x0  }
0x1ed: {  	[sflag:s26] =	ssyncadd.s32 $0xFFFFC000  }
0x1ee: {  	[tilespmem:s20], [sflag:$0x1] =	stream.indirect.gather [hbm4b:s5+s23], $0x80, s14, s23, $0xb8;
	[tilespmem:$0x1C800] =	vst v63  }
0x1ef: {  	_ =	swait.ge [sflag:s29], $0x4000  }
0x1f0: {  	[sflag:s29] =	ssyncset.done $0x0  }
0x1f1: {  	[sflag:s29] =	ssyncadd.s32 $0xFFFFC000  }
0x1f2: {  	[spmem:s3] =	stream.indirect.scatter.add.f32 [tilespmem:s24], [sflag:$0x4], $0x80, s15, s23, $0xb8;
	[tilespmem:$0x1C800] =	vst v63  }
0x1f3: {  	_ =	swait.ge [sflag:s31], $0x4000  }
0x1f4: {  	[sflag:s31] =	ssyncset.done $0x0  }
0x1f5: {  	[sflag:s31] =	ssyncadd.s32 $0xFFFFC000  }
0x1f6: {  	[tilespmem:s24], [sflag:$0x2] =	stream.indirect.gather [hbm4b:s5+s23], $0x80, s16, s23, $0xb8;
	[tilespmem:$0x1C800] =	vst v63  }
0x1f7: {  	_ =	swait.ge [sflag:s25], $0x4000  }
0x1f8: {  	[sflag:s25] =	ssyncset.done $0x0  }
0x1f9: {  	[sflag:s25] =	ssyncadd.s32 $0xFFFFC000  }
0x1fa: {  	[spmem:s3] =	stream.indirect.scatter.add.f32 [tilespmem:s20], [sflag:$0x3], $0x80, s2, s23, $0xb8;
	[tilespmem:$0x1C800] =	vst v63  }
0x1fb: {  	_ =	swait.ge [sflag:s26], $0x4000  }
0x1fc: {  	[sflag:s26] =	ssyncset.done $0x0  }
0x1fd: {  	[sflag:s26] =	ssyncadd.s32 $0xFFFFC000  }
0x1fe: {  	[tilespmem:s20], [sflag:$0x1] =	stream.indirect.gather [hbm4b:s5+s23], $0x80, s6, s23, $0xb8;
	[tilespmem:$0x1C800] =	vst v63  }
0x1ff: {  	_ =	swait.ge [sflag:s29], $0x4000  }
0x200: {  	[sflag:s29] =	ssyncset.done $0x0  }
0x201: {  	[sflag:s29] =	ssyncadd.s32 $0xFFFFC000  }
0x202: {  	[spmem:s3] =	stream.indirect.scatter.add.f32 [tilespmem:s24], [sflag:$0x4], $0x80, s8, s23, $0xb8;
	[tilespmem:$0x1C800] =	vst v63  }
0x203: {  	_ =	swait.ge [sflag:s31], $0x4000  }
0x204: {  	[sflag:s31] =	ssyncset.done $0x0  }
0x205: {  	[sflag:s31] =	ssyncadd.s32 $0xFFFFC000  }
0x206: {  	[tilespmem:s24], [sflag:$0x2] =	stream.indirect.gather [hbm4b:s5+s23], $0x80, s9, s23, $0xb8;
	[tilespmem:$0x1C800] =	vst v63  }
0x207: {  	_ =	swait.ge [sflag:s25], $0x4000  }
0x208: {  	[sflag:s25] =	ssyncset.done $0x0  }
0x209: {  	[sflag:s25] =	ssyncadd.s32 $0xFFFFC000  }
0x20a: {  	[spmem:s3] =	stream.indirect.scatter.add.f32 [tilespmem:s20], [sflag:$0x3], $0x80, s10, s23, $0xb8;
	[tilespmem:$0x1C800] =	vst v63  }
0x20b: {  	_ =	swait.ge [sflag:s29], $0x4000  }
0x20c: {  	[sflag:s29] =	ssyncset.done $0x0  }
0x20d: {  	[sflag:s29] =	ssyncadd.s32 $0xFFFFC000  }
0x20e: {  	[spmem:s3] =	stream.indirect.scatter.add.f32 [tilespmem:s24], [sflag:$0x4], $0x80, s11, s23, $0xb8;
	[tilespmem:$0x1C800] =	vst v63  }
.Ltmp5:
0x20f: {  	_ =	swait.ge [sflag:s26], $0x4000;
	(pc) =	sbr.rel @p2 .LBB2_6-.Ltmp5, $4  }
0x210: {  	[sflag:s26] =	ssyncset.done $0x0  }
0x211: {  	[sflag:s26] =	ssyncadd.s32 $0xFFFFC000  }
0x212: {  	_ =	swait.ge [sflag:s31], $0x4000  }
0x213: {  	s13 =	smov.u32 s17;
	[sflag:s31] =	ssyncset.done $0x0  }
.Ltmp6:
0x214: {  	_ = 	snop;
	(pc) =	sbr.rel .LBB2_7-.Ltmp6, $1  }
0x215: {  	_ =	sdelay $0x3  }
.LBB2_9:
0x216: {  	_ =	sfence.sel $0x180000  }
0x217: {  	[bflag:$0x0] =	sbarrier.arrive $0xFFFF  }
0x218: {  	_ =	strace $0x90000047  }
0x219: {  	s0 =	stileid.u32;
	[bflag:$0x2] =	sbarrier.arrive $0xFFFF  }
0x21a: {  	p0 =	sne.s32 s0, $0x0;
	s0 =	rddreg [dreg:$0x3]  }
0x21b: {  	s0 =	sadd.s32 @!p0 $0x100000, s0  }
0x21c: {  	[sflag:s0] =	ssyncadd.tile.s32 @!p0 $0x1;
	_ =	shalt  }
.Lfunc_end2:
_tile_overlayer_lowered:
.L_overlay_start_2:
0x21d: {  	(tag) =	ssettag $0x2  }
0x21e: {  	s0 =	rddreg [dreg:$0x0];
	s2 =	stileid.u32  }
0x21f: {  	s1 =	rddreg [dreg:$0x1];
	p0 =	sne.s32 s2, $0x0  }
0x220: {  	s3 =	rddreg [dreg:$0x2];
	[bflag:$0x3] =	sbarrier.arrive $0xFFFF;
	s2 =	simm.s32 @!p0 $0x1C05  }
0x221: {  	[timem:s3], [sflag:s2] =	dma.local @!p0 [hbm:s0], s1  }
0x222: {  	s0 =	simm.s32 @!p0 $0x5  }
0x223: {  	_ =	swait.ge @!p0 [sflag:s0], s1  }
0x224: {  	s1 =	ssub.s32 @!p0 $0x0, s1;
	[sflag:s0] =	ssyncset.done @!p0 $0x0  }
0x225: {  	[sflag:s0] =	ssyncadd.s32 @!p0 s1  }
0x226: {  	[bflag:$0x3] =	sbarrier.arrive $0xFFFF  }
0x227: {  	_ =	shalt  }

</sc_bundles>
